<compile_context>
chip_gen: v7x
topology: tpu7x:2x2x1
jax: 0.10.2.dev20260603
libtpu: 0.0.44.dev20260713+nightly
codegen_flags: <defaults>
</compile_context>

<pallas_src>
import functools

import jax
import jax.numpy as jnp
from jax import lax
from jax.experimental import pallas as pl
from jax.experimental.pallas import tpu as pltpu
from jax.experimental.pallas import tpu_sc as plsc

_MAX_LEN = 8192
_DIM = 1024
_OUT_LEN = 4096
_NC = 2
_NS = 16
_L = 16
_NW = _NC * _NS
_ROWS_PER_W = _OUT_LEN // _NW
_CHUNK = 32
_NCHUNK = _ROWS_PER_W // _CHUNK
_NBUF = 3
_AHEAD = 2

_mesh = plsc.VectorSubcoreMesh(core_axis_name="c", subcore_axis_name="s")


@functools.partial(
    pl.kernel,
    mesh=_mesh,
    out_type=jax.ShapeDtypeStruct((_OUT_LEN, _DIM), jnp.float32),
    scratch_types=(
        [pltpu.VMEM((_L,), jnp.int32)]
        + [pltpu.VMEM((_CHUNK, _DIM), jnp.float32) for _ in range(_NBUF)]
        + [pltpu.SemaphoreType.DMA for _ in range(2 * _NBUF + 1)]
    ),
)
def _sc_slice_copy(len_hbm, table_hbm, out_hbm, len_v, *bufs_and_sems):
    bufs = bufs_and_sems[:_NBUF]
    sins = bufs_and_sems[_NBUF:2 * _NBUF]
    souts = bufs_and_sems[2 * _NBUF:3 * _NBUF]
    lsem = bufs_and_sems[3 * _NBUF]

    wid = lax.axis_index("s") * _NC + lax.axis_index("c")
    base = wid * _ROWS_PER_W

    ins = []
    outs = []
    for c in range(_NCHUNK):
        cb = base + c * _CHUNK
        b = c % _NBUF
        ins.append(pltpu.make_async_copy(
            table_hbm.at[pl.ds(cb, _CHUNK)], bufs[b], sins[b]))
        outs.append(pltpu.make_async_copy(
            bufs[b], out_hbm.at[pl.ds(cb, _CHUNK)], souts[b]))

    for c in range(_AHEAD):
        ins[c].start()
    lcopy = pltpu.make_async_copy(len_hbm, len_v, lsem)
    lcopy.start()
    lcopy.wait()
    length = len_v[...][0]

    zero = jnp.zeros((_L,), jnp.float32)

    for c in range(_NCHUNK):
        ins[c].wait()

        cb = base + c * _CHUNK
        nvalid = jnp.clip(length - cb, 0, _CHUNK)
        buf = bufs[c % _NBUF]

        @pl.when(nvalid < _CHUNK)
        def _():
            def zero_row(r, carry):
                for j in range(_DIM // _L):
                    buf[r, pl.ds(j * _L, _L)] = zero
                return carry
            lax.fori_loop(nvalid, _CHUNK, zero_row, 0)

        outs[c].start()
        nxt = c + _AHEAD
        if nxt < _NCHUNK:
            prev = nxt - _NBUF
            if prev >= 0:
                outs[prev].wait()
            ins[nxt].start()
    for c in range(max(_NCHUNK - _NBUF, 0), _NCHUNK):
        outs[c].wait()


def kernel(length, pos_embedding):
    len_arr = jnp.broadcast_to(jnp.asarray(length, jnp.int32), (_L,))
    return _sc_slice_copy(len_arr, pos_embedding)

# --- scband reference (transcript-rebuilt; emitter-appended) ---
"""Pipeline reference for scband-relative-position-encoding-14826227106186 (READ-ONLY COPY).

The authoritative reference and input builder live on the scoring server;
editing this copy changes nothing except your own understanding.
"""

import jax, jax.numpy as jnp
import numpy as np

MAX_LEN = 8192
DIM = 1024
OUT_LEN = 4096

def setup_inputs(seed: int = 0) -> dict:
    key = jax.random.key(seed)
    pos_embedding = jax.random.normal(key, (MAX_LEN, DIM), dtype=jnp.float32)
    return {"length": 4096, "pos_embedding": pos_embedding}

def reference(length, pos_embedding):
    # Faithful translation of forward: return self.pos_embedding[:length, :]
    sliced = pos_embedding[:OUT_LEN, :]
    row_ids = jnp.arange(OUT_LEN)[:, None]
    return jnp.where(row_ids < length, sliced, jnp.zeros_like(sliced))

if __name__ == "__main__":
    import jax
    _d = setup_inputs()
    print(jax.jit(kernel)(*tuple(_d.values())))

</pallas_src>

<mosaic_0001>
#map = affine_map<(d0, d1) -> (0)>
#map1 = affine_map<(d0, d1) -> (0, 0)>
module attributes {stable_mosaic.version = 14 : i64} {
  func.func @_sc_slice_copy(%arg0: i32, %arg1: i32, %arg2: memref<16xi32, #tpu.memory_space<hbm>>, %arg3: memref<8192x1024xf32, #tpu.memory_space<hbm>>, %arg4: memref<4096x1024xf32, #tpu.memory_space<hbm>>, %arg5: memref<16xi32, #tpu.memory_space<vmem>>, %arg6: memref<32x1024xf32, #tpu.memory_space<vmem>>, %arg7: memref<32x1024xf32, #tpu.memory_space<vmem>>, %arg8: memref<32x1024xf32, #tpu.memory_space<vmem>>, %arg9: memref<!tpu.dma_semaphore, #tpu.memory_space<semaphore_mem>>, %arg10: memref<!tpu.dma_semaphore, #tpu.memory_space<semaphore_mem>>, %arg11: memref<!tpu.dma_semaphore, #tpu.memory_space<semaphore_mem>>, %arg12: memref<!tpu.dma_semaphore, #tpu.memory_space<semaphore_mem>>, %arg13: memref<!tpu.dma_semaphore, #tpu.memory_space<semaphore_mem>>, %arg14: memref<!tpu.dma_semaphore, #tpu.memory_space<semaphore_mem>>, %arg15: memref<!tpu.dma_semaphore, #tpu.memory_space<semaphore_mem>>) attributes {dimension_semantics = [#tpu.dimension_semantics<core_parallel>, #tpu.dimension_semantics<subcore_parallel>], iteration_bounds = array<i64: 2, 16>, scalar_prefetch = 0 : i64, scratch_operands = 11 : i64, tpu.core_type = #tpu.core_type<sc_vector_subcore>, window_params = [{transform_indices = #map}, {transform_indices = #map1}, {transform_indices = #map1}]} {
    %mul3A = arith.constant 2 : i32
    %mul3A_0 = arith.muli %arg1, %mul3A : i32
    %add3A = arith.addi %mul3A_0, %arg0 : i32
    %mul3A_1 = arith.constant 128 : i32
    %mul3A_2 = arith.muli %add3A, %mul3A_1 : i32
    %add3A_3 = arith.constant 0 : i32
    %add3A_4 = arith.addi %mul3A_2, %add3A_3 : i32
    %add3A_5 = arith.constant 32 : i32
    %add3A_6 = arith.addi %mul3A_2, %add3A_5 : i32
    %add3A_7 = arith.constant 64 : i32
    %add3A_8 = arith.addi %mul3A_2, %add3A_7 : i32
    %add3A_9 = arith.constant 96 : i32
    %add3A_10 = arith.addi %mul3A_2, %add3A_9 : i32
    %dma_start3A = arith.constant 0 : i32
    %dma_start3A_11 = tpu.memref_slice %arg3[%add3A_4, %dma_start3A] : memref<8192x1024xf32, #tpu.memory_space<hbm>> -> memref<32x1024xf32, #tpu.memory_space<hbm>>
    %dma_start3A_12 = arith.constant 0 : i32
    %dma_start3A_13 = tpu.memref_slice %arg3[%add3A_4, %dma_start3A_12] : memref<8192x1024xf32, #tpu.memory_space<hbm>> -> memref<32x1024xf32, #tpu.memory_space<hbm>>
    tpu.enqueue_dma source(%dma_start3A_13 : memref<32x1024xf32, #tpu.memory_space<hbm>>) target(%arg6 : memref<32x1024xf32, #tpu.memory_space<vmem>>) target_semaphore(%arg9 : memref<!tpu.dma_semaphore, #tpu.memory_space<semaphore_mem>>)
    %dma_start3A_14 = arith.constant 0 : i32
    %dma_start3A_15 = tpu.memref_slice %arg3[%add3A_6, %dma_start3A_14] : memref<8192x1024xf32, #tpu.memory_space<hbm>> -> memref<32x1024xf32, #tpu.memory_space<hbm>>
    %dma_start3A_16 = arith.constant 0 : i32
    %dma_start3A_17 = tpu.memref_slice %arg3[%add3A_6, %dma_start3A_16] : memref<8192x1024xf32, #tpu.memory_space<hbm>> -> memref<32x1024xf32, #tpu.memory_space<hbm>>
    tpu.enqueue_dma source(%dma_start3A_17 : memref<32x1024xf32, #tpu.memory_space<hbm>>) target(%arg7 : memref<32x1024xf32, #tpu.memory_space<vmem>>) target_semaphore(%arg10 : memref<!tpu.dma_semaphore, #tpu.memory_space<semaphore_mem>>)
    tpu.enqueue_dma source(%arg2 : memref<16xi32, #tpu.memory_space<hbm>>) target(%arg5 : memref<16xi32, #tpu.memory_space<vmem>>) target_semaphore(%arg15 : memref<!tpu.dma_semaphore, #tpu.memory_space<semaphore_mem>>)
    tpu.wait_dma2 semaphore(%arg15 : memref<!tpu.dma_semaphore, #tpu.memory_space<semaphore_mem>>) src(%arg2 : memref<16xi32, #tpu.memory_space<hbm>>) dst(%arg5 : memref<16xi32, #tpu.memory_space<vmem>>)
    %get3A = arith.constant 0 : index
    %get3A_18 = tpu.vector_load %arg5[%get3A] {strides = array<i32>} : memref<16xi32, #tpu.memory_space<vmem>>, vector<16xi32>,
    %get3A_19 = vector.shape_cast %get3A_18 : vector<16xi32> to vector<16xi32>
    %slice3A = vector.extract_strided_slice %get3A_19 {offsets = [0], sizes = [1], strides = [1]} : vector<16xi32> to vector<1xi32>
    %squeeze3A = vector.extract %slice3A[0] : i32 from vector<1xi32>
    %broadcast_in_dim3A = arith.constant 0.000000e+00 : f32
    %broadcast_in_dim3A_20 = vector.broadcast %broadcast_in_dim3A : f32 to vector<16xf32>
    %dma_wait3A = arith.constant 0 : i32
    %dma_wait3A_21 = tpu.memref_slice %arg3[%add3A_4, %dma_wait3A] : memref<8192x1024xf32, #tpu.memory_space<hbm>> -> memref<32x1024xf32, #tpu.memory_space<hbm>>
    %dma_wait3A_22 = arith.constant 0 : i32
    %dma_wait3A_23 = tpu.memref_slice %arg3[%add3A_4, %dma_wait3A_22] : memref<8192x1024xf32, #tpu.memory_space<hbm>> -> memref<32x1024xf32, #tpu.memory_space<hbm>>
    tpu.wait_dma2 semaphore(%arg9 : memref<!tpu.dma_semaphore, #tpu.memory_space<semaphore_mem>>) src(%dma_wait3A_23 : memref<32x1024xf32, #tpu.memory_space<hbm>>) dst(%arg6 : memref<32x1024xf32, #tpu.memory_space<vmem>>)
    %add3A_24 = arith.constant 0 : i32
    %add3A_25 = arith.addi %mul3A_2, %add3A_24 : i32
    %sub3A = arith.subi %squeeze3A, %add3A_25 : i32
    %jit3A = arith.constant 0 : i32
    %jit3A_26 = arith.constant 32 : i32
    %max3A = arith.maxsi %jit3A, %sub3A : i32
    %min3A = arith.minsi %jit3A_26, %max3A : i32
    %lt3A = arith.constant 32 : i32
    %lt3A_27 = arith.cmpi slt, %min3A, %lt3A : i32
    %convert_element_type3A = arith.extui %lt3A_27 : i1 to i32
    %cond3A = arith.constant 0 : i32
    %cond3A_28 = arith.cmpi ne, %convert_element_type3A, %cond3A : i32
    scf.if %cond3A_28 {
      %while3A = arith.constant 0 : i32
      %while3A_117 = arith.constant 32 : i32
      %while3A_118 = arith.subi %while3A_117, %min3A : i32
      %while3A_119 = arith.addi %min3A, %while3A_118 : i32
      %while3A_120 = arith.constant 1 : i32
      %while3A_121 = arith.divsi %while3A_118, %while3A_120 : i32
      %while3A_122 = arith.muli %while3A_121, %while3A_120 : i32
      %while3A_123 = arith.addi %min3A, %while3A_122 : i32
      %while3A_124 = arith.constant 1 : i32
      scf.for %while3A_126 = %min3A to %while3A_123 step %while3A_124  : i32 {
        %swap3A = arith.index_cast %while3A_126 : i32 to index
        %swap3A_127 = arith.constant 0 : index
        %swap3A_128 = tpu.vector_load %arg6[%swap3A, %swap3A_127] {strides = array<i32>} : memref<32x1024xf32, #tpu.memory_space<vmem>>, vector<1x16xf32>,
        %swap3A_129 = vector.shape_cast %swap3A_128 : vector<1x16xf32> to vector<16xf32>
        %swap3A_130 = vector.shape_cast %broadcast_in_dim3A_20 : vector<16xf32> to vector<1x16xf32>
        tpu.vector_store %arg6[%swap3A, %swap3A_127], %swap3A_130 {strides = array<i32>} : memref<32x1024xf32, #tpu.memory_space<vmem>>, vector<1x16xf32>,
        %swap3A_131 = arith.index_cast %while3A_126 : i32 to index
        %swap3A_132 = arith.constant 16 : index
        %swap3A_133 = tpu.vector_load %arg6[%swap3A_131, %swap3A_132] {strides = array<i32>} : memref<32x1024xf32, #tpu.memory_space<vmem>>, vector<1x16xf32>,
        %swap3A_134 = vector.shape_cast %swap3A_133 : vector<1x16xf32> to vector<16xf32>
        %swap3A_135 = vector.shape_cast %broadcast_in_dim3A_20 : vector<16xf32> to vector<1x16xf32>
        tpu.vector_store %arg6[%swap3A_131, %swap3A_132], %swap3A_135 {strides = array<i32>} : memref<32x1024xf32, #tpu.memory_space<vmem>>, vector<1x16xf32>,
        %swap3A_136 = arith.index_cast %while3A_126 : i32 to index
        %swap3A_137 = arith.constant 32 : index
        %swap3A_138 = tpu.vector_load %arg6[%swap3A_136, %swap3A_137] {strides = array<i32>} : memref<32x1024xf32, #tpu.memory_space<vmem>>, vector<1x16xf32>,
        %swap3A_139 = vector.shape_cast %swap3A_138 : vector<1x16xf32> to vector<16xf32>
        %swap3A_140 = vector.shape_cast %broadcast_in_dim3A_20 : vector<16xf32> to vector<1x16xf32>
        tpu.vector_store %arg6[%swap3A_136, %swap3A_137], %swap3A_140 {strides = array<i32>} : memref<32x1024xf32, #tpu.memory_space<vmem>>, vector<1x16xf32>,
        %swap3A_141 = arith.index_cast %while3A_126 : i32 to index
        %swap3A_142 = arith.constant 48 : index
        %swap3A_143 = tpu.vector_load %arg6[%swap3A_141, %swap3A_142] {strides = array<i32>} : memref<32x1024xf32, #tpu.memory_space<vmem>>, vector<1x16xf32>,
        %swap3A_144 = vector.shape_cast %swap3A_143 : vector<1x16xf32> to vector<16xf32>
        %swap3A_145 = vector.shape_cast %broadcast_in_dim3A_20 : vector<16xf32> to vector<1x16xf32>
        tpu.vector_store %arg6[%swap3A_141, %swap3A_142], %swap3A_145 {strides = array<i32>} : memref<32x1024xf32, #tpu.memory_space<vmem>>, vector<1x16xf32>,
        %swap3A_146 = arith.index_cast %while3A_126 : i32 to index
        %swap3A_147 = arith.constant 64 : index
        %swap3A_148 = tpu.vector_load %arg6[%swap3A_146, %swap3A_147] {strides = array<i32>} : memref<32x1024xf32, #tpu.memory_space<vmem>>, vector<1x16xf32>,
        %swap3A_149 = vector.shape_cast %swap3A_148 : vector<1x16xf32> to vector<16xf32>
        %swap3A_150 = vector.shape_cast %broadcast_in_dim3A_20 : vector<16xf32> to vector<1x16xf32>
        tpu.vector_store %arg6[%swap3A_146, %swap3A_147], %swap3A_150 {strides = array<i32>} : memref<32x1024xf32, #tpu.memory_space<vmem>>, vector<1x16xf32>,
        %swap3A_151 = arith.index_cast %while3A_126 : i32 to index
        %swap3A_152 = arith.constant 80 : index
        %swap3A_153 = tpu.vector_load %arg6[%swap3A_151, %swap3A_152] {strides = array<i32>} : memref<32x1024xf32, #tpu.memory_space<vmem>>, vector<1x16xf32>,
        %swap3A_154 = vector.shape_cast %swap3A_153 : vector<1x16xf32> to vector<16xf32>
        %swap3A_155 = vector.shape_cast %broadcast_in_dim3A_20 : vector<16xf32> to vector<1x16xf32>
        tpu.vector_store %arg6[%swap3A_151, %swap3A_152], %swap3A_155 {strides = array<i32>} : memref<32x1024xf32, #tpu.memory_space<vmem>>, vector<1x16xf32>,
        %swap3A_156 = arith.index_cast %while3A_126 : i32 to index
        %swap3A_157 = arith.constant 96 : index
        %swap3A_158 = tpu.vector_load %arg6[%swap3A_156, %swap3A_157] {strides = array<i32>} : memref<32x1024xf32, #tpu.memory_space<vmem>>, vector<1x16xf32>,
        %swap3A_159 = vector.shape_cast %swap3A_158 : vector<1x16xf32> to vector<16xf32>
        %swap3A_160 = vector.shape_cast %broadcast_in_dim3A_20 : vector<16xf32> to vector<1x16xf32>
        tpu.vector_store %arg6[%swap3A_156, %swap3A_157], %swap3A_160 {strides = array<i32>} : memref<32x1024xf32, #tpu.memory_space<vmem>>, vector<1x16xf32>,
        %swap3A_161 = arith.index_cast %while3A_126 : i32 to index
        %swap3A_162 = arith.constant 112 : index
        %swap3A_163 = tpu.vector_load %arg6[%swap3A_161, %swap3A_162] {strides = array<i32>} : memref<32x1024xf32, #tpu.memory_space<vmem>>, vector<1x16xf32>,
        %swap3A_164 = vector.shape_cast %swap3A_163 : vector<1x16xf32> to vector<16xf32>
        %swap3A_165 = vector.shape_cast %broadcast_in_dim3A_20 : vector<16xf32> to vector<1x16xf32>
        tpu.vector_store %arg6[%swap3A_161, %swap3A_162], %swap3A_165 {strides = array<i32>} : memref<32x1024xf32, #tpu.memory_space<vmem>>, vector<1x16xf32>,
        %swap3A_166 = arith.index_cast %while3A_126 : i32 to index
        %swap3A_167 = arith.constant 128 : index
        %swap3A_168 = tpu.vector_load %arg6[%swap3A_166, %swap3A_167] {strides = array<i32>} : memref<32x1024xf32, #tpu.memory_space<vmem>>, vector<1x16xf32>,
        %swap3A_169 = vector.shape_cast %swap3A_168 : vector<1x16xf32> to vector<16xf32>
        %swap3A_170 = vector.shape_cast %broadcast_in_dim3A_20 : vector<16xf32> to vector<1x16xf32>
        tpu.vector_store %arg6[%swap3A_166, %swap3A_167], %swap3A_170 {strides = array<i32>} : memref<32x1024xf32, #tpu.memory_space<vmem>>, vector<1x16xf32>,
        %swap3A_171 = arith.index_cast %while3A_126 : i32 to index
        %swap3A_172 = arith.constant 144 : index
        %swap3A_173 = tpu.vector_load %arg6[%swap3A_171, %swap3A_172] {strides = array<i32>} : memref<32x1024xf32, #tpu.memory_space<vmem>>, vector<1x16xf32>,
        %swap3A_174 = vector.shape_cast %swap3A_173 : vector<1x16xf32> to vector<16xf32>
        %swap3A_175 = vector.shape_cast %broadcast_in_dim3A_20 : vector<16xf32> to vector<1x16xf32>
        tpu.vector_store %arg6[%swap3A_171, %swap3A_172], %swap3A_175 {strides = array<i32>} : memref<32x1024xf32, #tpu.memory_space<vmem>>, vector<1x16xf32>,
        %swap3A_176 = arith.index_cast %while3A_126 : i32 to index
        %swap3A_177 = arith.constant 160 : index
        %swap3A_178 = tpu.vector_load %arg6[%swap3A_176, %swap3A_177] {strides = array<i32>} : memref<32x1024xf32, #tpu.memory_space<vmem>>, vector<1x16xf32>,
        %swap3A_179 = vector.shape_cast %swap3A_178 : vector<1x16xf32> to vector<16xf32>
        %swap3A_180 = vector.shape_cast %broadcast_in_dim3A_20 : vector<16xf32> to vector<1x16xf32>
        tpu.vector_store %arg6[%swap3A_176, %swap3A_177], %swap3A_180 {strides = array<i32>} : memref<32x1024xf32, #tpu.memory_space<vmem>>, vector<1x16xf32>,
        %swap3A_181 = arith.index_cast %while3A_126 : i32 to index
        %swap3A_182 = arith.constant 176 : index
        %swap3A_183 = tpu.vector_load %arg6[%swap3A_181, %swap3A_182] {strides = array<i32>} : memref<32x1024xf32, #tpu.memory_space<vmem>>, vector<1x16xf32>,
        %swap3A_184 = vector.shape_cast %swap3A_183 : vector<1x16xf32> to vector<16xf32>
        %swap3A_185 = vector.shape_cast %broadcast_in_dim3A_20 : vector<16xf32> to vector<1x16xf32>
        tpu.vector_store %arg6[%swap3A_181, %swap3A_182], %swap3A_185 {strides = array<i32>} : memref<32x1024xf32, #tpu.memory_space<vmem>>, vector<1x16xf32>,
        %swap3A_186 = arith.index_cast %while3A_126 : i32 to index
        %swap3A_187 = arith.constant 192 : index
        %swap3A_188 = tpu.vector_load %arg6[%swap3A_186, %swap3A_187] {strides = array<i32>} : memref<32x1024xf32, #tpu.memory_space<vmem>>, vector<1x16xf32>,
        %swap3A_189 = vector.shape_cast %swap3A_188 : vector<1x16xf32> to vector<16xf32>
        %swap3A_190 = vector.shape_cast %broadcast_in_dim3A_20 : vector<16xf32> to vector<1x16xf32>
        tpu.vector_store %arg6[%swap3A_186, %swap3A_187], %swap3A_190 {strides = array<i32>} : memref<32x1024xf32, #tpu.memory_space<vmem>>, vector<1x16xf32>,
        %swap3A_191 = arith.index_cast %while3A_126 : i32 to index
        %swap3A_192 = arith.constant 208 : index
        %swap3A_193 = tpu.vector_load %arg6[%swap3A_191, %swap3A_192] {strides = array<i32>} : memref<32x1024xf32, #tpu.memory_space<vmem>>, vector<1x16xf32>,
        %swap3A_194 = vector.shape_cast %swap3A_193 : vector<1x16xf32> to vector<16xf32>
        %swap3A_195 = vector.shape_cast %broadcast_in_dim3A_20 : vector<16xf32> to vector<1x16xf32>
        tpu.vector_store %arg6[%swap3A_191, %swap3A_192], %swap3A_195 {strides = array<i32>} : memref<32x1024xf32, #tpu.memory_space<vmem>>, vector<1x16xf32>,
        %swap3A_196 = arith.index_cast %while3A_126 : i32 to index
        %swap3A_197 = arith.constant 224 : index
        %swap3A_198 = tpu.vector_load %arg6[%swap3A_196, %swap3A_197] {strides = array<i32>} : memref<32x1024xf32, #tpu.memory_space<vmem>>, vector<1x16xf32>,
        %swap3A_199 = vector.shape_cast %swap3A_198 : vector<1x16xf32> to vector<16xf32>
        %swap3A_200 = vector.shape_cast %broadcast_in_dim3A_20 : vector<16xf32> to vector<1x16xf32>
        tpu.vector_store %arg6[%swap3A_196, %swap3A_197], %swap3A_200 {strides = array<i32>} : memref<32x1024xf32, #tpu.memory_space<vmem>>, vector<1x16xf32>,
        %swap3A_201 = arith.index_cast %while3A_126 : i32 to index
        %swap3A_202 = arith.constant 240 : index
        %swap3A_203 = tpu.vector_load %arg6[%swap3A_201, %swap3A_202] {strides = array<i32>} : memref<32x1024xf32, #tpu.memory_space<vmem>>, vector<1x16xf32>,
        %swap3A_204 = vector.shape_cast %swap3A_203 : vector<1x16xf32> to vector<16xf32>
        %swap3A_205 = vector.shape_cast %broadcast_in_dim3A_20 : vector<16xf32> to vector<1x16xf32>
        tpu.vector_store %arg6[%swap3A_201, %swap3A_202], %swap3A_205 {strides = array<i32>} : memref<32x1024xf32, #tpu.memory_space<vmem>>, vector<1x16xf32>,
        %swap3A_206 = arith.index_cast %while3A_126 : i32 to index
        %swap3A_207 = arith.constant 256 : index
        %swap3A_208 = tpu.vector_load %arg6[%swap3A_206, %swap3A_207] {strides = array<i32>} : memref<32x1024xf32, #tpu.memory_space<vmem>>, vector<1x16xf32>,
        %swap3A_209 = vector.shape_cast %swap3A_208 : vector<1x16xf32> to vector<16xf32>
        %swap3A_210 = vector.shape_cast %broadcast_in_dim3A_20 : vector<16xf32> to vector<1x16xf32>
        tpu.vector_store %arg6[%swap3A_206, %swap3A_207], %swap3A_210 {strides = array<i32>} : memref<32x1024xf32, #tpu.memory_space<vmem>>, vector<1x16xf32>,
        %swap3A_211 = arith.index_cast %while3A_126 : i32 to index
        %swap3A_212 = arith.constant 272 : index
        %swap3A_213 = tpu.vector_load %arg6[%swap3A_211, %swap3A_212] {strides = array<i32>} : memref<32x1024xf32, #tpu.memory_space<vmem>>, vector<1x16xf32>,
        %swap3A_214 = vector.shape_cast %swap3A_213 : vector<1x16xf32> to vector<16xf32>
        %swap3A_215 = vector.shape_cast %broadcast_in_dim3A_20 : vector<16xf32> to vector<1x16xf32>
        tpu.vector_store %arg6[%swap3A_211, %swap3A_212], %swap3A_215 {strides = array<i32>} : memref<32x1024xf32, #tpu.memory_space<vmem>>, vector<1x16xf32>,
        %swap3A_216 = arith.index_cast %while3A_126 : i32 to index
        %swap3A_217 = arith.constant 288 : index
        %swap3A_218 = tpu.vector_load %arg6[%swap3A_216, %swap3A_217] {strides = array<i32>} : memref<32x1024xf32, #tpu.memory_space<vmem>>, vector<1x16xf32>,
        %swap3A_219 = vector.shape_cast %swap3A_218 : vector<1x16xf32> to vector<16xf32>
        %swap3A_220 = vector.shape_cast %broadcast_in_dim3A_20 : vector<16xf32> to vector<1x16xf32>
        tpu.vector_store %arg6[%swap3A_216, %swap3A_217], %swap3A_220 {strides = array<i32>} : memref<32x1024xf32, #tpu.memory_space<vmem>>, vector<1x16xf32>,
        %swap3A_221 = arith.index_cast %while3A_126 : i32 to index
        %swap3A_222 = arith.constant 304 : index
        %swap3A_223 = tpu.vector_load %arg6[%swap3A_221, %swap3A_222] {strides = array<i32>} : memref<32x1024xf32, #tpu.memory_space<vmem>>, vector<1x16xf32>,
        %swap3A_224 = vector.shape_cast %swap3A_223 : vector<1x16xf32> to vector<16xf32>
        %swap3A_225 = vector.shape_cast %broadcast_in_dim3A_20 : vector<16xf32> to vector<1x16xf32>
        tpu.vector_store %arg6[%swap3A_221, %swap3A_222], %swap3A_225 {strides = array<i32>} : memref<32x1024xf32, #tpu.memory_space<vmem>>, vector<1x16xf32>,
        %swap3A_226 = arith.index_cast %while3A_126 : i32 to index
        %swap3A_227 = arith.constant 320 : index
        %swap3A_228 = tpu.vector_load %arg6[%swap3A_226, %swap3A_227] {strides = array<i32>} : memref<32x1024xf32, #tpu.memory_space<vmem>>, vector<1x16xf32>,
        %swap3A_229 = vector.shape_cast %swap3A_228 : vector<1x16xf32> to vector<16xf32>
        %swap3A_230 = vector.shape_cast %broadcast_in_dim3A_20 : vector<16xf32> to vector<1x16xf32>
        tpu.vector_store %arg6[%swap3A_226, %swap3A_227], %swap3A_230 {strides = array<i32>} : memref<32x1024xf32, #tpu.memory_space<vmem>>, vector<1x16xf32>,
        %swap3A_231 = arith.index_cast %while3A_126 : i32 to index
        %swap3A_232 = arith.constant 336 : index
        %swap3A_233 = tpu.vector_load %arg6[%swap3A_231, %swap3A_232] {strides = array<i32>} : memref<32x1024xf32, #tpu.memory_space<vmem>>, vector<1x16xf32>,
        %swap3A_234 = vector.shape_cast %swap3A_233 : vector<1x16xf32> to vector<16xf32>
        %swap3A_235 = vector.shape_cast %broadcast_in_dim3A_20 : vector<16xf32> to vector<1x16xf32>
        tpu.vector_store %arg6[%swap3A_231, %swap3A_232], %swap3A_235 {strides = array<i32>} : memref<32x1024xf32, #tpu.memory_space<vmem>>, vector<1x16xf32>,
        %swap3A_236 = arith.index_cast %while3A_126 : i32 to index
        %swap3A_237 = arith.constant 352 : index
        %swap3A_238 = tpu.vector_load %arg6[%swap3A_236, %swap3A_237] {strides = array<i32>} : memref<32x1024xf32, #tpu.memory_space<vmem>>, vector<1x16xf32>,
        %swap3A_239 = vector.shape_cast %swap3A_238 : vector<1x16xf32> to vector<16xf32>
        %swap3A_240 = vector.shape_cast %broadcast_in_dim3A_20 : vector<16xf32> to vector<1x16xf32>
        tpu.vector_store %arg6[%swap3A_236, %swap3A_237], %swap3A_240 {strides = array<i32>} : memref<32x1024xf32, #tpu.memory_space<vmem>>, vector<1x16xf32>,
        %swap3A_241 = arith.index_cast %while3A_126 : i32 to index
        %swap3A_242 = arith.constant 368 : index
        %swap3A_243 = tpu.vector_load %arg6[%swap3A_241, %swap3A_242] {strides = array<i32>} : memref<32x1024xf32, #tpu.memory_space<vmem>>, vector<1x16xf32>,
        %swap3A_244 = vector.shape_cast %swap3A_243 : vector<1x16xf32> to vector<16xf32>
        %swap3A_245 = vector.shape_cast %broadcast_in_dim3A_20 : vector<16xf32> to vector<1x16xf32>
        tpu.vector_store %arg6[%swap3A_241, %swap3A_242], %swap3A_245 {strides = array<i32>} : memref<32x1024xf32, #tpu.memory_space<vmem>>, vector<1x16xf32>,
        %swap3A_246 = arith.index_cast %while3A_126 : i32 to index
        %swap3A_247 = arith.constant 384 : index
        %swap3A_248 = tpu.vector_load %arg6[%swap3A_246, %swap3A_247] {strides = array<i32>} : memref<32x1024xf32, #tpu.memory_space<vmem>>, vector<1x16xf32>,
        %swap3A_249 = vector.shape_cast %swap3A_248 : vector<1x16xf32> to vector<16xf32>
        %swap3A_250 = vector.shape_cast %broadcast_in_dim3A_20 : vector<16xf32> to vector<1x16xf32>
        tpu.vector_store %arg6[%swap3A_246, %swap3A_247], %swap3A_250 {strides = array<i32>} : memref<32x1024xf32, #tpu.memory_space<vmem>>, vector<1x16xf32>,
        %swap3A_251 = arith.index_cast %while3A_126 : i32 to index
        %swap3A_252 = arith.constant 400 : index
        %swap3A_253 = tpu.vector_load %arg6[%swap3A_251, %swap3A_252] {strides = array<i32>} : memref<32x1024xf32, #tpu.memory_space<vmem>>, vector<1x16xf32>,
        %swap3A_254 = vector.shape_cast %swap3A_253 : vector<1x16xf32> to vector<16xf32>
        %swap3A_255 = vector.shape_cast %broadcast_in_dim3A_20 : vector<16xf32> to vector<1x16xf32>
        tpu.vector_store %arg6[%swap3A_251, %swap3A_252], %swap3A_255 {strides = array<i32>} : memref<32x1024xf32, #tpu.memory_space<vmem>>, vector<1x16xf32>,
        %swap3A_256 = arith.index_cast %while3A_126 : i32 to index
        %swap3A_257 = arith.constant 416 : index
        %swap3A_258 = tpu.vector_load %arg6[%swap3A_256, %swap3A_257] {strides = array<i32>} : memref<32x1024xf32, #tpu.memory_space<vmem>>, vector<1x16xf32>,
        %swap3A_259 = vector.shape_cast %swap3A_258 : vector<1x16xf32> to vector<16xf32>
        %swap3A_260 = vector.shape_cast %broadcast_in_dim3A_20 : vector<16xf32> to vector<1x16xf32>
        tpu.vector_store %arg6[%swap3A_256, %swap3A_257], %swap3A_260 {strides = array<i32>} : memref<32x1024xf32, #tpu.memory_space<vmem>>, vector<1x16xf32>,
        %swap3A_261 = arith.index_cast %while3A_126 : i32 to index
        %swap3A_262 = arith.constant 432 : index
        %swap3A_263 = tpu.vector_load %arg6[%swap3A_261, %swap3A_262] {strides = array<i32>} : memref<32x1024xf32, #tpu.memory_space<vmem>>, vector<1x16xf32>,
        %swap3A_264 = vector.shape_cast %swap3A_263 : vector<1x16xf32> to vector<16xf32>
        %swap3A_265 = vector.shape_cast %broadcast_in_dim3A_20 : vector<16xf32> to vector<1x16xf32>
        tpu.vector_store %arg6[%swap3A_261, %swap3A_262], %swap3A_265 {strides = array<i32>} : memref<32x1024xf32, #tpu.memory_space<vmem>>, vector<1x16xf32>,
        %swap3A_266 = arith.index_cast %while3A_126 : i32 to index
        %swap3A_267 = arith.constant 448 : index
        %swap3A_268 = tpu.vector_load %arg6[%swap3A_266, %swap3A_267] {strides = array<i32>} : memref<32x1024xf32, #tpu.memory_space<vmem>>, vector<1x16xf32>,
        %swap3A_269 = vector.shape_cast %swap3A_268 : vector<1x16xf32> to vector<16xf32>
        %swap3A_270 = vector.shape_cast %broadcast_in_dim3A_20 : vector<16xf32> to vector<1x16xf32>
        tpu.vector_store %arg6[%swap3A_266, %swap3A_267], %swap3A_270 {strides = array<i32>} : memref<32x1024xf32, #tpu.memory_space<vmem>>, vector<1x16xf32>,
        %swap3A_271 = arith.index_cast %while3A_126 : i32 to index
        %swap3A_272 = arith.constant 464 : index
        %swap3A_273 = tpu.vector_load %arg6[%swap3A_271, %swap3A_272] {strides = array<i32>} : memref<32x1024xf32, #tpu.memory_space<vmem>>, vector<1x16xf32>,
        %swap3A_274 = vector.shape_cast %swap3A_273 : vector<1x16xf32> to vector<16xf32>
        %swap3A_275 = vector.shape_cast %broadcast_in_dim3A_20 : vector<16xf32> to vector<1x16xf32>
        tpu.vector_store %arg6[%swap3A_271, %swap3A_272], %swap3A_275 {strides = array<i32>} : memref<32x1024xf32, #tpu.memory_space<vmem>>, vector<1x16xf32>,
        %swap3A_276 = arith.index_cast %while3A_126 : i32 to index
        %swap3A_277 = arith.constant 480 : index
        %swap3A_278 = tpu.vector_load %arg6[%swap3A_276, %swap3A_277] {strides = array<i32>} : memref<32x1024xf32, #tpu.memory_space<vmem>>, vector<1x16xf32>,
        %swap3A_279 = vector.shape_cast %swap3A_278 : vector<1x16xf32> to vector<16xf32>
        %swap3A_280 = vector.shape_cast %broadcast_in_dim3A_20 : vector<16xf32> to vector<1x16xf32>
        tpu.vector_store %arg6[%swap3A_276, %swap3A_277], %swap3A_280 {strides = array<i32>} : memref<32x1024xf32, #tpu.memory_space<vmem>>, vector<1x16xf32>,
        %swap3A_281 = arith.index_cast %while3A_126 : i32 to index
        %swap3A_282 = arith.constant 496 : index
        %swap3A_283 = tpu.vector_load %arg6[%swap3A_281, %swap3A_282] {strides = array<i32>} : memref<32x1024xf32, #tpu.memory_space<vmem>>, vector<1x16xf32>,
        %swap3A_284 = vector.shape_cast %swap3A_283 : vector<1x16xf32> to vector<16xf32>
        %swap3A_285 = vector.shape_cast %broadcast_in_dim3A_20 : vector<16xf32> to vector<1x16xf32>
        tpu.vector_store %arg6[%swap3A_281, %swap3A_282], %swap3A_285 {strides = array<i32>} : memref<32x1024xf32, #tpu.memory_space<vmem>>, vector<1x16xf32>,
        %swap3A_286 = arith.index_cast %while3A_126 : i32 to index
        %swap3A_287 = arith.constant 512 : index
        %swap3A_288 = tpu.vector_load %arg6[%swap3A_286, %swap3A_287] {strides = array<i32>} : memref<32x1024xf32, #tpu.memory_space<vmem>>, vector<1x16xf32>,
        %swap3A_289 = vector.shape_cast %swap3A_288 : vector<1x16xf32> to vector<16xf32>
        %swap3A_290 = vector.shape_cast %broadcast_in_dim3A_20 : vector<16xf32> to vector<1x16xf32>
        tpu.vector_store %arg6[%swap3A_286, %swap3A_287], %swap3A_290 {strides = array<i32>} : memref<32x1024xf32, #tpu.memory_space<vmem>>, vector<1x16xf32>,
        %swap3A_291 = arith.index_cast %while3A_126 : i32 to index
        %swap3A_292 = arith.constant 528 : index
        %swap3A_293 = tpu.vector_load %arg6[%swap3A_291, %swap3A_292] {strides = array<i32>} : memref<32x1024xf32, #tpu.memory_space<vmem>>, vector<1x16xf32>,
        %swap3A_294 = vector.shape_cast %swap3A_293 : vector<1x16xf32> to vector<16xf32>
        %swap3A_295 = vector.shape_cast %broadcast_in_dim3A_20 : vector<16xf32> to vector<1x16xf32>
        tpu.vector_store %arg6[%swap3A_291, %swap3A_292], %swap3A_295 {strides = array<i32>} : memref<32x1024xf32, #tpu.memory_space<vmem>>, vector<1x16xf32>,
        %swap3A_296 = arith.index_cast %while3A_126 : i32 to index
        %swap3A_297 = arith.constant 544 : index
        %swap3A_298 = tpu.vector_load %arg6[%swap3A_296, %swap3A_297] {strides = array<i32>} : memref<32x1024xf32, #tpu.memory_space<vmem>>, vector<1x16xf32>,
        %swap3A_299 = vector.shape_cast %swap3A_298 : vector<1x16xf32> to vector<16xf32>
        %swap3A_300 = vector.shape_cast %broadcast_in_dim3A_20 : vector<16xf32> to vector<1x16xf32>
        tpu.vector_store %arg6[%swap3A_296, %swap3A_297], %swap3A_300 {strides = array<i32>} : memref<32x1024xf32, #tpu.memory_space<vmem>>, vector<1x16xf32>,
        %swap3A_301 = arith.index_cast %while3A_126 : i32 to index
        %swap3A_302 = arith.constant 560 : index
        %swap3A_303 = tpu.vector_load %arg6[%swap3A_301, %swap3A_302] {strides = array<i32>} : memref<32x1024xf32, #tpu.memory_space<vmem>>, vector<1x16xf32>,
        %swap3A_304 = vector.shape_cast %swap3A_303 : vector<1x16xf32> to vector<16xf32>
        %swap3A_305 = vector.shape_cast %broadcast_in_dim3A_20 : vector<16xf32> to vector<1x16xf32>
        tpu.vector_store %arg6[%swap3A_301, %swap3A_302], %swap3A_305 {strides = array<i32>} : memref<32x1024xf32, #tpu.memory_space<vmem>>, vector<1x16xf32>,
        %swap3A_306 = arith.index_cast %while3A_126 : i32 to index
        %swap3A_307 = arith.constant 576 : index
        %swap3A_308 = tpu.vector_load %arg6[%swap3A_306, %swap3A_307] {strides = array<i32>} : memref<32x1024xf32, #tpu.memory_space<vmem>>, vector<1x16xf32>,
        %swap3A_309 = vector.shape_cast %swap3A_308 : vector<1x16xf32> to vector<16xf32>
        %swap3A_310 = vector.shape_cast %broadcast_in_dim3A_20 : vector<16xf32> to vector<1x16xf32>
        tpu.vector_store %arg6[%swap3A_306, %swap3A_307], %swap3A_310 {strides = array<i32>} : memref<32x1024xf32, #tpu.memory_space<vmem>>, vector<1x16xf32>,
        %swap3A_311 = arith.index_cast %while3A_126 : i32 to index
        %swap3A_312 = arith.constant 592 : index
        %swap3A_313 = tpu.vector_load %arg6[%swap3A_311, %swap3A_312] {strides = array<i32>} : memref<32x1024xf32, #tpu.memory_space<vmem>>, vector<1x16xf32>,
        %swap3A_314 = vector.shape_cast %swap3A_313 : vector<1x16xf32> to vector<16xf32>
        %swap3A_315 = vector.shape_cast %broadcast_in_dim3A_20 : vector<16xf32> to vector<1x16xf32>
        tpu.vector_store %arg6[%swap3A_311, %swap3A_312], %swap3A_315 {strides = array<i32>} : memref<32x1024xf32, #tpu.memory_space<vmem>>, vector<1x16xf32>,
        %swap3A_316 = arith.index_cast %while3A_126 : i32 to index
        %swap3A_317 = arith.constant 608 : index
        %swap3A_318 = tpu.vector_load %arg6[%swap3A_316, %swap3A_317] {strides = array<i32>} : memref<32x1024xf32, #tpu.memory_space<vmem>>, vector<1x16xf32>,
        %swap3A_319 = vector.shape_cast %swap3A_318 : vector<1x16xf32> to vector<16xf32>
        %swap3A_320 = vector.shape_cast %broadcast_in_dim3A_20 : vector<16xf32> to vector<1x16xf32>
        tpu.vector_store %arg6[%swap3A_316, %swap3A_317], %swap3A_320 {strides = array<i32>} : memref<32x1024xf32, #tpu.memory_space<vmem>>, vector<1x16xf32>,
        %swap3A_321 = arith.index_cast %while3A_126 : i32 to index
        %swap3A_322 = arith.constant 624 : index
        %swap3A_323 = tpu.vector_load %arg6[%swap3A_321, %swap3A_322] {strides = array<i32>} : memref<32x1024xf32, #tpu.memory_space<vmem>>, vector<1x16xf32>,
        %swap3A_324 = vector.shape_cast %swap3A_323 : vector<1x16xf32> to vector<16xf32>
        %swap3A_325 = vector.shape_cast %broadcast_in_dim3A_20 : vector<16xf32> to vector<1x16xf32>
        tpu.vector_store %arg6[%swap3A_321, %swap3A_322], %swap3A_325 {strides = array<i32>} : memref<32x1024xf32, #tpu.memory_space<vmem>>, vector<1x16xf32>,
        %swap3A_326 = arith.index_cast %while3A_126 : i32 to index
        %swap3A_327 = arith.constant 640 : index
        %swap3A_328 = tpu.vector_load %arg6[%swap3A_326, %swap3A_327] {strides = array<i32>} : memref<32x1024xf32, #tpu.memory_space<vmem>>, vector<1x16xf32>,
        %swap3A_329 = vector.shape_cast %swap3A_328 : vector<1x16xf32> to vector<16xf32>
        %swap3A_330 = vector.shape_cast %broadcast_in_dim3A_20 : vector<16xf32> to vector<1x16xf32>
        tpu.vector_store %arg6[%swap3A_326, %swap3A_327], %swap3A_330 {strides = array<i32>} : memref<32x1024xf32, #tpu.memory_space<vmem>>, vector<1x16xf32>,
        %swap3A_331 = arith.index_cast %while3A_126 : i32 to index
        %swap3A_332 = arith.constant 656 : index
        %swap3A_333 = tpu.vector_load %arg6[%swap3A_331, %swap3A_332] {strides = array<i32>} : memref<32x1024xf32, #tpu.memory_space<vmem>>, vector<1x16xf32>,
        %swap3A_334 = vector.shape_cast %swap3A_333 : vector<1x16xf32> to vector<16xf32>
        %swap3A_335 = vector.shape_cast %broadcast_in_dim3A_20 : vector<16xf32> to vector<1x16xf32>
        tpu.vector_store %arg6[%swap3A_331, %swap3A_332], %swap3A_335 {strides = array<i32>} : memref<32x1024xf32, #tpu.memory_space<vmem>>, vector<1x16xf32>,
        %swap3A_336 = arith.index_cast %while3A_126 : i32 to index
        %swap3A_337 = arith.constant 672 : index
        %swap3A_338 = tpu.vector_load %arg6[%swap3A_336, %swap3A_337] {strides = array<i32>} : memref<32x1024xf32, #tpu.memory_space<vmem>>, vector<1x16xf32>,
        %swap3A_339 = vector.shape_cast %swap3A_338 : vector<1x16xf32> to vector<16xf32>
        %swap3A_340 = vector.shape_cast %broadcast_in_dim3A_20 : vector<16xf32> to vector<1x16xf32>
        tpu.vector_store %arg6[%swap3A_336, %swap3A_337], %swap3A_340 {strides = array<i32>} : memref<32x1024xf32, #tpu.memory_space<vmem>>, vector<1x16xf32>,
        %swap3A_341 = arith.index_cast %while3A_126 : i32 to index
        %swap3A_342 = arith.constant 688 : index
        %swap3A_343 = tpu.vector_load %arg6[%swap3A_341, %swap3A_342] {strides = array<i32>} : memref<32x1024xf32, #tpu.memory_space<vmem>>, vector<1x16xf32>,
        %swap3A_344 = vector.shape_cast %swap3A_343 : vector<1x16xf32> to vector<16xf32>
        %swap3A_345 = vector.shape_cast %broadcast_in_dim3A_20 : vector<16xf32> to vector<1x16xf32>
        tpu.vector_store %arg6[%swap3A_341, %swap3A_342], %swap3A_345 {strides = array<i32>} : memref<32x1024xf32, #tpu.memory_space<vmem>>, vector<1x16xf32>,
        %swap3A_346 = arith.index_cast %while3A_126 : i32 to index
        %swap3A_347 = arith.constant 704 : index
        %swap3A_348 = tpu.vector_load %arg6[%swap3A_346, %swap3A_347] {strides = array<i32>} : memref<32x1024xf32, #tpu.memory_space<vmem>>, vector<1x16xf32>,
        %swap3A_349 = vector.shape_cast %swap3A_348 : vector<1x16xf32> to vector<16xf32>
        %swap3A_350 = vector.shape_cast %broadcast_in_dim3A_20 : vector<16xf32> to vector<1x16xf32>
        tpu.vector_store %arg6[%swap3A_346, %swap3A_347], %swap3A_350 {strides = array<i32>} : memref<32x1024xf32, #tpu.memory_space<vmem>>, vector<1x16xf32>,
        %swap3A_351 = arith.index_cast %while3A_126 : i32 to index
        %swap3A_352 = arith.constant 720 : index
        %swap3A_353 = tpu.vector_load %arg6[%swap3A_351, %swap3A_352] {strides = array<i32>} : memref<32x1024xf32, #tpu.memory_space<vmem>>, vector<1x16xf32>,
        %swap3A_354 = vector.shape_cast %swap3A_353 : vector<1x16xf32> to vector<16xf32>
        %swap3A_355 = vector.shape_cast %broadcast_in_dim3A_20 : vector<16xf32> to vector<1x16xf32>
        tpu.vector_store %arg6[%swap3A_351, %swap3A_352], %swap3A_355 {strides = array<i32>} : memref<32x1024xf32, #tpu.memory_space<vmem>>, vector<1x16xf32>,
        %swap3A_356 = arith.index_cast %while3A_126 : i32 to index
        %swap3A_357 = arith.constant 736 : index
        %swap3A_358 = tpu.vector_load %arg6[%swap3A_356, %swap3A_357] {strides = array<i32>} : memref<32x1024xf32, #tpu.memory_space<vmem>>, vector<1x16xf32>,
        %swap3A_359 = vector.shape_cast %swap3A_358 : vector<1x16xf32> to vector<16xf32>
        %swap3A_360 = vector.shape_cast %broadcast_in_dim3A_20 : vector<16xf32> to vector<1x16xf32>
        tpu.vector_store %arg6[%swap3A_356, %swap3A_357], %swap3A_360 {strides = array<i32>} : memref<32x1024xf32, #tpu.memory_space<vmem>>, vector<1x16xf32>,
        %swap3A_361 = arith.index_cast %while3A_126 : i32 to index
        %swap3A_362 = arith.constant 752 : index
        %swap3A_363 = tpu.vector_load %arg6[%swap3A_361, %swap3A_362] {strides = array<i32>} : memref<32x1024xf32, #tpu.memory_space<vmem>>, vector<1x16xf32>,
        %swap3A_364 = vector.shape_cast %swap3A_363 : vector<1x16xf32> to vector<16xf32>
        %swap3A_365 = vector.shape_cast %broadcast_in_dim3A_20 : vector<16xf32> to vector<1x16xf32>
        tpu.vector_store %arg6[%swap3A_361, %swap3A_362], %swap3A_365 {strides = array<i32>} : memref<32x1024xf32, #tpu.memory_space<vmem>>, vector<1x16xf32>,
        %swap3A_366 = arith.index_cast %while3A_126 : i32 to index
        %swap3A_367 = arith.constant 768 : index
        %swap3A_368 = tpu.vector_load %arg6[%swap3A_366, %swap3A_367] {strides = array<i32>} : memref<32x1024xf32, #tpu.memory_space<vmem>>, vector<1x16xf32>,
        %swap3A_369 = vector.shape_cast %swap3A_368 : vector<1x16xf32> to vector<16xf32>
        %swap3A_370 = vector.shape_cast %broadcast_in_dim3A_20 : vector<16xf32> to vector<1x16xf32>
        tpu.vector_store %arg6[%swap3A_366, %swap3A_367], %swap3A_370 {strides = array<i32>} : memref<32x1024xf32, #tpu.memory_space<vmem>>, vector<1x16xf32>,
        %swap3A_371 = arith.index_cast %while3A_126 : i32 to index
        %swap3A_372 = arith.constant 784 : index
        %swap3A_373 = tpu.vector_load %arg6[%swap3A_371, %swap3A_372] {strides = array<i32>} : memref<32x1024xf32, #tpu.memory_space<vmem>>, vector<1x16xf32>,
        %swap3A_374 = vector.shape_cast %swap3A_373 : vector<1x16xf32> to vector<16xf32>
        %swap3A_375 = vector.shape_cast %broadcast_in_dim3A_20 : vector<16xf32> to vector<1x16xf32>
        tpu.vector_store %arg6[%swap3A_371, %swap3A_372], %swap3A_375 {strides = array<i32>} : memref<32x1024xf32, #tpu.memory_space<vmem>>, vector<1x16xf32>,
        %swap3A_376 = arith.index_cast %while3A_126 : i32 to index
        %swap3A_377 = arith.constant 800 : index
        %swap3A_378 = tpu.vector_load %arg6[%swap3A_376, %swap3A_377] {strides = array<i32>} : memref<32x1024xf32, #tpu.memory_space<vmem>>, vector<1x16xf32>,
        %swap3A_379 = vector.shape_cast %swap3A_378 : vector<1x16xf32> to vector<16xf32>
        %swap3A_380 = vector.shape_cast %broadcast_in_dim3A_20 : vector<16xf32> to vector<1x16xf32>
        tpu.vector_store %arg6[%swap3A_376, %swap3A_377], %swap3A_380 {strides = array<i32>} : memref<32x1024xf32, #tpu.memory_space<vmem>>, vector<1x16xf32>,
        %swap3A_381 = arith.index_cast %while3A_126 : i32 to index
        %swap3A_382 = arith.constant 816 : index
        %swap3A_383 = tpu.vector_load %arg6[%swap3A_381, %swap3A_382] {strides = array<i32>} : memref<32x1024xf32, #tpu.memory_space<vmem>>, vector<1x16xf32>,
        %swap3A_384 = vector.shape_cast %swap3A_383 : vector<1x16xf32> to vector<16xf32>
        %swap3A_385 = vector.shape_cast %broadcast_in_dim3A_20 : vector<16xf32> to vector<1x16xf32>
        tpu.vector_store %arg6[%swap3A_381, %swap3A_382], %swap3A_385 {strides = array<i32>} : memref<32x1024xf32, #tpu.memory_space<vmem>>, vector<1x16xf32>,
        %swap3A_386 = arith.index_cast %while3A_126 : i32 to index
        %swap3A_387 = arith.constant 832 : index
        %swap3A_388 = tpu.vector_load %arg6[%swap3A_386, %swap3A_387] {strides = array<i32>} : memref<32x1024xf32, #tpu.memory_space<vmem>>, vector<1x16xf32>,
        %swap3A_389 = vector.shape_cast %swap3A_388 : vector<1x16xf32> to vector<16xf32>
        %swap3A_390 = vector.shape_cast %broadcast_in_dim3A_20 : vector<16xf32> to vector<1x16xf32>
        tpu.vector_store %arg6[%swap3A_386, %swap3A_387], %swap3A_390 {strides = array<i32>} : memref<32x1024xf32, #tpu.memory_space<vmem>>, vector<1x16xf32>,
        %swap3A_391 = arith.index_cast %while3A_126 : i32 to index
        %swap3A_392 = arith.constant 848 : index
        %swap3A_393 = tpu.vector_load %arg6[%swap3A_391, %swap3A_392] {strides = array<i32>} : memref<32x1024xf32, #tpu.memory_space<vmem>>, vector<1x16xf32>,
        %swap3A_394 = vector.shape_cast %swap3A_393 : vector<1x16xf32> to vector<16xf32>
        %swap3A_395 = vector.shape_cast %broadcast_in_dim3A_20 : vector<16xf32> to vector<1x16xf32>
        tpu.vector_store %arg6[%swap3A_391, %swap3A_392], %swap3A_395 {strides = array<i32>} : memref<32x1024xf32, #tpu.memory_space<vmem>>, vector<1x16xf32>,
        %swap3A_396 = arith.index_cast %while3A_126 : i32 to index
        %swap3A_397 = arith.constant 864 : index
        %swap3A_398 = tpu.vector_load %arg6[%swap3A_396, %swap3A_397] {strides = array<i32>} : memref<32x1024xf32, #tpu.memory_space<vmem>>, vector<1x16xf32>,
        %swap3A_399 = vector.shape_cast %swap3A_398 : vector<1x16xf32> to vector<16xf32>
        %swap3A_400 = vector.shape_cast %broadcast_in_dim3A_20 : vector<16xf32> to vector<1x16xf32>
        tpu.vector_store %arg6[%swap3A_396, %swap3A_397], %swap3A_400 {strides = array<i32>} : memref<32x1024xf32, #tpu.memory_space<vmem>>, vector<1x16xf32>,
        %swap3A_401 = arith.index_cast %while3A_126 : i32 to index
        %swap3A_402 = arith.constant 880 : index
        %swap3A_403 = tpu.vector_load %arg6[%swap3A_401, %swap3A_402] {strides = array<i32>} : memref<32x1024xf32, #tpu.memory_space<vmem>>, vector<1x16xf32>,
        %swap3A_404 = vector.shape_cast %swap3A_403 : vector<1x16xf32> to vector<16xf32>
        %swap3A_405 = vector.shape_cast %broadcast_in_dim3A_20 : vector<16xf32> to vector<1x16xf32>
        tpu.vector_store %arg6[%swap3A_401, %swap3A_402], %swap3A_405 {strides = array<i32>} : memref<32x1024xf32, #tpu.memory_space<vmem>>, vector<1x16xf32>,
        %swap3A_406 = arith.index_cast %while3A_126 : i32 to index
        %swap3A_407 = arith.constant 896 : index
        %swap3A_408 = tpu.vector_load %arg6[%swap3A_406, %swap3A_407] {strides = array<i32>} : memref<32x1024xf32, #tpu.memory_space<vmem>>, vector<1x16xf32>,
        %swap3A_409 = vector.shape_cast %swap3A_408 : vector<1x16xf32> to vector<16xf32>
        %swap3A_410 = vector.shape_cast %broadcast_in_dim3A_20 : vector<16xf32> to vector<1x16xf32>
        tpu.vector_store %arg6[%swap3A_406, %swap3A_407], %swap3A_410 {strides = array<i32>} : memref<32x1024xf32, #tpu.memory_space<vmem>>, vector<1x16xf32>,
        %swap3A_411 = arith.index_cast %while3A_126 : i32 to index
        %swap3A_412 = arith.constant 912 : index
        %swap3A_413 = tpu.vector_load %arg6[%swap3A_411, %swap3A_412] {strides = array<i32>} : memref<32x1024xf32, #tpu.memory_space<vmem>>, vector<1x16xf32>,
        %swap3A_414 = vector.shape_cast %swap3A_413 : vector<1x16xf32> to vector<16xf32>
        %swap3A_415 = vector.shape_cast %broadcast_in_dim3A_20 : vector<16xf32> to vector<1x16xf32>
        tpu.vector_store %arg6[%swap3A_411, %swap3A_412], %swap3A_415 {strides = array<i32>} : memref<32x1024xf32, #tpu.memory_space<vmem>>, vector<1x16xf32>,
        %swap3A_416 = arith.index_cast %while3A_126 : i32 to index
        %swap3A_417 = arith.constant 928 : index
        %swap3A_418 = tpu.vector_load %arg6[%swap3A_416, %swap3A_417] {strides = array<i32>} : memref<32x1024xf32, #tpu.memory_space<vmem>>, vector<1x16xf32>,
        %swap3A_419 = vector.shape_cast %swap3A_418 : vector<1x16xf32> to vector<16xf32>
        %swap3A_420 = vector.shape_cast %broadcast_in_dim3A_20 : vector<16xf32> to vector<1x16xf32>
        tpu.vector_store %arg6[%swap3A_416, %swap3A_417], %swap3A_420 {strides = array<i32>} : memref<32x1024xf32, #tpu.memory_space<vmem>>, vector<1x16xf32>,
        %swap3A_421 = arith.index_cast %while3A_126 : i32 to index
        %swap3A_422 = arith.constant 944 : index
        %swap3A_423 = tpu.vector_load %arg6[%swap3A_421, %swap3A_422] {strides = array<i32>} : memref<32x1024xf32, #tpu.memory_space<vmem>>, vector<1x16xf32>,
        %swap3A_424 = vector.shape_cast %swap3A_423 : vector<1x16xf32> to vector<16xf32>
        %swap3A_425 = vector.shape_cast %broadcast_in_dim3A_20 : vector<16xf32> to vector<1x16xf32>
        tpu.vector_store %arg6[%swap3A_421, %swap3A_422], %swap3A_425 {strides = array<i32>} : memref<32x1024xf32, #tpu.memory_space<vmem>>, vector<1x16xf32>,
        %swap3A_426 = arith.index_cast %while3A_126 : i32 to index
        %swap3A_427 = arith.constant 960 : index
        %swap3A_428 = tpu.vector_load %arg6[%swap3A_426, %swap3A_427] {strides = array<i32>} : memref<32x1024xf32, #tpu.memory_space<vmem>>, vector<1x16xf32>,
        %swap3A_429 = vector.shape_cast %swap3A_428 : vector<1x16xf32> to vector<16xf32>
        %swap3A_430 = vector.shape_cast %broadcast_in_dim3A_20 : vector<16xf32> to vector<1x16xf32>
        tpu.vector_store %arg6[%swap3A_426, %swap3A_427], %swap3A_430 {strides = array<i32>} : memref<32x1024xf32, #tpu.memory_space<vmem>>, vector<1x16xf32>,
        %swap3A_431 = arith.index_cast %while3A_126 : i32 to index
        %swap3A_432 = arith.constant 976 : index
        %swap3A_433 = tpu.vector_load %arg6[%swap3A_431, %swap3A_432] {strides = array<i32>} : memref<32x1024xf32, #tpu.memory_space<vmem>>, vector<1x16xf32>,
        %swap3A_434 = vector.shape_cast %swap3A_433 : vector<1x16xf32> to vector<16xf32>
        %swap3A_435 = vector.shape_cast %broadcast_in_dim3A_20 : vector<16xf32> to vector<1x16xf32>
        tpu.vector_store %arg6[%swap3A_431, %swap3A_432], %swap3A_435 {strides = array<i32>} : memref<32x1024xf32, #tpu.memory_space<vmem>>, vector<1x16xf32>,
        %swap3A_436 = arith.index_cast %while3A_126 : i32 to index
        %swap3A_437 = arith.constant 992 : index
        %swap3A_438 = tpu.vector_load %arg6[%swap3A_436, %swap3A_437] {strides = array<i32>} : memref<32x1024xf32, #tpu.memory_space<vmem>>, vector<1x16xf32>,
        %swap3A_439 = vector.shape_cast %swap3A_438 : vector<1x16xf32> to vector<16xf32>
        %swap3A_440 = vector.shape_cast %broadcast_in_dim3A_20 : vector<16xf32> to vector<1x16xf32>
        tpu.vector_store %arg6[%swap3A_436, %swap3A_437], %swap3A_440 {strides = array<i32>} : memref<32x1024xf32, #tpu.memory_space<vmem>>, vector<1x16xf32>,
        %swap3A_441 = arith.index_cast %while3A_126 : i32 to index
        %swap3A_442 = arith.constant 1008 : index
        %swap3A_443 = tpu.vector_load %arg6[%swap3A_441, %swap3A_442] {strides = array<i32>} : memref<32x1024xf32, #tpu.memory_space<vmem>>, vector<1x16xf32>,
        %swap3A_444 = vector.shape_cast %swap3A_443 : vector<1x16xf32> to vector<16xf32>
        %swap3A_445 = vector.shape_cast %broadcast_in_dim3A_20 : vector<16xf32> to vector<1x16xf32>
        tpu.vector_store %arg6[%swap3A_441, %swap3A_442], %swap3A_445 {strides = array<i32>} : memref<32x1024xf32, #tpu.memory_space<vmem>>, vector<1x16xf32>,
      }
      %while3A_125 = arith.constant 1 : i32
      scf.for %while3A_126 = %while3A_123 to %while3A_119 step %while3A_125  : i32 {
        %swap3A = arith.index_cast %while3A_126 : i32 to index
        %swap3A_127 = arith.constant 0 : index
        %swap3A_128 = tpu.vector_load %arg6[%swap3A, %swap3A_127] {strides = array<i32>} : memref<32x1024xf32, #tpu.memory_space<vmem>>, vector<1x16xf32>,
        %swap3A_129 = vector.shape_cast %swap3A_128 : vector<1x16xf32> to vector<16xf32>
        %swap3A_130 = vector.shape_cast %broadcast_in_dim3A_20 : vector<16xf32> to vector<1x16xf32>
        tpu.vector_store %arg6[%swap3A, %swap3A_127], %swap3A_130 {strides = array<i32>} : memref<32x1024xf32, #tpu.memory_space<vmem>>, vector<1x16xf32>,
        %swap3A_131 = arith.index_cast %while3A_126 : i32 to index
        %swap3A_132 = arith.constant 16 : index
        %swap3A_133 = tpu.vector_load %arg6[%swap3A_131, %swap3A_132] {strides = array<i32>} : memref<32x1024xf32, #tpu.memory_space<vmem>>, vector<1x16xf32>,
        %swap3A_134 = vector.shape_cast %swap3A_133 : vector<1x16xf32> to vector<16xf32>
        %swap3A_135 = vector.shape_cast %broadcast_in_dim3A_20 : vector<16xf32> to vector<1x16xf32>
        tpu.vector_store %arg6[%swap3A_131, %swap3A_132], %swap3A_135 {strides = array<i32>} : memref<32x1024xf32, #tpu.memory_space<vmem>>, vector<1x16xf32>,
        %swap3A_136 = arith.index_cast %while3A_126 : i32 to index
        %swap3A_137 = arith.constant 32 : index
        %swap3A_138 = tpu.vector_load %arg6[%swap3A_136, %swap3A_137] {strides = array<i32>} : memref<32x1024xf32, #tpu.memory_space<vmem>>, vector<1x16xf32>,
        %swap3A_139 = vector.shape_cast %swap3A_138 : vector<1x16xf32> to vector<16xf32>
        %swap3A_140 = vector.shape_cast %broadcast_in_dim3A_20 : vector<16xf32> to vector<1x16xf32>
        tpu.vector_store %arg6[%swap3A_136, %swap3A_137], %swap3A_140 {strides = array<i32>} : memref<32x1024xf32, #tpu.memory_space<vmem>>, vector<1x16xf32>,
        %swap3A_141 = arith.index_cast %while3A_126 : i32 to index
        %swap3A_142 = arith.constant 48 : index
        %swap3A_143 = tpu.vector_load %arg6[%swap3A_141, %swap3A_142] {strides = array<i32>} : memref<32x1024xf32, #tpu.memory_space<vmem>>, vector<1x16xf32>,
        %swap3A_144 = vector.shape_cast %swap3A_143 : vector<1x16xf32> to vector<16xf32>
        %swap3A_145 = vector.shape_cast %broadcast_in_dim3A_20 : vector<16xf32> to vector<1x16xf32>
        tpu.vector_store %arg6[%swap3A_141, %swap3A_142], %swap3A_145 {strides = array<i32>} : memref<32x1024xf32, #tpu.memory_space<vmem>>, vector<1x16xf32>,
        %swap3A_146 = arith.index_cast %while3A_126 : i32 to index
        %swap3A_147 = arith.constant 64 : index
        %swap3A_148 = tpu.vector_load %arg6[%swap3A_146, %swap3A_147] {strides = array<i32>} : memref<32x1024xf32, #tpu.memory_space<vmem>>, vector<1x16xf32>,
        %swap3A_149 = vector.shape_cast %swap3A_148 : vector<1x16xf32> to vector<16xf32>
        %swap3A_150 = vector.shape_cast %broadcast_in_dim3A_20 : vector<16xf32> to vector<1x16xf32>
        tpu.vector_store %arg6[%swap3A_146, %swap3A_147], %swap3A_150 {strides = array<i32>} : memref<32x1024xf32, #tpu.memory_space<vmem>>, vector<1x16xf32>,
        %swap3A_151 = arith.index_cast %while3A_126 : i32 to index
        %swap3A_152 = arith.constant 80 : index
        %swap3A_153 = tpu.vector_load %arg6[%swap3A_151, %swap3A_152] {strides = array<i32>} : memref<32x1024xf32, #tpu.memory_space<vmem>>, vector<1x16xf32>,
        %swap3A_154 = vector.shape_cast %swap3A_153 : vector<1x16xf32> to vector<16xf32>
        %swap3A_155 = vector.shape_cast %broadcast_in_dim3A_20 : vector<16xf32> to vector<1x16xf32>
        tpu.vector_store %arg6[%swap3A_151, %swap3A_152], %swap3A_155 {strides = array<i32>} : memref<32x1024xf32, #tpu.memory_space<vmem>>, vector<1x16xf32>,
        %swap3A_156 = arith.index_cast %while3A_126 : i32 to index
        %swap3A_157 = arith.constant 96 : index
        %swap3A_158 = tpu.vector_load %arg6[%swap3A_156, %swap3A_157] {strides = array<i32>} : memref<32x1024xf32, #tpu.memory_space<vmem>>, vector<1x16xf32>,
        %swap3A_159 = vector.shape_cast %swap3A_158 : vector<1x16xf32> to vector<16xf32>
        %swap3A_160 = vector.shape_cast %broadcast_in_dim3A_20 : vector<16xf32> to vector<1x16xf32>
        tpu.vector_store %arg6[%swap3A_156, %swap3A_157], %swap3A_160 {strides = array<i32>} : memref<32x1024xf32, #tpu.memory_space<vmem>>, vector<1x16xf32>,
        %swap3A_161 = arith.index_cast %while3A_126 : i32 to index
        %swap3A_162 = arith.constant 112 : index
        %swap3A_163 = tpu.vector_load %arg6[%swap3A_161, %swap3A_162] {strides = array<i32>} : memref<32x1024xf32, #tpu.memory_space<vmem>>, vector<1x16xf32>,
        %swap3A_164 = vector.shape_cast %swap3A_163 : vector<1x16xf32> to vector<16xf32>
        %swap3A_165 = vector.shape_cast %broadcast_in_dim3A_20 : vector<16xf32> to vector<1x16xf32>
        tpu.vector_store %arg6[%swap3A_161, %swap3A_162], %swap3A_165 {strides = array<i32>} : memref<32x1024xf32, #tpu.memory_space<vmem>>, vector<1x16xf32>,
        %swap3A_166 = arith.index_cast %while3A_126 : i32 to index
        %swap3A_167 = arith.constant 128 : index
        %swap3A_168 = tpu.vector_load %arg6[%swap3A_166, %swap3A_167] {strides = array<i32>} : memref<32x1024xf32, #tpu.memory_space<vmem>>, vector<1x16xf32>,
        %swap3A_169 = vector.shape_cast %swap3A_168 : vector<1x16xf32> to vector<16xf32>
        %swap3A_170 = vector.shape_cast %broadcast_in_dim3A_20 : vector<16xf32> to vector<1x16xf32>
        tpu.vector_store %arg6[%swap3A_166, %swap3A_167], %swap3A_170 {strides = array<i32>} : memref<32x1024xf32, #tpu.memory_space<vmem>>, vector<1x16xf32>,
        %swap3A_171 = arith.index_cast %while3A_126 : i32 to index
        %swap3A_172 = arith.constant 144 : index
        %swap3A_173 = tpu.vector_load %arg6[%swap3A_171, %swap3A_172] {strides = array<i32>} : memref<32x1024xf32, #tpu.memory_space<vmem>>, vector<1x16xf32>,
        %swap3A_174 = vector.shape_cast %swap3A_173 : vector<1x16xf32> to vector<16xf32>
        %swap3A_175 = vector.shape_cast %broadcast_in_dim3A_20 : vector<16xf32> to vector<1x16xf32>
        tpu.vector_store %arg6[%swap3A_171, %swap3A_172], %swap3A_175 {strides = array<i32>} : memref<32x1024xf32, #tpu.memory_space<vmem>>, vector<1x16xf32>,
        %swap3A_176 = arith.index_cast %while3A_126 : i32 to index
        %swap3A_177 = arith.constant 160 : index
        %swap3A_178 = tpu.vector_load %arg6[%swap3A_176, %swap3A_177] {strides = array<i32>} : memref<32x1024xf32, #tpu.memory_space<vmem>>, vector<1x16xf32>,
        %swap3A_179 = vector.shape_cast %swap3A_178 : vector<1x16xf32> to vector<16xf32>
        %swap3A_180 = vector.shape_cast %broadcast_in_dim3A_20 : vector<16xf32> to vector<1x16xf32>
        tpu.vector_store %arg6[%swap3A_176, %swap3A_177], %swap3A_180 {strides = array<i32>} : memref<32x1024xf32, #tpu.memory_space<vmem>>, vector<1x16xf32>,
        %swap3A_181 = arith.index_cast %while3A_126 : i32 to index
        %swap3A_182 = arith.constant 176 : index
        %swap3A_183 = tpu.vector_load %arg6[%swap3A_181, %swap3A_182] {strides = array<i32>} : memref<32x1024xf32, #tpu.memory_space<vmem>>, vector<1x16xf32>,
        %swap3A_184 = vector.shape_cast %swap3A_183 : vector<1x16xf32> to vector<16xf32>
        %swap3A_185 = vector.shape_cast %broadcast_in_dim3A_20 : vector<16xf32> to vector<1x16xf32>
        tpu.vector_store %arg6[%swap3A_181, %swap3A_182], %swap3A_185 {strides = array<i32>} : memref<32x1024xf32, #tpu.memory_space<vmem>>, vector<1x16xf32>,
        %swap3A_186 = arith.index_cast %while3A_126 : i32 to index
        %swap3A_187 = arith.constant 192 : index
        %swap3A_188 = tpu.vector_load %arg6[%swap3A_186, %swap3A_187] {strides = array<i32>} : memref<32x1024xf32, #tpu.memory_space<vmem>>, vector<1x16xf32>,
        %swap3A_189 = vector.shape_cast %swap3A_188 : vector<1x16xf32> to vector<16xf32>
        %swap3A_190 = vector.shape_cast %broadcast_in_dim3A_20 : vector<16xf32> to vector<1x16xf32>
        tpu.vector_store %arg6[%swap3A_186, %swap3A_187], %swap3A_190 {strides = array<i32>} : memref<32x1024xf32, #tpu.memory_space<vmem>>, vector<1x16xf32>,
        %swap3A_191 = arith.index_cast %while3A_126 : i32 to index
        %swap3A_192 = arith.constant 208 : index
        %swap3A_193 = tpu.vector_load %arg6[%swap3A_191, %swap3A_192] {strides = array<i32>} : memref<32x1024xf32, #tpu.memory_space<vmem>>, vector<1x16xf32>,
        %swap3A_194 = vector.shape_cast %swap3A_193 : vector<1x16xf32> to vector<16xf32>
        %swap3A_195 = vector.shape_cast %broadcast_in_dim3A_20 : vector<16xf32> to vector<1x16xf32>
        tpu.vector_store %arg6[%swap3A_191, %swap3A_192], %swap3A_195 {strides = array<i32>} : memref<32x1024xf32, #tpu.memory_space<vmem>>, vector<1x16xf32>,
        %swap3A_196 = arith.index_cast %while3A_126 : i32 to index
        %swap3A_197 = arith.constant 224 : index
        %swap3A_198 = tpu.vector_load %arg6[%swap3A_196, %swap3A_197] {strides = array<i32>} : memref<32x1024xf32, #tpu.memory_space<vmem>>, vector<1x16xf32>,
        %swap3A_199 = vector.shape_cast %swap3A_198 : vector<1x16xf32> to vector<16xf32>
        %swap3A_200 = vector.shape_cast %broadcast_in_dim3A_20 : vector<16xf32> to vector<1x16xf32>
        tpu.vector_store %arg6[%swap3A_196, %swap3A_197], %swap3A_200 {strides = array<i32>} : memref<32x1024xf32, #tpu.memory_space<vmem>>, vector<1x16xf32>,
        %swap3A_201 = arith.index_cast %while3A_126 : i32 to index
        %swap3A_202 = arith.constant 240 : index
        %swap3A_203 = tpu.vector_load %arg6[%swap3A_201, %swap3A_202] {strides = array<i32>} : memref<32x1024xf32, #tpu.memory_space<vmem>>, vector<1x16xf32>,
        %swap3A_204 = vector.shape_cast %swap3A_203 : vector<1x16xf32> to vector<16xf32>
        %swap3A_205 = vector.shape_cast %broadcast_in_dim3A_20 : vector<16xf32> to vector<1x16xf32>
        tpu.vector_store %arg6[%swap3A_201, %swap3A_202], %swap3A_205 {strides = array<i32>} : memref<32x1024xf32, #tpu.memory_space<vmem>>, vector<1x16xf32>,
        %swap3A_206 = arith.index_cast %while3A_126 : i32 to index
        %swap3A_207 = arith.constant 256 : index
        %swap3A_208 = tpu.vector_load %arg6[%swap3A_206, %swap3A_207] {strides = array<i32>} : memref<32x1024xf32, #tpu.memory_space<vmem>>, vector<1x16xf32>,
        %swap3A_209 = vector.shape_cast %swap3A_208 : vector<1x16xf32> to vector<16xf32>
        %swap3A_210 = vector.shape_cast %broadcast_in_dim3A_20 : vector<16xf32> to vector<1x16xf32>
        tpu.vector_store %arg6[%swap3A_206, %swap3A_207], %swap3A_210 {strides = array<i32>} : memref<32x1024xf32, #tpu.memory_space<vmem>>, vector<1x16xf32>,
        %swap3A_211 = arith.index_cast %while3A_126 : i32 to index
        %swap3A_212 = arith.constant 272 : index
        %swap3A_213 = tpu.vector_load %arg6[%swap3A_211, %swap3A_212] {strides = array<i32>} : memref<32x1024xf32, #tpu.memory_space<vmem>>, vector<1x16xf32>,
        %swap3A_214 = vector.shape_cast %swap3A_213 : vector<1x16xf32> to vector<16xf32>
        %swap3A_215 = vector.shape_cast %broadcast_in_dim3A_20 : vector<16xf32> to vector<1x16xf32>
        tpu.vector_store %arg6[%swap3A_211, %swap3A_212], %swap3A_215 {strides = array<i32>} : memref<32x1024xf32, #tpu.memory_space<vmem>>, vector<1x16xf32>,
        %swap3A_216 = arith.index_cast %while3A_126 : i32 to index
        %swap3A_217 = arith.constant 288 : index
        %swap3A_218 = tpu.vector_load %arg6[%swap3A_216, %swap3A_217] {strides = array<i32>} : memref<32x1024xf32, #tpu.memory_space<vmem>>, vector<1x16xf32>,
        %swap3A_219 = vector.shape_cast %swap3A_218 : vector<1x16xf32> to vector<16xf32>
        %swap3A_220 = vector.shape_cast %broadcast_in_dim3A_20 : vector<16xf32> to vector<1x16xf32>
        tpu.vector_store %arg6[%swap3A_216, %swap3A_217], %swap3A_220 {strides = array<i32>} : memref<32x1024xf32, #tpu.memory_space<vmem>>, vector<1x16xf32>,
        %swap3A_221 = arith.index_cast %while3A_126 : i32 to index
        %swap3A_222 = arith.constant 304 : index
        %swap3A_223 = tpu.vector_load %arg6[%swap3A_221, %swap3A_222] {strides = array<i32>} : memref<32x1024xf32, #tpu.memory_space<vmem>>, vector<1x16xf32>,
        %swap3A_224 = vector.shape_cast %swap3A_223 : vector<1x16xf32> to vector<16xf32>
        %swap3A_225 = vector.shape_cast %broadcast_in_dim3A_20 : vector<16xf32> to vector<1x16xf32>
        tpu.vector_store %arg6[%swap3A_221, %swap3A_222], %swap3A_225 {strides = array<i32>} : memref<32x1024xf32, #tpu.memory_space<vmem>>, vector<1x16xf32>,
        %swap3A_226 = arith.index_cast %while3A_126 : i32 to index
        %swap3A_227 = arith.constant 320 : index
        %swap3A_228 = tpu.vector_load %arg6[%swap3A_226, %swap3A_227] {strides = array<i32>} : memref<32x1024xf32, #tpu.memory_space<vmem>>, vector<1x16xf32>,
        %swap3A_229 = vector.shape_cast %swap3A_228 : vector<1x16xf32> to vector<16xf32>
        %swap3A_230 = vector.shape_cast %broadcast_in_dim3A_20 : vector<16xf32> to vector<1x16xf32>
        tpu.vector_store %arg6[%swap3A_226, %swap3A_227], %swap3A_230 {strides = array<i32>} : memref<32x1024xf32, #tpu.memory_space<vmem>>, vector<1x16xf32>,
        %swap3A_231 = arith.index_cast %while3A_126 : i32 to index
        %swap3A_232 = arith.constant 336 : index
        %swap3A_233 = tpu.vector_load %arg6[%swap3A_231, %swap3A_232] {strides = array<i32>} : memref<32x1024xf32, #tpu.memory_space<vmem>>, vector<1x16xf32>,
        %swap3A_234 = vector.shape_cast %swap3A_233 : vector<1x16xf32> to vector<16xf32>
        %swap3A_235 = vector.shape_cast %broadcast_in_dim3A_20 : vector<16xf32> to vector<1x16xf32>
        tpu.vector_store %arg6[%swap3A_231, %swap3A_232], %swap3A_235 {strides = array<i32>} : memref<32x1024xf32, #tpu.memory_space<vmem>>, vector<1x16xf32>,
        %swap3A_236 = arith.index_cast %while3A_126 : i32 to index
        %swap3A_237 = arith.constant 352 : index
        %swap3A_238 = tpu.vector_load %arg6[%swap3A_236, %swap3A_237] {strides = array<i32>} : memref<32x1024xf32, #tpu.memory_space<vmem>>, vector<1x16xf32>,
        %swap3A_239 = vector.shape_cast %swap3A_238 : vector<1x16xf32> to vector<16xf32>
        %swap3A_240 = vector.shape_cast %broadcast_in_dim3A_20 : vector<16xf32> to vector<1x16xf32>
        tpu.vector_store %arg6[%swap3A_236, %swap3A_237], %swap3A_240 {strides = array<i32>} : memref<32x1024xf32, #tpu.memory_space<vmem>>, vector<1x16xf32>,
        %swap3A_241 = arith.index_cast %while3A_126 : i32 to index
        %swap3A_242 = arith.constant 368 : index
        %swap3A_243 = tpu.vector_load %arg6[%swap3A_241, %swap3A_242] {strides = array<i32>} : memref<32x1024xf32, #tpu.memory_space<vmem>>, vector<1x16xf32>,
        %swap3A_244 = vector.shape_cast %swap3A_243 : vector<1x16xf32> to vector<16xf32>
        %swap3A_245 = vector.shape_cast %broadcast_in_dim3A_20 : vector<16xf32> to vector<1x16xf32>
        tpu.vector_store %arg6[%swap3A_241, %swap3A_242], %swap3A_245 {strides = array<i32>} : memref<32x1024xf32, #tpu.memory_space<vmem>>, vector<1x16xf32>,
        %swap3A_246 = arith.index_cast %while3A_126 : i32 to index
        %swap3A_247 = arith.constant 384 : index
        %swap3A_248 = tpu.vector_load %arg6[%swap3A_246, %swap3A_247] {strides = array<i32>} : memref<32x1024xf32, #tpu.memory_space<vmem>>, vector<1x16xf32>,
        %swap3A_249 = vector.shape_cast %swap3A_248 : vector<1x16xf32> to vector<16xf32>
        %swap3A_250 = vector.shape_cast %broadcast_in_dim3A_20 : vector<16xf32> to vector<1x16xf32>
        tpu.vector_store %arg6[%swap3A_246, %swap3A_247], %swap3A_250 {strides = array<i32>} : memref<32x1024xf32, #tpu.memory_space<vmem>>, vector<1x16xf32>,
        %swap3A_251 = arith.index_cast %while3A_126 : i32 to index
        %swap3A_252 = arith.constant 400 : index
        %swap3A_253 = tpu.vector_load %arg6[%swap3A_251, %swap3A_252] {strides = array<i32>} : memref<32x1024xf32, #tpu.memory_space<vmem>>, vector<1x16xf32>,
        %swap3A_254 = vector.shape_cast %swap3A_253 : vector<1x16xf32> to vector<16xf32>
        %swap3A_255 = vector.shape_cast %broadcast_in_dim3A_20 : vector<16xf32> to vector<1x16xf32>
        tpu.vector_store %arg6[%swap3A_251, %swap3A_252], %swap3A_255 {strides = array<i32>} : memref<32x1024xf32, #tpu.memory_space<vmem>>, vector<1x16xf32>,
        %swap3A_256 = arith.index_cast %while3A_126 : i32 to index
        %swap3A_257 = arith.constant 416 : index
        %swap3A_258 = tpu.vector_load %arg6[%swap3A_256, %swap3A_257] {strides = array<i32>} : memref<32x1024xf32, #tpu.memory_space<vmem>>, vector<1x16xf32>,
        %swap3A_259 = vector.shape_cast %swap3A_258 : vector<1x16xf32> to vector<16xf32>
        %swap3A_260 = vector.shape_cast %broadcast_in_dim3A_20 : vector<16xf32> to vector<1x16xf32>
        tpu.vector_store %arg6[%swap3A_256, %swap3A_257], %swap3A_260 {strides = array<i32>} : memref<32x1024xf32, #tpu.memory_space<vmem>>, vector<1x16xf32>,
        %swap3A_261 = arith.index_cast %while3A_126 : i32 to index
        %swap3A_262 = arith.constant 432 : index
        %swap3A_263 = tpu.vector_load %arg6[%swap3A_261, %swap3A_262] {strides = array<i32>} : memref<32x1024xf32, #tpu.memory_space<vmem>>, vector<1x16xf32>,
        %swap3A_264 = vector.shape_cast %swap3A_263 : vector<1x16xf32> to vector<16xf32>
        %swap3A_265 = vector.shape_cast %broadcast_in_dim3A_20 : vector<16xf32> to vector<1x16xf32>
        tpu.vector_store %arg6[%swap3A_261, %swap3A_262], %swap3A_265 {strides = array<i32>} : memref<32x1024xf32, #tpu.memory_space<vmem>>, vector<1x16xf32>,
        %swap3A_266 = arith.index_cast %while3A_126 : i32 to index
        %swap3A_267 = arith.constant 448 : index
        %swap3A_268 = tpu.vector_load %arg6[%swap3A_266, %swap3A_267] {strides = array<i32>} : memref<32x1024xf32, #tpu.memory_space<vmem>>, vector<1x16xf32>,
        %swap3A_269 = vector.shape_cast %swap3A_268 : vector<1x16xf32> to vector<16xf32>
        %swap3A_270 = vector.shape_cast %broadcast_in_dim3A_20 : vector<16xf32> to vector<1x16xf32>
        tpu.vector_store %arg6[%swap3A_266, %swap3A_267], %swap3A_270 {strides = array<i32>} : memref<32x1024xf32, #tpu.memory_space<vmem>>, vector<1x16xf32>,
        %swap3A_271 = arith.index_cast %while3A_126 : i32 to index
        %swap3A_272 = arith.constant 464 : index
        %swap3A_273 = tpu.vector_load %arg6[%swap3A_271, %swap3A_272] {strides = array<i32>} : memref<32x1024xf32, #tpu.memory_space<vmem>>, vector<1x16xf32>,
        %swap3A_274 = vector.shape_cast %swap3A_273 : vector<1x16xf32> to vector<16xf32>
        %swap3A_275 = vector.shape_cast %broadcast_in_dim3A_20 : vector<16xf32> to vector<1x16xf32>
        tpu.vector_store %arg6[%swap3A_271, %swap3A_272], %swap3A_275 {strides = array<i32>} : memref<32x1024xf32, #tpu.memory_space<vmem>>, vector<1x16xf32>,
        %swap3A_276 = arith.index_cast %while3A_126 : i32 to index
        %swap3A_277 = arith.constant 480 : index
        %swap3A_278 = tpu.vector_load %arg6[%swap3A_276, %swap3A_277] {strides = array<i32>} : memref<32x1024xf32, #tpu.memory_space<vmem>>, vector<1x16xf32>,
        %swap3A_279 = vector.shape_cast %swap3A_278 : vector<1x16xf32> to vector<16xf32>
        %swap3A_280 = vector.shape_cast %broadcast_in_dim3A_20 : vector<16xf32> to vector<1x16xf32>
        tpu.vector_store %arg6[%swap3A_276, %swap3A_277], %swap3A_280 {strides = array<i32>} : memref<32x1024xf32, #tpu.memory_space<vmem>>, vector<1x16xf32>,
        %swap3A_281 = arith.index_cast %while3A_126 : i32 to index
        %swap3A_282 = arith.constant 496 : index
        %swap3A_283 = tpu.vector_load %arg6[%swap3A_281, %swap3A_282] {strides = array<i32>} : memref<32x1024xf32, #tpu.memory_space<vmem>>, vector<1x16xf32>,
        %swap3A_284 = vector.shape_cast %swap3A_283 : vector<1x16xf32> to vector<16xf32>
        %swap3A_285 = vector.shape_cast %broadcast_in_dim3A_20 : vector<16xf32> to vector<1x16xf32>
        tpu.vector_store %arg6[%swap3A_281, %swap3A_282], %swap3A_285 {strides = array<i32>} : memref<32x1024xf32, #tpu.memory_space<vmem>>, vector<1x16xf32>,
        %swap3A_286 = arith.index_cast %while3A_126 : i32 to index
        %swap3A_287 = arith.constant 512 : index
        %swap3A_288 = tpu.vector_load %arg6[%swap3A_286, %swap3A_287] {strides = array<i32>} : memref<32x1024xf32, #tpu.memory_space<vmem>>, vector<1x16xf32>,
        %swap3A_289 = vector.shape_cast %swap3A_288 : vector<1x16xf32> to vector<16xf32>
        %swap3A_290 = vector.shape_cast %broadcast_in_dim3A_20 : vector<16xf32> to vector<1x16xf32>
        tpu.vector_store %arg6[%swap3A_286, %swap3A_287], %swap3A_290 {strides = array<i32>} : memref<32x1024xf32, #tpu.memory_space<vmem>>, vector<1x16xf32>,
        %swap3A_291 = arith.index_cast %while3A_126 : i32 to index
        %swap3A_292 = arith.constant 528 : index
        %swap3A_293 = tpu.vector_load %arg6[%swap3A_291, %swap3A_292] {strides = array<i32>} : memref<32x1024xf32, #tpu.memory_space<vmem>>, vector<1x16xf32>,
        %swap3A_294 = vector.shape_cast %swap3A_293 : vector<1x16xf32> to vector<16xf32>
        %swap3A_295 = vector.shape_cast %broadcast_in_dim3A_20 : vector<16xf32> to vector<1x16xf32>
        tpu.vector_store %arg6[%swap3A_291, %swap3A_292], %swap3A_295 {strides = array<i32>} : memref<32x1024xf32, #tpu.memory_space<vmem>>, vector<1x16xf32>,
        %swap3A_296 = arith.index_cast %while3A_126 : i32 to index
        %swap3A_297 = arith.constant 544 : index
        %swap3A_298 = tpu.vector_load %arg6[%swap3A_296, %swap3A_297] {strides = array<i32>} : memref<32x1024xf32, #tpu.memory_space<vmem>>, vector<1x16xf32>,
        %swap3A_299 = vector.shape_cast %swap3A_298 : vector<1x16xf32> to vector<16xf32>
        %swap3A_300 = vector.shape_cast %broadcast_in_dim3A_20 : vector<16xf32> to vector<1x16xf32>
        tpu.vector_store %arg6[%swap3A_296, %swap3A_297], %swap3A_300 {strides = array<i32>} : memref<32x1024xf32, #tpu.memory_space<vmem>>, vector<1x16xf32>,
        %swap3A_301 = arith.index_cast %while3A_126 : i32 to index
        %swap3A_302 = arith.constant 560 : index
        %swap3A_303 = tpu.vector_load %arg6[%swap3A_301, %swap3A_302] {strides = array<i32>} : memref<32x1024xf32, #tpu.memory_space<vmem>>, vector<1x16xf32>,
        %swap3A_304 = vector.shape_cast %swap3A_303 : vector<1x16xf32> to vector<16xf32>
        %swap3A_305 = vector.shape_cast %broadcast_in_dim3A_20 : vector<16xf32> to vector<1x16xf32>
        tpu.vector_store %arg6[%swap3A_301, %swap3A_302], %swap3A_305 {strides = array<i32>} : memref<32x1024xf32, #tpu.memory_space<vmem>>, vector<1x16xf32>,
        %swap3A_306 = arith.index_cast %while3A_126 : i32 to index
        %swap3A_307 = arith.constant 576 : index
        %swap3A_308 = tpu.vector_load %arg6[%swap3A_306, %swap3A_307] {strides = array<i32>} : memref<32x1024xf32, #tpu.memory_space<vmem>>, vector<1x16xf32>,
        %swap3A_309 = vector.shape_cast %swap3A_308 : vector<1x16xf32> to vector<16xf32>
        %swap3A_310 = vector.shape_cast %broadcast_in_dim3A_20 : vector<16xf32> to vector<1x16xf32>
        tpu.vector_store %arg6[%swap3A_306, %swap3A_307], %swap3A_310 {strides = array<i32>} : memref<32x1024xf32, #tpu.memory_space<vmem>>, vector<1x16xf32>,
        %swap3A_311 = arith.index_cast %while3A_126 : i32 to index
        %swap3A_312 = arith.constant 592 : index
        %swap3A_313 = tpu.vector_load %arg6[%swap3A_311, %swap3A_312] {strides = array<i32>} : memref<32x1024xf32, #tpu.memory_space<vmem>>, vector<1x16xf32>,
        %swap3A_314 = vector.shape_cast %swap3A_313 : vector<1x16xf32> to vector<16xf32>
        %swap3A_315 = vector.shape_cast %broadcast_in_dim3A_20 : vector<16xf32> to vector<1x16xf32>
        tpu.vector_store %arg6[%swap3A_311, %swap3A_312], %swap3A_315 {strides = array<i32>} : memref<32x1024xf32, #tpu.memory_space<vmem>>, vector<1x16xf32>,
        %swap3A_316 = arith.index_cast %while3A_126 : i32 to index
        %swap3A_317 = arith.constant 608 : index
        %swap3A_318 = tpu.vector_load %arg6[%swap3A_316, %swap3A_317] {strides = array<i32>} : memref<32x1024xf32, #tpu.memory_space<vmem>>, vector<1x16xf32>,
        %swap3A_319 = vector.shape_cast %swap3A_318 : vector<1x16xf32> to vector<16xf32>
        %swap3A_320 = vector.shape_cast %broadcast_in_dim3A_20 : vector<16xf32> to vector<1x16xf32>
        tpu.vector_store %arg6[%swap3A_316, %swap3A_317], %swap3A_320 {strides = array<i32>} : memref<32x1024xf32, #tpu.memory_space<vmem>>, vector<1x16xf32>,
        %swap3A_321 = arith.index_cast %while3A_126 : i32 to index
        %swap3A_322 = arith.constant 624 : index
        %swap3A_323 = tpu.vector_load %arg6[%swap3A_321, %swap3A_322] {strides = array<i32>} : memref<32x1024xf32, #tpu.memory_space<vmem>>, vector<1x16xf32>,
        %swap3A_324 = vector.shape_cast %swap3A_323 : vector<1x16xf32> to vector<16xf32>
        %swap3A_325 = vector.shape_cast %broadcast_in_dim3A_20 : vector<16xf32> to vector<1x16xf32>
        tpu.vector_store %arg6[%swap3A_321, %swap3A_322], %swap3A_325 {strides = array<i32>} : memref<32x1024xf32, #tpu.memory_space<vmem>>, vector<1x16xf32>,
        %swap3A_326 = arith.index_cast %while3A_126 : i32 to index
        %swap3A_327 = arith.constant 640 : index
        %swap3A_328 = tpu.vector_load %arg6[%swap3A_326, %swap3A_327] {strides = array<i32>} : memref<32x1024xf32, #tpu.memory_space<vmem>>, vector<1x16xf32>,
        %swap3A_329 = vector.shape_cast %swap3A_328 : vector<1x16xf32> to vector<16xf32>
        %swap3A_330 = vector.shape_cast %broadcast_in_dim3A_20 : vector<16xf32> to vector<1x16xf32>
        tpu.vector_store %arg6[%swap3A_326, %swap3A_327], %swap3A_330 {strides = array<i32>} : memref<32x1024xf32, #tpu.memory_space<vmem>>, vector<1x16xf32>,
        %swap3A_331 = arith.index_cast %while3A_126 : i32 to index
        %swap3A_332 = arith.constant 656 : index
        %swap3A_333 = tpu.vector_load %arg6[%swap3A_331, %swap3A_332] {strides = array<i32>} : memref<32x1024xf32, #tpu.memory_space<vmem>>, vector<1x16xf32>,
        %swap3A_334 = vector.shape_cast %swap3A_333 : vector<1x16xf32> to vector<16xf32>
        %swap3A_335 = vector.shape_cast %broadcast_in_dim3A_20 : vector<16xf32> to vector<1x16xf32>
        tpu.vector_store %arg6[%swap3A_331, %swap3A_332], %swap3A_335 {strides = array<i32>} : memref<32x1024xf32, #tpu.memory_space<vmem>>, vector<1x16xf32>,
        %swap3A_336 = arith.index_cast %while3A_126 : i32 to index
        %swap3A_337 = arith.constant 672 : index
        %swap3A_338 = tpu.vector_load %arg6[%swap3A_336, %swap3A_337] {strides = array<i32>} : memref<32x1024xf32, #tpu.memory_space<vmem>>, vector<1x16xf32>,
        %swap3A_339 = vector.shape_cast %swap3A_338 : vector<1x16xf32> to vector<16xf32>
        %swap3A_340 = vector.shape_cast %broadcast_in_dim3A_20 : vector<16xf32> to vector<1x16xf32>
        tpu.vector_store %arg6[%swap3A_336, %swap3A_337], %swap3A_340 {strides = array<i32>} : memref<32x1024xf32, #tpu.memory_space<vmem>>, vector<1x16xf32>,
        %swap3A_341 = arith.index_cast %while3A_126 : i32 to index
        %swap3A_342 = arith.constant 688 : index
        %swap3A_343 = tpu.vector_load %arg6[%swap3A_341, %swap3A_342] {strides = array<i32>} : memref<32x1024xf32, #tpu.memory_space<vmem>>, vector<1x16xf32>,
        %swap3A_344 = vector.shape_cast %swap3A_343 : vector<1x16xf32> to vector<16xf32>
        %swap3A_345 = vector.shape_cast %broadcast_in_dim3A_20 : vector<16xf32> to vector<1x16xf32>
        tpu.vector_store %arg6[%swap3A_341, %swap3A_342], %swap3A_345 {strides = array<i32>} : memref<32x1024xf32, #tpu.memory_space<vmem>>, vector<1x16xf32>,
        %swap3A_346 = arith.index_cast %while3A_126 : i32 to index
        %swap3A_347 = arith.constant 704 : index
        %swap3A_348 = tpu.vector_load %arg6[%swap3A_346, %swap3A_347] {strides = array<i32>} : memref<32x1024xf32, #tpu.memory_space<vmem>>, vector<1x16xf32>,
        %swap3A_349 = vector.shape_cast %swap3A_348 : vector<1x16xf32> to vector<16xf32>
        %swap3A_350 = vector.shape_cast %broadcast_in_dim3A_20 : vector<16xf32> to vector<1x16xf32>
        tpu.vector_store %arg6[%swap3A_346, %swap3A_347], %swap3A_350 {strides = array<i32>} : memref<32x1024xf32, #tpu.memory_space<vmem>>, vector<1x16xf32>,
        %swap3A_351 = arith.index_cast %while3A_126 : i32 to index
        %swap3A_352 = arith.constant 720 : index
        %swap3A_353 = tpu.vector_load %arg6[%swap3A_351, %swap3A_352] {strides = array<i32>} : memref<32x1024xf32, #tpu.memory_space<vmem>>, vector<1x16xf32>,
        %swap3A_354 = vector.shape_cast %swap3A_353 : vector<1x16xf32> to vector<16xf32>
        %swap3A_355 = vector.shape_cast %broadcast_in_dim3A_20 : vector<16xf32> to vector<1x16xf32>
        tpu.vector_store %arg6[%swap3A_351, %swap3A_352], %swap3A_355 {strides = array<i32>} : memref<32x1024xf32, #tpu.memory_space<vmem>>, vector<1x16xf32>,
        %swap3A_356 = arith.index_cast %while3A_126 : i32 to index
        %swap3A_357 = arith.constant 736 : index
        %swap3A_358 = tpu.vector_load %arg6[%swap3A_356, %swap3A_357] {strides = array<i32>} : memref<32x1024xf32, #tpu.memory_space<vmem>>, vector<1x16xf32>,
        %swap3A_359 = vector.shape_cast %swap3A_358 : vector<1x16xf32> to vector<16xf32>
        %swap3A_360 = vector.shape_cast %broadcast_in_dim3A_20 : vector<16xf32> to vector<1x16xf32>
        tpu.vector_store %arg6[%swap3A_356, %swap3A_357], %swap3A_360 {strides = array<i32>} : memref<32x1024xf32, #tpu.memory_space<vmem>>, vector<1x16xf32>,
        %swap3A_361 = arith.index_cast %while3A_126 : i32 to index
        %swap3A_362 = arith.constant 752 : index
        %swap3A_363 = tpu.vector_load %arg6[%swap3A_361, %swap3A_362] {strides = array<i32>} : memref<32x1024xf32, #tpu.memory_space<vmem>>, vector<1x16xf32>,
        %swap3A_364 = vector.shape_cast %swap3A_363 : vector<1x16xf32> to vector<16xf32>
        %swap3A_365 = vector.shape_cast %broadcast_in_dim3A_20 : vector<16xf32> to vector<1x16xf32>
        tpu.vector_store %arg6[%swap3A_361, %swap3A_362], %swap3A_365 {strides = array<i32>} : memref<32x1024xf32, #tpu.memory_space<vmem>>, vector<1x16xf32>,
        %swap3A_366 = arith.index_cast %while3A_126 : i32 to index
        %swap3A_367 = arith.constant 768 : index
        %swap3A_368 = tpu.vector_load %arg6[%swap3A_366, %swap3A_367] {strides = array<i32>} : memref<32x1024xf32, #tpu.memory_space<vmem>>, vector<1x16xf32>,
        %swap3A_369 = vector.shape_cast %swap3A_368 : vector<1x16xf32> to vector<16xf32>
        %swap3A_370 = vector.shape_cast %broadcast_in_dim3A_20 : vector<16xf32> to vector<1x16xf32>
        tpu.vector_store %arg6[%swap3A_366, %swap3A_367], %swap3A_370 {strides = array<i32>} : memref<32x1024xf32, #tpu.memory_space<vmem>>, vector<1x16xf32>,
        %swap3A_371 = arith.index_cast %while3A_126 : i32 to index
        %swap3A_372 = arith.constant 784 : index
        %swap3A_373 = tpu.vector_load %arg6[%swap3A_371, %swap3A_372] {strides = array<i32>} : memref<32x1024xf32, #tpu.memory_space<vmem>>, vector<1x16xf32>,
        %swap3A_374 = vector.shape_cast %swap3A_373 : vector<1x16xf32> to vector<16xf32>
        %swap3A_375 = vector.shape_cast %broadcast_in_dim3A_20 : vector<16xf32> to vector<1x16xf32>
        tpu.vector_store %arg6[%swap3A_371, %swap3A_372], %swap3A_375 {strides = array<i32>} : memref<32x1024xf32, #tpu.memory_space<vmem>>, vector<1x16xf32>,
        %swap3A_376 = arith.index_cast %while3A_126 : i32 to index
        %swap3A_377 = arith.constant 800 : index
        %swap3A_378 = tpu.vector_load %arg6[%swap3A_376, %swap3A_377] {strides = array<i32>} : memref<32x1024xf32, #tpu.memory_space<vmem>>, vector<1x16xf32>,
        %swap3A_379 = vector.shape_cast %swap3A_378 : vector<1x16xf32> to vector<16xf32>
        %swap3A_380 = vector.shape_cast %broadcast_in_dim3A_20 : vector<16xf32> to vector<1x16xf32>
        tpu.vector_store %arg6[%swap3A_376, %swap3A_377], %swap3A_380 {strides = array<i32>} : memref<32x1024xf32, #tpu.memory_space<vmem>>, vector<1x16xf32>,
        %swap3A_381 = arith.index_cast %while3A_126 : i32 to index
        %swap3A_382 = arith.constant 816 : index
        %swap3A_383 = tpu.vector_load %arg6[%swap3A_381, %swap3A_382] {strides = array<i32>} : memref<32x1024xf32, #tpu.memory_space<vmem>>, vector<1x16xf32>,
        %swap3A_384 = vector.shape_cast %swap3A_383 : vector<1x16xf32> to vector<16xf32>
        %swap3A_385 = vector.shape_cast %broadcast_in_dim3A_20 : vector<16xf32> to vector<1x16xf32>
        tpu.vector_store %arg6[%swap3A_381, %swap3A_382], %swap3A_385 {strides = array<i32>} : memref<32x1024xf32, #tpu.memory_space<vmem>>, vector<1x16xf32>,
        %swap3A_386 = arith.index_cast %while3A_126 : i32 to index
        %swap3A_387 = arith.constant 832 : index
        %swap3A_388 = tpu.vector_load %arg6[%swap3A_386, %swap3A_387] {strides = array<i32>} : memref<32x1024xf32, #tpu.memory_space<vmem>>, vector<1x16xf32>,
        %swap3A_389 = vector.shape_cast %swap3A_388 : vector<1x16xf32> to vector<16xf32>
        %swap3A_390 = vector.shape_cast %broadcast_in_dim3A_20 : vector<16xf32> to vector<1x16xf32>
        tpu.vector_store %arg6[%swap3A_386, %swap3A_387], %swap3A_390 {strides = array<i32>} : memref<32x1024xf32, #tpu.memory_space<vmem>>, vector<1x16xf32>,
        %swap3A_391 = arith.index_cast %while3A_126 : i32 to index
        %swap3A_392 = arith.constant 848 : index
        %swap3A_393 = tpu.vector_load %arg6[%swap3A_391, %swap3A_392] {strides = array<i32>} : memref<32x1024xf32, #tpu.memory_space<vmem>>, vector<1x16xf32>,
        %swap3A_394 = vector.shape_cast %swap3A_393 : vector<1x16xf32> to vector<16xf32>
        %swap3A_395 = vector.shape_cast %broadcast_in_dim3A_20 : vector<16xf32> to vector<1x16xf32>
        tpu.vector_store %arg6[%swap3A_391, %swap3A_392], %swap3A_395 {strides = array<i32>} : memref<32x1024xf32, #tpu.memory_space<vmem>>, vector<1x16xf32>,
        %swap3A_396 = arith.index_cast %while3A_126 : i32 to index
        %swap3A_397 = arith.constant 864 : index
        %swap3A_398 = tpu.vector_load %arg6[%swap3A_396, %swap3A_397] {strides = array<i32>} : memref<32x1024xf32, #tpu.memory_space<vmem>>, vector<1x16xf32>,
        %swap3A_399 = vector.shape_cast %swap3A_398 : vector<1x16xf32> to vector<16xf32>
        %swap3A_400 = vector.shape_cast %broadcast_in_dim3A_20 : vector<16xf32> to vector<1x16xf32>
        tpu.vector_store %arg6[%swap3A_396, %swap3A_397], %swap3A_400 {strides = array<i32>} : memref<32x1024xf32, #tpu.memory_space<vmem>>, vector<1x16xf32>,
        %swap3A_401 = arith.index_cast %while3A_126 : i32 to index
        %swap3A_402 = arith.constant 880 : index
        %swap3A_403 = tpu.vector_load %arg6[%swap3A_401, %swap3A_402] {strides = array<i32>} : memref<32x1024xf32, #tpu.memory_space<vmem>>, vector<1x16xf32>,
        %swap3A_404 = vector.shape_cast %swap3A_403 : vector<1x16xf32> to vector<16xf32>
        %swap3A_405 = vector.shape_cast %broadcast_in_dim3A_20 : vector<16xf32> to vector<1x16xf32>
        tpu.vector_store %arg6[%swap3A_401, %swap3A_402], %swap3A_405 {strides = array<i32>} : memref<32x1024xf32, #tpu.memory_space<vmem>>, vector<1x16xf32>,
        %swap3A_406 = arith.index_cast %while3A_126 : i32 to index
        %swap3A_407 = arith.constant 896 : index
        %swap3A_408 = tpu.vector_load %arg6[%swap3A_406, %swap3A_407] {strides = array<i32>} : memref<32x1024xf32, #tpu.memory_space<vmem>>, vector<1x16xf32>,
        %swap3A_409 = vector.shape_cast %swap3A_408 : vector<1x16xf32> to vector<16xf32>
        %swap3A_410 = vector.shape_cast %broadcast_in_dim3A_20 : vector<16xf32> to vector<1x16xf32>
        tpu.vector_store %arg6[%swap3A_406, %swap3A_407], %swap3A_410 {strides = array<i32>} : memref<32x1024xf32, #tpu.memory_space<vmem>>, vector<1x16xf32>,
        %swap3A_411 = arith.index_cast %while3A_126 : i32 to index
        %swap3A_412 = arith.constant 912 : index
        %swap3A_413 = tpu.vector_load %arg6[%swap3A_411, %swap3A_412] {strides = array<i32>} : memref<32x1024xf32, #tpu.memory_space<vmem>>, vector<1x16xf32>,
        %swap3A_414 = vector.shape_cast %swap3A_413 : vector<1x16xf32> to vector<16xf32>
        %swap3A_415 = vector.shape_cast %broadcast_in_dim3A_20 : vector<16xf32> to vector<1x16xf32>
        tpu.vector_store %arg6[%swap3A_411, %swap3A_412], %swap3A_415 {strides = array<i32>} : memref<32x1024xf32, #tpu.memory_space<vmem>>, vector<1x16xf32>,
        %swap3A_416 = arith.index_cast %while3A_126 : i32 to index
        %swap3A_417 = arith.constant 928 : index
        %swap3A_418 = tpu.vector_load %arg6[%swap3A_416, %swap3A_417] {strides = array<i32>} : memref<32x1024xf32, #tpu.memory_space<vmem>>, vector<1x16xf32>,
        %swap3A_419 = vector.shape_cast %swap3A_418 : vector<1x16xf32> to vector<16xf32>
        %swap3A_420 = vector.shape_cast %broadcast_in_dim3A_20 : vector<16xf32> to vector<1x16xf32>
        tpu.vector_store %arg6[%swap3A_416, %swap3A_417], %swap3A_420 {strides = array<i32>} : memref<32x1024xf32, #tpu.memory_space<vmem>>, vector<1x16xf32>,
        %swap3A_421 = arith.index_cast %while3A_126 : i32 to index
        %swap3A_422 = arith.constant 944 : index
        %swap3A_423 = tpu.vector_load %arg6[%swap3A_421, %swap3A_422] {strides = array<i32>} : memref<32x1024xf32, #tpu.memory_space<vmem>>, vector<1x16xf32>,
        %swap3A_424 = vector.shape_cast %swap3A_423 : vector<1x16xf32> to vector<16xf32>
        %swap3A_425 = vector.shape_cast %broadcast_in_dim3A_20 : vector<16xf32> to vector<1x16xf32>
        tpu.vector_store %arg6[%swap3A_421, %swap3A_422], %swap3A_425 {strides = array<i32>} : memref<32x1024xf32, #tpu.memory_space<vmem>>, vector<1x16xf32>,
        %swap3A_426 = arith.index_cast %while3A_126 : i32 to index
        %swap3A_427 = arith.constant 960 : index
        %swap3A_428 = tpu.vector_load %arg6[%swap3A_426, %swap3A_427] {strides = array<i32>} : memref<32x1024xf32, #tpu.memory_space<vmem>>, vector<1x16xf32>,
        %swap3A_429 = vector.shape_cast %swap3A_428 : vector<1x16xf32> to vector<16xf32>
        %swap3A_430 = vector.shape_cast %broadcast_in_dim3A_20 : vector<16xf32> to vector<1x16xf32>
        tpu.vector_store %arg6[%swap3A_426, %swap3A_427], %swap3A_430 {strides = array<i32>} : memref<32x1024xf32, #tpu.memory_space<vmem>>, vector<1x16xf32>,
        %swap3A_431 = arith.index_cast %while3A_126 : i32 to index
        %swap3A_432 = arith.constant 976 : index
        %swap3A_433 = tpu.vector_load %arg6[%swap3A_431, %swap3A_432] {strides = array<i32>} : memref<32x1024xf32, #tpu.memory_space<vmem>>, vector<1x16xf32>,
        %swap3A_434 = vector.shape_cast %swap3A_433 : vector<1x16xf32> to vector<16xf32>
        %swap3A_435 = vector.shape_cast %broadcast_in_dim3A_20 : vector<16xf32> to vector<1x16xf32>
        tpu.vector_store %arg6[%swap3A_431, %swap3A_432], %swap3A_435 {strides = array<i32>} : memref<32x1024xf32, #tpu.memory_space<vmem>>, vector<1x16xf32>,
        %swap3A_436 = arith.index_cast %while3A_126 : i32 to index
        %swap3A_437 = arith.constant 992 : index
        %swap3A_438 = tpu.vector_load %arg6[%swap3A_436, %swap3A_437] {strides = array<i32>} : memref<32x1024xf32, #tpu.memory_space<vmem>>, vector<1x16xf32>,
        %swap3A_439 = vector.shape_cast %swap3A_438 : vector<1x16xf32> to vector<16xf32>
        %swap3A_440 = vector.shape_cast %broadcast_in_dim3A_20 : vector<16xf32> to vector<1x16xf32>
        tpu.vector_store %arg6[%swap3A_436, %swap3A_437], %swap3A_440 {strides = array<i32>} : memref<32x1024xf32, #tpu.memory_space<vmem>>, vector<1x16xf32>,
        %swap3A_441 = arith.index_cast %while3A_126 : i32 to index
        %swap3A_442 = arith.constant 1008 : index
        %swap3A_443 = tpu.vector_load %arg6[%swap3A_441, %swap3A_442] {strides = array<i32>} : memref<32x1024xf32, #tpu.memory_space<vmem>>, vector<1x16xf32>,
        %swap3A_444 = vector.shape_cast %swap3A_443 : vector<1x16xf32> to vector<16xf32>
        %swap3A_445 = vector.shape_cast %broadcast_in_dim3A_20 : vector<16xf32> to vector<1x16xf32>
        tpu.vector_store %arg6[%swap3A_441, %swap3A_442], %swap3A_445 {strides = array<i32>} : memref<32x1024xf32, #tpu.memory_space<vmem>>, vector<1x16xf32>,
      }
    } else {
    }
    %dma_start3A_29 = arith.constant 0 : i32
    %dma_start3A_30 = tpu.memref_slice %arg4[%add3A_4, %dma_start3A_29] : memref<4096x1024xf32, #tpu.memory_space<hbm>> -> memref<32x1024xf32, #tpu.memory_space<hbm>>
    %dma_start3A_31 = arith.constant 0 : i32
    %dma_start3A_32 = tpu.memref_slice %arg4[%add3A_4, %dma_start3A_31] : memref<4096x1024xf32, #tpu.memory_space<hbm>> -> memref<32x1024xf32, #tpu.memory_space<hbm>>
    tpu.enqueue_dma source(%arg6 : memref<32x1024xf32, #tpu.memory_space<vmem>>) target(%dma_start3A_32 : memref<32x1024xf32, #tpu.memory_space<hbm>>) target_semaphore(%arg12 : memref<!tpu.dma_semaphore, #tpu.memory_space<semaphore_mem>>)
    %dma_start3A_33 = arith.constant 0 : i32
    %dma_start3A_34 = tpu.memref_slice %arg3[%add3A_8, %dma_start3A_33] : memref<8192x1024xf32, #tpu.memory_space<hbm>> -> memref<32x1024xf32, #tpu.memory_space<hbm>>
    %dma_start3A_35 = arith.constant 0 : i32
    %dma_start3A_36 = tpu.memref_slice %arg3[%add3A_8, %dma_start3A_35] : memref<8192x1024xf32, #tpu.memory_space<hbm>> -> memref<32x1024xf32, #tpu.memory_space<hbm>>
    tpu.enqueue_dma source(%dma_start3A_36 : memref<32x1024xf32, #tpu.memory_space<hbm>>) target(%arg8 : memref<32x1024xf32, #tpu.memory_space<vmem>>) target_semaphore(%arg11 : memref<!tpu.dma_semaphore, #tpu.memory_space<semaphore_mem>>)
    %dma_wait3A_37 = arith.constant 0 : i32
    %dma_wait3A_38 = tpu.memref_slice %arg3[%add3A_6, %dma_wait3A_37] : memref<8192x1024xf32, #tpu.memory_space<hbm>> -> memref<32x1024xf32, #tpu.memory_space<hbm>>
    %dma_wait3A_39 = arith.constant 0 : i32
    %dma_wait3A_40 = tpu.memref_slice %arg3[%add3A_6, %dma_wait3A_39] : memref<8192x1024xf32, #tpu.memory_space<hbm>> -> memref<32x1024xf32, #tpu.memory_space<hbm>>
    tpu.wait_dma2 semaphore(%arg10 : memref<!tpu.dma_semaphore, #tpu.memory_space<semaphore_mem>>) src(%dma_wait3A_40 : memref<32x1024xf32, #tpu.memory_space<hbm>>) dst(%arg7 : memref<32x1024xf32, #tpu.memory_space<vmem>>)
    %add3A_41 = arith.constant 32 : i32
    %add3A_42 = arith.addi %mul3A_2, %add3A_41 : i32
    %sub3A_43 = arith.subi %squeeze3A, %add3A_42 : i32
    %jit3A_44 = arith.constant 0 : i32
    %jit3A_45 = arith.constant 32 : i32
    %max3A_46 = arith.maxsi %jit3A_44, %sub3A_43 : i32
    %min3A_47 = arith.minsi %jit3A_45, %max3A_46 : i32
    %lt3A_48 = arith.constant 32 : i32
    %lt3A_49 = arith.cmpi slt, %min3A_47, %lt3A_48 : i32
    %convert_element_type3A_50 = arith.extui %lt3A_49 : i1 to i32
    %cond3A_51 = arith.constant 0 : i32
    %cond3A_52 = arith.cmpi ne, %convert_element_type3A_50, %cond3A_51 : i32
    scf.if %cond3A_52 {
      %while3A = arith.constant 0 : i32
      %while3A_117 = arith.constant 32 : i32
      %while3A_118 = arith.subi %while3A_117, %min3A_47 : i32
      %while3A_119 = arith.addi %min3A_47, %while3A_118 : i32
      %while3A_120 = arith.constant 1 : i32
      %while3A_121 = arith.divsi %while3A_118, %while3A_120 : i32
      %while3A_122 = arith.muli %while3A_121, %while3A_120 : i32
      %while3A_123 = arith.addi %min3A_47, %while3A_122 : i32
      %while3A_124 = arith.constant 1 : i32
      scf.for %while3A_126 = %min3A_47 to %while3A_123 step %while3A_124  : i32 {
        %swap3A = arith.index_cast %while3A_126 : i32 to index
        %swap3A_127 = arith.constant 0 : index
        %swap3A_128 = tpu.vector_load %arg7[%swap3A, %swap3A_127] {strides = array<i32>} : memref<32x1024xf32, #tpu.memory_space<vmem>>, vector<1x16xf32>,
        %swap3A_129 = vector.shape_cast %swap3A_128 : vector<1x16xf32> to vector<16xf32>
        %swap3A_130 = vector.shape_cast %broadcast_in_dim3A_20 : vector<16xf32> to vector<1x16xf32>
        tpu.vector_store %arg7[%swap3A, %swap3A_127], %swap3A_130 {strides = array<i32>} : memref<32x1024xf32, #tpu.memory_space<vmem>>, vector<1x16xf32>,
        %swap3A_131 = arith.index_cast %while3A_126 : i32 to index
        %swap3A_132 = arith.constant 16 : index
        %swap3A_133 = tpu.vector_load %arg7[%swap3A_131, %swap3A_132] {strides = array<i32>} : memref<32x1024xf32, #tpu.memory_space<vmem>>, vector<1x16xf32>,
        %swap3A_134 = vector.shape_cast %swap3A_133 : vector<1x16xf32> to vector<16xf32>
        %swap3A_135 = vector.shape_cast %broadcast_in_dim3A_20 : vector<16xf32> to vector<1x16xf32>
        tpu.vector_store %arg7[%swap3A_131, %swap3A_132], %swap3A_135 {strides = array<i32>} : memref<32x1024xf32, #tpu.memory_space<vmem>>, vector<1x16xf32>,
        %swap3A_136 = arith.index_cast %while3A_126 : i32 to index
        %swap3A_137 = arith.constant 32 : index
        %swap3A_138 = tpu.vector_load %arg7[%swap3A_136, %swap3A_137] {strides = array<i32>} : memref<32x1024xf32, #tpu.memory_space<vmem>>, vector<1x16xf32>,
        %swap3A_139 = vector.shape_cast %swap3A_138 : vector<1x16xf32> to vector<16xf32>
        %swap3A_140 = vector.shape_cast %broadcast_in_dim3A_20 : vector<16xf32> to vector<1x16xf32>
        tpu.vector_store %arg7[%swap3A_136, %swap3A_137], %swap3A_140 {strides = array<i32>} : memref<32x1024xf32, #tpu.memory_space<vmem>>, vector<1x16xf32>,
        %swap3A_141 = arith.index_cast %while3A_126 : i32 to index
        %swap3A_142 = arith.constant 48 : index
        %swap3A_143 = tpu.vector_load %arg7[%swap3A_141, %swap3A_142] {strides = array<i32>} : memref<32x1024xf32, #tpu.memory_space<vmem>>, vector<1x16xf32>,
        %swap3A_144 = vector.shape_cast %swap3A_143 : vector<1x16xf32> to vector<16xf32>
        %swap3A_145 = vector.shape_cast %broadcast_in_dim3A_20 : vector<16xf32> to vector<1x16xf32>
        tpu.vector_store %arg7[%swap3A_141, %swap3A_142], %swap3A_145 {strides = array<i32>} : memref<32x1024xf32, #tpu.memory_space<vmem>>, vector<1x16xf32>,
        %swap3A_146 = arith.index_cast %while3A_126 : i32 to index
        %swap3A_147 = arith.constant 64 : index
        %swap3A_148 = tpu.vector_load %arg7[%swap3A_146, %swap3A_147] {strides = array<i32>} : memref<32x1024xf32, #tpu.memory_space<vmem>>, vector<1x16xf32>,
        %swap3A_149 = vector.shape_cast %swap3A_148 : vector<1x16xf32> to vector<16xf32>
        %swap3A_150 = vector.shape_cast %broadcast_in_dim3A_20 : vector<16xf32> to vector<1x16xf32>
        tpu.vector_store %arg7[%swap3A_146, %swap3A_147], %swap3A_150 {strides = array<i32>} : memref<32x1024xf32, #tpu.memory_space<vmem>>, vector<1x16xf32>,
        %swap3A_151 = arith.index_cast %while3A_126 : i32 to index
        %swap3A_152 = arith.constant 80 : index
        %swap3A_153 = tpu.vector_load %arg7[%swap3A_151, %swap3A_152] {strides = array<i32>} : memref<32x1024xf32, #tpu.memory_space<vmem>>, vector<1x16xf32>,
        %swap3A_154 = vector.shape_cast %swap3A_153 : vector<1x16xf32> to vector<16xf32>
        %swap3A_155 = vector.shape_cast %broadcast_in_dim3A_20 : vector<16xf32> to vector<1x16xf32>
        tpu.vector_store %arg7[%swap3A_151, %swap3A_152], %swap3A_155 {strides = array<i32>} : memref<32x1024xf32, #tpu.memory_space<vmem>>, vector<1x16xf32>,
        %swap3A_156 = arith.index_cast %while3A_126 : i32 to index
        %swap3A_157 = arith.constant 96 : index
        %swap3A_158 = tpu.vector_load %arg7[%swap3A_156, %swap3A_157] {strides = array<i32>} : memref<32x1024xf32, #tpu.memory_space<vmem>>, vector<1x16xf32>,
        %swap3A_159 = vector.shape_cast %swap3A_158 : vector<1x16xf32> to vector<16xf32>
        %swap3A_160 = vector.shape_cast %broadcast_in_dim3A_20 : vector<16xf32> to vector<1x16xf32>
        tpu.vector_store %arg7[%swap3A_156, %swap3A_157], %swap3A_160 {strides = array<i32>} : memref<32x1024xf32, #tpu.memory_space<vmem>>, vector<1x16xf32>,
        %swap3A_161 = arith.index_cast %while3A_126 : i32 to index
        %swap3A_162 = arith.constant 112 : index
        %swap3A_163 = tpu.vector_load %arg7[%swap3A_161, %swap3A_162] {strides = array<i32>} : memref<32x1024xf32, #tpu.memory_space<vmem>>, vector<1x16xf32>,
        %swap3A_164 = vector.shape_cast %swap3A_163 : vector<1x16xf32> to vector<16xf32>
        %swap3A_165 = vector.shape_cast %broadcast_in_dim3A_20 : vector<16xf32> to vector<1x16xf32>
        tpu.vector_store %arg7[%swap3A_161, %swap3A_162], %swap3A_165 {strides = array<i32>} : memref<32x1024xf32, #tpu.memory_space<vmem>>, vector<1x16xf32>,
        %swap3A_166 = arith.index_cast %while3A_126 : i32 to index
        %swap3A_167 = arith.constant 128 : index
        %swap3A_168 = tpu.vector_load %arg7[%swap3A_166, %swap3A_167] {strides = array<i32>} : memref<32x1024xf32, #tpu.memory_space<vmem>>, vector<1x16xf32>,
        %swap3A_169 = vector.shape_cast %swap3A_168 : vector<1x16xf32> to vector<16xf32>
        %swap3A_170 = vector.shape_cast %broadcast_in_dim3A_20 : vector<16xf32> to vector<1x16xf32>
        tpu.vector_store %arg7[%swap3A_166, %swap3A_167], %swap3A_170 {strides = array<i32>} : memref<32x1024xf32, #tpu.memory_space<vmem>>, vector<1x16xf32>,
        %swap3A_171 = arith.index_cast %while3A_126 : i32 to index
        %swap3A_172 = arith.constant 144 : index
        %swap3A_173 = tpu.vector_load %arg7[%swap3A_171, %swap3A_172] {strides = array<i32>} : memref<32x1024xf32, #tpu.memory_space<vmem>>, vector<1x16xf32>,
        %swap3A_174 = vector.shape_cast %swap3A_173 : vector<1x16xf32> to vector<16xf32>
        %swap3A_175 = vector.shape_cast %broadcast_in_dim3A_20 : vector<16xf32> to vector<1x16xf32>
        tpu.vector_store %arg7[%swap3A_171, %swap3A_172], %swap3A_175 {strides = array<i32>} : memref<32x1024xf32, #tpu.memory_space<vmem>>, vector<1x16xf32>,
        %swap3A_176 = arith.index_cast %while3A_126 : i32 to index
        %swap3A_177 = arith.constant 160 : index
        %swap3A_178 = tpu.vector_load %arg7[%swap3A_176, %swap3A_177] {strides = array<i32>} : memref<32x1024xf32, #tpu.memory_space<vmem>>, vector<1x16xf32>,
        %swap3A_179 = vector.shape_cast %swap3A_178 : vector<1x16xf32> to vector<16xf32>
        %swap3A_180 = vector.shape_cast %broadcast_in_dim3A_20 : vector<16xf32> to vector<1x16xf32>
        tpu.vector_store %arg7[%swap3A_176, %swap3A_177], %swap3A_180 {strides = array<i32>} : memref<32x1024xf32, #tpu.memory_space<vmem>>, vector<1x16xf32>,
        %swap3A_181 = arith.index_cast %while3A_126 : i32 to index
        %swap3A_182 = arith.constant 176 : index
        %swap3A_183 = tpu.vector_load %arg7[%swap3A_181, %swap3A_182] {strides = array<i32>} : memref<32x1024xf32, #tpu.memory_space<vmem>>, vector<1x16xf32>,
        %swap3A_184 = vector.shape_cast %swap3A_183 : vector<1x16xf32> to vector<16xf32>
        %swap3A_185 = vector.shape_cast %broadcast_in_dim3A_20 : vector<16xf32> to vector<1x16xf32>
        tpu.vector_store %arg7[%swap3A_181, %swap3A_182], %swap3A_185 {strides = array<i32>} : memref<32x1024xf32, #tpu.memory_space<vmem>>, vector<1x16xf32>,
        %swap3A_186 = arith.index_cast %while3A_126 : i32 to index
        %swap3A_187 = arith.constant 192 : index
        %swap3A_188 = tpu.vector_load %arg7[%swap3A_186, %swap3A_187] {strides = array<i32>} : memref<32x1024xf32, #tpu.memory_space<vmem>>, vector<1x16xf32>,
        %swap3A_189 = vector.shape_cast %swap3A_188 : vector<1x16xf32> to vector<16xf32>
        %swap3A_190 = vector.shape_cast %broadcast_in_dim3A_20 : vector<16xf32> to vector<1x16xf32>
        tpu.vector_store %arg7[%swap3A_186, %swap3A_187], %swap3A_190 {strides = array<i32>} : memref<32x1024xf32, #tpu.memory_space<vmem>>, vector<1x16xf32>,
        %swap3A_191 = arith.index_cast %while3A_126 : i32 to index
        %swap3A_192 = arith.constant 208 : index
        %swap3A_193 = tpu.vector_load %arg7[%swap3A_191, %swap3A_192] {strides = array<i32>} : memref<32x1024xf32, #tpu.memory_space<vmem>>, vector<1x16xf32>,
        %swap3A_194 = vector.shape_cast %swap3A_193 : vector<1x16xf32> to vector<16xf32>
        %swap3A_195 = vector.shape_cast %broadcast_in_dim3A_20 : vector<16xf32> to vector<1x16xf32>
        tpu.vector_store %arg7[%swap3A_191, %swap3A_192], %swap3A_195 {strides = array<i32>} : memref<32x1024xf32, #tpu.memory_space<vmem>>, vector<1x16xf32>,
        %swap3A_196 = arith.index_cast %while3A_126 : i32 to index
        %swap3A_197 = arith.constant 224 : index
        %swap3A_198 = tpu.vector_load %arg7[%swap3A_196, %swap3A_197] {strides = array<i32>} : memref<32x1024xf32, #tpu.memory_space<vmem>>, vector<1x16xf32>,
        %swap3A_199 = vector.shape_cast %swap3A_198 : vector<1x16xf32> to vector<16xf32>
        %swap3A_200 = vector.shape_cast %broadcast_in_dim3A_20 : vector<16xf32> to vector<1x16xf32>
        tpu.vector_store %arg7[%swap3A_196, %swap3A_197], %swap3A_200 {strides = array<i32>} : memref<32x1024xf32, #tpu.memory_space<vmem>>, vector<1x16xf32>,
        %swap3A_201 = arith.index_cast %while3A_126 : i32 to index
        %swap3A_202 = arith.constant 240 : index
        %swap3A_203 = tpu.vector_load %arg7[%swap3A_201, %swap3A_202] {strides = array<i32>} : memref<32x1024xf32, #tpu.memory_space<vmem>>, vector<1x16xf32>,
        %swap3A_204 = vector.shape_cast %swap3A_203 : vector<1x16xf32> to vector<16xf32>
        %swap3A_205 = vector.shape_cast %broadcast_in_dim3A_20 : vector<16xf32> to vector<1x16xf32>
        tpu.vector_store %arg7[%swap3A_201, %swap3A_202], %swap3A_205 {strides = array<i32>} : memref<32x1024xf32, #tpu.memory_space<vmem>>, vector<1x16xf32>,
        %swap3A_206 = arith.index_cast %while3A_126 : i32 to index
        %swap3A_207 = arith.constant 256 : index
        %swap3A_208 = tpu.vector_load %arg7[%swap3A_206, %swap3A_207] {strides = array<i32>} : memref<32x1024xf32, #tpu.memory_space<vmem>>, vector<1x16xf32>,
        %swap3A_209 = vector.shape_cast %swap3A_208 : vector<1x16xf32> to vector<16xf32>
        %swap3A_210 = vector.shape_cast %broadcast_in_dim3A_20 : vector<16xf32> to vector<1x16xf32>
        tpu.vector_store %arg7[%swap3A_206, %swap3A_207], %swap3A_210 {strides = array<i32>} : memref<32x1024xf32, #tpu.memory_space<vmem>>, vector<1x16xf32>,
        %swap3A_211 = arith.index_cast %while3A_126 : i32 to index
        %swap3A_212 = arith.constant 272 : index
        %swap3A_213 = tpu.vector_load %arg7[%swap3A_211, %swap3A_212] {strides = array<i32>} : memref<32x1024xf32, #tpu.memory_space<vmem>>, vector<1x16xf32>,
        %swap3A_214 = vector.shape_cast %swap3A_213 : vector<1x16xf32> to vector<16xf32>
        %swap3A_215 = vector.shape_cast %broadcast_in_dim3A_20 : vector<16xf32> to vector<1x16xf32>
        tpu.vector_store %arg7[%swap3A_211, %swap3A_212], %swap3A_215 {strides = array<i32>} : memref<32x1024xf32, #tpu.memory_space<vmem>>, vector<1x16xf32>,
        %swap3A_216 = arith.index_cast %while3A_126 : i32 to index
        %swap3A_217 = arith.constant 288 : index
        %swap3A_218 = tpu.vector_load %arg7[%swap3A_216, %swap3A_217] {strides = array<i32>} : memref<32x1024xf32, #tpu.memory_space<vmem>>, vector<1x16xf32>,
        %swap3A_219 = vector.shape_cast %swap3A_218 : vector<1x16xf32> to vector<16xf32>
        %swap3A_220 = vector.shape_cast %broadcast_in_dim3A_20 : vector<16xf32> to vector<1x16xf32>
        tpu.vector_store %arg7[%swap3A_216, %swap3A_217], %swap3A_220 {strides = array<i32>} : memref<32x1024xf32, #tpu.memory_space<vmem>>, vector<1x16xf32>,
        %swap3A_221 = arith.index_cast %while3A_126 : i32 to index
        %swap3A_222 = arith.constant 304 : index
        %swap3A_223 = tpu.vector_load %arg7[%swap3A_221, %swap3A_222] {strides = array<i32>} : memref<32x1024xf32, #tpu.memory_space<vmem>>, vector<1x16xf32>,
        %swap3A_224 = vector.shape_cast %swap3A_223 : vector<1x16xf32> to vector<16xf32>
        %swap3A_225 = vector.shape_cast %broadcast_in_dim3A_20 : vector<16xf32> to vector<1x16xf32>
        tpu.vector_store %arg7[%swap3A_221, %swap3A_222], %swap3A_225 {strides = array<i32>} : memref<32x1024xf32, #tpu.memory_space<vmem>>, vector<1x16xf32>,
        %swap3A_226 = arith.index_cast %while3A_126 : i32 to index
        %swap3A_227 = arith.constant 320 : index
        %swap3A_228 = tpu.vector_load %arg7[%swap3A_226, %swap3A_227] {strides = array<i32>} : memref<32x1024xf32, #tpu.memory_space<vmem>>, vector<1x16xf32>,
        %swap3A_229 = vector.shape_cast %swap3A_228 : vector<1x16xf32> to vector<16xf32>
        %swap3A_230 = vector.shape_cast %broadcast_in_dim3A_20 : vector<16xf32> to vector<1x16xf32>
        tpu.vector_store %arg7[%swap3A_226, %swap3A_227], %swap3A_230 {strides = array<i32>} : memref<32x1024xf32, #tpu.memory_space<vmem>>, vector<1x16xf32>,
        %swap3A_231 = arith.index_cast %while3A_126 : i32 to index
        %swap3A_232 = arith.constant 336 : index
        %swap3A_233 = tpu.vector_load %arg7[%swap3A_231, %swap3A_232] {strides = array<i32>} : memref<32x1024xf32, #tpu.memory_space<vmem>>, vector<1x16xf32>,
        %swap3A_234 = vector.shape_cast %swap3A_233 : vector<1x16xf32> to vector<16xf32>
        %swap3A_235 = vector.shape_cast %broadcast_in_dim3A_20 : vector<16xf32> to vector<1x16xf32>
        tpu.vector_store %arg7[%swap3A_231, %swap3A_232], %swap3A_235 {strides = array<i32>} : memref<32x1024xf32, #tpu.memory_space<vmem>>, vector<1x16xf32>,
        %swap3A_236 = arith.index_cast %while3A_126 : i32 to index
        %swap3A_237 = arith.constant 352 : index
        %swap3A_238 = tpu.vector_load %arg7[%swap3A_236, %swap3A_237] {strides = array<i32>} : memref<32x1024xf32, #tpu.memory_space<vmem>>, vector<1x16xf32>,
        %swap3A_239 = vector.shape_cast %swap3A_238 : vector<1x16xf32> to vector<16xf32>
        %swap3A_240 = vector.shape_cast %broadcast_in_dim3A_20 : vector<16xf32> to vector<1x16xf32>
        tpu.vector_store %arg7[%swap3A_236, %swap3A_237], %swap3A_240 {strides = array<i32>} : memref<32x1024xf32, #tpu.memory_space<vmem>>, vector<1x16xf32>,
        %swap3A_241 = arith.index_cast %while3A_126 : i32 to index
        %swap3A_242 = arith.constant 368 : index
        %swap3A_243 = tpu.vector_load %arg7[%swap3A_241, %swap3A_242] {strides = array<i32>} : memref<32x1024xf32, #tpu.memory_space<vmem>>, vector<1x16xf32>,
        %swap3A_244 = vector.shape_cast %swap3A_243 : vector<1x16xf32> to vector<16xf32>
        %swap3A_245 = vector.shape_cast %broadcast_in_dim3A_20 : vector<16xf32> to vector<1x16xf32>
        tpu.vector_store %arg7[%swap3A_241, %swap3A_242], %swap3A_245 {strides = array<i32>} : memref<32x1024xf32, #tpu.memory_space<vmem>>, vector<1x16xf32>,
        %swap3A_246 = arith.index_cast %while3A_126 : i32 to index
        %swap3A_247 = arith.constant 384 : index
        %swap3A_248 = tpu.vector_load %arg7[%swap3A_246, %swap3A_247] {strides = array<i32>} : memref<32x1024xf32, #tpu.memory_space<vmem>>, vector<1x16xf32>,
        %swap3A_249 = vector.shape_cast %swap3A_248 : vector<1x16xf32> to vector<16xf32>
        %swap3A_250 = vector.shape_cast %broadcast_in_dim3A_20 : vector<16xf32> to vector<1x16xf32>
        tpu.vector_store %arg7[%swap3A_246, %swap3A_247], %swap3A_250 {strides = array<i32>} : memref<32x1024xf32, #tpu.memory_space<vmem>>, vector<1x16xf32>,
        %swap3A_251 = arith.index_cast %while3A_126 : i32 to index
        %swap3A_252 = arith.constant 400 : index
        %swap3A_253 = tpu.vector_load %arg7[%swap3A_251, %swap3A_252] {strides = array<i32>} : memref<32x1024xf32, #tpu.memory_space<vmem>>, vector<1x16xf32>,
        %swap3A_254 = vector.shape_cast %swap3A_253 : vector<1x16xf32> to vector<16xf32>
        %swap3A_255 = vector.shape_cast %broadcast_in_dim3A_20 : vector<16xf32> to vector<1x16xf32>
        tpu.vector_store %arg7[%swap3A_251, %swap3A_252], %swap3A_255 {strides = array<i32>} : memref<32x1024xf32, #tpu.memory_space<vmem>>, vector<1x16xf32>,
        %swap3A_256 = arith.index_cast %while3A_126 : i32 to index
        %swap3A_257 = arith.constant 416 : index
        %swap3A_258 = tpu.vector_load %arg7[%swap3A_256, %swap3A_257] {strides = array<i32>} : memref<32x1024xf32, #tpu.memory_space<vmem>>, vector<1x16xf32>,
        %swap3A_259 = vector.shape_cast %swap3A_258 : vector<1x16xf32> to vector<16xf32>
        %swap3A_260 = vector.shape_cast %broadcast_in_dim3A_20 : vector<16xf32> to vector<1x16xf32>
        tpu.vector_store %arg7[%swap3A_256, %swap3A_257], %swap3A_260 {strides = array<i32>} : memref<32x1024xf32, #tpu.memory_space<vmem>>, vector<1x16xf32>,
        %swap3A_261 = arith.index_cast %while3A_126 : i32 to index
        %swap3A_262 = arith.constant 432 : index
        %swap3A_263 = tpu.vector_load %arg7[%swap3A_261, %swap3A_262] {strides = array<i32>} : memref<32x1024xf32, #tpu.memory_space<vmem>>, vector<1x16xf32>,
        %swap3A_264 = vector.shape_cast %swap3A_263 : vector<1x16xf32> to vector<16xf32>
        %swap3A_265 = vector.shape_cast %broadcast_in_dim3A_20 : vector<16xf32> to vector<1x16xf32>
        tpu.vector_store %arg7[%swap3A_261, %swap3A_262], %swap3A_265 {strides = array<i32>} : memref<32x1024xf32, #tpu.memory_space<vmem>>, vector<1x16xf32>,
        %swap3A_266 = arith.index_cast %while3A_126 : i32 to index
        %swap3A_267 = arith.constant 448 : index
        %swap3A_268 = tpu.vector_load %arg7[%swap3A_266, %swap3A_267] {strides = array<i32>} : memref<32x1024xf32, #tpu.memory_space<vmem>>, vector<1x16xf32>,
        %swap3A_269 = vector.shape_cast %swap3A_268 : vector<1x16xf32> to vector<16xf32>
        %swap3A_270 = vector.shape_cast %broadcast_in_dim3A_20 : vector<16xf32> to vector<1x16xf32>
        tpu.vector_store %arg7[%swap3A_266, %swap3A_267], %swap3A_270 {strides = array<i32>} : memref<32x1024xf32, #tpu.memory_space<vmem>>, vector<1x16xf32>,
        %swap3A_271 = arith.index_cast %while3A_126 : i32 to index
        %swap3A_272 = arith.constant 464 : index
        %swap3A_273 = tpu.vector_load %arg7[%swap3A_271, %swap3A_272] {strides = array<i32>} : memref<32x1024xf32, #tpu.memory_space<vmem>>, vector<1x16xf32>,
        %swap3A_274 = vector.shape_cast %swap3A_273 : vector<1x16xf32> to vector<16xf32>
        %swap3A_275 = vector.shape_cast %broadcast_in_dim3A_20 : vector<16xf32> to vector<1x16xf32>
        tpu.vector_store %arg7[%swap3A_271, %swap3A_272], %swap3A_275 {strides = array<i32>} : memref<32x1024xf32, #tpu.memory_space<vmem>>, vector<1x16xf32>,
        %swap3A_276 = arith.index_cast %while3A_126 : i32 to index
        %swap3A_277 = arith.constant 480 : index
        %swap3A_278 = tpu.vector_load %arg7[%swap3A_276, %swap3A_277] {strides = array<i32>} : memref<32x1024xf32, #tpu.memory_space<vmem>>, vector<1x16xf32>,
        %swap3A_279 = vector.shape_cast %swap3A_278 : vector<1x16xf32> to vector<16xf32>
        %swap3A_280 = vector.shape_cast %broadcast_in_dim3A_20 : vector<16xf32> to vector<1x16xf32>
        tpu.vector_store %arg7[%swap3A_276, %swap3A_277], %swap3A_280 {strides = array<i32>} : memref<32x1024xf32, #tpu.memory_space<vmem>>, vector<1x16xf32>,
        %swap3A_281 = arith.index_cast %while3A_126 : i32 to index
        %swap3A_282 = arith.constant 496 : index
        %swap3A_283 = tpu.vector_load %arg7[%swap3A_281, %swap3A_282] {strides = array<i32>} : memref<32x1024xf32, #tpu.memory_space<vmem>>, vector<1x16xf32>,
        %swap3A_284 = vector.shape_cast %swap3A_283 : vector<1x16xf32> to vector<16xf32>
        %swap3A_285 = vector.shape_cast %broadcast_in_dim3A_20 : vector<16xf32> to vector<1x16xf32>
        tpu.vector_store %arg7[%swap3A_281, %swap3A_282], %swap3A_285 {strides = array<i32>} : memref<32x1024xf32, #tpu.memory_space<vmem>>, vector<1x16xf32>,
        %swap3A_286 = arith.index_cast %while3A_126 : i32 to index
        %swap3A_287 = arith.constant 512 : index
        %swap3A_288 = tpu.vector_load %arg7[%swap3A_286, %swap3A_287] {strides = array<i32>} : memref<32x1024xf32, #tpu.memory_space<vmem>>, vector<1x16xf32>,
        %swap3A_289 = vector.shape_cast %swap3A_288 : vector<1x16xf32> to vector<16xf32>
        %swap3A_290 = vector.shape_cast %broadcast_in_dim3A_20 : vector<16xf32> to vector<1x16xf32>
        tpu.vector_store %arg7[%swap3A_286, %swap3A_287], %swap3A_290 {strides = array<i32>} : memref<32x1024xf32, #tpu.memory_space<vmem>>, vector<1x16xf32>,
        %swap3A_291 = arith.index_cast %while3A_126 : i32 to index
        %swap3A_292 = arith.constant 528 : index
        %swap3A_293 = tpu.vector_load %arg7[%swap3A_291, %swap3A_292] {strides = array<i32>} : memref<32x1024xf32, #tpu.memory_space<vmem>>, vector<1x16xf32>,
        %swap3A_294 = vector.shape_cast %swap3A_293 : vector<1x16xf32> to vector<16xf32>
        %swap3A_295 = vector.shape_cast %broadcast_in_dim3A_20 : vector<16xf32> to vector<1x16xf32>
        tpu.vector_store %arg7[%swap3A_291, %swap3A_292], %swap3A_295 {strides = array<i32>} : memref<32x1024xf32, #tpu.memory_space<vmem>>, vector<1x16xf32>,
        %swap3A_296 = arith.index_cast %while3A_126 : i32 to index
        %swap3A_297 = arith.constant 544 : index
        %swap3A_298 = tpu.vector_load %arg7[%swap3A_296, %swap3A_297] {strides = array<i32>} : memref<32x1024xf32, #tpu.memory_space<vmem>>, vector<1x16xf32>,
        %swap3A_299 = vector.shape_cast %swap3A_298 : vector<1x16xf32> to vector<16xf32>
        %swap3A_300 = vector.shape_cast %broadcast_in_dim3A_20 : vector<16xf32> to vector<1x16xf32>
        tpu.vector_store %arg7[%swap3A_296, %swap3A_297], %swap3A_300 {strides = array<i32>} : memref<32x1024xf32, #tpu.memory_space<vmem>>, vector<1x16xf32>,
        %swap3A_301 = arith.index_cast %while3A_126 : i32 to index
        %swap3A_302 = arith.constant 560 : index
        %swap3A_303 = tpu.vector_load %arg7[%swap3A_301, %swap3A_302] {strides = array<i32>} : memref<32x1024xf32, #tpu.memory_space<vmem>>, vector<1x16xf32>,
        %swap3A_304 = vector.shape_cast %swap3A_303 : vector<1x16xf32> to vector<16xf32>
        %swap3A_305 = vector.shape_cast %broadcast_in_dim3A_20 : vector<16xf32> to vector<1x16xf32>
        tpu.vector_store %arg7[%swap3A_301, %swap3A_302], %swap3A_305 {strides = array<i32>} : memref<32x1024xf32, #tpu.memory_space<vmem>>, vector<1x16xf32>,
        %swap3A_306 = arith.index_cast %while3A_126 : i32 to index
        %swap3A_307 = arith.constant 576 : index
        %swap3A_308 = tpu.vector_load %arg7[%swap3A_306, %swap3A_307] {strides = array<i32>} : memref<32x1024xf32, #tpu.memory_space<vmem>>, vector<1x16xf32>,
        %swap3A_309 = vector.shape_cast %swap3A_308 : vector<1x16xf32> to vector<16xf32>
        %swap3A_310 = vector.shape_cast %broadcast_in_dim3A_20 : vector<16xf32> to vector<1x16xf32>
        tpu.vector_store %arg7[%swap3A_306, %swap3A_307], %swap3A_310 {strides = array<i32>} : memref<32x1024xf32, #tpu.memory_space<vmem>>, vector<1x16xf32>,
        %swap3A_311 = arith.index_cast %while3A_126 : i32 to index
        %swap3A_312 = arith.constant 592 : index
        %swap3A_313 = tpu.vector_load %arg7[%swap3A_311, %swap3A_312] {strides = array<i32>} : memref<32x1024xf32, #tpu.memory_space<vmem>>, vector<1x16xf32>,
        %swap3A_314 = vector.shape_cast %swap3A_313 : vector<1x16xf32> to vector<16xf32>
        %swap3A_315 = vector.shape_cast %broadcast_in_dim3A_20 : vector<16xf32> to vector<1x16xf32>
        tpu.vector_store %arg7[%swap3A_311, %swap3A_312], %swap3A_315 {strides = array<i32>} : memref<32x1024xf32, #tpu.memory_space<vmem>>, vector<1x16xf32>,
        %swap3A_316 = arith.index_cast %while3A_126 : i32 to index
        %swap3A_317 = arith.constant 608 : index
        %swap3A_318 = tpu.vector_load %arg7[%swap3A_316, %swap3A_317] {strides = array<i32>} : memref<32x1024xf32, #tpu.memory_space<vmem>>, vector<1x16xf32>,
        %swap3A_319 = vector.shape_cast %swap3A_318 : vector<1x16xf32> to vector<16xf32>
        %swap3A_320 = vector.shape_cast %broadcast_in_dim3A_20 : vector<16xf32> to vector<1x16xf32>
        tpu.vector_store %arg7[%swap3A_316, %swap3A_317], %swap3A_320 {strides = array<i32>} : memref<32x1024xf32, #tpu.memory_space<vmem>>, vector<1x16xf32>,
        %swap3A_321 = arith.index_cast %while3A_126 : i32 to index
        %swap3A_322 = arith.constant 624 : index
        %swap3A_323 = tpu.vector_load %arg7[%swap3A_321, %swap3A_322] {strides = array<i32>} : memref<32x1024xf32, #tpu.memory_space<vmem>>, vector<1x16xf32>,
        %swap3A_324 = vector.shape_cast %swap3A_323 : vector<1x16xf32> to vector<16xf32>
        %swap3A_325 = vector.shape_cast %broadcast_in_dim3A_20 : vector<16xf32> to vector<1x16xf32>
        tpu.vector_store %arg7[%swap3A_321, %swap3A_322], %swap3A_325 {strides = array<i32>} : memref<32x1024xf32, #tpu.memory_space<vmem>>, vector<1x16xf32>,
        %swap3A_326 = arith.index_cast %while3A_126 : i32 to index
        %swap3A_327 = arith.constant 640 : index
        %swap3A_328 = tpu.vector_load %arg7[%swap3A_326, %swap3A_327] {strides = array<i32>} : memref<32x1024xf32, #tpu.memory_space<vmem>>, vector<1x16xf32>,
        %swap3A_329 = vector.shape_cast %swap3A_328 : vector<1x16xf32> to vector<16xf32>
        %swap3A_330 = vector.shape_cast %broadcast_in_dim3A_20 : vector<16xf32> to vector<1x16xf32>
        tpu.vector_store %arg7[%swap3A_326, %swap3A_327], %swap3A_330 {strides = array<i32>} : memref<32x1024xf32, #tpu.memory_space<vmem>>, vector<1x16xf32>,
        %swap3A_331 = arith.index_cast %while3A_126 : i32 to index
        %swap3A_332 = arith.constant 656 : index
        %swap3A_333 = tpu.vector_load %arg7[%swap3A_331, %swap3A_332] {strides = array<i32>} : memref<32x1024xf32, #tpu.memory_space<vmem>>, vector<1x16xf32>,
        %swap3A_334 = vector.shape_cast %swap3A_333 : vector<1x16xf32> to vector<16xf32>
        %swap3A_335 = vector.shape_cast %broadcast_in_dim3A_20 : vector<16xf32> to vector<1x16xf32>
        tpu.vector_store %arg7[%swap3A_331, %swap3A_332], %swap3A_335 {strides = array<i32>} : memref<32x1024xf32, #tpu.memory_space<vmem>>, vector<1x16xf32>,
        %swap3A_336 = arith.index_cast %while3A_126 : i32 to index
        %swap3A_337 = arith.constant 672 : index
        %swap3A_338 = tpu.vector_load %arg7[%swap3A_336, %swap3A_337] {strides = array<i32>} : memref<32x1024xf32, #tpu.memory_space<vmem>>, vector<1x16xf32>,
        %swap3A_339 = vector.shape_cast %swap3A_338 : vector<1x16xf32> to vector<16xf32>
        %swap3A_340 = vector.shape_cast %broadcast_in_dim3A_20 : vector<16xf32> to vector<1x16xf32>
        tpu.vector_store %arg7[%swap3A_336, %swap3A_337], %swap3A_340 {strides = array<i32>} : memref<32x1024xf32, #tpu.memory_space<vmem>>, vector<1x16xf32>,
        %swap3A_341 = arith.index_cast %while3A_126 : i32 to index
        %swap3A_342 = arith.constant 688 : index
        %swap3A_343 = tpu.vector_load %arg7[%swap3A_341, %swap3A_342] {strides = array<i32>} : memref<32x1024xf32, #tpu.memory_space<vmem>>, vector<1x16xf32>,
        %swap3A_344 = vector.shape_cast %swap3A_343 : vector<1x16xf32> to vector<16xf32>
        %swap3A_345 = vector.shape_cast %broadcast_in_dim3A_20 : vector<16xf32> to vector<1x16xf32>
        tpu.vector_store %arg7[%swap3A_341, %swap3A_342], %swap3A_345 {strides = array<i32>} : memref<32x1024xf32, #tpu.memory_space<vmem>>, vector<1x16xf32>,
        %swap3A_346 = arith.index_cast %while3A_126 : i32 to index
        %swap3A_347 = arith.constant 704 : index
        %swap3A_348 = tpu.vector_load %arg7[%swap3A_346, %swap3A_347] {strides = array<i32>} : memref<32x1024xf32, #tpu.memory_space<vmem>>, vector<1x16xf32>,
        %swap3A_349 = vector.shape_cast %swap3A_348 : vector<1x16xf32> to vector<16xf32>
        %swap3A_350 = vector.shape_cast %broadcast_in_dim3A_20 : vector<16xf32> to vector<1x16xf32>
        tpu.vector_store %arg7[%swap3A_346, %swap3A_347], %swap3A_350 {strides = array<i32>} : memref<32x1024xf32, #tpu.memory_space<vmem>>, vector<1x16xf32>,
        %swap3A_351 = arith.index_cast %while3A_126 : i32 to index
        %swap3A_352 = arith.constant 720 : index
        %swap3A_353 = tpu.vector_load %arg7[%swap3A_351, %swap3A_352] {strides = array<i32>} : memref<32x1024xf32, #tpu.memory_space<vmem>>, vector<1x16xf32>,
        %swap3A_354 = vector.shape_cast %swap3A_353 : vector<1x16xf32> to vector<16xf32>
        %swap3A_355 = vector.shape_cast %broadcast_in_dim3A_20 : vector<16xf32> to vector<1x16xf32>
        tpu.vector_store %arg7[%swap3A_351, %swap3A_352], %swap3A_355 {strides = array<i32>} : memref<32x1024xf32, #tpu.memory_space<vmem>>, vector<1x16xf32>,
        %swap3A_356 = arith.index_cast %while3A_126 : i32 to index
        %swap3A_357 = arith.constant 736 : index
        %swap3A_358 = tpu.vector_load %arg7[%swap3A_356, %swap3A_357] {strides = array<i32>} : memref<32x1024xf32, #tpu.memory_space<vmem>>, vector<1x16xf32>,
        %swap3A_359 = vector.shape_cast %swap3A_358 : vector<1x16xf32> to vector<16xf32>
        %swap3A_360 = vector.shape_cast %broadcast_in_dim3A_20 : vector<16xf32> to vector<1x16xf32>
        tpu.vector_store %arg7[%swap3A_356, %swap3A_357], %swap3A_360 {strides = array<i32>} : memref<32x1024xf32, #tpu.memory_space<vmem>>, vector<1x16xf32>,
        %swap3A_361 = arith.index_cast %while3A_126 : i32 to index
        %swap3A_362 = arith.constant 752 : index
        %swap3A_363 = tpu.vector_load %arg7[%swap3A_361, %swap3A_362] {strides = array<i32>} : memref<32x1024xf32, #tpu.memory_space<vmem>>, vector<1x16xf32>,
        %swap3A_364 = vector.shape_cast %swap3A_363 : vector<1x16xf32> to vector<16xf32>
        %swap3A_365 = vector.shape_cast %broadcast_in_dim3A_20 : vector<16xf32> to vector<1x16xf32>
        tpu.vector_store %arg7[%swap3A_361, %swap3A_362], %swap3A_365 {strides = array<i32>} : memref<32x1024xf32, #tpu.memory_space<vmem>>, vector<1x16xf32>,
        %swap3A_366 = arith.index_cast %while3A_126 : i32 to index
        %swap3A_367 = arith.constant 768 : index
        %swap3A_368 = tpu.vector_load %arg7[%swap3A_366, %swap3A_367] {strides = array<i32>} : memref<32x1024xf32, #tpu.memory_space<vmem>>, vector<1x16xf32>,
        %swap3A_369 = vector.shape_cast %swap3A_368 : vector<1x16xf32> to vector<16xf32>
        %swap3A_370 = vector.shape_cast %broadcast_in_dim3A_20 : vector<16xf32> to vector<1x16xf32>
        tpu.vector_store %arg7[%swap3A_366, %swap3A_367], %swap3A_370 {strides = array<i32>} : memref<32x1024xf32, #tpu.memory_space<vmem>>, vector<1x16xf32>,
        %swap3A_371 = arith.index_cast %while3A_126 : i32 to index
        %swap3A_372 = arith.constant 784 : index
        %swap3A_373 = tpu.vector_load %arg7[%swap3A_371, %swap3A_372] {strides = array<i32>} : memref<32x1024xf32, #tpu.memory_space<vmem>>, vector<1x16xf32>,
        %swap3A_374 = vector.shape_cast %swap3A_373 : vector<1x16xf32> to vector<16xf32>
        %swap3A_375 = vector.shape_cast %broadcast_in_dim3A_20 : vector<16xf32> to vector<1x16xf32>
        tpu.vector_store %arg7[%swap3A_371, %swap3A_372], %swap3A_375 {strides = array<i32>} : memref<32x1024xf32, #tpu.memory_space<vmem>>, vector<1x16xf32>,
        %swap3A_376 = arith.index_cast %while3A_126 : i32 to index
        %swap3A_377 = arith.constant 800 : index
        %swap3A_378 = tpu.vector_load %arg7[%swap3A_376, %swap3A_377] {strides = array<i32>} : memref<32x1024xf32, #tpu.memory_space<vmem>>, vector<1x16xf32>,
        %swap3A_379 = vector.shape_cast %swap3A_378 : vector<1x16xf32> to vector<16xf32>
        %swap3A_380 = vector.shape_cast %broadcast_in_dim3A_20 : vector<16xf32> to vector<1x16xf32>
        tpu.vector_store %arg7[%swap3A_376, %swap3A_377], %swap3A_380 {strides = array<i32>} : memref<32x1024xf32, #tpu.memory_space<vmem>>, vector<1x16xf32>,
        %swap3A_381 = arith.index_cast %while3A_126 : i32 to index
        %swap3A_382 = arith.constant 816 : index
        %swap3A_383 = tpu.vector_load %arg7[%swap3A_381, %swap3A_382] {strides = array<i32>} : memref<32x1024xf32, #tpu.memory_space<vmem>>, vector<1x16xf32>,
        %swap3A_384 = vector.shape_cast %swap3A_383 : vector<1x16xf32> to vector<16xf32>
        %swap3A_385 = vector.shape_cast %broadcast_in_dim3A_20 : vector<16xf32> to vector<1x16xf32>
        tpu.vector_store %arg7[%swap3A_381, %swap3A_382], %swap3A_385 {strides = array<i32>} : memref<32x1024xf32, #tpu.memory_space<vmem>>, vector<1x16xf32>,
        %swap3A_386 = arith.index_cast %while3A_126 : i32 to index
        %swap3A_387 = arith.constant 832 : index
        %swap3A_388 = tpu.vector_load %arg7[%swap3A_386, %swap3A_387] {strides = array<i32>} : memref<32x1024xf32, #tpu.memory_space<vmem>>, vector<1x16xf32>,
        %swap3A_389 = vector.shape_cast %swap3A_388 : vector<1x16xf32> to vector<16xf32>
        %swap3A_390 = vector.shape_cast %broadcast_in_dim3A_20 : vector<16xf32> to vector<1x16xf32>
        tpu.vector_store %arg7[%swap3A_386, %swap3A_387], %swap3A_390 {strides = array<i32>} : memref<32x1024xf32, #tpu.memory_space<vmem>>, vector<1x16xf32>,
        %swap3A_391 = arith.index_cast %while3A_126 : i32 to index
        %swap3A_392 = arith.constant 848 : index
        %swap3A_393 = tpu.vector_load %arg7[%swap3A_391, %swap3A_392] {strides = array<i32>} : memref<32x1024xf32, #tpu.memory_space<vmem>>, vector<1x16xf32>,
        %swap3A_394 = vector.shape_cast %swap3A_393 : vector<1x16xf32> to vector<16xf32>
        %swap3A_395 = vector.shape_cast %broadcast_in_dim3A_20 : vector<16xf32> to vector<1x16xf32>
        tpu.vector_store %arg7[%swap3A_391, %swap3A_392], %swap3A_395 {strides = array<i32>} : memref<32x1024xf32, #tpu.memory_space<vmem>>, vector<1x16xf32>,
        %swap3A_396 = arith.index_cast %while3A_126 : i32 to index
        %swap3A_397 = arith.constant 864 : index
        %swap3A_398 = tpu.vector_load %arg7[%swap3A_396, %swap3A_397] {strides = array<i32>} : memref<32x1024xf32, #tpu.memory_space<vmem>>, vector<1x16xf32>,
        %swap3A_399 = vector.shape_cast %swap3A_398 : vector<1x16xf32> to vector<16xf32>
        %swap3A_400 = vector.shape_cast %broadcast_in_dim3A_20 : vector<16xf32> to vector<1x16xf32>
        tpu.vector_store %arg7[%swap3A_396, %swap3A_397], %swap3A_400 {strides = array<i32>} : memref<32x1024xf32, #tpu.memory_space<vmem>>, vector<1x16xf32>,
        %swap3A_401 = arith.index_cast %while3A_126 : i32 to index
        %swap3A_402 = arith.constant 880 : index
        %swap3A_403 = tpu.vector_load %arg7[%swap3A_401, %swap3A_402] {strides = array<i32>} : memref<32x1024xf32, #tpu.memory_space<vmem>>, vector<1x16xf32>,
        %swap3A_404 = vector.shape_cast %swap3A_403 : vector<1x16xf32> to vector<16xf32>
        %swap3A_405 = vector.shape_cast %broadcast_in_dim3A_20 : vector<16xf32> to vector<1x16xf32>
        tpu.vector_store %arg7[%swap3A_401, %swap3A_402], %swap3A_405 {strides = array<i32>} : memref<32x1024xf32, #tpu.memory_space<vmem>>, vector<1x16xf32>,
        %swap3A_406 = arith.index_cast %while3A_126 : i32 to index
        %swap3A_407 = arith.constant 896 : index
        %swap3A_408 = tpu.vector_load %arg7[%swap3A_406, %swap3A_407] {strides = array<i32>} : memref<32x1024xf32, #tpu.memory_space<vmem>>, vector<1x16xf32>,
        %swap3A_409 = vector.shape_cast %swap3A_408 : vector<1x16xf32> to vector<16xf32>
        %swap3A_410 = vector.shape_cast %broadcast_in_dim3A_20 : vector<16xf32> to vector<1x16xf32>
        tpu.vector_store %arg7[%swap3A_406, %swap3A_407], %swap3A_410 {strides = array<i32>} : memref<32x1024xf32, #tpu.memory_space<vmem>>, vector<1x16xf32>,
        %swap3A_411 = arith.index_cast %while3A_126 : i32 to index
        %swap3A_412 = arith.constant 912 : index
        %swap3A_413 = tpu.vector_load %arg7[%swap3A_411, %swap3A_412] {strides = array<i32>} : memref<32x1024xf32, #tpu.memory_space<vmem>>, vector<1x16xf32>,
        %swap3A_414 = vector.shape_cast %swap3A_413 : vector<1x16xf32> to vector<16xf32>
        %swap3A_415 = vector.shape_cast %broadcast_in_dim3A_20 : vector<16xf32> to vector<1x16xf32>
        tpu.vector_store %arg7[%swap3A_411, %swap3A_412], %swap3A_415 {strides = array<i32>} : memref<32x1024xf32, #tpu.memory_space<vmem>>, vector<1x16xf32>,
        %swap3A_416 = arith.index_cast %while3A_126 : i32 to index
        %swap3A_417 = arith.constant 928 : index
        %swap3A_418 = tpu.vector_load %arg7[%swap3A_416, %swap3A_417] {strides = array<i32>} : memref<32x1024xf32, #tpu.memory_space<vmem>>, vector<1x16xf32>,
        %swap3A_419 = vector.shape_cast %swap3A_418 : vector<1x16xf32> to vector<16xf32>
        %swap3A_420 = vector.shape_cast %broadcast_in_dim3A_20 : vector<16xf32> to vector<1x16xf32>
        tpu.vector_store %arg7[%swap3A_416, %swap3A_417], %swap3A_420 {strides = array<i32>} : memref<32x1024xf32, #tpu.memory_space<vmem>>, vector<1x16xf32>,
        %swap3A_421 = arith.index_cast %while3A_126 : i32 to index
        %swap3A_422 = arith.constant 944 : index
        %swap3A_423 = tpu.vector_load %arg7[%swap3A_421, %swap3A_422] {strides = array<i32>} : memref<32x1024xf32, #tpu.memory_space<vmem>>, vector<1x16xf32>,
        %swap3A_424 = vector.shape_cast %swap3A_423 : vector<1x16xf32> to vector<16xf32>
        %swap3A_425 = vector.shape_cast %broadcast_in_dim3A_20 : vector<16xf32> to vector<1x16xf32>
        tpu.vector_store %arg7[%swap3A_421, %swap3A_422], %swap3A_425 {strides = array<i32>} : memref<32x1024xf32, #tpu.memory_space<vmem>>, vector<1x16xf32>,
        %swap3A_426 = arith.index_cast %while3A_126 : i32 to index
        %swap3A_427 = arith.constant 960 : index
        %swap3A_428 = tpu.vector_load %arg7[%swap3A_426, %swap3A_427] {strides = array<i32>} : memref<32x1024xf32, #tpu.memory_space<vmem>>, vector<1x16xf32>,
        %swap3A_429 = vector.shape_cast %swap3A_428 : vector<1x16xf32> to vector<16xf32>
        %swap3A_430 = vector.shape_cast %broadcast_in_dim3A_20 : vector<16xf32> to vector<1x16xf32>
        tpu.vector_store %arg7[%swap3A_426, %swap3A_427], %swap3A_430 {strides = array<i32>} : memref<32x1024xf32, #tpu.memory_space<vmem>>, vector<1x16xf32>,
        %swap3A_431 = arith.index_cast %while3A_126 : i32 to index
        %swap3A_432 = arith.constant 976 : index
        %swap3A_433 = tpu.vector_load %arg7[%swap3A_431, %swap3A_432] {strides = array<i32>} : memref<32x1024xf32, #tpu.memory_space<vmem>>, vector<1x16xf32>,
        %swap3A_434 = vector.shape_cast %swap3A_433 : vector<1x16xf32> to vector<16xf32>
        %swap3A_435 = vector.shape_cast %broadcast_in_dim3A_20 : vector<16xf32> to vector<1x16xf32>
        tpu.vector_store %arg7[%swap3A_431, %swap3A_432], %swap3A_435 {strides = array<i32>} : memref<32x1024xf32, #tpu.memory_space<vmem>>, vector<1x16xf32>,
        %swap3A_436 = arith.index_cast %while3A_126 : i32 to index
        %swap3A_437 = arith.constant 992 : index
        %swap3A_438 = tpu.vector_load %arg7[%swap3A_436, %swap3A_437] {strides = array<i32>} : memref<32x1024xf32, #tpu.memory_space<vmem>>, vector<1x16xf32>,
        %swap3A_439 = vector.shape_cast %swap3A_438 : vector<1x16xf32> to vector<16xf32>
        %swap3A_440 = vector.shape_cast %broadcast_in_dim3A_20 : vector<16xf32> to vector<1x16xf32>
        tpu.vector_store %arg7[%swap3A_436, %swap3A_437], %swap3A_440 {strides = array<i32>} : memref<32x1024xf32, #tpu.memory_space<vmem>>, vector<1x16xf32>,
        %swap3A_441 = arith.index_cast %while3A_126 : i32 to index
        %swap3A_442 = arith.constant 1008 : index
        %swap3A_443 = tpu.vector_load %arg7[%swap3A_441, %swap3A_442] {strides = array<i32>} : memref<32x1024xf32, #tpu.memory_space<vmem>>, vector<1x16xf32>,
        %swap3A_444 = vector.shape_cast %swap3A_443 : vector<1x16xf32> to vector<16xf32>
        %swap3A_445 = vector.shape_cast %broadcast_in_dim3A_20 : vector<16xf32> to vector<1x16xf32>
        tpu.vector_store %arg7[%swap3A_441, %swap3A_442], %swap3A_445 {strides = array<i32>} : memref<32x1024xf32, #tpu.memory_space<vmem>>, vector<1x16xf32>,
      }
      %while3A_125 = arith.constant 1 : i32
      scf.for %while3A_126 = %while3A_123 to %while3A_119 step %while3A_125  : i32 {
        %swap3A = arith.index_cast %while3A_126 : i32 to index
        %swap3A_127 = arith.constant 0 : index
        %swap3A_128 = tpu.vector_load %arg7[%swap3A, %swap3A_127] {strides = array<i32>} : memref<32x1024xf32, #tpu.memory_space<vmem>>, vector<1x16xf32>,
        %swap3A_129 = vector.shape_cast %swap3A_128 : vector<1x16xf32> to vector<16xf32>
        %swap3A_130 = vector.shape_cast %broadcast_in_dim3A_20 : vector<16xf32> to vector<1x16xf32>
        tpu.vector_store %arg7[%swap3A, %swap3A_127], %swap3A_130 {strides = array<i32>} : memref<32x1024xf32, #tpu.memory_space<vmem>>, vector<1x16xf32>,
        %swap3A_131 = arith.index_cast %while3A_126 : i32 to index
        %swap3A_132 = arith.constant 16 : index
        %swap3A_133 = tpu.vector_load %arg7[%swap3A_131, %swap3A_132] {strides = array<i32>} : memref<32x1024xf32, #tpu.memory_space<vmem>>, vector<1x16xf32>,
        %swap3A_134 = vector.shape_cast %swap3A_133 : vector<1x16xf32> to vector<16xf32>
        %swap3A_135 = vector.shape_cast %broadcast_in_dim3A_20 : vector<16xf32> to vector<1x16xf32>
        tpu.vector_store %arg7[%swap3A_131, %swap3A_132], %swap3A_135 {strides = array<i32>} : memref<32x1024xf32, #tpu.memory_space<vmem>>, vector<1x16xf32>,
        %swap3A_136 = arith.index_cast %while3A_126 : i32 to index
        %swap3A_137 = arith.constant 32 : index
        %swap3A_138 = tpu.vector_load %arg7[%swap3A_136, %swap3A_137] {strides = array<i32>} : memref<32x1024xf32, #tpu.memory_space<vmem>>, vector<1x16xf32>,
        %swap3A_139 = vector.shape_cast %swap3A_138 : vector<1x16xf32> to vector<16xf32>
        %swap3A_140 = vector.shape_cast %broadcast_in_dim3A_20 : vector<16xf32> to vector<1x16xf32>
        tpu.vector_store %arg7[%swap3A_136, %swap3A_137], %swap3A_140 {strides = array<i32>} : memref<32x1024xf32, #tpu.memory_space<vmem>>, vector<1x16xf32>,
        %swap3A_141 = arith.index_cast %while3A_126 : i32 to index
        %swap3A_142 = arith.constant 48 : index
        %swap3A_143 = tpu.vector_load %arg7[%swap3A_141, %swap3A_142] {strides = array<i32>} : memref<32x1024xf32, #tpu.memory_space<vmem>>, vector<1x16xf32>,
        %swap3A_144 = vector.shape_cast %swap3A_143 : vector<1x16xf32> to vector<16xf32>
        %swap3A_145 = vector.shape_cast %broadcast_in_dim3A_20 : vector<16xf32> to vector<1x16xf32>
        tpu.vector_store %arg7[%swap3A_141, %swap3A_142], %swap3A_145 {strides = array<i32>} : memref<32x1024xf32, #tpu.memory_space<vmem>>, vector<1x16xf32>,
        %swap3A_146 = arith.index_cast %while3A_126 : i32 to index
        %swap3A_147 = arith.constant 64 : index
        %swap3A_148 = tpu.vector_load %arg7[%swap3A_146, %swap3A_147] {strides = array<i32>} : memref<32x1024xf32, #tpu.memory_space<vmem>>, vector<1x16xf32>,
        %swap3A_149 = vector.shape_cast %swap3A_148 : vector<1x16xf32> to vector<16xf32>
        %swap3A_150 = vector.shape_cast %broadcast_in_dim3A_20 : vector<16xf32> to vector<1x16xf32>
        tpu.vector_store %arg7[%swap3A_146, %swap3A_147], %swap3A_150 {strides = array<i32>} : memref<32x1024xf32, #tpu.memory_space<vmem>>, vector<1x16xf32>,
        %swap3A_151 = arith.index_cast %while3A_126 : i32 to index
        %swap3A_152 = arith.constant 80 : index
        %swap3A_153 = tpu.vector_load %arg7[%swap3A_151, %swap3A_152] {strides = array<i32>} : memref<32x1024xf32, #tpu.memory_space<vmem>>, vector<1x16xf32>,
        %swap3A_154 = vector.shape_cast %swap3A_153 : vector<1x16xf32> to vector<16xf32>
        %swap3A_155 = vector.shape_cast %broadcast_in_dim3A_20 : vector<16xf32> to vector<1x16xf32>
        tpu.vector_store %arg7[%swap3A_151, %swap3A_152], %swap3A_155 {strides = array<i32>} : memref<32x1024xf32, #tpu.memory_space<vmem>>, vector<1x16xf32>,
        %swap3A_156 = arith.index_cast %while3A_126 : i32 to index
        %swap3A_157 = arith.constant 96 : index
        %swap3A_158 = tpu.vector_load %arg7[%swap3A_156, %swap3A_157] {strides = array<i32>} : memref<32x1024xf32, #tpu.memory_space<vmem>>, vector<1x16xf32>,
        %swap3A_159 = vector.shape_cast %swap3A_158 : vector<1x16xf32> to vector<16xf32>
        %swap3A_160 = vector.shape_cast %broadcast_in_dim3A_20 : vector<16xf32> to vector<1x16xf32>
        tpu.vector_store %arg7[%swap3A_156, %swap3A_157], %swap3A_160 {strides = array<i32>} : memref<32x1024xf32, #tpu.memory_space<vmem>>, vector<1x16xf32>,
        %swap3A_161 = arith.index_cast %while3A_126 : i32 to index
        %swap3A_162 = arith.constant 112 : index
        %swap3A_163 = tpu.vector_load %arg7[%swap3A_161, %swap3A_162] {strides = array<i32>} : memref<32x1024xf32, #tpu.memory_space<vmem>>, vector<1x16xf32>,
        %swap3A_164 = vector.shape_cast %swap3A_163 : vector<1x16xf32> to vector<16xf32>
        %swap3A_165 = vector.shape_cast %broadcast_in_dim3A_20 : vector<16xf32> to vector<1x16xf32>
        tpu.vector_store %arg7[%swap3A_161, %swap3A_162], %swap3A_165 {strides = array<i32>} : memref<32x1024xf32, #tpu.memory_space<vmem>>, vector<1x16xf32>,
        %swap3A_166 = arith.index_cast %while3A_126 : i32 to index
        %swap3A_167 = arith.constant 128 : index
        %swap3A_168 = tpu.vector_load %arg7[%swap3A_166, %swap3A_167] {strides = array<i32>} : memref<32x1024xf32, #tpu.memory_space<vmem>>, vector<1x16xf32>,
        %swap3A_169 = vector.shape_cast %swap3A_168 : vector<1x16xf32> to vector<16xf32>
        %swap3A_170 = vector.shape_cast %broadcast_in_dim3A_20 : vector<16xf32> to vector<1x16xf32>
        tpu.vector_store %arg7[%swap3A_166, %swap3A_167], %swap3A_170 {strides = array<i32>} : memref<32x1024xf32, #tpu.memory_space<vmem>>, vector<1x16xf32>,
        %swap3A_171 = arith.index_cast %while3A_126 : i32 to index
        %swap3A_172 = arith.constant 144 : index
        %swap3A_173 = tpu.vector_load %arg7[%swap3A_171, %swap3A_172] {strides = array<i32>} : memref<32x1024xf32, #tpu.memory_space<vmem>>, vector<1x16xf32>,
        %swap3A_174 = vector.shape_cast %swap3A_173 : vector<1x16xf32> to vector<16xf32>
        %swap3A_175 = vector.shape_cast %broadcast_in_dim3A_20 : vector<16xf32> to vector<1x16xf32>
        tpu.vector_store %arg7[%swap3A_171, %swap3A_172], %swap3A_175 {strides = array<i32>} : memref<32x1024xf32, #tpu.memory_space<vmem>>, vector<1x16xf32>,
        %swap3A_176 = arith.index_cast %while3A_126 : i32 to index
        %swap3A_177 = arith.constant 160 : index
        %swap3A_178 = tpu.vector_load %arg7[%swap3A_176, %swap3A_177] {strides = array<i32>} : memref<32x1024xf32, #tpu.memory_space<vmem>>, vector<1x16xf32>,
        %swap3A_179 = vector.shape_cast %swap3A_178 : vector<1x16xf32> to vector<16xf32>
        %swap3A_180 = vector.shape_cast %broadcast_in_dim3A_20 : vector<16xf32> to vector<1x16xf32>
        tpu.vector_store %arg7[%swap3A_176, %swap3A_177], %swap3A_180 {strides = array<i32>} : memref<32x1024xf32, #tpu.memory_space<vmem>>, vector<1x16xf32>,
        %swap3A_181 = arith.index_cast %while3A_126 : i32 to index
        %swap3A_182 = arith.constant 176 : index
        %swap3A_183 = tpu.vector_load %arg7[%swap3A_181, %swap3A_182] {strides = array<i32>} : memref<32x1024xf32, #tpu.memory_space<vmem>>, vector<1x16xf32>,
        %swap3A_184 = vector.shape_cast %swap3A_183 : vector<1x16xf32> to vector<16xf32>
        %swap3A_185 = vector.shape_cast %broadcast_in_dim3A_20 : vector<16xf32> to vector<1x16xf32>
        tpu.vector_store %arg7[%swap3A_181, %swap3A_182], %swap3A_185 {strides = array<i32>} : memref<32x1024xf32, #tpu.memory_space<vmem>>, vector<1x16xf32>,
        %swap3A_186 = arith.index_cast %while3A_126 : i32 to index
        %swap3A_187 = arith.constant 192 : index
        %swap3A_188 = tpu.vector_load %arg7[%swap3A_186, %swap3A_187] {strides = array<i32>} : memref<32x1024xf32, #tpu.memory_space<vmem>>, vector<1x16xf32>,
        %swap3A_189 = vector.shape_cast %swap3A_188 : vector<1x16xf32> to vector<16xf32>
        %swap3A_190 = vector.shape_cast %broadcast_in_dim3A_20 : vector<16xf32> to vector<1x16xf32>
        tpu.vector_store %arg7[%swap3A_186, %swap3A_187], %swap3A_190 {strides = array<i32>} : memref<32x1024xf32, #tpu.memory_space<vmem>>, vector<1x16xf32>,
        %swap3A_191 = arith.index_cast %while3A_126 : i32 to index
        %swap3A_192 = arith.constant 208 : index
        %swap3A_193 = tpu.vector_load %arg7[%swap3A_191, %swap3A_192] {strides = array<i32>} : memref<32x1024xf32, #tpu.memory_space<vmem>>, vector<1x16xf32>,
        %swap3A_194 = vector.shape_cast %swap3A_193 : vector<1x16xf32> to vector<16xf32>
        %swap3A_195 = vector.shape_cast %broadcast_in_dim3A_20 : vector<16xf32> to vector<1x16xf32>
        tpu.vector_store %arg7[%swap3A_191, %swap3A_192], %swap3A_195 {strides = array<i32>} : memref<32x1024xf32, #tpu.memory_space<vmem>>, vector<1x16xf32>,
        %swap3A_196 = arith.index_cast %while3A_126 : i32 to index
        %swap3A_197 = arith.constant 224 : index
        %swap3A_198 = tpu.vector_load %arg7[%swap3A_196, %swap3A_197] {strides = array<i32>} : memref<32x1024xf32, #tpu.memory_space<vmem>>, vector<1x16xf32>,
        %swap3A_199 = vector.shape_cast %swap3A_198 : vector<1x16xf32> to vector<16xf32>
        %swap3A_200 = vector.shape_cast %broadcast_in_dim3A_20 : vector<16xf32> to vector<1x16xf32>
        tpu.vector_store %arg7[%swap3A_196, %swap3A_197], %swap3A_200 {strides = array<i32>} : memref<32x1024xf32, #tpu.memory_space<vmem>>, vector<1x16xf32>,
        %swap3A_201 = arith.index_cast %while3A_126 : i32 to index
        %swap3A_202 = arith.constant 240 : index
        %swap3A_203 = tpu.vector_load %arg7[%swap3A_201, %swap3A_202] {strides = array<i32>} : memref<32x1024xf32, #tpu.memory_space<vmem>>, vector<1x16xf32>,
        %swap3A_204 = vector.shape_cast %swap3A_203 : vector<1x16xf32> to vector<16xf32>
        %swap3A_205 = vector.shape_cast %broadcast_in_dim3A_20 : vector<16xf32> to vector<1x16xf32>
        tpu.vector_store %arg7[%swap3A_201, %swap3A_202], %swap3A_205 {strides = array<i32>} : memref<32x1024xf32, #tpu.memory_space<vmem>>, vector<1x16xf32>,
        %swap3A_206 = arith.index_cast %while3A_126 : i32 to index
        %swap3A_207 = arith.constant 256 : index
        %swap3A_208 = tpu.vector_load %arg7[%swap3A_206, %swap3A_207] {strides = array<i32>} : memref<32x1024xf32, #tpu.memory_space<vmem>>, vector<1x16xf32>,
        %swap3A_209 = vector.shape_cast %swap3A_208 : vector<1x16xf32> to vector<16xf32>
        %swap3A_210 = vector.shape_cast %broadcast_in_dim3A_20 : vector<16xf32> to vector<1x16xf32>
        tpu.vector_store %arg7[%swap3A_206, %swap3A_207], %swap3A_210 {strides = array<i32>} : memref<32x1024xf32, #tpu.memory_space<vmem>>, vector<1x16xf32>,
        %swap3A_211 = arith.index_cast %while3A_126 : i32 to index
        %swap3A_212 = arith.constant 272 : index
        %swap3A_213 = tpu.vector_load %arg7[%swap3A_211, %swap3A_212] {strides = array<i32>} : memref<32x1024xf32, #tpu.memory_space<vmem>>, vector<1x16xf32>,
        %swap3A_214 = vector.shape_cast %swap3A_213 : vector<1x16xf32> to vector<16xf32>
        %swap3A_215 = vector.shape_cast %broadcast_in_dim3A_20 : vector<16xf32> to vector<1x16xf32>
        tpu.vector_store %arg7[%swap3A_211, %swap3A_212], %swap3A_215 {strides = array<i32>} : memref<32x1024xf32, #tpu.memory_space<vmem>>, vector<1x16xf32>,
        %swap3A_216 = arith.index_cast %while3A_126 : i32 to index
        %swap3A_217 = arith.constant 288 : index
        %swap3A_218 = tpu.vector_load %arg7[%swap3A_216, %swap3A_217] {strides = array<i32>} : memref<32x1024xf32, #tpu.memory_space<vmem>>, vector<1x16xf32>,
        %swap3A_219 = vector.shape_cast %swap3A_218 : vector<1x16xf32> to vector<16xf32>
        %swap3A_220 = vector.shape_cast %broadcast_in_dim3A_20 : vector<16xf32> to vector<1x16xf32>
        tpu.vector_store %arg7[%swap3A_216, %swap3A_217], %swap3A_220 {strides = array<i32>} : memref<32x1024xf32, #tpu.memory_space<vmem>>, vector<1x16xf32>,
        %swap3A_221 = arith.index_cast %while3A_126 : i32 to index
        %swap3A_222 = arith.constant 304 : index
        %swap3A_223 = tpu.vector_load %arg7[%swap3A_221, %swap3A_222] {strides = array<i32>} : memref<32x1024xf32, #tpu.memory_space<vmem>>, vector<1x16xf32>,
        %swap3A_224 = vector.shape_cast %swap3A_223 : vector<1x16xf32> to vector<16xf32>
        %swap3A_225 = vector.shape_cast %broadcast_in_dim3A_20 : vector<16xf32> to vector<1x16xf32>
        tpu.vector_store %arg7[%swap3A_221, %swap3A_222], %swap3A_225 {strides = array<i32>} : memref<32x1024xf32, #tpu.memory_space<vmem>>, vector<1x16xf32>,
        %swap3A_226 = arith.index_cast %while3A_126 : i32 to index
        %swap3A_227 = arith.constant 320 : index
        %swap3A_228 = tpu.vector_load %arg7[%swap3A_226, %swap3A_227] {strides = array<i32>} : memref<32x1024xf32, #tpu.memory_space<vmem>>, vector<1x16xf32>,
        %swap3A_229 = vector.shape_cast %swap3A_228 : vector<1x16xf32> to vector<16xf32>
        %swap3A_230 = vector.shape_cast %broadcast_in_dim3A_20 : vector<16xf32> to vector<1x16xf32>
        tpu.vector_store %arg7[%swap3A_226, %swap3A_227], %swap3A_230 {strides = array<i32>} : memref<32x1024xf32, #tpu.memory_space<vmem>>, vector<1x16xf32>,
        %swap3A_231 = arith.index_cast %while3A_126 : i32 to index
        %swap3A_232 = arith.constant 336 : index
        %swap3A_233 = tpu.vector_load %arg7[%swap3A_231, %swap3A_232] {strides = array<i32>} : memref<32x1024xf32, #tpu.memory_space<vmem>>, vector<1x16xf32>,
        %swap3A_234 = vector.shape_cast %swap3A_233 : vector<1x16xf32> to vector<16xf32>
        %swap3A_235 = vector.shape_cast %broadcast_in_dim3A_20 : vector<16xf32> to vector<1x16xf32>
        tpu.vector_store %arg7[%swap3A_231, %swap3A_232], %swap3A_235 {strides = array<i32>} : memref<32x1024xf32, #tpu.memory_space<vmem>>, vector<1x16xf32>,
        %swap3A_236 = arith.index_cast %while3A_126 : i32 to index
        %swap3A_237 = arith.constant 352 : index
        %swap3A_238 = tpu.vector_load %arg7[%swap3A_236, %swap3A_237] {strides = array<i32>} : memref<32x1024xf32, #tpu.memory_space<vmem>>, vector<1x16xf32>,
        %swap3A_239 = vector.shape_cast %swap3A_238 : vector<1x16xf32> to vector<16xf32>
        %swap3A_240 = vector.shape_cast %broadcast_in_dim3A_20 : vector<16xf32> to vector<1x16xf32>
        tpu.vector_store %arg7[%swap3A_236, %swap3A_237], %swap3A_240 {strides = array<i32>} : memref<32x1024xf32, #tpu.memory_space<vmem>>, vector<1x16xf32>,
        %swap3A_241 = arith.index_cast %while3A_126 : i32 to index
        %swap3A_242 = arith.constant 368 : index
        %swap3A_243 = tpu.vector_load %arg7[%swap3A_241, %swap3A_242] {strides = array<i32>} : memref<32x1024xf32, #tpu.memory_space<vmem>>, vector<1x16xf32>,
        %swap3A_244 = vector.shape_cast %swap3A_243 : vector<1x16xf32> to vector<16xf32>
        %swap3A_245 = vector.shape_cast %broadcast_in_dim3A_20 : vector<16xf32> to vector<1x16xf32>
        tpu.vector_store %arg7[%swap3A_241, %swap3A_242], %swap3A_245 {strides = array<i32>} : memref<32x1024xf32, #tpu.memory_space<vmem>>, vector<1x16xf32>,
        %swap3A_246 = arith.index_cast %while3A_126 : i32 to index
        %swap3A_247 = arith.constant 384 : index
        %swap3A_248 = tpu.vector_load %arg7[%swap3A_246, %swap3A_247] {strides = array<i32>} : memref<32x1024xf32, #tpu.memory_space<vmem>>, vector<1x16xf32>,
        %swap3A_249 = vector.shape_cast %swap3A_248 : vector<1x16xf32> to vector<16xf32>
        %swap3A_250 = vector.shape_cast %broadcast_in_dim3A_20 : vector<16xf32> to vector<1x16xf32>
        tpu.vector_store %arg7[%swap3A_246, %swap3A_247], %swap3A_250 {strides = array<i32>} : memref<32x1024xf32, #tpu.memory_space<vmem>>, vector<1x16xf32>,
        %swap3A_251 = arith.index_cast %while3A_126 : i32 to index
        %swap3A_252 = arith.constant 400 : index
        %swap3A_253 = tpu.vector_load %arg7[%swap3A_251, %swap3A_252] {strides = array<i32>} : memref<32x1024xf32, #tpu.memory_space<vmem>>, vector<1x16xf32>,
        %swap3A_254 = vector.shape_cast %swap3A_253 : vector<1x16xf32> to vector<16xf32>
        %swap3A_255 = vector.shape_cast %broadcast_in_dim3A_20 : vector<16xf32> to vector<1x16xf32>
        tpu.vector_store %arg7[%swap3A_251, %swap3A_252], %swap3A_255 {strides = array<i32>} : memref<32x1024xf32, #tpu.memory_space<vmem>>, vector<1x16xf32>,
        %swap3A_256 = arith.index_cast %while3A_126 : i32 to index
        %swap3A_257 = arith.constant 416 : index
        %swap3A_258 = tpu.vector_load %arg7[%swap3A_256, %swap3A_257] {strides = array<i32>} : memref<32x1024xf32, #tpu.memory_space<vmem>>, vector<1x16xf32>,
        %swap3A_259 = vector.shape_cast %swap3A_258 : vector<1x16xf32> to vector<16xf32>
        %swap3A_260 = vector.shape_cast %broadcast_in_dim3A_20 : vector<16xf32> to vector<1x16xf32>
        tpu.vector_store %arg7[%swap3A_256, %swap3A_257], %swap3A_260 {strides = array<i32>} : memref<32x1024xf32, #tpu.memory_space<vmem>>, vector<1x16xf32>,
        %swap3A_261 = arith.index_cast %while3A_126 : i32 to index
        %swap3A_262 = arith.constant 432 : index
        %swap3A_263 = tpu.vector_load %arg7[%swap3A_261, %swap3A_262] {strides = array<i32>} : memref<32x1024xf32, #tpu.memory_space<vmem>>, vector<1x16xf32>,
        %swap3A_264 = vector.shape_cast %swap3A_263 : vector<1x16xf32> to vector<16xf32>
        %swap3A_265 = vector.shape_cast %broadcast_in_dim3A_20 : vector<16xf32> to vector<1x16xf32>
        tpu.vector_store %arg7[%swap3A_261, %swap3A_262], %swap3A_265 {strides = array<i32>} : memref<32x1024xf32, #tpu.memory_space<vmem>>, vector<1x16xf32>,
        %swap3A_266 = arith.index_cast %while3A_126 : i32 to index
        %swap3A_267 = arith.constant 448 : index
        %swap3A_268 = tpu.vector_load %arg7[%swap3A_266, %swap3A_267] {strides = array<i32>} : memref<32x1024xf32, #tpu.memory_space<vmem>>, vector<1x16xf32>,
        %swap3A_269 = vector.shape_cast %swap3A_268 : vector<1x16xf32> to vector<16xf32>
        %swap3A_270 = vector.shape_cast %broadcast_in_dim3A_20 : vector<16xf32> to vector<1x16xf32>
        tpu.vector_store %arg7[%swap3A_266, %swap3A_267], %swap3A_270 {strides = array<i32>} : memref<32x1024xf32, #tpu.memory_space<vmem>>, vector<1x16xf32>,
        %swap3A_271 = arith.index_cast %while3A_126 : i32 to index
        %swap3A_272 = arith.constant 464 : index
        %swap3A_273 = tpu.vector_load %arg7[%swap3A_271, %swap3A_272] {strides = array<i32>} : memref<32x1024xf32, #tpu.memory_space<vmem>>, vector<1x16xf32>,
        %swap3A_274 = vector.shape_cast %swap3A_273 : vector<1x16xf32> to vector<16xf32>
        %swap3A_275 = vector.shape_cast %broadcast_in_dim3A_20 : vector<16xf32> to vector<1x16xf32>
        tpu.vector_store %arg7[%swap3A_271, %swap3A_272], %swap3A_275 {strides = array<i32>} : memref<32x1024xf32, #tpu.memory_space<vmem>>, vector<1x16xf32>,
        %swap3A_276 = arith.index_cast %while3A_126 : i32 to index
        %swap3A_277 = arith.constant 480 : index
        %swap3A_278 = tpu.vector_load %arg7[%swap3A_276, %swap3A_277] {strides = array<i32>} : memref<32x1024xf32, #tpu.memory_space<vmem>>, vector<1x16xf32>,
        %swap3A_279 = vector.shape_cast %swap3A_278 : vector<1x16xf32> to vector<16xf32>
        %swap3A_280 = vector.shape_cast %broadcast_in_dim3A_20 : vector<16xf32> to vector<1x16xf32>
        tpu.vector_store %arg7[%swap3A_276, %swap3A_277], %swap3A_280 {strides = array<i32>} : memref<32x1024xf32, #tpu.memory_space<vmem>>, vector<1x16xf32>,
        %swap3A_281 = arith.index_cast %while3A_126 : i32 to index
        %swap3A_282 = arith.constant 496 : index
        %swap3A_283 = tpu.vector_load %arg7[%swap3A_281, %swap3A_282] {strides = array<i32>} : memref<32x1024xf32, #tpu.memory_space<vmem>>, vector<1x16xf32>,
        %swap3A_284 = vector.shape_cast %swap3A_283 : vector<1x16xf32> to vector<16xf32>
        %swap3A_285 = vector.shape_cast %broadcast_in_dim3A_20 : vector<16xf32> to vector<1x16xf32>
        tpu.vector_store %arg7[%swap3A_281, %swap3A_282], %swap3A_285 {strides = array<i32>} : memref<32x1024xf32, #tpu.memory_space<vmem>>, vector<1x16xf32>,
        %swap3A_286 = arith.index_cast %while3A_126 : i32 to index
        %swap3A_287 = arith.constant 512 : index
        %swap3A_288 = tpu.vector_load %arg7[%swap3A_286, %swap3A_287] {strides = array<i32>} : memref<32x1024xf32, #tpu.memory_space<vmem>>, vector<1x16xf32>,
        %swap3A_289 = vector.shape_cast %swap3A_288 : vector<1x16xf32> to vector<16xf32>
        %swap3A_290 = vector.shape_cast %broadcast_in_dim3A_20 : vector<16xf32> to vector<1x16xf32>
        tpu.vector_store %arg7[%swap3A_286, %swap3A_287], %swap3A_290 {strides = array<i32>} : memref<32x1024xf32, #tpu.memory_space<vmem>>, vector<1x16xf32>,
        %swap3A_291 = arith.index_cast %while3A_126 : i32 to index
        %swap3A_292 = arith.constant 528 : index
        %swap3A_293 = tpu.vector_load %arg7[%swap3A_291, %swap3A_292] {strides = array<i32>} : memref<32x1024xf32, #tpu.memory_space<vmem>>, vector<1x16xf32>,
        %swap3A_294 = vector.shape_cast %swap3A_293 : vector<1x16xf32> to vector<16xf32>
        %swap3A_295 = vector.shape_cast %broadcast_in_dim3A_20 : vector<16xf32> to vector<1x16xf32>
        tpu.vector_store %arg7[%swap3A_291, %swap3A_292], %swap3A_295 {strides = array<i32>} : memref<32x1024xf32, #tpu.memory_space<vmem>>, vector<1x16xf32>,
        %swap3A_296 = arith.index_cast %while3A_126 : i32 to index
        %swap3A_297 = arith.constant 544 : index
        %swap3A_298 = tpu.vector_load %arg7[%swap3A_296, %swap3A_297] {strides = array<i32>} : memref<32x1024xf32, #tpu.memory_space<vmem>>, vector<1x16xf32>,
        %swap3A_299 = vector.shape_cast %swap3A_298 : vector<1x16xf32> to vector<16xf32>
        %swap3A_300 = vector.shape_cast %broadcast_in_dim3A_20 : vector<16xf32> to vector<1x16xf32>
        tpu.vector_store %arg7[%swap3A_296, %swap3A_297], %swap3A_300 {strides = array<i32>} : memref<32x1024xf32, #tpu.memory_space<vmem>>, vector<1x16xf32>,
        %swap3A_301 = arith.index_cast %while3A_126 : i32 to index
        %swap3A_302 = arith.constant 560 : index
        %swap3A_303 = tpu.vector_load %arg7[%swap3A_301, %swap3A_302] {strides = array<i32>} : memref<32x1024xf32, #tpu.memory_space<vmem>>, vector<1x16xf32>,
        %swap3A_304 = vector.shape_cast %swap3A_303 : vector<1x16xf32> to vector<16xf32>
        %swap3A_305 = vector.shape_cast %broadcast_in_dim3A_20 : vector<16xf32> to vector<1x16xf32>
        tpu.vector_store %arg7[%swap3A_301, %swap3A_302], %swap3A_305 {strides = array<i32>} : memref<32x1024xf32, #tpu.memory_space<vmem>>, vector<1x16xf32>,
        %swap3A_306 = arith.index_cast %while3A_126 : i32 to index
        %swap3A_307 = arith.constant 576 : index
        %swap3A_308 = tpu.vector_load %arg7[%swap3A_306, %swap3A_307] {strides = array<i32>} : memref<32x1024xf32, #tpu.memory_space<vmem>>, vector<1x16xf32>,
        %swap3A_309 = vector.shape_cast %swap3A_308 : vector<1x16xf32> to vector<16xf32>
        %swap3A_310 = vector.shape_cast %broadcast_in_dim3A_20 : vector<16xf32> to vector<1x16xf32>
        tpu.vector_store %arg7[%swap3A_306, %swap3A_307], %swap3A_310 {strides = array<i32>} : memref<32x1024xf32, #tpu.memory_space<vmem>>, vector<1x16xf32>,
        %swap3A_311 = arith.index_cast %while3A_126 : i32 to index
        %swap3A_312 = arith.constant 592 : index
        %swap3A_313 = tpu.vector_load %arg7[%swap3A_311, %swap3A_312] {strides = array<i32>} : memref<32x1024xf32, #tpu.memory_space<vmem>>, vector<1x16xf32>,
        %swap3A_314 = vector.shape_cast %swap3A_313 : vector<1x16xf32> to vector<16xf32>
        %swap3A_315 = vector.shape_cast %broadcast_in_dim3A_20 : vector<16xf32> to vector<1x16xf32>
        tpu.vector_store %arg7[%swap3A_311, %swap3A_312], %swap3A_315 {strides = array<i32>} : memref<32x1024xf32, #tpu.memory_space<vmem>>, vector<1x16xf32>,
        %swap3A_316 = arith.index_cast %while3A_126 : i32 to index
        %swap3A_317 = arith.constant 608 : index
        %swap3A_318 = tpu.vector_load %arg7[%swap3A_316, %swap3A_317] {strides = array<i32>} : memref<32x1024xf32, #tpu.memory_space<vmem>>, vector<1x16xf32>,
        %swap3A_319 = vector.shape_cast %swap3A_318 : vector<1x16xf32> to vector<16xf32>
        %swap3A_320 = vector.shape_cast %broadcast_in_dim3A_20 : vector<16xf32> to vector<1x16xf32>
        tpu.vector_store %arg7[%swap3A_316, %swap3A_317], %swap3A_320 {strides = array<i32>} : memref<32x1024xf32, #tpu.memory_space<vmem>>, vector<1x16xf32>,
        %swap3A_321 = arith.index_cast %while3A_126 : i32 to index
        %swap3A_322 = arith.constant 624 : index
        %swap3A_323 = tpu.vector_load %arg7[%swap3A_321, %swap3A_322] {strides = array<i32>} : memref<32x1024xf32, #tpu.memory_space<vmem>>, vector<1x16xf32>,
        %swap3A_324 = vector.shape_cast %swap3A_323 : vector<1x16xf32> to vector<16xf32>
        %swap3A_325 = vector.shape_cast %broadcast_in_dim3A_20 : vector<16xf32> to vector<1x16xf32>
        tpu.vector_store %arg7[%swap3A_321, %swap3A_322], %swap3A_325 {strides = array<i32>} : memref<32x1024xf32, #tpu.memory_space<vmem>>, vector<1x16xf32>,
        %swap3A_326 = arith.index_cast %while3A_126 : i32 to index
        %swap3A_327 = arith.constant 640 : index
        %swap3A_328 = tpu.vector_load %arg7[%swap3A_326, %swap3A_327] {strides = array<i32>} : memref<32x1024xf32, #tpu.memory_space<vmem>>, vector<1x16xf32>,
        %swap3A_329 = vector.shape_cast %swap3A_328 : vector<1x16xf32> to vector<16xf32>
        %swap3A_330 = vector.shape_cast %broadcast_in_dim3A_20 : vector<16xf32> to vector<1x16xf32>
        tpu.vector_store %arg7[%swap3A_326, %swap3A_327], %swap3A_330 {strides = array<i32>} : memref<32x1024xf32, #tpu.memory_space<vmem>>, vector<1x16xf32>,
        %swap3A_331 = arith.index_cast %while3A_126 : i32 to index
        %swap3A_332 = arith.constant 656 : index
        %swap3A_333 = tpu.vector_load %arg7[%swap3A_331, %swap3A_332] {strides = array<i32>} : memref<32x1024xf32, #tpu.memory_space<vmem>>, vector<1x16xf32>,
        %swap3A_334 = vector.shape_cast %swap3A_333 : vector<1x16xf32> to vector<16xf32>
        %swap3A_335 = vector.shape_cast %broadcast_in_dim3A_20 : vector<16xf32> to vector<1x16xf32>
        tpu.vector_store %arg7[%swap3A_331, %swap3A_332], %swap3A_335 {strides = array<i32>} : memref<32x1024xf32, #tpu.memory_space<vmem>>, vector<1x16xf32>,
        %swap3A_336 = arith.index_cast %while3A_126 : i32 to index
        %swap3A_337 = arith.constant 672 : index
        %swap3A_338 = tpu.vector_load %arg7[%swap3A_336, %swap3A_337] {strides = array<i32>} : memref<32x1024xf32, #tpu.memory_space<vmem>>, vector<1x16xf32>,
        %swap3A_339 = vector.shape_cast %swap3A_338 : vector<1x16xf32> to vector<16xf32>
        %swap3A_340 = vector.shape_cast %broadcast_in_dim3A_20 : vector<16xf32> to vector<1x16xf32>
        tpu.vector_store %arg7[%swap3A_336, %swap3A_337], %swap3A_340 {strides = array<i32>} : memref<32x1024xf32, #tpu.memory_space<vmem>>, vector<1x16xf32>,
        %swap3A_341 = arith.index_cast %while3A_126 : i32 to index
        %swap3A_342 = arith.constant 688 : index
        %swap3A_343 = tpu.vector_load %arg7[%swap3A_341, %swap3A_342] {strides = array<i32>} : memref<32x1024xf32, #tpu.memory_space<vmem>>, vector<1x16xf32>,
        %swap3A_344 = vector.shape_cast %swap3A_343 : vector<1x16xf32> to vector<16xf32>
        %swap3A_345 = vector.shape_cast %broadcast_in_dim3A_20 : vector<16xf32> to vector<1x16xf32>
        tpu.vector_store %arg7[%swap3A_341, %swap3A_342], %swap3A_345 {strides = array<i32>} : memref<32x1024xf32, #tpu.memory_space<vmem>>, vector<1x16xf32>,
        %swap3A_346 = arith.index_cast %while3A_126 : i32 to index
        %swap3A_347 = arith.constant 704 : index
        %swap3A_348 = tpu.vector_load %arg7[%swap3A_346, %swap3A_347] {strides = array<i32>} : memref<32x1024xf32, #tpu.memory_space<vmem>>, vector<1x16xf32>,
        %swap3A_349 = vector.shape_cast %swap3A_348 : vector<1x16xf32> to vector<16xf32>
        %swap3A_350 = vector.shape_cast %broadcast_in_dim3A_20 : vector<16xf32> to vector<1x16xf32>
        tpu.vector_store %arg7[%swap3A_346, %swap3A_347], %swap3A_350 {strides = array<i32>} : memref<32x1024xf32, #tpu.memory_space<vmem>>, vector<1x16xf32>,
        %swap3A_351 = arith.index_cast %while3A_126 : i32 to index
        %swap3A_352 = arith.constant 720 : index
        %swap3A_353 = tpu.vector_load %arg7[%swap3A_351, %swap3A_352] {strides = array<i32>} : memref<32x1024xf32, #tpu.memory_space<vmem>>, vector<1x16xf32>,
        %swap3A_354 = vector.shape_cast %swap3A_353 : vector<1x16xf32> to vector<16xf32>
        %swap3A_355 = vector.shape_cast %broadcast_in_dim3A_20 : vector<16xf32> to vector<1x16xf32>
        tpu.vector_store %arg7[%swap3A_351, %swap3A_352], %swap3A_355 {strides = array<i32>} : memref<32x1024xf32, #tpu.memory_space<vmem>>, vector<1x16xf32>,
        %swap3A_356 = arith.index_cast %while3A_126 : i32 to index
        %swap3A_357 = arith.constant 736 : index
        %swap3A_358 = tpu.vector_load %arg7[%swap3A_356, %swap3A_357] {strides = array<i32>} : memref<32x1024xf32, #tpu.memory_space<vmem>>, vector<1x16xf32>,
        %swap3A_359 = vector.shape_cast %swap3A_358 : vector<1x16xf32> to vector<16xf32>
        %swap3A_360 = vector.shape_cast %broadcast_in_dim3A_20 : vector<16xf32> to vector<1x16xf32>
        tpu.vector_store %arg7[%swap3A_356, %swap3A_357], %swap3A_360 {strides = array<i32>} : memref<32x1024xf32, #tpu.memory_space<vmem>>, vector<1x16xf32>,
        %swap3A_361 = arith.index_cast %while3A_126 : i32 to index
        %swap3A_362 = arith.constant 752 : index
        %swap3A_363 = tpu.vector_load %arg7[%swap3A_361, %swap3A_362] {strides = array<i32>} : memref<32x1024xf32, #tpu.memory_space<vmem>>, vector<1x16xf32>,
        %swap3A_364 = vector.shape_cast %swap3A_363 : vector<1x16xf32> to vector<16xf32>
        %swap3A_365 = vector.shape_cast %broadcast_in_dim3A_20 : vector<16xf32> to vector<1x16xf32>
        tpu.vector_store %arg7[%swap3A_361, %swap3A_362], %swap3A_365 {strides = array<i32>} : memref<32x1024xf32, #tpu.memory_space<vmem>>, vector<1x16xf32>,
        %swap3A_366 = arith.index_cast %while3A_126 : i32 to index
        %swap3A_367 = arith.constant 768 : index
        %swap3A_368 = tpu.vector_load %arg7[%swap3A_366, %swap3A_367] {strides = array<i32>} : memref<32x1024xf32, #tpu.memory_space<vmem>>, vector<1x16xf32>,
        %swap3A_369 = vector.shape_cast %swap3A_368 : vector<1x16xf32> to vector<16xf32>
        %swap3A_370 = vector.shape_cast %broadcast_in_dim3A_20 : vector<16xf32> to vector<1x16xf32>
        tpu.vector_store %arg7[%swap3A_366, %swap3A_367], %swap3A_370 {strides = array<i32>} : memref<32x1024xf32, #tpu.memory_space<vmem>>, vector<1x16xf32>,
        %swap3A_371 = arith.index_cast %while3A_126 : i32 to index
        %swap3A_372 = arith.constant 784 : index
        %swap3A_373 = tpu.vector_load %arg7[%swap3A_371, %swap3A_372] {strides = array<i32>} : memref<32x1024xf32, #tpu.memory_space<vmem>>, vector<1x16xf32>,
        %swap3A_374 = vector.shape_cast %swap3A_373 : vector<1x16xf32> to vector<16xf32>
        %swap3A_375 = vector.shape_cast %broadcast_in_dim3A_20 : vector<16xf32> to vector<1x16xf32>
        tpu.vector_store %arg7[%swap3A_371, %swap3A_372], %swap3A_375 {strides = array<i32>} : memref<32x1024xf32, #tpu.memory_space<vmem>>, vector<1x16xf32>,
        %swap3A_376 = arith.index_cast %while3A_126 : i32 to index
        %swap3A_377 = arith.constant 800 : index
        %swap3A_378 = tpu.vector_load %arg7[%swap3A_376, %swap3A_377] {strides = array<i32>} : memref<32x1024xf32, #tpu.memory_space<vmem>>, vector<1x16xf32>,
        %swap3A_379 = vector.shape_cast %swap3A_378 : vector<1x16xf32> to vector<16xf32>
        %swap3A_380 = vector.shape_cast %broadcast_in_dim3A_20 : vector<16xf32> to vector<1x16xf32>
        tpu.vector_store %arg7[%swap3A_376, %swap3A_377], %swap3A_380 {strides = array<i32>} : memref<32x1024xf32, #tpu.memory_space<vmem>>, vector<1x16xf32>,
        %swap3A_381 = arith.index_cast %while3A_126 : i32 to index
        %swap3A_382 = arith.constant 816 : index
        %swap3A_383 = tpu.vector_load %arg7[%swap3A_381, %swap3A_382] {strides = array<i32>} : memref<32x1024xf32, #tpu.memory_space<vmem>>, vector<1x16xf32>,
        %swap3A_384 = vector.shape_cast %swap3A_383 : vector<1x16xf32> to vector<16xf32>
        %swap3A_385 = vector.shape_cast %broadcast_in_dim3A_20 : vector<16xf32> to vector<1x16xf32>
        tpu.vector_store %arg7[%swap3A_381, %swap3A_382], %swap3A_385 {strides = array<i32>} : memref<32x1024xf32, #tpu.memory_space<vmem>>, vector<1x16xf32>,
        %swap3A_386 = arith.index_cast %while3A_126 : i32 to index
        %swap3A_387 = arith.constant 832 : index
        %swap3A_388 = tpu.vector_load %arg7[%swap3A_386, %swap3A_387] {strides = array<i32>} : memref<32x1024xf32, #tpu.memory_space<vmem>>, vector<1x16xf32>,
        %swap3A_389 = vector.shape_cast %swap3A_388 : vector<1x16xf32> to vector<16xf32>
        %swap3A_390 = vector.shape_cast %broadcast_in_dim3A_20 : vector<16xf32> to vector<1x16xf32>
        tpu.vector_store %arg7[%swap3A_386, %swap3A_387], %swap3A_390 {strides = array<i32>} : memref<32x1024xf32, #tpu.memory_space<vmem>>, vector<1x16xf32>,
        %swap3A_391 = arith.index_cast %while3A_126 : i32 to index
        %swap3A_392 = arith.constant 848 : index
        %swap3A_393 = tpu.vector_load %arg7[%swap3A_391, %swap3A_392] {strides = array<i32>} : memref<32x1024xf32, #tpu.memory_space<vmem>>, vector<1x16xf32>,
        %swap3A_394 = vector.shape_cast %swap3A_393 : vector<1x16xf32> to vector<16xf32>
        %swap3A_395 = vector.shape_cast %broadcast_in_dim3A_20 : vector<16xf32> to vector<1x16xf32>
        tpu.vector_store %arg7[%swap3A_391, %swap3A_392], %swap3A_395 {strides = array<i32>} : memref<32x1024xf32, #tpu.memory_space<vmem>>, vector<1x16xf32>,
        %swap3A_396 = arith.index_cast %while3A_126 : i32 to index
        %swap3A_397 = arith.constant 864 : index
        %swap3A_398 = tpu.vector_load %arg7[%swap3A_396, %swap3A_397] {strides = array<i32>} : memref<32x1024xf32, #tpu.memory_space<vmem>>, vector<1x16xf32>,
        %swap3A_399 = vector.shape_cast %swap3A_398 : vector<1x16xf32> to vector<16xf32>
        %swap3A_400 = vector.shape_cast %broadcast_in_dim3A_20 : vector<16xf32> to vector<1x16xf32>
        tpu.vector_store %arg7[%swap3A_396, %swap3A_397], %swap3A_400 {strides = array<i32>} : memref<32x1024xf32, #tpu.memory_space<vmem>>, vector<1x16xf32>,
        %swap3A_401 = arith.index_cast %while3A_126 : i32 to index
        %swap3A_402 = arith.constant 880 : index
        %swap3A_403 = tpu.vector_load %arg7[%swap3A_401, %swap3A_402] {strides = array<i32>} : memref<32x1024xf32, #tpu.memory_space<vmem>>, vector<1x16xf32>,
        %swap3A_404 = vector.shape_cast %swap3A_403 : vector<1x16xf32> to vector<16xf32>
        %swap3A_405 = vector.shape_cast %broadcast_in_dim3A_20 : vector<16xf32> to vector<1x16xf32>
        tpu.vector_store %arg7[%swap3A_401, %swap3A_402], %swap3A_405 {strides = array<i32>} : memref<32x1024xf32, #tpu.memory_space<vmem>>, vector<1x16xf32>,
        %swap3A_406 = arith.index_cast %while3A_126 : i32 to index
        %swap3A_407 = arith.constant 896 : index
        %swap3A_408 = tpu.vector_load %arg7[%swap3A_406, %swap3A_407] {strides = array<i32>} : memref<32x1024xf32, #tpu.memory_space<vmem>>, vector<1x16xf32>,
        %swap3A_409 = vector.shape_cast %swap3A_408 : vector<1x16xf32> to vector<16xf32>
        %swap3A_410 = vector.shape_cast %broadcast_in_dim3A_20 : vector<16xf32> to vector<1x16xf32>
        tpu.vector_store %arg7[%swap3A_406, %swap3A_407], %swap3A_410 {strides = array<i32>} : memref<32x1024xf32, #tpu.memory_space<vmem>>, vector<1x16xf32>,
        %swap3A_411 = arith.index_cast %while3A_126 : i32 to index
        %swap3A_412 = arith.constant 912 : index
        %swap3A_413 = tpu.vector_load %arg7[%swap3A_411, %swap3A_412] {strides = array<i32>} : memref<32x1024xf32, #tpu.memory_space<vmem>>, vector<1x16xf32>,
        %swap3A_414 = vector.shape_cast %swap3A_413 : vector<1x16xf32> to vector<16xf32>
        %swap3A_415 = vector.shape_cast %broadcast_in_dim3A_20 : vector<16xf32> to vector<1x16xf32>
        tpu.vector_store %arg7[%swap3A_411, %swap3A_412], %swap3A_415 {strides = array<i32>} : memref<32x1024xf32, #tpu.memory_space<vmem>>, vector<1x16xf32>,
        %swap3A_416 = arith.index_cast %while3A_126 : i32 to index
        %swap3A_417 = arith.constant 928 : index
        %swap3A_418 = tpu.vector_load %arg7[%swap3A_416, %swap3A_417] {strides = array<i32>} : memref<32x1024xf32, #tpu.memory_space<vmem>>, vector<1x16xf32>,
        %swap3A_419 = vector.shape_cast %swap3A_418 : vector<1x16xf32> to vector<16xf32>
        %swap3A_420 = vector.shape_cast %broadcast_in_dim3A_20 : vector<16xf32> to vector<1x16xf32>
        tpu.vector_store %arg7[%swap3A_416, %swap3A_417], %swap3A_420 {strides = array<i32>} : memref<32x1024xf32, #tpu.memory_space<vmem>>, vector<1x16xf32>,
        %swap3A_421 = arith.index_cast %while3A_126 : i32 to index
        %swap3A_422 = arith.constant 944 : index
        %swap3A_423 = tpu.vector_load %arg7[%swap3A_421, %swap3A_422] {strides = array<i32>} : memref<32x1024xf32, #tpu.memory_space<vmem>>, vector<1x16xf32>,
        %swap3A_424 = vector.shape_cast %swap3A_423 : vector<1x16xf32> to vector<16xf32>
        %swap3A_425 = vector.shape_cast %broadcast_in_dim3A_20 : vector<16xf32> to vector<1x16xf32>
        tpu.vector_store %arg7[%swap3A_421, %swap3A_422], %swap3A_425 {strides = array<i32>} : memref<32x1024xf32, #tpu.memory_space<vmem>>, vector<1x16xf32>,
        %swap3A_426 = arith.index_cast %while3A_126 : i32 to index
        %swap3A_427 = arith.constant 960 : index
        %swap3A_428 = tpu.vector_load %arg7[%swap3A_426, %swap3A_427] {strides = array<i32>} : memref<32x1024xf32, #tpu.memory_space<vmem>>, vector<1x16xf32>,
        %swap3A_429 = vector.shape_cast %swap3A_428 : vector<1x16xf32> to vector<16xf32>
        %swap3A_430 = vector.shape_cast %broadcast_in_dim3A_20 : vector<16xf32> to vector<1x16xf32>
        tpu.vector_store %arg7[%swap3A_426, %swap3A_427], %swap3A_430 {strides = array<i32>} : memref<32x1024xf32, #tpu.memory_space<vmem>>, vector<1x16xf32>,
        %swap3A_431 = arith.index_cast %while3A_126 : i32 to index
        %swap3A_432 = arith.constant 976 : index
        %swap3A_433 = tpu.vector_load %arg7[%swap3A_431, %swap3A_432] {strides = array<i32>} : memref<32x1024xf32, #tpu.memory_space<vmem>>, vector<1x16xf32>,
        %swap3A_434 = vector.shape_cast %swap3A_433 : vector<1x16xf32> to vector<16xf32>
        %swap3A_435 = vector.shape_cast %broadcast_in_dim3A_20 : vector<16xf32> to vector<1x16xf32>
        tpu.vector_store %arg7[%swap3A_431, %swap3A_432], %swap3A_435 {strides = array<i32>} : memref<32x1024xf32, #tpu.memory_space<vmem>>, vector<1x16xf32>,
        %swap3A_436 = arith.index_cast %while3A_126 : i32 to index
        %swap3A_437 = arith.constant 992 : index
        %swap3A_438 = tpu.vector_load %arg7[%swap3A_436, %swap3A_437] {strides = array<i32>} : memref<32x1024xf32, #tpu.memory_space<vmem>>, vector<1x16xf32>,
        %swap3A_439 = vector.shape_cast %swap3A_438 : vector<1x16xf32> to vector<16xf32>
        %swap3A_440 = vector.shape_cast %broadcast_in_dim3A_20 : vector<16xf32> to vector<1x16xf32>
        tpu.vector_store %arg7[%swap3A_436, %swap3A_437], %swap3A_440 {strides = array<i32>} : memref<32x1024xf32, #tpu.memory_space<vmem>>, vector<1x16xf32>,
        %swap3A_441 = arith.index_cast %while3A_126 : i32 to index
        %swap3A_442 = arith.constant 1008 : index
        %swap3A_443 = tpu.vector_load %arg7[%swap3A_441, %swap3A_442] {strides = array<i32>} : memref<32x1024xf32, #tpu.memory_space<vmem>>, vector<1x16xf32>,
        %swap3A_444 = vector.shape_cast %swap3A_443 : vector<1x16xf32> to vector<16xf32>
        %swap3A_445 = vector.shape_cast %broadcast_in_dim3A_20 : vector<16xf32> to vector<1x16xf32>
        tpu.vector_store %arg7[%swap3A_441, %swap3A_442], %swap3A_445 {strides = array<i32>} : memref<32x1024xf32, #tpu.memory_space<vmem>>, vector<1x16xf32>,
      }
    } else {
    }
    %dma_start3A_53 = arith.constant 0 : i32
    %dma_start3A_54 = tpu.memref_slice %arg4[%add3A_6, %dma_start3A_53] : memref<4096x1024xf32, #tpu.memory_space<hbm>> -> memref<32x1024xf32, #tpu.memory_space<hbm>>
    %dma_start3A_55 = arith.constant 0 : i32
    %dma_start3A_56 = tpu.memref_slice %arg4[%add3A_6, %dma_start3A_55] : memref<4096x1024xf32, #tpu.memory_space<hbm>> -> memref<32x1024xf32, #tpu.memory_space<hbm>>
    tpu.enqueue_dma source(%arg7 : memref<32x1024xf32, #tpu.memory_space<vmem>>) target(%dma_start3A_56 : memref<32x1024xf32, #tpu.memory_space<hbm>>) target_semaphore(%arg13 : memref<!tpu.dma_semaphore, #tpu.memory_space<semaphore_mem>>)
    %dma_wait3A_57 = arith.constant 0 : i32
    %dma_wait3A_58 = tpu.memref_slice %arg4[%add3A_4, %dma_wait3A_57] : memref<4096x1024xf32, #tpu.memory_space<hbm>> -> memref<32x1024xf32, #tpu.memory_space<hbm>>
    %dma_wait3A_59 = arith.constant 0 : i32
    %dma_wait3A_60 = tpu.memref_slice %arg4[%add3A_4, %dma_wait3A_59] : memref<4096x1024xf32, #tpu.memory_space<hbm>> -> memref<32x1024xf32, #tpu.memory_space<hbm>>
    tpu.wait_dma2 semaphore(%arg12 : memref<!tpu.dma_semaphore, #tpu.memory_space<semaphore_mem>>) src(%arg6 : memref<32x1024xf32, #tpu.memory_space<vmem>>) dst(%dma_wait3A_60 : memref<32x1024xf32, #tpu.memory_space<hbm>>)
    %dma_start3A_61 = arith.constant 0 : i32
    %dma_start3A_62 = tpu.memref_slice %arg3[%add3A_10, %dma_start3A_61] : memref<8192x1024xf32, #tpu.memory_space<hbm>> -> memref<32x1024xf32, #tpu.memory_space<hbm>>
    %dma_start3A_63 = arith.constant 0 : i32
    %dma_start3A_64 = tpu.memref_slice %arg3[%add3A_10, %dma_start3A_63] : memref<8192x1024xf32, #tpu.memory_space<hbm>> -> memref<32x1024xf32, #tpu.memory_space<hbm>>
    tpu.enqueue_dma source(%dma_start3A_64 : memref<32x1024xf32, #tpu.memory_space<hbm>>) target(%arg6 : memref<32x1024xf32, #tpu.memory_space<vmem>>) target_semaphore(%arg9 : memref<!tpu.dma_semaphore, #tpu.memory_space<semaphore_mem>>)
    %dma_wait3A_65 = arith.constant 0 : i32
    %dma_wait3A_66 = tpu.memref_slice %arg3[%add3A_8, %dma_wait3A_65] : memref<8192x1024xf32, #tpu.memory_space<hbm>> -> memref<32x1024xf32, #tpu.memory_space<hbm>>
    %dma_wait3A_67 = arith.constant 0 : i32
    %dma_wait3A_68 = tpu.memref_slice %arg3[%add3A_8, %dma_wait3A_67] : memref<8192x1024xf32, #tpu.memory_space<hbm>> -> memref<32x1024xf32, #tpu.memory_space<hbm>>
    tpu.wait_dma2 semaphore(%arg11 : memref<!tpu.dma_semaphore, #tpu.memory_space<semaphore_mem>>) src(%dma_wait3A_68 : memref<32x1024xf32, #tpu.memory_space<hbm>>) dst(%arg8 : memref<32x1024xf32, #tpu.memory_space<vmem>>)
    %add3A_69 = arith.constant 64 : i32
    %add3A_70 = arith.addi %mul3A_2, %add3A_69 : i32
    %sub3A_71 = arith.subi %squeeze3A, %add3A_70 : i32
    %jit3A_72 = arith.constant 0 : i32
    %jit3A_73 = arith.constant 32 : i32
    %max3A_74 = arith.maxsi %jit3A_72, %sub3A_71 : i32
    %min3A_75 = arith.minsi %jit3A_73, %max3A_74 : i32
    %lt3A_76 = arith.constant 32 : i32
    %lt3A_77 = arith.cmpi slt, %min3A_75, %lt3A_76 : i32
    %convert_element_type3A_78 = arith.extui %lt3A_77 : i1 to i32
    %cond3A_79 = arith.constant 0 : i32
    %cond3A_80 = arith.cmpi ne, %convert_element_type3A_78, %cond3A_79 : i32
    scf.if %cond3A_80 {
      %while3A = arith.constant 0 : i32
      %while3A_117 = arith.constant 32 : i32
      %while3A_118 = arith.subi %while3A_117, %min3A_75 : i32
      %while3A_119 = arith.addi %min3A_75, %while3A_118 : i32
      %while3A_120 = arith.constant 1 : i32
      %while3A_121 = arith.divsi %while3A_118, %while3A_120 : i32
      %while3A_122 = arith.muli %while3A_121, %while3A_120 : i32
      %while3A_123 = arith.addi %min3A_75, %while3A_122 : i32
      %while3A_124 = arith.constant 1 : i32
      scf.for %while3A_126 = %min3A_75 to %while3A_123 step %while3A_124  : i32 {
        %swap3A = arith.index_cast %while3A_126 : i32 to index
        %swap3A_127 = arith.constant 0 : index
        %swap3A_128 = tpu.vector_load %arg8[%swap3A, %swap3A_127] {strides = array<i32>} : memref<32x1024xf32, #tpu.memory_space<vmem>>, vector<1x16xf32>,
        %swap3A_129 = vector.shape_cast %swap3A_128 : vector<1x16xf32> to vector<16xf32>
        %swap3A_130 = vector.shape_cast %broadcast_in_dim3A_20 : vector<16xf32> to vector<1x16xf32>
        tpu.vector_store %arg8[%swap3A, %swap3A_127], %swap3A_130 {strides = array<i32>} : memref<32x1024xf32, #tpu.memory_space<vmem>>, vector<1x16xf32>,
        %swap3A_131 = arith.index_cast %while3A_126 : i32 to index
        %swap3A_132 = arith.constant 16 : index
        %swap3A_133 = tpu.vector_load %arg8[%swap3A_131, %swap3A_132] {strides = array<i32>} : memref<32x1024xf32, #tpu.memory_space<vmem>>, vector<1x16xf32>,
        %swap3A_134 = vector.shape_cast %swap3A_133 : vector<1x16xf32> to vector<16xf32>
        %swap3A_135 = vector.shape_cast %broadcast_in_dim3A_20 : vector<16xf32> to vector<1x16xf32>
        tpu.vector_store %arg8[%swap3A_131, %swap3A_132], %swap3A_135 {strides = array<i32>} : memref<32x1024xf32, #tpu.memory_space<vmem>>, vector<1x16xf32>,
        %swap3A_136 = arith.index_cast %while3A_126 : i32 to index
        %swap3A_137 = arith.constant 32 : index
        %swap3A_138 = tpu.vector_load %arg8[%swap3A_136, %swap3A_137] {strides = array<i32>} : memref<32x1024xf32, #tpu.memory_space<vmem>>, vector<1x16xf32>,
        %swap3A_139 = vector.shape_cast %swap3A_138 : vector<1x16xf32> to vector<16xf32>
        %swap3A_140 = vector.shape_cast %broadcast_in_dim3A_20 : vector<16xf32> to vector<1x16xf32>
        tpu.vector_store %arg8[%swap3A_136, %swap3A_137], %swap3A_140 {strides = array<i32>} : memref<32x1024xf32, #tpu.memory_space<vmem>>, vector<1x16xf32>,
        %swap3A_141 = arith.index_cast %while3A_126 : i32 to index
        %swap3A_142 = arith.constant 48 : index
        %swap3A_143 = tpu.vector_load %arg8[%swap3A_141, %swap3A_142] {strides = array<i32>} : memref<32x1024xf32, #tpu.memory_space<vmem>>, vector<1x16xf32>,
        %swap3A_144 = vector.shape_cast %swap3A_143 : vector<1x16xf32> to vector<16xf32>
        %swap3A_145 = vector.shape_cast %broadcast_in_dim3A_20 : vector<16xf32> to vector<1x16xf32>
        tpu.vector_store %arg8[%swap3A_141, %swap3A_142], %swap3A_145 {strides = array<i32>} : memref<32x1024xf32, #tpu.memory_space<vmem>>, vector<1x16xf32>,
        %swap3A_146 = arith.index_cast %while3A_126 : i32 to index
        %swap3A_147 = arith.constant 64 : index
        %swap3A_148 = tpu.vector_load %arg8[%swap3A_146, %swap3A_147] {strides = array<i32>} : memref<32x1024xf32, #tpu.memory_space<vmem>>, vector<1x16xf32>,
        %swap3A_149 = vector.shape_cast %swap3A_148 : vector<1x16xf32> to vector<16xf32>
        %swap3A_150 = vector.shape_cast %broadcast_in_dim3A_20 : vector<16xf32> to vector<1x16xf32>
        tpu.vector_store %arg8[%swap3A_146, %swap3A_147], %swap3A_150 {strides = array<i32>} : memref<32x1024xf32, #tpu.memory_space<vmem>>, vector<1x16xf32>,
        %swap3A_151 = arith.index_cast %while3A_126 : i32 to index
        %swap3A_152 = arith.constant 80 : index
        %swap3A_153 = tpu.vector_load %arg8[%swap3A_151, %swap3A_152] {strides = array<i32>} : memref<32x1024xf32, #tpu.memory_space<vmem>>, vector<1x16xf32>,
        %swap3A_154 = vector.shape_cast %swap3A_153 : vector<1x16xf32> to vector<16xf32>
        %swap3A_155 = vector.shape_cast %broadcast_in_dim3A_20 : vector<16xf32> to vector<1x16xf32>
        tpu.vector_store %arg8[%swap3A_151, %swap3A_152], %swap3A_155 {strides = array<i32>} : memref<32x1024xf32, #tpu.memory_space<vmem>>, vector<1x16xf32>,
        %swap3A_156 = arith.index_cast %while3A_126 : i32 to index
        %swap3A_157 = arith.constant 96 : index
        %swap3A_158 = tpu.vector_load %arg8[%swap3A_156, %swap3A_157] {strides = array<i32>} : memref<32x1024xf32, #tpu.memory_space<vmem>>, vector<1x16xf32>,
        %swap3A_159 = vector.shape_cast %swap3A_158 : vector<1x16xf32> to vector<16xf32>
        %swap3A_160 = vector.shape_cast %broadcast_in_dim3A_20 : vector<16xf32> to vector<1x16xf32>
        tpu.vector_store %arg8[%swap3A_156, %swap3A_157], %swap3A_160 {strides = array<i32>} : memref<32x1024xf32, #tpu.memory_space<vmem>>, vector<1x16xf32>,
        %swap3A_161 = arith.index_cast %while3A_126 : i32 to index
        %swap3A_162 = arith.constant 112 : index
        %swap3A_163 = tpu.vector_load %arg8[%swap3A_161, %swap3A_162] {strides = array<i32>} : memref<32x1024xf32, #tpu.memory_space<vmem>>, vector<1x16xf32>,
        %swap3A_164 = vector.shape_cast %swap3A_163 : vector<1x16xf32> to vector<16xf32>
        %swap3A_165 = vector.shape_cast %broadcast_in_dim3A_20 : vector<16xf32> to vector<1x16xf32>
        tpu.vector_store %arg8[%swap3A_161, %swap3A_162], %swap3A_165 {strides = array<i32>} : memref<32x1024xf32, #tpu.memory_space<vmem>>, vector<1x16xf32>,
        %swap3A_166 = arith.index_cast %while3A_126 : i32 to index
        %swap3A_167 = arith.constant 128 : index
        %swap3A_168 = tpu.vector_load %arg8[%swap3A_166, %swap3A_167] {strides = array<i32>} : memref<32x1024xf32, #tpu.memory_space<vmem>>, vector<1x16xf32>,
        %swap3A_169 = vector.shape_cast %swap3A_168 : vector<1x16xf32> to vector<16xf32>
        %swap3A_170 = vector.shape_cast %broadcast_in_dim3A_20 : vector<16xf32> to vector<1x16xf32>
        tpu.vector_store %arg8[%swap3A_166, %swap3A_167], %swap3A_170 {strides = array<i32>} : memref<32x1024xf32, #tpu.memory_space<vmem>>, vector<1x16xf32>,
        %swap3A_171 = arith.index_cast %while3A_126 : i32 to index
        %swap3A_172 = arith.constant 144 : index
        %swap3A_173 = tpu.vector_load %arg8[%swap3A_171, %swap3A_172] {strides = array<i32>} : memref<32x1024xf32, #tpu.memory_space<vmem>>, vector<1x16xf32>,
        %swap3A_174 = vector.shape_cast %swap3A_173 : vector<1x16xf32> to vector<16xf32>
        %swap3A_175 = vector.shape_cast %broadcast_in_dim3A_20 : vector<16xf32> to vector<1x16xf32>
        tpu.vector_store %arg8[%swap3A_171, %swap3A_172], %swap3A_175 {strides = array<i32>} : memref<32x1024xf32, #tpu.memory_space<vmem>>, vector<1x16xf32>,
        %swap3A_176 = arith.index_cast %while3A_126 : i32 to index
        %swap3A_177 = arith.constant 160 : index
        %swap3A_178 = tpu.vector_load %arg8[%swap3A_176, %swap3A_177] {strides = array<i32>} : memref<32x1024xf32, #tpu.memory_space<vmem>>, vector<1x16xf32>,
        %swap3A_179 = vector.shape_cast %swap3A_178 : vector<1x16xf32> to vector<16xf32>
        %swap3A_180 = vector.shape_cast %broadcast_in_dim3A_20 : vector<16xf32> to vector<1x16xf32>
        tpu.vector_store %arg8[%swap3A_176, %swap3A_177], %swap3A_180 {strides = array<i32>} : memref<32x1024xf32, #tpu.memory_space<vmem>>, vector<1x16xf32>,
        %swap3A_181 = arith.index_cast %while3A_126 : i32 to index
        %swap3A_182 = arith.constant 176 : index
        %swap3A_183 = tpu.vector_load %arg8[%swap3A_181, %swap3A_182] {strides = array<i32>} : memref<32x1024xf32, #tpu.memory_space<vmem>>, vector<1x16xf32>,
        %swap3A_184 = vector.shape_cast %swap3A_183 : vector<1x16xf32> to vector<16xf32>
        %swap3A_185 = vector.shape_cast %broadcast_in_dim3A_20 : vector<16xf32> to vector<1x16xf32>
        tpu.vector_store %arg8[%swap3A_181, %swap3A_182], %swap3A_185 {strides = array<i32>} : memref<32x1024xf32, #tpu.memory_space<vmem>>, vector<1x16xf32>,
        %swap3A_186 = arith.index_cast %while3A_126 : i32 to index
        %swap3A_187 = arith.constant 192 : index
        %swap3A_188 = tpu.vector_load %arg8[%swap3A_186, %swap3A_187] {strides = array<i32>} : memref<32x1024xf32, #tpu.memory_space<vmem>>, vector<1x16xf32>,
        %swap3A_189 = vector.shape_cast %swap3A_188 : vector<1x16xf32> to vector<16xf32>
        %swap3A_190 = vector.shape_cast %broadcast_in_dim3A_20 : vector<16xf32> to vector<1x16xf32>
        tpu.vector_store %arg8[%swap3A_186, %swap3A_187], %swap3A_190 {strides = array<i32>} : memref<32x1024xf32, #tpu.memory_space<vmem>>, vector<1x16xf32>,
        %swap3A_191 = arith.index_cast %while3A_126 : i32 to index
        %swap3A_192 = arith.constant 208 : index
        %swap3A_193 = tpu.vector_load %arg8[%swap3A_191, %swap3A_192] {strides = array<i32>} : memref<32x1024xf32, #tpu.memory_space<vmem>>, vector<1x16xf32>,
        %swap3A_194 = vector.shape_cast %swap3A_193 : vector<1x16xf32> to vector<16xf32>
        %swap3A_195 = vector.shape_cast %broadcast_in_dim3A_20 : vector<16xf32> to vector<1x16xf32>
        tpu.vector_store %arg8[%swap3A_191, %swap3A_192], %swap3A_195 {strides = array<i32>} : memref<32x1024xf32, #tpu.memory_space<vmem>>, vector<1x16xf32>,
        %swap3A_196 = arith.index_cast %while3A_126 : i32 to index
        %swap3A_197 = arith.constant 224 : index
        %swap3A_198 = tpu.vector_load %arg8[%swap3A_196, %swap3A_197] {strides = array<i32>} : memref<32x1024xf32, #tpu.memory_space<vmem>>, vector<1x16xf32>,
        %swap3A_199 = vector.shape_cast %swap3A_198 : vector<1x16xf32> to vector<16xf32>
        %swap3A_200 = vector.shape_cast %broadcast_in_dim3A_20 : vector<16xf32> to vector<1x16xf32>
        tpu.vector_store %arg8[%swap3A_196, %swap3A_197], %swap3A_200 {strides = array<i32>} : memref<32x1024xf32, #tpu.memory_space<vmem>>, vector<1x16xf32>,
        %swap3A_201 = arith.index_cast %while3A_126 : i32 to index
        %swap3A_202 = arith.constant 240 : index
        %swap3A_203 = tpu.vector_load %arg8[%swap3A_201, %swap3A_202] {strides = array<i32>} : memref<32x1024xf32, #tpu.memory_space<vmem>>, vector<1x16xf32>,
        %swap3A_204 = vector.shape_cast %swap3A_203 : vector<1x16xf32> to vector<16xf32>
        %swap3A_205 = vector.shape_cast %broadcast_in_dim3A_20 : vector<16xf32> to vector<1x16xf32>
        tpu.vector_store %arg8[%swap3A_201, %swap3A_202], %swap3A_205 {strides = array<i32>} : memref<32x1024xf32, #tpu.memory_space<vmem>>, vector<1x16xf32>,
        %swap3A_206 = arith.index_cast %while3A_126 : i32 to index
        %swap3A_207 = arith.constant 256 : index
        %swap3A_208 = tpu.vector_load %arg8[%swap3A_206, %swap3A_207] {strides = array<i32>} : memref<32x1024xf32, #tpu.memory_space<vmem>>, vector<1x16xf32>,
        %swap3A_209 = vector.shape_cast %swap3A_208 : vector<1x16xf32> to vector<16xf32>
        %swap3A_210 = vector.shape_cast %broadcast_in_dim3A_20 : vector<16xf32> to vector<1x16xf32>
        tpu.vector_store %arg8[%swap3A_206, %swap3A_207], %swap3A_210 {strides = array<i32>} : memref<32x1024xf32, #tpu.memory_space<vmem>>, vector<1x16xf32>,
        %swap3A_211 = arith.index_cast %while3A_126 : i32 to index
        %swap3A_212 = arith.constant 272 : index
        %swap3A_213 = tpu.vector_load %arg8[%swap3A_211, %swap3A_212] {strides = array<i32>} : memref<32x1024xf32, #tpu.memory_space<vmem>>, vector<1x16xf32>,
        %swap3A_214 = vector.shape_cast %swap3A_213 : vector<1x16xf32> to vector<16xf32>
        %swap3A_215 = vector.shape_cast %broadcast_in_dim3A_20 : vector<16xf32> to vector<1x16xf32>
        tpu.vector_store %arg8[%swap3A_211, %swap3A_212], %swap3A_215 {strides = array<i32>} : memref<32x1024xf32, #tpu.memory_space<vmem>>, vector<1x16xf32>,
        %swap3A_216 = arith.index_cast %while3A_126 : i32 to index
        %swap3A_217 = arith.constant 288 : index
        %swap3A_218 = tpu.vector_load %arg8[%swap3A_216, %swap3A_217] {strides = array<i32>} : memref<32x1024xf32, #tpu.memory_space<vmem>>, vector<1x16xf32>,
        %swap3A_219 = vector.shape_cast %swap3A_218 : vector<1x16xf32> to vector<16xf32>
        %swap3A_220 = vector.shape_cast %broadcast_in_dim3A_20 : vector<16xf32> to vector<1x16xf32>
        tpu.vector_store %arg8[%swap3A_216, %swap3A_217], %swap3A_220 {strides = array<i32>} : memref<32x1024xf32, #tpu.memory_space<vmem>>, vector<1x16xf32>,
        %swap3A_221 = arith.index_cast %while3A_126 : i32 to index
        %swap3A_222 = arith.constant 304 : index
        %swap3A_223 = tpu.vector_load %arg8[%swap3A_221, %swap3A_222] {strides = array<i32>} : memref<32x1024xf32, #tpu.memory_space<vmem>>, vector<1x16xf32>,
        %swap3A_224 = vector.shape_cast %swap3A_223 : vector<1x16xf32> to vector<16xf32>
        %swap3A_225 = vector.shape_cast %broadcast_in_dim3A_20 : vector<16xf32> to vector<1x16xf32>
        tpu.vector_store %arg8[%swap3A_221, %swap3A_222], %swap3A_225 {strides = array<i32>} : memref<32x1024xf32, #tpu.memory_space<vmem>>, vector<1x16xf32>,
        %swap3A_226 = arith.index_cast %while3A_126 : i32 to index
        %swap3A_227 = arith.constant 320 : index
        %swap3A_228 = tpu.vector_load %arg8[%swap3A_226, %swap3A_227] {strides = array<i32>} : memref<32x1024xf32, #tpu.memory_space<vmem>>, vector<1x16xf32>,
        %swap3A_229 = vector.shape_cast %swap3A_228 : vector<1x16xf32> to vector<16xf32>
        %swap3A_230 = vector.shape_cast %broadcast_in_dim3A_20 : vector<16xf32> to vector<1x16xf32>
        tpu.vector_store %arg8[%swap3A_226, %swap3A_227], %swap3A_230 {strides = array<i32>} : memref<32x1024xf32, #tpu.memory_space<vmem>>, vector<1x16xf32>,
        %swap3A_231 = arith.index_cast %while3A_126 : i32 to index
        %swap3A_232 = arith.constant 336 : index
        %swap3A_233 = tpu.vector_load %arg8[%swap3A_231, %swap3A_232] {strides = array<i32>} : memref<32x1024xf32, #tpu.memory_space<vmem>>, vector<1x16xf32>,
        %swap3A_234 = vector.shape_cast %swap3A_233 : vector<1x16xf32> to vector<16xf32>
        %swap3A_235 = vector.shape_cast %broadcast_in_dim3A_20 : vector<16xf32> to vector<1x16xf32>
        tpu.vector_store %arg8[%swap3A_231, %swap3A_232], %swap3A_235 {strides = array<i32>} : memref<32x1024xf32, #tpu.memory_space<vmem>>, vector<1x16xf32>,
        %swap3A_236 = arith.index_cast %while3A_126 : i32 to index
        %swap3A_237 = arith.constant 352 : index
        %swap3A_238 = tpu.vector_load %arg8[%swap3A_236, %swap3A_237] {strides = array<i32>} : memref<32x1024xf32, #tpu.memory_space<vmem>>, vector<1x16xf32>,
        %swap3A_239 = vector.shape_cast %swap3A_238 : vector<1x16xf32> to vector<16xf32>
        %swap3A_240 = vector.shape_cast %broadcast_in_dim3A_20 : vector<16xf32> to vector<1x16xf32>
        tpu.vector_store %arg8[%swap3A_236, %swap3A_237], %swap3A_240 {strides = array<i32>} : memref<32x1024xf32, #tpu.memory_space<vmem>>, vector<1x16xf32>,
        %swap3A_241 = arith.index_cast %while3A_126 : i32 to index
        %swap3A_242 = arith.constant 368 : index
        %swap3A_243 = tpu.vector_load %arg8[%swap3A_241, %swap3A_242] {strides = array<i32>} : memref<32x1024xf32, #tpu.memory_space<vmem>>, vector<1x16xf32>,
        %swap3A_244 = vector.shape_cast %swap3A_243 : vector<1x16xf32> to vector<16xf32>
        %swap3A_245 = vector.shape_cast %broadcast_in_dim3A_20 : vector<16xf32> to vector<1x16xf32>
        tpu.vector_store %arg8[%swap3A_241, %swap3A_242], %swap3A_245 {strides = array<i32>} : memref<32x1024xf32, #tpu.memory_space<vmem>>, vector<1x16xf32>,
        %swap3A_246 = arith.index_cast %while3A_126 : i32 to index
        %swap3A_247 = arith.constant 384 : index
        %swap3A_248 = tpu.vector_load %arg8[%swap3A_246, %swap3A_247] {strides = array<i32>} : memref<32x1024xf32, #tpu.memory_space<vmem>>, vector<1x16xf32>,
        %swap3A_249 = vector.shape_cast %swap3A_248 : vector<1x16xf32> to vector<16xf32>
        %swap3A_250 = vector.shape_cast %broadcast_in_dim3A_20 : vector<16xf32> to vector<1x16xf32>
        tpu.vector_store %arg8[%swap3A_246, %swap3A_247], %swap3A_250 {strides = array<i32>} : memref<32x1024xf32, #tpu.memory_space<vmem>>, vector<1x16xf32>,
        %swap3A_251 = arith.index_cast %while3A_126 : i32 to index
        %swap3A_252 = arith.constant 400 : index
        %swap3A_253 = tpu.vector_load %arg8[%swap3A_251, %swap3A_252] {strides = array<i32>} : memref<32x1024xf32, #tpu.memory_space<vmem>>, vector<1x16xf32>,
        %swap3A_254 = vector.shape_cast %swap3A_253 : vector<1x16xf32> to vector<16xf32>
        %swap3A_255 = vector.shape_cast %broadcast_in_dim3A_20 : vector<16xf32> to vector<1x16xf32>
        tpu.vector_store %arg8[%swap3A_251, %swap3A_252], %swap3A_255 {strides = array<i32>} : memref<32x1024xf32, #tpu.memory_space<vmem>>, vector<1x16xf32>,
        %swap3A_256 = arith.index_cast %while3A_126 : i32 to index
        %swap3A_257 = arith.constant 416 : index
        %swap3A_258 = tpu.vector_load %arg8[%swap3A_256, %swap3A_257] {strides = array<i32>} : memref<32x1024xf32, #tpu.memory_space<vmem>>, vector<1x16xf32>,
        %swap3A_259 = vector.shape_cast %swap3A_258 : vector<1x16xf32> to vector<16xf32>
        %swap3A_260 = vector.shape_cast %broadcast_in_dim3A_20 : vector<16xf32> to vector<1x16xf32>
        tpu.vector_store %arg8[%swap3A_256, %swap3A_257], %swap3A_260 {strides = array<i32>} : memref<32x1024xf32, #tpu.memory_space<vmem>>, vector<1x16xf32>,
        %swap3A_261 = arith.index_cast %while3A_126 : i32 to index
        %swap3A_262 = arith.constant 432 : index
        %swap3A_263 = tpu.vector_load %arg8[%swap3A_261, %swap3A_262] {strides = array<i32>} : memref<32x1024xf32, #tpu.memory_space<vmem>>, vector<1x16xf32>,
        %swap3A_264 = vector.shape_cast %swap3A_263 : vector<1x16xf32> to vector<16xf32>
        %swap3A_265 = vector.shape_cast %broadcast_in_dim3A_20 : vector<16xf32> to vector<1x16xf32>
        tpu.vector_store %arg8[%swap3A_261, %swap3A_262], %swap3A_265 {strides = array<i32>} : memref<32x1024xf32, #tpu.memory_space<vmem>>, vector<1x16xf32>,
        %swap3A_266 = arith.index_cast %while3A_126 : i32 to index
        %swap3A_267 = arith.constant 448 : index
        %swap3A_268 = tpu.vector_load %arg8[%swap3A_266, %swap3A_267] {strides = array<i32>} : memref<32x1024xf32, #tpu.memory_space<vmem>>, vector<1x16xf32>,
        %swap3A_269 = vector.shape_cast %swap3A_268 : vector<1x16xf32> to vector<16xf32>
        %swap3A_270 = vector.shape_cast %broadcast_in_dim3A_20 : vector<16xf32> to vector<1x16xf32>
        tpu.vector_store %arg8[%swap3A_266, %swap3A_267], %swap3A_270 {strides = array<i32>} : memref<32x1024xf32, #tpu.memory_space<vmem>>, vector<1x16xf32>,
        %swap3A_271 = arith.index_cast %while3A_126 : i32 to index
        %swap3A_272 = arith.constant 464 : index
        %swap3A_273 = tpu.vector_load %arg8[%swap3A_271, %swap3A_272] {strides = array<i32>} : memref<32x1024xf32, #tpu.memory_space<vmem>>, vector<1x16xf32>,
        %swap3A_274 = vector.shape_cast %swap3A_273 : vector<1x16xf32> to vector<16xf32>
        %swap3A_275 = vector.shape_cast %broadcast_in_dim3A_20 : vector<16xf32> to vector<1x16xf32>
        tpu.vector_store %arg8[%swap3A_271, %swap3A_272], %swap3A_275 {strides = array<i32>} : memref<32x1024xf32, #tpu.memory_space<vmem>>, vector<1x16xf32>,
        %swap3A_276 = arith.index_cast %while3A_126 : i32 to index
        %swap3A_277 = arith.constant 480 : index
        %swap3A_278 = tpu.vector_load %arg8[%swap3A_276, %swap3A_277] {strides = array<i32>} : memref<32x1024xf32, #tpu.memory_space<vmem>>, vector<1x16xf32>,
        %swap3A_279 = vector.shape_cast %swap3A_278 : vector<1x16xf32> to vector<16xf32>
        %swap3A_280 = vector.shape_cast %broadcast_in_dim3A_20 : vector<16xf32> to vector<1x16xf32>
        tpu.vector_store %arg8[%swap3A_276, %swap3A_277], %swap3A_280 {strides = array<i32>} : memref<32x1024xf32, #tpu.memory_space<vmem>>, vector<1x16xf32>,
        %swap3A_281 = arith.index_cast %while3A_126 : i32 to index
        %swap3A_282 = arith.constant 496 : index
        %swap3A_283 = tpu.vector_load %arg8[%swap3A_281, %swap3A_282] {strides = array<i32>} : memref<32x1024xf32, #tpu.memory_space<vmem>>, vector<1x16xf32>,
        %swap3A_284 = vector.shape_cast %swap3A_283 : vector<1x16xf32> to vector<16xf32>
        %swap3A_285 = vector.shape_cast %broadcast_in_dim3A_20 : vector<16xf32> to vector<1x16xf32>
        tpu.vector_store %arg8[%swap3A_281, %swap3A_282], %swap3A_285 {strides = array<i32>} : memref<32x1024xf32, #tpu.memory_space<vmem>>, vector<1x16xf32>,
        %swap3A_286 = arith.index_cast %while3A_126 : i32 to index
        %swap3A_287 = arith.constant 512 : index
        %swap3A_288 = tpu.vector_load %arg8[%swap3A_286, %swap3A_287] {strides = array<i32>} : memref<32x1024xf32, #tpu.memory_space<vmem>>, vector<1x16xf32>,
        %swap3A_289 = vector.shape_cast %swap3A_288 : vector<1x16xf32> to vector<16xf32>
        %swap3A_290 = vector.shape_cast %broadcast_in_dim3A_20 : vector<16xf32> to vector<1x16xf32>
        tpu.vector_store %arg8[%swap3A_286, %swap3A_287], %swap3A_290 {strides = array<i32>} : memref<32x1024xf32, #tpu.memory_space<vmem>>, vector<1x16xf32>,
        %swap3A_291 = arith.index_cast %while3A_126 : i32 to index
        %swap3A_292 = arith.constant 528 : index
        %swap3A_293 = tpu.vector_load %arg8[%swap3A_291, %swap3A_292] {strides = array<i32>} : memref<32x1024xf32, #tpu.memory_space<vmem>>, vector<1x16xf32>,
        %swap3A_294 = vector.shape_cast %swap3A_293 : vector<1x16xf32> to vector<16xf32>
        %swap3A_295 = vector.shape_cast %broadcast_in_dim3A_20 : vector<16xf32> to vector<1x16xf32>
        tpu.vector_store %arg8[%swap3A_291, %swap3A_292], %swap3A_295 {strides = array<i32>} : memref<32x1024xf32, #tpu.memory_space<vmem>>, vector<1x16xf32>,
        %swap3A_296 = arith.index_cast %while3A_126 : i32 to index
        %swap3A_297 = arith.constant 544 : index
        %swap3A_298 = tpu.vector_load %arg8[%swap3A_296, %swap3A_297] {strides = array<i32>} : memref<32x1024xf32, #tpu.memory_space<vmem>>, vector<1x16xf32>,
        %swap3A_299 = vector.shape_cast %swap3A_298 : vector<1x16xf32> to vector<16xf32>
        %swap3A_300 = vector.shape_cast %broadcast_in_dim3A_20 : vector<16xf32> to vector<1x16xf32>
        tpu.vector_store %arg8[%swap3A_296, %swap3A_297], %swap3A_300 {strides = array<i32>} : memref<32x1024xf32, #tpu.memory_space<vmem>>, vector<1x16xf32>,
        %swap3A_301 = arith.index_cast %while3A_126 : i32 to index
        %swap3A_302 = arith.constant 560 : index
        %swap3A_303 = tpu.vector_load %arg8[%swap3A_301, %swap3A_302] {strides = array<i32>} : memref<32x1024xf32, #tpu.memory_space<vmem>>, vector<1x16xf32>,
        %swap3A_304 = vector.shape_cast %swap3A_303 : vector<1x16xf32> to vector<16xf32>
        %swap3A_305 = vector.shape_cast %broadcast_in_dim3A_20 : vector<16xf32> to vector<1x16xf32>
        tpu.vector_store %arg8[%swap3A_301, %swap3A_302], %swap3A_305 {strides = array<i32>} : memref<32x1024xf32, #tpu.memory_space<vmem>>, vector<1x16xf32>,
        %swap3A_306 = arith.index_cast %while3A_126 : i32 to index
        %swap3A_307 = arith.constant 576 : index
        %swap3A_308 = tpu.vector_load %arg8[%swap3A_306, %swap3A_307] {strides = array<i32>} : memref<32x1024xf32, #tpu.memory_space<vmem>>, vector<1x16xf32>,
        %swap3A_309 = vector.shape_cast %swap3A_308 : vector<1x16xf32> to vector<16xf32>
        %swap3A_310 = vector.shape_cast %broadcast_in_dim3A_20 : vector<16xf32> to vector<1x16xf32>
        tpu.vector_store %arg8[%swap3A_306, %swap3A_307], %swap3A_310 {strides = array<i32>} : memref<32x1024xf32, #tpu.memory_space<vmem>>, vector<1x16xf32>,
        %swap3A_311 = arith.index_cast %while3A_126 : i32 to index
        %swap3A_312 = arith.constant 592 : index
        %swap3A_313 = tpu.vector_load %arg8[%swap3A_311, %swap3A_312] {strides = array<i32>} : memref<32x1024xf32, #tpu.memory_space<vmem>>, vector<1x16xf32>,
        %swap3A_314 = vector.shape_cast %swap3A_313 : vector<1x16xf32> to vector<16xf32>
        %swap3A_315 = vector.shape_cast %broadcast_in_dim3A_20 : vector<16xf32> to vector<1x16xf32>
        tpu.vector_store %arg8[%swap3A_311, %swap3A_312], %swap3A_315 {strides = array<i32>} : memref<32x1024xf32, #tpu.memory_space<vmem>>, vector<1x16xf32>,
        %swap3A_316 = arith.index_cast %while3A_126 : i32 to index
        %swap3A_317 = arith.constant 608 : index
        %swap3A_318 = tpu.vector_load %arg8[%swap3A_316, %swap3A_317] {strides = array<i32>} : memref<32x1024xf32, #tpu.memory_space<vmem>>, vector<1x16xf32>,
        %swap3A_319 = vector.shape_cast %swap3A_318 : vector<1x16xf32> to vector<16xf32>
        %swap3A_320 = vector.shape_cast %broadcast_in_dim3A_20 : vector<16xf32> to vector<1x16xf32>
        tpu.vector_store %arg8[%swap3A_316, %swap3A_317], %swap3A_320 {strides = array<i32>} : memref<32x1024xf32, #tpu.memory_space<vmem>>, vector<1x16xf32>,
        %swap3A_321 = arith.index_cast %while3A_126 : i32 to index
        %swap3A_322 = arith.constant 624 : index
        %swap3A_323 = tpu.vector_load %arg8[%swap3A_321, %swap3A_322] {strides = array<i32>} : memref<32x1024xf32, #tpu.memory_space<vmem>>, vector<1x16xf32>,
        %swap3A_324 = vector.shape_cast %swap3A_323 : vector<1x16xf32> to vector<16xf32>
        %swap3A_325 = vector.shape_cast %broadcast_in_dim3A_20 : vector<16xf32> to vector<1x16xf32>
        tpu.vector_store %arg8[%swap3A_321, %swap3A_322], %swap3A_325 {strides = array<i32>} : memref<32x1024xf32, #tpu.memory_space<vmem>>, vector<1x16xf32>,
        %swap3A_326 = arith.index_cast %while3A_126 : i32 to index
        %swap3A_327 = arith.constant 640 : index
        %swap3A_328 = tpu.vector_load %arg8[%swap3A_326, %swap3A_327] {strides = array<i32>} : memref<32x1024xf32, #tpu.memory_space<vmem>>, vector<1x16xf32>,
        %swap3A_329 = vector.shape_cast %swap3A_328 : vector<1x16xf32> to vector<16xf32>
        %swap3A_330 = vector.shape_cast %broadcast_in_dim3A_20 : vector<16xf32> to vector<1x16xf32>
        tpu.vector_store %arg8[%swap3A_326, %swap3A_327], %swap3A_330 {strides = array<i32>} : memref<32x1024xf32, #tpu.memory_space<vmem>>, vector<1x16xf32>,
        %swap3A_331 = arith.index_cast %while3A_126 : i32 to index
        %swap3A_332 = arith.constant 656 : index
        %swap3A_333 = tpu.vector_load %arg8[%swap3A_331, %swap3A_332] {strides = array<i32>} : memref<32x1024xf32, #tpu.memory_space<vmem>>, vector<1x16xf32>,
        %swap3A_334 = vector.shape_cast %swap3A_333 : vector<1x16xf32> to vector<16xf32>
        %swap3A_335 = vector.shape_cast %broadcast_in_dim3A_20 : vector<16xf32> to vector<1x16xf32>
        tpu.vector_store %arg8[%swap3A_331, %swap3A_332], %swap3A_335 {strides = array<i32>} : memref<32x1024xf32, #tpu.memory_space<vmem>>, vector<1x16xf32>,
        %swap3A_336 = arith.index_cast %while3A_126 : i32 to index
        %swap3A_337 = arith.constant 672 : index
        %swap3A_338 = tpu.vector_load %arg8[%swap3A_336, %swap3A_337] {strides = array<i32>} : memref<32x1024xf32, #tpu.memory_space<vmem>>, vector<1x16xf32>,
        %swap3A_339 = vector.shape_cast %swap3A_338 : vector<1x16xf32> to vector<16xf32>
        %swap3A_340 = vector.shape_cast %broadcast_in_dim3A_20 : vector<16xf32> to vector<1x16xf32>
        tpu.vector_store %arg8[%swap3A_336, %swap3A_337], %swap3A_340 {strides = array<i32>} : memref<32x1024xf32, #tpu.memory_space<vmem>>, vector<1x16xf32>,
        %swap3A_341 = arith.index_cast %while3A_126 : i32 to index
        %swap3A_342 = arith.constant 688 : index
        %swap3A_343 = tpu.vector_load %arg8[%swap3A_341, %swap3A_342] {strides = array<i32>} : memref<32x1024xf32, #tpu.memory_space<vmem>>, vector<1x16xf32>,
        %swap3A_344 = vector.shape_cast %swap3A_343 : vector<1x16xf32> to vector<16xf32>
        %swap3A_345 = vector.shape_cast %broadcast_in_dim3A_20 : vector<16xf32> to vector<1x16xf32>
        tpu.vector_store %arg8[%swap3A_341, %swap3A_342], %swap3A_345 {strides = array<i32>} : memref<32x1024xf32, #tpu.memory_space<vmem>>, vector<1x16xf32>,
        %swap3A_346 = arith.index_cast %while3A_126 : i32 to index
        %swap3A_347 = arith.constant 704 : index
        %swap3A_348 = tpu.vector_load %arg8[%swap3A_346, %swap3A_347] {strides = array<i32>} : memref<32x1024xf32, #tpu.memory_space<vmem>>, vector<1x16xf32>,
        %swap3A_349 = vector.shape_cast %swap3A_348 : vector<1x16xf32> to vector<16xf32>
        %swap3A_350 = vector.shape_cast %broadcast_in_dim3A_20 : vector<16xf32> to vector<1x16xf32>
        tpu.vector_store %arg8[%swap3A_346, %swap3A_347], %swap3A_350 {strides = array<i32>} : memref<32x1024xf32, #tpu.memory_space<vmem>>, vector<1x16xf32>,
        %swap3A_351 = arith.index_cast %while3A_126 : i32 to index
        %swap3A_352 = arith.constant 720 : index
        %swap3A_353 = tpu.vector_load %arg8[%swap3A_351, %swap3A_352] {strides = array<i32>} : memref<32x1024xf32, #tpu.memory_space<vmem>>, vector<1x16xf32>,
        %swap3A_354 = vector.shape_cast %swap3A_353 : vector<1x16xf32> to vector<16xf32>
        %swap3A_355 = vector.shape_cast %broadcast_in_dim3A_20 : vector<16xf32> to vector<1x16xf32>
        tpu.vector_store %arg8[%swap3A_351, %swap3A_352], %swap3A_355 {strides = array<i32>} : memref<32x1024xf32, #tpu.memory_space<vmem>>, vector<1x16xf32>,
        %swap3A_356 = arith.index_cast %while3A_126 : i32 to index
        %swap3A_357 = arith.constant 736 : index
        %swap3A_358 = tpu.vector_load %arg8[%swap3A_356, %swap3A_357] {strides = array<i32>} : memref<32x1024xf32, #tpu.memory_space<vmem>>, vector<1x16xf32>,
        %swap3A_359 = vector.shape_cast %swap3A_358 : vector<1x16xf32> to vector<16xf32>
        %swap3A_360 = vector.shape_cast %broadcast_in_dim3A_20 : vector<16xf32> to vector<1x16xf32>
        tpu.vector_store %arg8[%swap3A_356, %swap3A_357], %swap3A_360 {strides = array<i32>} : memref<32x1024xf32, #tpu.memory_space<vmem>>, vector<1x16xf32>,
        %swap3A_361 = arith.index_cast %while3A_126 : i32 to index
        %swap3A_362 = arith.constant 752 : index
        %swap3A_363 = tpu.vector_load %arg8[%swap3A_361, %swap3A_362] {strides = array<i32>} : memref<32x1024xf32, #tpu.memory_space<vmem>>, vector<1x16xf32>,
        %swap3A_364 = vector.shape_cast %swap3A_363 : vector<1x16xf32> to vector<16xf32>
        %swap3A_365 = vector.shape_cast %broadcast_in_dim3A_20 : vector<16xf32> to vector<1x16xf32>
        tpu.vector_store %arg8[%swap3A_361, %swap3A_362], %swap3A_365 {strides = array<i32>} : memref<32x1024xf32, #tpu.memory_space<vmem>>, vector<1x16xf32>,
        %swap3A_366 = arith.index_cast %while3A_126 : i32 to index
        %swap3A_367 = arith.constant 768 : index
        %swap3A_368 = tpu.vector_load %arg8[%swap3A_366, %swap3A_367] {strides = array<i32>} : memref<32x1024xf32, #tpu.memory_space<vmem>>, vector<1x16xf32>,
        %swap3A_369 = vector.shape_cast %swap3A_368 : vector<1x16xf32> to vector<16xf32>
        %swap3A_370 = vector.shape_cast %broadcast_in_dim3A_20 : vector<16xf32> to vector<1x16xf32>
        tpu.vector_store %arg8[%swap3A_366, %swap3A_367], %swap3A_370 {strides = array<i32>} : memref<32x1024xf32, #tpu.memory_space<vmem>>, vector<1x16xf32>,
        %swap3A_371 = arith.index_cast %while3A_126 : i32 to index
        %swap3A_372 = arith.constant 784 : index
        %swap3A_373 = tpu.vector_load %arg8[%swap3A_371, %swap3A_372] {strides = array<i32>} : memref<32x1024xf32, #tpu.memory_space<vmem>>, vector<1x16xf32>,
        %swap3A_374 = vector.shape_cast %swap3A_373 : vector<1x16xf32> to vector<16xf32>
        %swap3A_375 = vector.shape_cast %broadcast_in_dim3A_20 : vector<16xf32> to vector<1x16xf32>
        tpu.vector_store %arg8[%swap3A_371, %swap3A_372], %swap3A_375 {strides = array<i32>} : memref<32x1024xf32, #tpu.memory_space<vmem>>, vector<1x16xf32>,
        %swap3A_376 = arith.index_cast %while3A_126 : i32 to index
        %swap3A_377 = arith.constant 800 : index
        %swap3A_378 = tpu.vector_load %arg8[%swap3A_376, %swap3A_377] {strides = array<i32>} : memref<32x1024xf32, #tpu.memory_space<vmem>>, vector<1x16xf32>,
        %swap3A_379 = vector.shape_cast %swap3A_378 : vector<1x16xf32> to vector<16xf32>
        %swap3A_380 = vector.shape_cast %broadcast_in_dim3A_20 : vector<16xf32> to vector<1x16xf32>
        tpu.vector_store %arg8[%swap3A_376, %swap3A_377], %swap3A_380 {strides = array<i32>} : memref<32x1024xf32, #tpu.memory_space<vmem>>, vector<1x16xf32>,
        %swap3A_381 = arith.index_cast %while3A_126 : i32 to index
        %swap3A_382 = arith.constant 816 : index
        %swap3A_383 = tpu.vector_load %arg8[%swap3A_381, %swap3A_382] {strides = array<i32>} : memref<32x1024xf32, #tpu.memory_space<vmem>>, vector<1x16xf32>,
        %swap3A_384 = vector.shape_cast %swap3A_383 : vector<1x16xf32> to vector<16xf32>
        %swap3A_385 = vector.shape_cast %broadcast_in_dim3A_20 : vector<16xf32> to vector<1x16xf32>
        tpu.vector_store %arg8[%swap3A_381, %swap3A_382], %swap3A_385 {strides = array<i32>} : memref<32x1024xf32, #tpu.memory_space<vmem>>, vector<1x16xf32>,
        %swap3A_386 = arith.index_cast %while3A_126 : i32 to index
        %swap3A_387 = arith.constant 832 : index
        %swap3A_388 = tpu.vector_load %arg8[%swap3A_386, %swap3A_387] {strides = array<i32>} : memref<32x1024xf32, #tpu.memory_space<vmem>>, vector<1x16xf32>,
        %swap3A_389 = vector.shape_cast %swap3A_388 : vector<1x16xf32> to vector<16xf32>
        %swap3A_390 = vector.shape_cast %broadcast_in_dim3A_20 : vector<16xf32> to vector<1x16xf32>
        tpu.vector_store %arg8[%swap3A_386, %swap3A_387], %swap3A_390 {strides = array<i32>} : memref<32x1024xf32, #tpu.memory_space<vmem>>, vector<1x16xf32>,
        %swap3A_391 = arith.index_cast %while3A_126 : i32 to index
        %swap3A_392 = arith.constant 848 : index
        %swap3A_393 = tpu.vector_load %arg8[%swap3A_391, %swap3A_392] {strides = array<i32>} : memref<32x1024xf32, #tpu.memory_space<vmem>>, vector<1x16xf32>,
        %swap3A_394 = vector.shape_cast %swap3A_393 : vector<1x16xf32> to vector<16xf32>
        %swap3A_395 = vector.shape_cast %broadcast_in_dim3A_20 : vector<16xf32> to vector<1x16xf32>
        tpu.vector_store %arg8[%swap3A_391, %swap3A_392], %swap3A_395 {strides = array<i32>} : memref<32x1024xf32, #tpu.memory_space<vmem>>, vector<1x16xf32>,
        %swap3A_396 = arith.index_cast %while3A_126 : i32 to index
        %swap3A_397 = arith.constant 864 : index
        %swap3A_398 = tpu.vector_load %arg8[%swap3A_396, %swap3A_397] {strides = array<i32>} : memref<32x1024xf32, #tpu.memory_space<vmem>>, vector<1x16xf32>,
        %swap3A_399 = vector.shape_cast %swap3A_398 : vector<1x16xf32> to vector<16xf32>
        %swap3A_400 = vector.shape_cast %broadcast_in_dim3A_20 : vector<16xf32> to vector<1x16xf32>
        tpu.vector_store %arg8[%swap3A_396, %swap3A_397], %swap3A_400 {strides = array<i32>} : memref<32x1024xf32, #tpu.memory_space<vmem>>, vector<1x16xf32>,
        %swap3A_401 = arith.index_cast %while3A_126 : i32 to index
        %swap3A_402 = arith.constant 880 : index
        %swap3A_403 = tpu.vector_load %arg8[%swap3A_401, %swap3A_402] {strides = array<i32>} : memref<32x1024xf32, #tpu.memory_space<vmem>>, vector<1x16xf32>,
        %swap3A_404 = vector.shape_cast %swap3A_403 : vector<1x16xf32> to vector<16xf32>
        %swap3A_405 = vector.shape_cast %broadcast_in_dim3A_20 : vector<16xf32> to vector<1x16xf32>
        tpu.vector_store %arg8[%swap3A_401, %swap3A_402], %swap3A_405 {strides = array<i32>} : memref<32x1024xf32, #tpu.memory_space<vmem>>, vector<1x16xf32>,
        %swap3A_406 = arith.index_cast %while3A_126 : i32 to index
        %swap3A_407 = arith.constant 896 : index
        %swap3A_408 = tpu.vector_load %arg8[%swap3A_406, %swap3A_407] {strides = array<i32>} : memref<32x1024xf32, #tpu.memory_space<vmem>>, vector<1x16xf32>,
        %swap3A_409 = vector.shape_cast %swap3A_408 : vector<1x16xf32> to vector<16xf32>
        %swap3A_410 = vector.shape_cast %broadcast_in_dim3A_20 : vector<16xf32> to vector<1x16xf32>
        tpu.vector_store %arg8[%swap3A_406, %swap3A_407], %swap3A_410 {strides = array<i32>} : memref<32x1024xf32, #tpu.memory_space<vmem>>, vector<1x16xf32>,
        %swap3A_411 = arith.index_cast %while3A_126 : i32 to index
        %swap3A_412 = arith.constant 912 : index
        %swap3A_413 = tpu.vector_load %arg8[%swap3A_411, %swap3A_412] {strides = array<i32>} : memref<32x1024xf32, #tpu.memory_space<vmem>>, vector<1x16xf32>,
        %swap3A_414 = vector.shape_cast %swap3A_413 : vector<1x16xf32> to vector<16xf32>
        %swap3A_415 = vector.shape_cast %broadcast_in_dim3A_20 : vector<16xf32> to vector<1x16xf32>
        tpu.vector_store %arg8[%swap3A_411, %swap3A_412], %swap3A_415 {strides = array<i32>} : memref<32x1024xf32, #tpu.memory_space<vmem>>, vector<1x16xf32>,
        %swap3A_416 = arith.index_cast %while3A_126 : i32 to index
        %swap3A_417 = arith.constant 928 : index
        %swap3A_418 = tpu.vector_load %arg8[%swap3A_416, %swap3A_417] {strides = array<i32>} : memref<32x1024xf32, #tpu.memory_space<vmem>>, vector<1x16xf32>,
        %swap3A_419 = vector.shape_cast %swap3A_418 : vector<1x16xf32> to vector<16xf32>
        %swap3A_420 = vector.shape_cast %broadcast_in_dim3A_20 : vector<16xf32> to vector<1x16xf32>
        tpu.vector_store %arg8[%swap3A_416, %swap3A_417], %swap3A_420 {strides = array<i32>} : memref<32x1024xf32, #tpu.memory_space<vmem>>, vector<1x16xf32>,
        %swap3A_421 = arith.index_cast %while3A_126 : i32 to index
        %swap3A_422 = arith.constant 944 : index
        %swap3A_423 = tpu.vector_load %arg8[%swap3A_421, %swap3A_422] {strides = array<i32>} : memref<32x1024xf32, #tpu.memory_space<vmem>>, vector<1x16xf32>,
        %swap3A_424 = vector.shape_cast %swap3A_423 : vector<1x16xf32> to vector<16xf32>
        %swap3A_425 = vector.shape_cast %broadcast_in_dim3A_20 : vector<16xf32> to vector<1x16xf32>
        tpu.vector_store %arg8[%swap3A_421, %swap3A_422], %swap3A_425 {strides = array<i32>} : memref<32x1024xf32, #tpu.memory_space<vmem>>, vector<1x16xf32>,
        %swap3A_426 = arith.index_cast %while3A_126 : i32 to index
        %swap3A_427 = arith.constant 960 : index
        %swap3A_428 = tpu.vector_load %arg8[%swap3A_426, %swap3A_427] {strides = array<i32>} : memref<32x1024xf32, #tpu.memory_space<vmem>>, vector<1x16xf32>,
        %swap3A_429 = vector.shape_cast %swap3A_428 : vector<1x16xf32> to vector<16xf32>
        %swap3A_430 = vector.shape_cast %broadcast_in_dim3A_20 : vector<16xf32> to vector<1x16xf32>
        tpu.vector_store %arg8[%swap3A_426, %swap3A_427], %swap3A_430 {strides = array<i32>} : memref<32x1024xf32, #tpu.memory_space<vmem>>, vector<1x16xf32>,
        %swap3A_431 = arith.index_cast %while3A_126 : i32 to index
        %swap3A_432 = arith.constant 976 : index
        %swap3A_433 = tpu.vector_load %arg8[%swap3A_431, %swap3A_432] {strides = array<i32>} : memref<32x1024xf32, #tpu.memory_space<vmem>>, vector<1x16xf32>,
        %swap3A_434 = vector.shape_cast %swap3A_433 : vector<1x16xf32> to vector<16xf32>
        %swap3A_435 = vector.shape_cast %broadcast_in_dim3A_20 : vector<16xf32> to vector<1x16xf32>
        tpu.vector_store %arg8[%swap3A_431, %swap3A_432], %swap3A_435 {strides = array<i32>} : memref<32x1024xf32, #tpu.memory_space<vmem>>, vector<1x16xf32>,
        %swap3A_436 = arith.index_cast %while3A_126 : i32 to index
        %swap3A_437 = arith.constant 992 : index
        %swap3A_438 = tpu.vector_load %arg8[%swap3A_436, %swap3A_437] {strides = array<i32>} : memref<32x1024xf32, #tpu.memory_space<vmem>>, vector<1x16xf32>,
        %swap3A_439 = vector.shape_cast %swap3A_438 : vector<1x16xf32> to vector<16xf32>
        %swap3A_440 = vector.shape_cast %broadcast_in_dim3A_20 : vector<16xf32> to vector<1x16xf32>
        tpu.vector_store %arg8[%swap3A_436, %swap3A_437], %swap3A_440 {strides = array<i32>} : memref<32x1024xf32, #tpu.memory_space<vmem>>, vector<1x16xf32>,
        %swap3A_441 = arith.index_cast %while3A_126 : i32 to index
        %swap3A_442 = arith.constant 1008 : index
        %swap3A_443 = tpu.vector_load %arg8[%swap3A_441, %swap3A_442] {strides = array<i32>} : memref<32x1024xf32, #tpu.memory_space<vmem>>, vector<1x16xf32>,
        %swap3A_444 = vector.shape_cast %swap3A_443 : vector<1x16xf32> to vector<16xf32>
        %swap3A_445 = vector.shape_cast %broadcast_in_dim3A_20 : vector<16xf32> to vector<1x16xf32>
        tpu.vector_store %arg8[%swap3A_441, %swap3A_442], %swap3A_445 {strides = array<i32>} : memref<32x1024xf32, #tpu.memory_space<vmem>>, vector<1x16xf32>,
      }
      %while3A_125 = arith.constant 1 : i32
      scf.for %while3A_126 = %while3A_123 to %while3A_119 step %while3A_125  : i32 {
        %swap3A = arith.index_cast %while3A_126 : i32 to index
        %swap3A_127 = arith.constant 0 : index
        %swap3A_128 = tpu.vector_load %arg8[%swap3A, %swap3A_127] {strides = array<i32>} : memref<32x1024xf32, #tpu.memory_space<vmem>>, vector<1x16xf32>,
        %swap3A_129 = vector.shape_cast %swap3A_128 : vector<1x16xf32> to vector<16xf32>
        %swap3A_130 = vector.shape_cast %broadcast_in_dim3A_20 : vector<16xf32> to vector<1x16xf32>
        tpu.vector_store %arg8[%swap3A, %swap3A_127], %swap3A_130 {strides = array<i32>} : memref<32x1024xf32, #tpu.memory_space<vmem>>, vector<1x16xf32>,
        %swap3A_131 = arith.index_cast %while3A_126 : i32 to index
        %swap3A_132 = arith.constant 16 : index
        %swap3A_133 = tpu.vector_load %arg8[%swap3A_131, %swap3A_132] {strides = array<i32>} : memref<32x1024xf32, #tpu.memory_space<vmem>>, vector<1x16xf32>,
        %swap3A_134 = vector.shape_cast %swap3A_133 : vector<1x16xf32> to vector<16xf32>
        %swap3A_135 = vector.shape_cast %broadcast_in_dim3A_20 : vector<16xf32> to vector<1x16xf32>
        tpu.vector_store %arg8[%swap3A_131, %swap3A_132], %swap3A_135 {strides = array<i32>} : memref<32x1024xf32, #tpu.memory_space<vmem>>, vector<1x16xf32>,
        %swap3A_136 = arith.index_cast %while3A_126 : i32 to index
        %swap3A_137 = arith.constant 32 : index
        %swap3A_138 = tpu.vector_load %arg8[%swap3A_136, %swap3A_137] {strides = array<i32>} : memref<32x1024xf32, #tpu.memory_space<vmem>>, vector<1x16xf32>,
        %swap3A_139 = vector.shape_cast %swap3A_138 : vector<1x16xf32> to vector<16xf32>
        %swap3A_140 = vector.shape_cast %broadcast_in_dim3A_20 : vector<16xf32> to vector<1x16xf32>
        tpu.vector_store %arg8[%swap3A_136, %swap3A_137], %swap3A_140 {strides = array<i32>} : memref<32x1024xf32, #tpu.memory_space<vmem>>, vector<1x16xf32>,
        %swap3A_141 = arith.index_cast %while3A_126 : i32 to index
        %swap3A_142 = arith.constant 48 : index
        %swap3A_143 = tpu.vector_load %arg8[%swap3A_141, %swap3A_142] {strides = array<i32>} : memref<32x1024xf32, #tpu.memory_space<vmem>>, vector<1x16xf32>,
        %swap3A_144 = vector.shape_cast %swap3A_143 : vector<1x16xf32> to vector<16xf32>
        %swap3A_145 = vector.shape_cast %broadcast_in_dim3A_20 : vector<16xf32> to vector<1x16xf32>
        tpu.vector_store %arg8[%swap3A_141, %swap3A_142], %swap3A_145 {strides = array<i32>} : memref<32x1024xf32, #tpu.memory_space<vmem>>, vector<1x16xf32>,
        %swap3A_146 = arith.index_cast %while3A_126 : i32 to index
        %swap3A_147 = arith.constant 64 : index
        %swap3A_148 = tpu.vector_load %arg8[%swap3A_146, %swap3A_147] {strides = array<i32>} : memref<32x1024xf32, #tpu.memory_space<vmem>>, vector<1x16xf32>,
        %swap3A_149 = vector.shape_cast %swap3A_148 : vector<1x16xf32> to vector<16xf32>
        %swap3A_150 = vector.shape_cast %broadcast_in_dim3A_20 : vector<16xf32> to vector<1x16xf32>
        tpu.vector_store %arg8[%swap3A_146, %swap3A_147], %swap3A_150 {strides = array<i32>} : memref<32x1024xf32, #tpu.memory_space<vmem>>, vector<1x16xf32>,
        %swap3A_151 = arith.index_cast %while3A_126 : i32 to index
        %swap3A_152 = arith.constant 80 : index
        %swap3A_153 = tpu.vector_load %arg8[%swap3A_151, %swap3A_152] {strides = array<i32>} : memref<32x1024xf32, #tpu.memory_space<vmem>>, vector<1x16xf32>,
        %swap3A_154 = vector.shape_cast %swap3A_153 : vector<1x16xf32> to vector<16xf32>
        %swap3A_155 = vector.shape_cast %broadcast_in_dim3A_20 : vector<16xf32> to vector<1x16xf32>
        tpu.vector_store %arg8[%swap3A_151, %swap3A_152], %swap3A_155 {strides = array<i32>} : memref<32x1024xf32, #tpu.memory_space<vmem>>, vector<1x16xf32>,
        %swap3A_156 = arith.index_cast %while3A_126 : i32 to index
        %swap3A_157 = arith.constant 96 : index
        %swap3A_158 = tpu.vector_load %arg8[%swap3A_156, %swap3A_157] {strides = array<i32>} : memref<32x1024xf32, #tpu.memory_space<vmem>>, vector<1x16xf32>,
        %swap3A_159 = vector.shape_cast %swap3A_158 : vector<1x16xf32> to vector<16xf32>
        %swap3A_160 = vector.shape_cast %broadcast_in_dim3A_20 : vector<16xf32> to vector<1x16xf32>
        tpu.vector_store %arg8[%swap3A_156, %swap3A_157], %swap3A_160 {strides = array<i32>} : memref<32x1024xf32, #tpu.memory_space<vmem>>, vector<1x16xf32>,
        %swap3A_161 = arith.index_cast %while3A_126 : i32 to index
        %swap3A_162 = arith.constant 112 : index
        %swap3A_163 = tpu.vector_load %arg8[%swap3A_161, %swap3A_162] {strides = array<i32>} : memref<32x1024xf32, #tpu.memory_space<vmem>>, vector<1x16xf32>,
        %swap3A_164 = vector.shape_cast %swap3A_163 : vector<1x16xf32> to vector<16xf32>
        %swap3A_165 = vector.shape_cast %broadcast_in_dim3A_20 : vector<16xf32> to vector<1x16xf32>
        tpu.vector_store %arg8[%swap3A_161, %swap3A_162], %swap3A_165 {strides = array<i32>} : memref<32x1024xf32, #tpu.memory_space<vmem>>, vector<1x16xf32>,
        %swap3A_166 = arith.index_cast %while3A_126 : i32 to index
        %swap3A_167 = arith.constant 128 : index
        %swap3A_168 = tpu.vector_load %arg8[%swap3A_166, %swap3A_167] {strides = array<i32>} : memref<32x1024xf32, #tpu.memory_space<vmem>>, vector<1x16xf32>,
        %swap3A_169 = vector.shape_cast %swap3A_168 : vector<1x16xf32> to vector<16xf32>
        %swap3A_170 = vector.shape_cast %broadcast_in_dim3A_20 : vector<16xf32> to vector<1x16xf32>
        tpu.vector_store %arg8[%swap3A_166, %swap3A_167], %swap3A_170 {strides = array<i32>} : memref<32x1024xf32, #tpu.memory_space<vmem>>, vector<1x16xf32>,
        %swap3A_171 = arith.index_cast %while3A_126 : i32 to index
        %swap3A_172 = arith.constant 144 : index
        %swap3A_173 = tpu.vector_load %arg8[%swap3A_171, %swap3A_172] {strides = array<i32>} : memref<32x1024xf32, #tpu.memory_space<vmem>>, vector<1x16xf32>,
        %swap3A_174 = vector.shape_cast %swap3A_173 : vector<1x16xf32> to vector<16xf32>
        %swap3A_175 = vector.shape_cast %broadcast_in_dim3A_20 : vector<16xf32> to vector<1x16xf32>
        tpu.vector_store %arg8[%swap3A_171, %swap3A_172], %swap3A_175 {strides = array<i32>} : memref<32x1024xf32, #tpu.memory_space<vmem>>, vector<1x16xf32>,
        %swap3A_176 = arith.index_cast %while3A_126 : i32 to index
        %swap3A_177 = arith.constant 160 : index
        %swap3A_178 = tpu.vector_load %arg8[%swap3A_176, %swap3A_177] {strides = array<i32>} : memref<32x1024xf32, #tpu.memory_space<vmem>>, vector<1x16xf32>,
        %swap3A_179 = vector.shape_cast %swap3A_178 : vector<1x16xf32> to vector<16xf32>
        %swap3A_180 = vector.shape_cast %broadcast_in_dim3A_20 : vector<16xf32> to vector<1x16xf32>
        tpu.vector_store %arg8[%swap3A_176, %swap3A_177], %swap3A_180 {strides = array<i32>} : memref<32x1024xf32, #tpu.memory_space<vmem>>, vector<1x16xf32>,
        %swap3A_181 = arith.index_cast %while3A_126 : i32 to index
        %swap3A_182 = arith.constant 176 : index
        %swap3A_183 = tpu.vector_load %arg8[%swap3A_181, %swap3A_182] {strides = array<i32>} : memref<32x1024xf32, #tpu.memory_space<vmem>>, vector<1x16xf32>,
        %swap3A_184 = vector.shape_cast %swap3A_183 : vector<1x16xf32> to vector<16xf32>
        %swap3A_185 = vector.shape_cast %broadcast_in_dim3A_20 : vector<16xf32> to vector<1x16xf32>
        tpu.vector_store %arg8[%swap3A_181, %swap3A_182], %swap3A_185 {strides = array<i32>} : memref<32x1024xf32, #tpu.memory_space<vmem>>, vector<1x16xf32>,
        %swap3A_186 = arith.index_cast %while3A_126 : i32 to index
        %swap3A_187 = arith.constant 192 : index
        %swap3A_188 = tpu.vector_load %arg8[%swap3A_186, %swap3A_187] {strides = array<i32>} : memref<32x1024xf32, #tpu.memory_space<vmem>>, vector<1x16xf32>,
        %swap3A_189 = vector.shape_cast %swap3A_188 : vector<1x16xf32> to vector<16xf32>
        %swap3A_190 = vector.shape_cast %broadcast_in_dim3A_20 : vector<16xf32> to vector<1x16xf32>
        tpu.vector_store %arg8[%swap3A_186, %swap3A_187], %swap3A_190 {strides = array<i32>} : memref<32x1024xf32, #tpu.memory_space<vmem>>, vector<1x16xf32>,
        %swap3A_191 = arith.index_cast %while3A_126 : i32 to index
        %swap3A_192 = arith.constant 208 : index
        %swap3A_193 = tpu.vector_load %arg8[%swap3A_191, %swap3A_192] {strides = array<i32>} : memref<32x1024xf32, #tpu.memory_space<vmem>>, vector<1x16xf32>,
        %swap3A_194 = vector.shape_cast %swap3A_193 : vector<1x16xf32> to vector<16xf32>
        %swap3A_195 = vector.shape_cast %broadcast_in_dim3A_20 : vector<16xf32> to vector<1x16xf32>
        tpu.vector_store %arg8[%swap3A_191, %swap3A_192], %swap3A_195 {strides = array<i32>} : memref<32x1024xf32, #tpu.memory_space<vmem>>, vector<1x16xf32>,
        %swap3A_196 = arith.index_cast %while3A_126 : i32 to index
        %swap3A_197 = arith.constant 224 : index
        %swap3A_198 = tpu.vector_load %arg8[%swap3A_196, %swap3A_197] {strides = array<i32>} : memref<32x1024xf32, #tpu.memory_space<vmem>>, vector<1x16xf32>,
        %swap3A_199 = vector.shape_cast %swap3A_198 : vector<1x16xf32> to vector<16xf32>
        %swap3A_200 = vector.shape_cast %broadcast_in_dim3A_20 : vector<16xf32> to vector<1x16xf32>
        tpu.vector_store %arg8[%swap3A_196, %swap3A_197], %swap3A_200 {strides = array<i32>} : memref<32x1024xf32, #tpu.memory_space<vmem>>, vector<1x16xf32>,
        %swap3A_201 = arith.index_cast %while3A_126 : i32 to index
        %swap3A_202 = arith.constant 240 : index
        %swap3A_203 = tpu.vector_load %arg8[%swap3A_201, %swap3A_202] {strides = array<i32>} : memref<32x1024xf32, #tpu.memory_space<vmem>>, vector<1x16xf32>,
        %swap3A_204 = vector.shape_cast %swap3A_203 : vector<1x16xf32> to vector<16xf32>
        %swap3A_205 = vector.shape_cast %broadcast_in_dim3A_20 : vector<16xf32> to vector<1x16xf32>
        tpu.vector_store %arg8[%swap3A_201, %swap3A_202], %swap3A_205 {strides = array<i32>} : memref<32x1024xf32, #tpu.memory_space<vmem>>, vector<1x16xf32>,
        %swap3A_206 = arith.index_cast %while3A_126 : i32 to index
        %swap3A_207 = arith.constant 256 : index
        %swap3A_208 = tpu.vector_load %arg8[%swap3A_206, %swap3A_207] {strides = array<i32>} : memref<32x1024xf32, #tpu.memory_space<vmem>>, vector<1x16xf32>,
        %swap3A_209 = vector.shape_cast %swap3A_208 : vector<1x16xf32> to vector<16xf32>
        %swap3A_210 = vector.shape_cast %broadcast_in_dim3A_20 : vector<16xf32> to vector<1x16xf32>
        tpu.vector_store %arg8[%swap3A_206, %swap3A_207], %swap3A_210 {strides = array<i32>} : memref<32x1024xf32, #tpu.memory_space<vmem>>, vector<1x16xf32>,
        %swap3A_211 = arith.index_cast %while3A_126 : i32 to index
        %swap3A_212 = arith.constant 272 : index
        %swap3A_213 = tpu.vector_load %arg8[%swap3A_211, %swap3A_212] {strides = array<i32>} : memref<32x1024xf32, #tpu.memory_space<vmem>>, vector<1x16xf32>,
        %swap3A_214 = vector.shape_cast %swap3A_213 : vector<1x16xf32> to vector<16xf32>
        %swap3A_215 = vector.shape_cast %broadcast_in_dim3A_20 : vector<16xf32> to vector<1x16xf32>
        tpu.vector_store %arg8[%swap3A_211, %swap3A_212], %swap3A_215 {strides = array<i32>} : memref<32x1024xf32, #tpu.memory_space<vmem>>, vector<1x16xf32>,
        %swap3A_216 = arith.index_cast %while3A_126 : i32 to index
        %swap3A_217 = arith.constant 288 : index
        %swap3A_218 = tpu.vector_load %arg8[%swap3A_216, %swap3A_217] {strides = array<i32>} : memref<32x1024xf32, #tpu.memory_space<vmem>>, vector<1x16xf32>,
        %swap3A_219 = vector.shape_cast %swap3A_218 : vector<1x16xf32> to vector<16xf32>
        %swap3A_220 = vector.shape_cast %broadcast_in_dim3A_20 : vector<16xf32> to vector<1x16xf32>
        tpu.vector_store %arg8[%swap3A_216, %swap3A_217], %swap3A_220 {strides = array<i32>} : memref<32x1024xf32, #tpu.memory_space<vmem>>, vector<1x16xf32>,
        %swap3A_221 = arith.index_cast %while3A_126 : i32 to index
        %swap3A_222 = arith.constant 304 : index
        %swap3A_223 = tpu.vector_load %arg8[%swap3A_221, %swap3A_222] {strides = array<i32>} : memref<32x1024xf32, #tpu.memory_space<vmem>>, vector<1x16xf32>,
        %swap3A_224 = vector.shape_cast %swap3A_223 : vector<1x16xf32> to vector<16xf32>
        %swap3A_225 = vector.shape_cast %broadcast_in_dim3A_20 : vector<16xf32> to vector<1x16xf32>
        tpu.vector_store %arg8[%swap3A_221, %swap3A_222], %swap3A_225 {strides = array<i32>} : memref<32x1024xf32, #tpu.memory_space<vmem>>, vector<1x16xf32>,
        %swap3A_226 = arith.index_cast %while3A_126 : i32 to index
        %swap3A_227 = arith.constant 320 : index
        %swap3A_228 = tpu.vector_load %arg8[%swap3A_226, %swap3A_227] {strides = array<i32>} : memref<32x1024xf32, #tpu.memory_space<vmem>>, vector<1x16xf32>,
        %swap3A_229 = vector.shape_cast %swap3A_228 : vector<1x16xf32> to vector<16xf32>
        %swap3A_230 = vector.shape_cast %broadcast_in_dim3A_20 : vector<16xf32> to vector<1x16xf32>
        tpu.vector_store %arg8[%swap3A_226, %swap3A_227], %swap3A_230 {strides = array<i32>} : memref<32x1024xf32, #tpu.memory_space<vmem>>, vector<1x16xf32>,
        %swap3A_231 = arith.index_cast %while3A_126 : i32 to index
        %swap3A_232 = arith.constant 336 : index
        %swap3A_233 = tpu.vector_load %arg8[%swap3A_231, %swap3A_232] {strides = array<i32>} : memref<32x1024xf32, #tpu.memory_space<vmem>>, vector<1x16xf32>,
        %swap3A_234 = vector.shape_cast %swap3A_233 : vector<1x16xf32> to vector<16xf32>
        %swap3A_235 = vector.shape_cast %broadcast_in_dim3A_20 : vector<16xf32> to vector<1x16xf32>
        tpu.vector_store %arg8[%swap3A_231, %swap3A_232], %swap3A_235 {strides = array<i32>} : memref<32x1024xf32, #tpu.memory_space<vmem>>, vector<1x16xf32>,
        %swap3A_236 = arith.index_cast %while3A_126 : i32 to index
        %swap3A_237 = arith.constant 352 : index
        %swap3A_238 = tpu.vector_load %arg8[%swap3A_236, %swap3A_237] {strides = array<i32>} : memref<32x1024xf32, #tpu.memory_space<vmem>>, vector<1x16xf32>,
        %swap3A_239 = vector.shape_cast %swap3A_238 : vector<1x16xf32> to vector<16xf32>
        %swap3A_240 = vector.shape_cast %broadcast_in_dim3A_20 : vector<16xf32> to vector<1x16xf32>
        tpu.vector_store %arg8[%swap3A_236, %swap3A_237], %swap3A_240 {strides = array<i32>} : memref<32x1024xf32, #tpu.memory_space<vmem>>, vector<1x16xf32>,
        %swap3A_241 = arith.index_cast %while3A_126 : i32 to index
        %swap3A_242 = arith.constant 368 : index
        %swap3A_243 = tpu.vector_load %arg8[%swap3A_241, %swap3A_242] {strides = array<i32>} : memref<32x1024xf32, #tpu.memory_space<vmem>>, vector<1x16xf32>,
        %swap3A_244 = vector.shape_cast %swap3A_243 : vector<1x16xf32> to vector<16xf32>
        %swap3A_245 = vector.shape_cast %broadcast_in_dim3A_20 : vector<16xf32> to vector<1x16xf32>
        tpu.vector_store %arg8[%swap3A_241, %swap3A_242], %swap3A_245 {strides = array<i32>} : memref<32x1024xf32, #tpu.memory_space<vmem>>, vector<1x16xf32>,
        %swap3A_246 = arith.index_cast %while3A_126 : i32 to index
        %swap3A_247 = arith.constant 384 : index
        %swap3A_248 = tpu.vector_load %arg8[%swap3A_246, %swap3A_247] {strides = array<i32>} : memref<32x1024xf32, #tpu.memory_space<vmem>>, vector<1x16xf32>,
        %swap3A_249 = vector.shape_cast %swap3A_248 : vector<1x16xf32> to vector<16xf32>
        %swap3A_250 = vector.shape_cast %broadcast_in_dim3A_20 : vector<16xf32> to vector<1x16xf32>
        tpu.vector_store %arg8[%swap3A_246, %swap3A_247], %swap3A_250 {strides = array<i32>} : memref<32x1024xf32, #tpu.memory_space<vmem>>, vector<1x16xf32>,
        %swap3A_251 = arith.index_cast %while3A_126 : i32 to index
        %swap3A_252 = arith.constant 400 : index
        %swap3A_253 = tpu.vector_load %arg8[%swap3A_251, %swap3A_252] {strides = array<i32>} : memref<32x1024xf32, #tpu.memory_space<vmem>>, vector<1x16xf32>,
        %swap3A_254 = vector.shape_cast %swap3A_253 : vector<1x16xf32> to vector<16xf32>
        %swap3A_255 = vector.shape_cast %broadcast_in_dim3A_20 : vector<16xf32> to vector<1x16xf32>
        tpu.vector_store %arg8[%swap3A_251, %swap3A_252], %swap3A_255 {strides = array<i32>} : memref<32x1024xf32, #tpu.memory_space<vmem>>, vector<1x16xf32>,
        %swap3A_256 = arith.index_cast %while3A_126 : i32 to index
        %swap3A_257 = arith.constant 416 : index
        %swap3A_258 = tpu.vector_load %arg8[%swap3A_256, %swap3A_257] {strides = array<i32>} : memref<32x1024xf32, #tpu.memory_space<vmem>>, vector<1x16xf32>,
        %swap3A_259 = vector.shape_cast %swap3A_258 : vector<1x16xf32> to vector<16xf32>
        %swap3A_260 = vector.shape_cast %broadcast_in_dim3A_20 : vector<16xf32> to vector<1x16xf32>
        tpu.vector_store %arg8[%swap3A_256, %swap3A_257], %swap3A_260 {strides = array<i32>} : memref<32x1024xf32, #tpu.memory_space<vmem>>, vector<1x16xf32>,
        %swap3A_261 = arith.index_cast %while3A_126 : i32 to index
        %swap3A_262 = arith.constant 432 : index
        %swap3A_263 = tpu.vector_load %arg8[%swap3A_261, %swap3A_262] {strides = array<i32>} : memref<32x1024xf32, #tpu.memory_space<vmem>>, vector<1x16xf32>,
        %swap3A_264 = vector.shape_cast %swap3A_263 : vector<1x16xf32> to vector<16xf32>
        %swap3A_265 = vector.shape_cast %broadcast_in_dim3A_20 : vector<16xf32> to vector<1x16xf32>
        tpu.vector_store %arg8[%swap3A_261, %swap3A_262], %swap3A_265 {strides = array<i32>} : memref<32x1024xf32, #tpu.memory_space<vmem>>, vector<1x16xf32>,
        %swap3A_266 = arith.index_cast %while3A_126 : i32 to index
        %swap3A_267 = arith.constant 448 : index
        %swap3A_268 = tpu.vector_load %arg8[%swap3A_266, %swap3A_267] {strides = array<i32>} : memref<32x1024xf32, #tpu.memory_space<vmem>>, vector<1x16xf32>,
        %swap3A_269 = vector.shape_cast %swap3A_268 : vector<1x16xf32> to vector<16xf32>
        %swap3A_270 = vector.shape_cast %broadcast_in_dim3A_20 : vector<16xf32> to vector<1x16xf32>
        tpu.vector_store %arg8[%swap3A_266, %swap3A_267], %swap3A_270 {strides = array<i32>} : memref<32x1024xf32, #tpu.memory_space<vmem>>, vector<1x16xf32>,
        %swap3A_271 = arith.index_cast %while3A_126 : i32 to index
        %swap3A_272 = arith.constant 464 : index
        %swap3A_273 = tpu.vector_load %arg8[%swap3A_271, %swap3A_272] {strides = array<i32>} : memref<32x1024xf32, #tpu.memory_space<vmem>>, vector<1x16xf32>,
        %swap3A_274 = vector.shape_cast %swap3A_273 : vector<1x16xf32> to vector<16xf32>
        %swap3A_275 = vector.shape_cast %broadcast_in_dim3A_20 : vector<16xf32> to vector<1x16xf32>
        tpu.vector_store %arg8[%swap3A_271, %swap3A_272], %swap3A_275 {strides = array<i32>} : memref<32x1024xf32, #tpu.memory_space<vmem>>, vector<1x16xf32>,
        %swap3A_276 = arith.index_cast %while3A_126 : i32 to index
        %swap3A_277 = arith.constant 480 : index
        %swap3A_278 = tpu.vector_load %arg8[%swap3A_276, %swap3A_277] {strides = array<i32>} : memref<32x1024xf32, #tpu.memory_space<vmem>>, vector<1x16xf32>,
        %swap3A_279 = vector.shape_cast %swap3A_278 : vector<1x16xf32> to vector<16xf32>
        %swap3A_280 = vector.shape_cast %broadcast_in_dim3A_20 : vector<16xf32> to vector<1x16xf32>
        tpu.vector_store %arg8[%swap3A_276, %swap3A_277], %swap3A_280 {strides = array<i32>} : memref<32x1024xf32, #tpu.memory_space<vmem>>, vector<1x16xf32>,
        %swap3A_281 = arith.index_cast %while3A_126 : i32 to index
        %swap3A_282 = arith.constant 496 : index
        %swap3A_283 = tpu.vector_load %arg8[%swap3A_281, %swap3A_282] {strides = array<i32>} : memref<32x1024xf32, #tpu.memory_space<vmem>>, vector<1x16xf32>,
        %swap3A_284 = vector.shape_cast %swap3A_283 : vector<1x16xf32> to vector<16xf32>
        %swap3A_285 = vector.shape_cast %broadcast_in_dim3A_20 : vector<16xf32> to vector<1x16xf32>
        tpu.vector_store %arg8[%swap3A_281, %swap3A_282], %swap3A_285 {strides = array<i32>} : memref<32x1024xf32, #tpu.memory_space<vmem>>, vector<1x16xf32>,
        %swap3A_286 = arith.index_cast %while3A_126 : i32 to index
        %swap3A_287 = arith.constant 512 : index
        %swap3A_288 = tpu.vector_load %arg8[%swap3A_286, %swap3A_287] {strides = array<i32>} : memref<32x1024xf32, #tpu.memory_space<vmem>>, vector<1x16xf32>,
        %swap3A_289 = vector.shape_cast %swap3A_288 : vector<1x16xf32> to vector<16xf32>
        %swap3A_290 = vector.shape_cast %broadcast_in_dim3A_20 : vector<16xf32> to vector<1x16xf32>
        tpu.vector_store %arg8[%swap3A_286, %swap3A_287], %swap3A_290 {strides = array<i32>} : memref<32x1024xf32, #tpu.memory_space<vmem>>, vector<1x16xf32>,
        %swap3A_291 = arith.index_cast %while3A_126 : i32 to index
        %swap3A_292 = arith.constant 528 : index
        %swap3A_293 = tpu.vector_load %arg8[%swap3A_291, %swap3A_292] {strides = array<i32>} : memref<32x1024xf32, #tpu.memory_space<vmem>>, vector<1x16xf32>,
        %swap3A_294 = vector.shape_cast %swap3A_293 : vector<1x16xf32> to vector<16xf32>
        %swap3A_295 = vector.shape_cast %broadcast_in_dim3A_20 : vector<16xf32> to vector<1x16xf32>
        tpu.vector_store %arg8[%swap3A_291, %swap3A_292], %swap3A_295 {strides = array<i32>} : memref<32x1024xf32, #tpu.memory_space<vmem>>, vector<1x16xf32>,
        %swap3A_296 = arith.index_cast %while3A_126 : i32 to index
        %swap3A_297 = arith.constant 544 : index
        %swap3A_298 = tpu.vector_load %arg8[%swap3A_296, %swap3A_297] {strides = array<i32>} : memref<32x1024xf32, #tpu.memory_space<vmem>>, vector<1x16xf32>,
        %swap3A_299 = vector.shape_cast %swap3A_298 : vector<1x16xf32> to vector<16xf32>
        %swap3A_300 = vector.shape_cast %broadcast_in_dim3A_20 : vector<16xf32> to vector<1x16xf32>
        tpu.vector_store %arg8[%swap3A_296, %swap3A_297], %swap3A_300 {strides = array<i32>} : memref<32x1024xf32, #tpu.memory_space<vmem>>, vector<1x16xf32>,
        %swap3A_301 = arith.index_cast %while3A_126 : i32 to index
        %swap3A_302 = arith.constant 560 : index
        %swap3A_303 = tpu.vector_load %arg8[%swap3A_301, %swap3A_302] {strides = array<i32>} : memref<32x1024xf32, #tpu.memory_space<vmem>>, vector<1x16xf32>,
        %swap3A_304 = vector.shape_cast %swap3A_303 : vector<1x16xf32> to vector<16xf32>
        %swap3A_305 = vector.shape_cast %broadcast_in_dim3A_20 : vector<16xf32> to vector<1x16xf32>
        tpu.vector_store %arg8[%swap3A_301, %swap3A_302], %swap3A_305 {strides = array<i32>} : memref<32x1024xf32, #tpu.memory_space<vmem>>, vector<1x16xf32>,
        %swap3A_306 = arith.index_cast %while3A_126 : i32 to index
        %swap3A_307 = arith.constant 576 : index
        %swap3A_308 = tpu.vector_load %arg8[%swap3A_306, %swap3A_307] {strides = array<i32>} : memref<32x1024xf32, #tpu.memory_space<vmem>>, vector<1x16xf32>,
        %swap3A_309 = vector.shape_cast %swap3A_308 : vector<1x16xf32> to vector<16xf32>
        %swap3A_310 = vector.shape_cast %broadcast_in_dim3A_20 : vector<16xf32> to vector<1x16xf32>
        tpu.vector_store %arg8[%swap3A_306, %swap3A_307], %swap3A_310 {strides = array<i32>} : memref<32x1024xf32, #tpu.memory_space<vmem>>, vector<1x16xf32>,
        %swap3A_311 = arith.index_cast %while3A_126 : i32 to index
        %swap3A_312 = arith.constant 592 : index
        %swap3A_313 = tpu.vector_load %arg8[%swap3A_311, %swap3A_312] {strides = array<i32>} : memref<32x1024xf32, #tpu.memory_space<vmem>>, vector<1x16xf32>,
        %swap3A_314 = vector.shape_cast %swap3A_313 : vector<1x16xf32> to vector<16xf32>
        %swap3A_315 = vector.shape_cast %broadcast_in_dim3A_20 : vector<16xf32> to vector<1x16xf32>
        tpu.vector_store %arg8[%swap3A_311, %swap3A_312], %swap3A_315 {strides = array<i32>} : memref<32x1024xf32, #tpu.memory_space<vmem>>, vector<1x16xf32>,
        %swap3A_316 = arith.index_cast %while3A_126 : i32 to index
        %swap3A_317 = arith.constant 608 : index
        %swap3A_318 = tpu.vector_load %arg8[%swap3A_316, %swap3A_317] {strides = array<i32>} : memref<32x1024xf32, #tpu.memory_space<vmem>>, vector<1x16xf32>,
        %swap3A_319 = vector.shape_cast %swap3A_318 : vector<1x16xf32> to vector<16xf32>
        %swap3A_320 = vector.shape_cast %broadcast_in_dim3A_20 : vector<16xf32> to vector<1x16xf32>
        tpu.vector_store %arg8[%swap3A_316, %swap3A_317], %swap3A_320 {strides = array<i32>} : memref<32x1024xf32, #tpu.memory_space<vmem>>, vector<1x16xf32>,
        %swap3A_321 = arith.index_cast %while3A_126 : i32 to index
        %swap3A_322 = arith.constant 624 : index
        %swap3A_323 = tpu.vector_load %arg8[%swap3A_321, %swap3A_322] {strides = array<i32>} : memref<32x1024xf32, #tpu.memory_space<vmem>>, vector<1x16xf32>,
        %swap3A_324 = vector.shape_cast %swap3A_323 : vector<1x16xf32> to vector<16xf32>
        %swap3A_325 = vector.shape_cast %broadcast_in_dim3A_20 : vector<16xf32> to vector<1x16xf32>
        tpu.vector_store %arg8[%swap3A_321, %swap3A_322], %swap3A_325 {strides = array<i32>} : memref<32x1024xf32, #tpu.memory_space<vmem>>, vector<1x16xf32>,
        %swap3A_326 = arith.index_cast %while3A_126 : i32 to index
        %swap3A_327 = arith.constant 640 : index
        %swap3A_328 = tpu.vector_load %arg8[%swap3A_326, %swap3A_327] {strides = array<i32>} : memref<32x1024xf32, #tpu.memory_space<vmem>>, vector<1x16xf32>,
        %swap3A_329 = vector.shape_cast %swap3A_328 : vector<1x16xf32> to vector<16xf32>
        %swap3A_330 = vector.shape_cast %broadcast_in_dim3A_20 : vector<16xf32> to vector<1x16xf32>
        tpu.vector_store %arg8[%swap3A_326, %swap3A_327], %swap3A_330 {strides = array<i32>} : memref<32x1024xf32, #tpu.memory_space<vmem>>, vector<1x16xf32>,
        %swap3A_331 = arith.index_cast %while3A_126 : i32 to index
        %swap3A_332 = arith.constant 656 : index
        %swap3A_333 = tpu.vector_load %arg8[%swap3A_331, %swap3A_332] {strides = array<i32>} : memref<32x1024xf32, #tpu.memory_space<vmem>>, vector<1x16xf32>,
        %swap3A_334 = vector.shape_cast %swap3A_333 : vector<1x16xf32> to vector<16xf32>
        %swap3A_335 = vector.shape_cast %broadcast_in_dim3A_20 : vector<16xf32> to vector<1x16xf32>
        tpu.vector_store %arg8[%swap3A_331, %swap3A_332], %swap3A_335 {strides = array<i32>} : memref<32x1024xf32, #tpu.memory_space<vmem>>, vector<1x16xf32>,
        %swap3A_336 = arith.index_cast %while3A_126 : i32 to index
        %swap3A_337 = arith.constant 672 : index
        %swap3A_338 = tpu.vector_load %arg8[%swap3A_336, %swap3A_337] {strides = array<i32>} : memref<32x1024xf32, #tpu.memory_space<vmem>>, vector<1x16xf32>,
        %swap3A_339 = vector.shape_cast %swap3A_338 : vector<1x16xf32> to vector<16xf32>
        %swap3A_340 = vector.shape_cast %broadcast_in_dim3A_20 : vector<16xf32> to vector<1x16xf32>
        tpu.vector_store %arg8[%swap3A_336, %swap3A_337], %swap3A_340 {strides = array<i32>} : memref<32x1024xf32, #tpu.memory_space<vmem>>, vector<1x16xf32>,
        %swap3A_341 = arith.index_cast %while3A_126 : i32 to index
        %swap3A_342 = arith.constant 688 : index
        %swap3A_343 = tpu.vector_load %arg8[%swap3A_341, %swap3A_342] {strides = array<i32>} : memref<32x1024xf32, #tpu.memory_space<vmem>>, vector<1x16xf32>,
        %swap3A_344 = vector.shape_cast %swap3A_343 : vector<1x16xf32> to vector<16xf32>
        %swap3A_345 = vector.shape_cast %broadcast_in_dim3A_20 : vector<16xf32> to vector<1x16xf32>
        tpu.vector_store %arg8[%swap3A_341, %swap3A_342], %swap3A_345 {strides = array<i32>} : memref<32x1024xf32, #tpu.memory_space<vmem>>, vector<1x16xf32>,
        %swap3A_346 = arith.index_cast %while3A_126 : i32 to index
        %swap3A_347 = arith.constant 704 : index
        %swap3A_348 = tpu.vector_load %arg8[%swap3A_346, %swap3A_347] {strides = array<i32>} : memref<32x1024xf32, #tpu.memory_space<vmem>>, vector<1x16xf32>,
        %swap3A_349 = vector.shape_cast %swap3A_348 : vector<1x16xf32> to vector<16xf32>
        %swap3A_350 = vector.shape_cast %broadcast_in_dim3A_20 : vector<16xf32> to vector<1x16xf32>
        tpu.vector_store %arg8[%swap3A_346, %swap3A_347], %swap3A_350 {strides = array<i32>} : memref<32x1024xf32, #tpu.memory_space<vmem>>, vector<1x16xf32>,
        %swap3A_351 = arith.index_cast %while3A_126 : i32 to index
        %swap3A_352 = arith.constant 720 : index
        %swap3A_353 = tpu.vector_load %arg8[%swap3A_351, %swap3A_352] {strides = array<i32>} : memref<32x1024xf32, #tpu.memory_space<vmem>>, vector<1x16xf32>,
        %swap3A_354 = vector.shape_cast %swap3A_353 : vector<1x16xf32> to vector<16xf32>
        %swap3A_355 = vector.shape_cast %broadcast_in_dim3A_20 : vector<16xf32> to vector<1x16xf32>
        tpu.vector_store %arg8[%swap3A_351, %swap3A_352], %swap3A_355 {strides = array<i32>} : memref<32x1024xf32, #tpu.memory_space<vmem>>, vector<1x16xf32>,
        %swap3A_356 = arith.index_cast %while3A_126 : i32 to index
        %swap3A_357 = arith.constant 736 : index
        %swap3A_358 = tpu.vector_load %arg8[%swap3A_356, %swap3A_357] {strides = array<i32>} : memref<32x1024xf32, #tpu.memory_space<vmem>>, vector<1x16xf32>,
        %swap3A_359 = vector.shape_cast %swap3A_358 : vector<1x16xf32> to vector<16xf32>
        %swap3A_360 = vector.shape_cast %broadcast_in_dim3A_20 : vector<16xf32> to vector<1x16xf32>
        tpu.vector_store %arg8[%swap3A_356, %swap3A_357], %swap3A_360 {strides = array<i32>} : memref<32x1024xf32, #tpu.memory_space<vmem>>, vector<1x16xf32>,
        %swap3A_361 = arith.index_cast %while3A_126 : i32 to index
        %swap3A_362 = arith.constant 752 : index
        %swap3A_363 = tpu.vector_load %arg8[%swap3A_361, %swap3A_362] {strides = array<i32>} : memref<32x1024xf32, #tpu.memory_space<vmem>>, vector<1x16xf32>,
        %swap3A_364 = vector.shape_cast %swap3A_363 : vector<1x16xf32> to vector<16xf32>
        %swap3A_365 = vector.shape_cast %broadcast_in_dim3A_20 : vector<16xf32> to vector<1x16xf32>
        tpu.vector_store %arg8[%swap3A_361, %swap3A_362], %swap3A_365 {strides = array<i32>} : memref<32x1024xf32, #tpu.memory_space<vmem>>, vector<1x16xf32>,
        %swap3A_366 = arith.index_cast %while3A_126 : i32 to index
        %swap3A_367 = arith.constant 768 : index
        %swap3A_368 = tpu.vector_load %arg8[%swap3A_366, %swap3A_367] {strides = array<i32>} : memref<32x1024xf32, #tpu.memory_space<vmem>>, vector<1x16xf32>,
        %swap3A_369 = vector.shape_cast %swap3A_368 : vector<1x16xf32> to vector<16xf32>
        %swap3A_370 = vector.shape_cast %broadcast_in_dim3A_20 : vector<16xf32> to vector<1x16xf32>
        tpu.vector_store %arg8[%swap3A_366, %swap3A_367], %swap3A_370 {strides = array<i32>} : memref<32x1024xf32, #tpu.memory_space<vmem>>, vector<1x16xf32>,
        %swap3A_371 = arith.index_cast %while3A_126 : i32 to index
        %swap3A_372 = arith.constant 784 : index
        %swap3A_373 = tpu.vector_load %arg8[%swap3A_371, %swap3A_372] {strides = array<i32>} : memref<32x1024xf32, #tpu.memory_space<vmem>>, vector<1x16xf32>,
        %swap3A_374 = vector.shape_cast %swap3A_373 : vector<1x16xf32> to vector<16xf32>
        %swap3A_375 = vector.shape_cast %broadcast_in_dim3A_20 : vector<16xf32> to vector<1x16xf32>
        tpu.vector_store %arg8[%swap3A_371, %swap3A_372], %swap3A_375 {strides = array<i32>} : memref<32x1024xf32, #tpu.memory_space<vmem>>, vector<1x16xf32>,
        %swap3A_376 = arith.index_cast %while3A_126 : i32 to index
        %swap3A_377 = arith.constant 800 : index
        %swap3A_378 = tpu.vector_load %arg8[%swap3A_376, %swap3A_377] {strides = array<i32>} : memref<32x1024xf32, #tpu.memory_space<vmem>>, vector<1x16xf32>,
        %swap3A_379 = vector.shape_cast %swap3A_378 : vector<1x16xf32> to vector<16xf32>
        %swap3A_380 = vector.shape_cast %broadcast_in_dim3A_20 : vector<16xf32> to vector<1x16xf32>
        tpu.vector_store %arg8[%swap3A_376, %swap3A_377], %swap3A_380 {strides = array<i32>} : memref<32x1024xf32, #tpu.memory_space<vmem>>, vector<1x16xf32>,
        %swap3A_381 = arith.index_cast %while3A_126 : i32 to index
        %swap3A_382 = arith.constant 816 : index
        %swap3A_383 = tpu.vector_load %arg8[%swap3A_381, %swap3A_382] {strides = array<i32>} : memref<32x1024xf32, #tpu.memory_space<vmem>>, vector<1x16xf32>,
        %swap3A_384 = vector.shape_cast %swap3A_383 : vector<1x16xf32> to vector<16xf32>
        %swap3A_385 = vector.shape_cast %broadcast_in_dim3A_20 : vector<16xf32> to vector<1x16xf32>
        tpu.vector_store %arg8[%swap3A_381, %swap3A_382], %swap3A_385 {strides = array<i32>} : memref<32x1024xf32, #tpu.memory_space<vmem>>, vector<1x16xf32>,
        %swap3A_386 = arith.index_cast %while3A_126 : i32 to index
        %swap3A_387 = arith.constant 832 : index
        %swap3A_388 = tpu.vector_load %arg8[%swap3A_386, %swap3A_387] {strides = array<i32>} : memref<32x1024xf32, #tpu.memory_space<vmem>>, vector<1x16xf32>,
        %swap3A_389 = vector.shape_cast %swap3A_388 : vector<1x16xf32> to vector<16xf32>
        %swap3A_390 = vector.shape_cast %broadcast_in_dim3A_20 : vector<16xf32> to vector<1x16xf32>
        tpu.vector_store %arg8[%swap3A_386, %swap3A_387], %swap3A_390 {strides = array<i32>} : memref<32x1024xf32, #tpu.memory_space<vmem>>, vector<1x16xf32>,
        %swap3A_391 = arith.index_cast %while3A_126 : i32 to index
        %swap3A_392 = arith.constant 848 : index
        %swap3A_393 = tpu.vector_load %arg8[%swap3A_391, %swap3A_392] {strides = array<i32>} : memref<32x1024xf32, #tpu.memory_space<vmem>>, vector<1x16xf32>,
        %swap3A_394 = vector.shape_cast %swap3A_393 : vector<1x16xf32> to vector<16xf32>
        %swap3A_395 = vector.shape_cast %broadcast_in_dim3A_20 : vector<16xf32> to vector<1x16xf32>
        tpu.vector_store %arg8[%swap3A_391, %swap3A_392], %swap3A_395 {strides = array<i32>} : memref<32x1024xf32, #tpu.memory_space<vmem>>, vector<1x16xf32>,
        %swap3A_396 = arith.index_cast %while3A_126 : i32 to index
        %swap3A_397 = arith.constant 864 : index
        %swap3A_398 = tpu.vector_load %arg8[%swap3A_396, %swap3A_397] {strides = array<i32>} : memref<32x1024xf32, #tpu.memory_space<vmem>>, vector<1x16xf32>,
        %swap3A_399 = vector.shape_cast %swap3A_398 : vector<1x16xf32> to vector<16xf32>
        %swap3A_400 = vector.shape_cast %broadcast_in_dim3A_20 : vector<16xf32> to vector<1x16xf32>
        tpu.vector_store %arg8[%swap3A_396, %swap3A_397], %swap3A_400 {strides = array<i32>} : memref<32x1024xf32, #tpu.memory_space<vmem>>, vector<1x16xf32>,
        %swap3A_401 = arith.index_cast %while3A_126 : i32 to index
        %swap3A_402 = arith.constant 880 : index
        %swap3A_403 = tpu.vector_load %arg8[%swap3A_401, %swap3A_402] {strides = array<i32>} : memref<32x1024xf32, #tpu.memory_space<vmem>>, vector<1x16xf32>,
        %swap3A_404 = vector.shape_cast %swap3A_403 : vector<1x16xf32> to vector<16xf32>
        %swap3A_405 = vector.shape_cast %broadcast_in_dim3A_20 : vector<16xf32> to vector<1x16xf32>
        tpu.vector_store %arg8[%swap3A_401, %swap3A_402], %swap3A_405 {strides = array<i32>} : memref<32x1024xf32, #tpu.memory_space<vmem>>, vector<1x16xf32>,
        %swap3A_406 = arith.index_cast %while3A_126 : i32 to index
        %swap3A_407 = arith.constant 896 : index
        %swap3A_408 = tpu.vector_load %arg8[%swap3A_406, %swap3A_407] {strides = array<i32>} : memref<32x1024xf32, #tpu.memory_space<vmem>>, vector<1x16xf32>,
        %swap3A_409 = vector.shape_cast %swap3A_408 : vector<1x16xf32> to vector<16xf32>
        %swap3A_410 = vector.shape_cast %broadcast_in_dim3A_20 : vector<16xf32> to vector<1x16xf32>
        tpu.vector_store %arg8[%swap3A_406, %swap3A_407], %swap3A_410 {strides = array<i32>} : memref<32x1024xf32, #tpu.memory_space<vmem>>, vector<1x16xf32>,
        %swap3A_411 = arith.index_cast %while3A_126 : i32 to index
        %swap3A_412 = arith.constant 912 : index
        %swap3A_413 = tpu.vector_load %arg8[%swap3A_411, %swap3A_412] {strides = array<i32>} : memref<32x1024xf32, #tpu.memory_space<vmem>>, vector<1x16xf32>,
        %swap3A_414 = vector.shape_cast %swap3A_413 : vector<1x16xf32> to vector<16xf32>
        %swap3A_415 = vector.shape_cast %broadcast_in_dim3A_20 : vector<16xf32> to vector<1x16xf32>
        tpu.vector_store %arg8[%swap3A_411, %swap3A_412], %swap3A_415 {strides = array<i32>} : memref<32x1024xf32, #tpu.memory_space<vmem>>, vector<1x16xf32>,
        %swap3A_416 = arith.index_cast %while3A_126 : i32 to index
        %swap3A_417 = arith.constant 928 : index
        %swap3A_418 = tpu.vector_load %arg8[%swap3A_416, %swap3A_417] {strides = array<i32>} : memref<32x1024xf32, #tpu.memory_space<vmem>>, vector<1x16xf32>,
        %swap3A_419 = vector.shape_cast %swap3A_418 : vector<1x16xf32> to vector<16xf32>
        %swap3A_420 = vector.shape_cast %broadcast_in_dim3A_20 : vector<16xf32> to vector<1x16xf32>
        tpu.vector_store %arg8[%swap3A_416, %swap3A_417], %swap3A_420 {strides = array<i32>} : memref<32x1024xf32, #tpu.memory_space<vmem>>, vector<1x16xf32>,
        %swap3A_421 = arith.index_cast %while3A_126 : i32 to index
        %swap3A_422 = arith.constant 944 : index
        %swap3A_423 = tpu.vector_load %arg8[%swap3A_421, %swap3A_422] {strides = array<i32>} : memref<32x1024xf32, #tpu.memory_space<vmem>>, vector<1x16xf32>,
        %swap3A_424 = vector.shape_cast %swap3A_423 : vector<1x16xf32> to vector<16xf32>
        %swap3A_425 = vector.shape_cast %broadcast_in_dim3A_20 : vector<16xf32> to vector<1x16xf32>
        tpu.vector_store %arg8[%swap3A_421, %swap3A_422], %swap3A_425 {strides = array<i32>} : memref<32x1024xf32, #tpu.memory_space<vmem>>, vector<1x16xf32>,
        %swap3A_426 = arith.index_cast %while3A_126 : i32 to index
        %swap3A_427 = arith.constant 960 : index
        %swap3A_428 = tpu.vector_load %arg8[%swap3A_426, %swap3A_427] {strides = array<i32>} : memref<32x1024xf32, #tpu.memory_space<vmem>>, vector<1x16xf32>,
        %swap3A_429 = vector.shape_cast %swap3A_428 : vector<1x16xf32> to vector<16xf32>
        %swap3A_430 = vector.shape_cast %broadcast_in_dim3A_20 : vector<16xf32> to vector<1x16xf32>
        tpu.vector_store %arg8[%swap3A_426, %swap3A_427], %swap3A_430 {strides = array<i32>} : memref<32x1024xf32, #tpu.memory_space<vmem>>, vector<1x16xf32>,
        %swap3A_431 = arith.index_cast %while3A_126 : i32 to index
        %swap3A_432 = arith.constant 976 : index
        %swap3A_433 = tpu.vector_load %arg8[%swap3A_431, %swap3A_432] {strides = array<i32>} : memref<32x1024xf32, #tpu.memory_space<vmem>>, vector<1x16xf32>,
        %swap3A_434 = vector.shape_cast %swap3A_433 : vector<1x16xf32> to vector<16xf32>
        %swap3A_435 = vector.shape_cast %broadcast_in_dim3A_20 : vector<16xf32> to vector<1x16xf32>
        tpu.vector_store %arg8[%swap3A_431, %swap3A_432], %swap3A_435 {strides = array<i32>} : memref<32x1024xf32, #tpu.memory_space<vmem>>, vector<1x16xf32>,
        %swap3A_436 = arith.index_cast %while3A_126 : i32 to index
        %swap3A_437 = arith.constant 992 : index
        %swap3A_438 = tpu.vector_load %arg8[%swap3A_436, %swap3A_437] {strides = array<i32>} : memref<32x1024xf32, #tpu.memory_space<vmem>>, vector<1x16xf32>,
        %swap3A_439 = vector.shape_cast %swap3A_438 : vector<1x16xf32> to vector<16xf32>
        %swap3A_440 = vector.shape_cast %broadcast_in_dim3A_20 : vector<16xf32> to vector<1x16xf32>
        tpu.vector_store %arg8[%swap3A_436, %swap3A_437], %swap3A_440 {strides = array<i32>} : memref<32x1024xf32, #tpu.memory_space<vmem>>, vector<1x16xf32>,
        %swap3A_441 = arith.index_cast %while3A_126 : i32 to index
        %swap3A_442 = arith.constant 1008 : index
        %swap3A_443 = tpu.vector_load %arg8[%swap3A_441, %swap3A_442] {strides = array<i32>} : memref<32x1024xf32, #tpu.memory_space<vmem>>, vector<1x16xf32>,
        %swap3A_444 = vector.shape_cast %swap3A_443 : vector<1x16xf32> to vector<16xf32>
        %swap3A_445 = vector.shape_cast %broadcast_in_dim3A_20 : vector<16xf32> to vector<1x16xf32>
        tpu.vector_store %arg8[%swap3A_441, %swap3A_442], %swap3A_445 {strides = array<i32>} : memref<32x1024xf32, #tpu.memory_space<vmem>>, vector<1x16xf32>,
      }
    } else {
    }
    %dma_start3A_81 = arith.constant 0 : i32
    %dma_start3A_82 = tpu.memref_slice %arg4[%add3A_8, %dma_start3A_81] : memref<4096x1024xf32, #tpu.memory_space<hbm>> -> memref<32x1024xf32, #tpu.memory_space<hbm>>
    %dma_start3A_83 = arith.constant 0 : i32
    %dma_start3A_84 = tpu.memref_slice %arg4[%add3A_8, %dma_start3A_83] : memref<4096x1024xf32, #tpu.memory_space<hbm>> -> memref<32x1024xf32, #tpu.memory_space<hbm>>
    tpu.enqueue_dma source(%arg8 : memref<32x1024xf32, #tpu.memory_space<vmem>>) target(%dma_start3A_84 : memref<32x1024xf32, #tpu.memory_space<hbm>>) target_semaphore(%arg14 : memref<!tpu.dma_semaphore, #tpu.memory_space<semaphore_mem>>)
    %dma_wait3A_85 = arith.constant 0 : i32
    %dma_wait3A_86 = tpu.memref_slice %arg3[%add3A_10, %dma_wait3A_85] : memref<8192x1024xf32, #tpu.memory_space<hbm>> -> memref<32x1024xf32, #tpu.memory_space<hbm>>
    %dma_wait3A_87 = arith.constant 0 : i32
    %dma_wait3A_88 = tpu.memref_slice %arg3[%add3A_10, %dma_wait3A_87] : memref<8192x1024xf32, #tpu.memory_space<hbm>> -> memref<32x1024xf32, #tpu.memory_space<hbm>>
    tpu.wait_dma2 semaphore(%arg9 : memref<!tpu.dma_semaphore, #tpu.memory_space<semaphore_mem>>) src(%dma_wait3A_88 : memref<32x1024xf32, #tpu.memory_space<hbm>>) dst(%arg6 : memref<32x1024xf32, #tpu.memory_space<vmem>>)
    %add3A_89 = arith.constant 96 : i32
    %add3A_90 = arith.addi %mul3A_2, %add3A_89 : i32
    %sub3A_91 = arith.subi %squeeze3A, %add3A_90 : i32
    %jit3A_92 = arith.constant 0 : i32
    %jit3A_93 = arith.constant 32 : i32
    %max3A_94 = arith.maxsi %jit3A_92, %sub3A_91 : i32
    %min3A_95 = arith.minsi %jit3A_93, %max3A_94 : i32
    %lt3A_96 = arith.constant 32 : i32
    %lt3A_97 = arith.cmpi slt, %min3A_95, %lt3A_96 : i32
    %convert_element_type3A_98 = arith.extui %lt3A_97 : i1 to i32
    %cond3A_99 = arith.constant 0 : i32
    %cond3A_100 = arith.cmpi ne, %convert_element_type3A_98, %cond3A_99 : i32
    scf.if %cond3A_100 {
      %while3A = arith.constant 0 : i32
      %while3A_117 = arith.constant 32 : i32
      %while3A_118 = arith.subi %while3A_117, %min3A_95 : i32
      %while3A_119 = arith.addi %min3A_95, %while3A_118 : i32
      %while3A_120 = arith.constant 1 : i32
      %while3A_121 = arith.divsi %while3A_118, %while3A_120 : i32
      %while3A_122 = arith.muli %while3A_121, %while3A_120 : i32
      %while3A_123 = arith.addi %min3A_95, %while3A_122 : i32
      %while3A_124 = arith.constant 1 : i32
      scf.for %while3A_126 = %min3A_95 to %while3A_123 step %while3A_124  : i32 {
        %swap3A = arith.index_cast %while3A_126 : i32 to index
        %swap3A_127 = arith.constant 0 : index
        %swap3A_128 = tpu.vector_load %arg6[%swap3A, %swap3A_127] {strides = array<i32>} : memref<32x1024xf32, #tpu.memory_space<vmem>>, vector<1x16xf32>,
        %swap3A_129 = vector.shape_cast %swap3A_128 : vector<1x16xf32> to vector<16xf32>
        %swap3A_130 = vector.shape_cast %broadcast_in_dim3A_20 : vector<16xf32> to vector<1x16xf32>
        tpu.vector_store %arg6[%swap3A, %swap3A_127], %swap3A_130 {strides = array<i32>} : memref<32x1024xf32, #tpu.memory_space<vmem>>, vector<1x16xf32>,
        %swap3A_131 = arith.index_cast %while3A_126 : i32 to index
        %swap3A_132 = arith.constant 16 : index
        %swap3A_133 = tpu.vector_load %arg6[%swap3A_131, %swap3A_132] {strides = array<i32>} : memref<32x1024xf32, #tpu.memory_space<vmem>>, vector<1x16xf32>,
        %swap3A_134 = vector.shape_cast %swap3A_133 : vector<1x16xf32> to vector<16xf32>
        %swap3A_135 = vector.shape_cast %broadcast_in_dim3A_20 : vector<16xf32> to vector<1x16xf32>
        tpu.vector_store %arg6[%swap3A_131, %swap3A_132], %swap3A_135 {strides = array<i32>} : memref<32x1024xf32, #tpu.memory_space<vmem>>, vector<1x16xf32>,
        %swap3A_136 = arith.index_cast %while3A_126 : i32 to index
        %swap3A_137 = arith.constant 32 : index
        %swap3A_138 = tpu.vector_load %arg6[%swap3A_136, %swap3A_137] {strides = array<i32>} : memref<32x1024xf32, #tpu.memory_space<vmem>>, vector<1x16xf32>,
        %swap3A_139 = vector.shape_cast %swap3A_138 : vector<1x16xf32> to vector<16xf32>
        %swap3A_140 = vector.shape_cast %broadcast_in_dim3A_20 : vector<16xf32> to vector<1x16xf32>
        tpu.vector_store %arg6[%swap3A_136, %swap3A_137], %swap3A_140 {strides = array<i32>} : memref<32x1024xf32, #tpu.memory_space<vmem>>, vector<1x16xf32>,
        %swap3A_141 = arith.index_cast %while3A_126 : i32 to index
        %swap3A_142 = arith.constant 48 : index
        %swap3A_143 = tpu.vector_load %arg6[%swap3A_141, %swap3A_142] {strides = array<i32>} : memref<32x1024xf32, #tpu.memory_space<vmem>>, vector<1x16xf32>,
        %swap3A_144 = vector.shape_cast %swap3A_143 : vector<1x16xf32> to vector<16xf32>
        %swap3A_145 = vector.shape_cast %broadcast_in_dim3A_20 : vector<16xf32> to vector<1x16xf32>
        tpu.vector_store %arg6[%swap3A_141, %swap3A_142], %swap3A_145 {strides = array<i32>} : memref<32x1024xf32, #tpu.memory_space<vmem>>, vector<1x16xf32>,
        %swap3A_146 = arith.index_cast %while3A_126 : i32 to index
        %swap3A_147 = arith.constant 64 : index
        %swap3A_148 = tpu.vector_load %arg6[%swap3A_146, %swap3A_147] {strides = array<i32>} : memref<32x1024xf32, #tpu.memory_space<vmem>>, vector<1x16xf32>,
        %swap3A_149 = vector.shape_cast %swap3A_148 : vector<1x16xf32> to vector<16xf32>
        %swap3A_150 = vector.shape_cast %broadcast_in_dim3A_20 : vector<16xf32> to vector<1x16xf32>
        tpu.vector_store %arg6[%swap3A_146, %swap3A_147], %swap3A_150 {strides = array<i32>} : memref<32x1024xf32, #tpu.memory_space<vmem>>, vector<1x16xf32>,
        %swap3A_151 = arith.index_cast %while3A_126 : i32 to index
        %swap3A_152 = arith.constant 80 : index
        %swap3A_153 = tpu.vector_load %arg6[%swap3A_151, %swap3A_152] {strides = array<i32>} : memref<32x1024xf32, #tpu.memory_space<vmem>>, vector<1x16xf32>,
        %swap3A_154 = vector.shape_cast %swap3A_153 : vector<1x16xf32> to vector<16xf32>
        %swap3A_155 = vector.shape_cast %broadcast_in_dim3A_20 : vector<16xf32> to vector<1x16xf32>
        tpu.vector_store %arg6[%swap3A_151, %swap3A_152], %swap3A_155 {strides = array<i32>} : memref<32x1024xf32, #tpu.memory_space<vmem>>, vector<1x16xf32>,
        %swap3A_156 = arith.index_cast %while3A_126 : i32 to index
        %swap3A_157 = arith.constant 96 : index
        %swap3A_158 = tpu.vector_load %arg6[%swap3A_156, %swap3A_157] {strides = array<i32>} : memref<32x1024xf32, #tpu.memory_space<vmem>>, vector<1x16xf32>,
        %swap3A_159 = vector.shape_cast %swap3A_158 : vector<1x16xf32> to vector<16xf32>
        %swap3A_160 = vector.shape_cast %broadcast_in_dim3A_20 : vector<16xf32> to vector<1x16xf32>
        tpu.vector_store %arg6[%swap3A_156, %swap3A_157], %swap3A_160 {strides = array<i32>} : memref<32x1024xf32, #tpu.memory_space<vmem>>, vector<1x16xf32>,
        %swap3A_161 = arith.index_cast %while3A_126 : i32 to index
        %swap3A_162 = arith.constant 112 : index
        %swap3A_163 = tpu.vector_load %arg6[%swap3A_161, %swap3A_162] {strides = array<i32>} : memref<32x1024xf32, #tpu.memory_space<vmem>>, vector<1x16xf32>,
        %swap3A_164 = vector.shape_cast %swap3A_163 : vector<1x16xf32> to vector<16xf32>
        %swap3A_165 = vector.shape_cast %broadcast_in_dim3A_20 : vector<16xf32> to vector<1x16xf32>
        tpu.vector_store %arg6[%swap3A_161, %swap3A_162], %swap3A_165 {strides = array<i32>} : memref<32x1024xf32, #tpu.memory_space<vmem>>, vector<1x16xf32>,
        %swap3A_166 = arith.index_cast %while3A_126 : i32 to index
        %swap3A_167 = arith.constant 128 : index
        %swap3A_168 = tpu.vector_load %arg6[%swap3A_166, %swap3A_167] {strides = array<i32>} : memref<32x1024xf32, #tpu.memory_space<vmem>>, vector<1x16xf32>,
        %swap3A_169 = vector.shape_cast %swap3A_168 : vector<1x16xf32> to vector<16xf32>
        %swap3A_170 = vector.shape_cast %broadcast_in_dim3A_20 : vector<16xf32> to vector<1x16xf32>
        tpu.vector_store %arg6[%swap3A_166, %swap3A_167], %swap3A_170 {strides = array<i32>} : memref<32x1024xf32, #tpu.memory_space<vmem>>, vector<1x16xf32>,
        %swap3A_171 = arith.index_cast %while3A_126 : i32 to index
        %swap3A_172 = arith.constant 144 : index
        %swap3A_173 = tpu.vector_load %arg6[%swap3A_171, %swap3A_172] {strides = array<i32>} : memref<32x1024xf32, #tpu.memory_space<vmem>>, vector<1x16xf32>,
        %swap3A_174 = vector.shape_cast %swap3A_173 : vector<1x16xf32> to vector<16xf32>
        %swap3A_175 = vector.shape_cast %broadcast_in_dim3A_20 : vector<16xf32> to vector<1x16xf32>
        tpu.vector_store %arg6[%swap3A_171, %swap3A_172], %swap3A_175 {strides = array<i32>} : memref<32x1024xf32, #tpu.memory_space<vmem>>, vector<1x16xf32>,
        %swap3A_176 = arith.index_cast %while3A_126 : i32 to index
        %swap3A_177 = arith.constant 160 : index
        %swap3A_178 = tpu.vector_load %arg6[%swap3A_176, %swap3A_177] {strides = array<i32>} : memref<32x1024xf32, #tpu.memory_space<vmem>>, vector<1x16xf32>,
        %swap3A_179 = vector.shape_cast %swap3A_178 : vector<1x16xf32> to vector<16xf32>
        %swap3A_180 = vector.shape_cast %broadcast_in_dim3A_20 : vector<16xf32> to vector<1x16xf32>
        tpu.vector_store %arg6[%swap3A_176, %swap3A_177], %swap3A_180 {strides = array<i32>} : memref<32x1024xf32, #tpu.memory_space<vmem>>, vector<1x16xf32>,
        %swap3A_181 = arith.index_cast %while3A_126 : i32 to index
        %swap3A_182 = arith.constant 176 : index
        %swap3A_183 = tpu.vector_load %arg6[%swap3A_181, %swap3A_182] {strides = array<i32>} : memref<32x1024xf32, #tpu.memory_space<vmem>>, vector<1x16xf32>,
        %swap3A_184 = vector.shape_cast %swap3A_183 : vector<1x16xf32> to vector<16xf32>
        %swap3A_185 = vector.shape_cast %broadcast_in_dim3A_20 : vector<16xf32> to vector<1x16xf32>
        tpu.vector_store %arg6[%swap3A_181, %swap3A_182], %swap3A_185 {strides = array<i32>} : memref<32x1024xf32, #tpu.memory_space<vmem>>, vector<1x16xf32>,
        %swap3A_186 = arith.index_cast %while3A_126 : i32 to index
        %swap3A_187 = arith.constant 192 : index
        %swap3A_188 = tpu.vector_load %arg6[%swap3A_186, %swap3A_187] {strides = array<i32>} : memref<32x1024xf32, #tpu.memory_space<vmem>>, vector<1x16xf32>,
        %swap3A_189 = vector.shape_cast %swap3A_188 : vector<1x16xf32> to vector<16xf32>
        %swap3A_190 = vector.shape_cast %broadcast_in_dim3A_20 : vector<16xf32> to vector<1x16xf32>
        tpu.vector_store %arg6[%swap3A_186, %swap3A_187], %swap3A_190 {strides = array<i32>} : memref<32x1024xf32, #tpu.memory_space<vmem>>, vector<1x16xf32>,
        %swap3A_191 = arith.index_cast %while3A_126 : i32 to index
        %swap3A_192 = arith.constant 208 : index
        %swap3A_193 = tpu.vector_load %arg6[%swap3A_191, %swap3A_192] {strides = array<i32>} : memref<32x1024xf32, #tpu.memory_space<vmem>>, vector<1x16xf32>,
        %swap3A_194 = vector.shape_cast %swap3A_193 : vector<1x16xf32> to vector<16xf32>
        %swap3A_195 = vector.shape_cast %broadcast_in_dim3A_20 : vector<16xf32> to vector<1x16xf32>
        tpu.vector_store %arg6[%swap3A_191, %swap3A_192], %swap3A_195 {strides = array<i32>} : memref<32x1024xf32, #tpu.memory_space<vmem>>, vector<1x16xf32>,
        %swap3A_196 = arith.index_cast %while3A_126 : i32 to index
        %swap3A_197 = arith.constant 224 : index
        %swap3A_198 = tpu.vector_load %arg6[%swap3A_196, %swap3A_197] {strides = array<i32>} : memref<32x1024xf32, #tpu.memory_space<vmem>>, vector<1x16xf32>,
        %swap3A_199 = vector.shape_cast %swap3A_198 : vector<1x16xf32> to vector<16xf32>
        %swap3A_200 = vector.shape_cast %broadcast_in_dim3A_20 : vector<16xf32> to vector<1x16xf32>
        tpu.vector_store %arg6[%swap3A_196, %swap3A_197], %swap3A_200 {strides = array<i32>} : memref<32x1024xf32, #tpu.memory_space<vmem>>, vector<1x16xf32>,
        %swap3A_201 = arith.index_cast %while3A_126 : i32 to index
        %swap3A_202 = arith.constant 240 : index
        %swap3A_203 = tpu.vector_load %arg6[%swap3A_201, %swap3A_202] {strides = array<i32>} : memref<32x1024xf32, #tpu.memory_space<vmem>>, vector<1x16xf32>,
        %swap3A_204 = vector.shape_cast %swap3A_203 : vector<1x16xf32> to vector<16xf32>
        %swap3A_205 = vector.shape_cast %broadcast_in_dim3A_20 : vector<16xf32> to vector<1x16xf32>
        tpu.vector_store %arg6[%swap3A_201, %swap3A_202], %swap3A_205 {strides = array<i32>} : memref<32x1024xf32, #tpu.memory_space<vmem>>, vector<1x16xf32>,
        %swap3A_206 = arith.index_cast %while3A_126 : i32 to index
        %swap3A_207 = arith.constant 256 : index
        %swap3A_208 = tpu.vector_load %arg6[%swap3A_206, %swap3A_207] {strides = array<i32>} : memref<32x1024xf32, #tpu.memory_space<vmem>>, vector<1x16xf32>,
        %swap3A_209 = vector.shape_cast %swap3A_208 : vector<1x16xf32> to vector<16xf32>
        %swap3A_210 = vector.shape_cast %broadcast_in_dim3A_20 : vector<16xf32> to vector<1x16xf32>
        tpu.vector_store %arg6[%swap3A_206, %swap3A_207], %swap3A_210 {strides = array<i32>} : memref<32x1024xf32, #tpu.memory_space<vmem>>, vector<1x16xf32>,
        %swap3A_211 = arith.index_cast %while3A_126 : i32 to index
        %swap3A_212 = arith.constant 272 : index
        %swap3A_213 = tpu.vector_load %arg6[%swap3A_211, %swap3A_212] {strides = array<i32>} : memref<32x1024xf32, #tpu.memory_space<vmem>>, vector<1x16xf32>,
        %swap3A_214 = vector.shape_cast %swap3A_213 : vector<1x16xf32> to vector<16xf32>
        %swap3A_215 = vector.shape_cast %broadcast_in_dim3A_20 : vector<16xf32> to vector<1x16xf32>
        tpu.vector_store %arg6[%swap3A_211, %swap3A_212], %swap3A_215 {strides = array<i32>} : memref<32x1024xf32, #tpu.memory_space<vmem>>, vector<1x16xf32>,
        %swap3A_216 = arith.index_cast %while3A_126 : i32 to index
        %swap3A_217 = arith.constant 288 : index
        %swap3A_218 = tpu.vector_load %arg6[%swap3A_216, %swap3A_217] {strides = array<i32>} : memref<32x1024xf32, #tpu.memory_space<vmem>>, vector<1x16xf32>,
        %swap3A_219 = vector.shape_cast %swap3A_218 : vector<1x16xf32> to vector<16xf32>
        %swap3A_220 = vector.shape_cast %broadcast_in_dim3A_20 : vector<16xf32> to vector<1x16xf32>
        tpu.vector_store %arg6[%swap3A_216, %swap3A_217], %swap3A_220 {strides = array<i32>} : memref<32x1024xf32, #tpu.memory_space<vmem>>, vector<1x16xf32>,
        %swap3A_221 = arith.index_cast %while3A_126 : i32 to index
        %swap3A_222 = arith.constant 304 : index
        %swap3A_223 = tpu.vector_load %arg6[%swap3A_221, %swap3A_222] {strides = array<i32>} : memref<32x1024xf32, #tpu.memory_space<vmem>>, vector<1x16xf32>,
        %swap3A_224 = vector.shape_cast %swap3A_223 : vector<1x16xf32> to vector<16xf32>
        %swap3A_225 = vector.shape_cast %broadcast_in_dim3A_20 : vector<16xf32> to vector<1x16xf32>
        tpu.vector_store %arg6[%swap3A_221, %swap3A_222], %swap3A_225 {strides = array<i32>} : memref<32x1024xf32, #tpu.memory_space<vmem>>, vector<1x16xf32>,
        %swap3A_226 = arith.index_cast %while3A_126 : i32 to index
        %swap3A_227 = arith.constant 320 : index
        %swap3A_228 = tpu.vector_load %arg6[%swap3A_226, %swap3A_227] {strides = array<i32>} : memref<32x1024xf32, #tpu.memory_space<vmem>>, vector<1x16xf32>,
        %swap3A_229 = vector.shape_cast %swap3A_228 : vector<1x16xf32> to vector<16xf32>
        %swap3A_230 = vector.shape_cast %broadcast_in_dim3A_20 : vector<16xf32> to vector<1x16xf32>
        tpu.vector_store %arg6[%swap3A_226, %swap3A_227], %swap3A_230 {strides = array<i32>} : memref<32x1024xf32, #tpu.memory_space<vmem>>, vector<1x16xf32>,
        %swap3A_231 = arith.index_cast %while3A_126 : i32 to index
        %swap3A_232 = arith.constant 336 : index
        %swap3A_233 = tpu.vector_load %arg6[%swap3A_231, %swap3A_232] {strides = array<i32>} : memref<32x1024xf32, #tpu.memory_space<vmem>>, vector<1x16xf32>,
        %swap3A_234 = vector.shape_cast %swap3A_233 : vector<1x16xf32> to vector<16xf32>
        %swap3A_235 = vector.shape_cast %broadcast_in_dim3A_20 : vector<16xf32> to vector<1x16xf32>
        tpu.vector_store %arg6[%swap3A_231, %swap3A_232], %swap3A_235 {strides = array<i32>} : memref<32x1024xf32, #tpu.memory_space<vmem>>, vector<1x16xf32>,
        %swap3A_236 = arith.index_cast %while3A_126 : i32 to index
        %swap3A_237 = arith.constant 352 : index
        %swap3A_238 = tpu.vector_load %arg6[%swap3A_236, %swap3A_237] {strides = array<i32>} : memref<32x1024xf32, #tpu.memory_space<vmem>>, vector<1x16xf32>,
        %swap3A_239 = vector.shape_cast %swap3A_238 : vector<1x16xf32> to vector<16xf32>
        %swap3A_240 = vector.shape_cast %broadcast_in_dim3A_20 : vector<16xf32> to vector<1x16xf32>
        tpu.vector_store %arg6[%swap3A_236, %swap3A_237], %swap3A_240 {strides = array<i32>} : memref<32x1024xf32, #tpu.memory_space<vmem>>, vector<1x16xf32>,
        %swap3A_241 = arith.index_cast %while3A_126 : i32 to index
        %swap3A_242 = arith.constant 368 : index
        %swap3A_243 = tpu.vector_load %arg6[%swap3A_241, %swap3A_242] {strides = array<i32>} : memref<32x1024xf32, #tpu.memory_space<vmem>>, vector<1x16xf32>,
        %swap3A_244 = vector.shape_cast %swap3A_243 : vector<1x16xf32> to vector<16xf32>
        %swap3A_245 = vector.shape_cast %broadcast_in_dim3A_20 : vector<16xf32> to vector<1x16xf32>
        tpu.vector_store %arg6[%swap3A_241, %swap3A_242], %swap3A_245 {strides = array<i32>} : memref<32x1024xf32, #tpu.memory_space<vmem>>, vector<1x16xf32>,
        %swap3A_246 = arith.index_cast %while3A_126 : i32 to index
        %swap3A_247 = arith.constant 384 : index
        %swap3A_248 = tpu.vector_load %arg6[%swap3A_246, %swap3A_247] {strides = array<i32>} : memref<32x1024xf32, #tpu.memory_space<vmem>>, vector<1x16xf32>,
        %swap3A_249 = vector.shape_cast %swap3A_248 : vector<1x16xf32> to vector<16xf32>
        %swap3A_250 = vector.shape_cast %broadcast_in_dim3A_20 : vector<16xf32> to vector<1x16xf32>
        tpu.vector_store %arg6[%swap3A_246, %swap3A_247], %swap3A_250 {strides = array<i32>} : memref<32x1024xf32, #tpu.memory_space<vmem>>, vector<1x16xf32>,
        %swap3A_251 = arith.index_cast %while3A_126 : i32 to index
        %swap3A_252 = arith.constant 400 : index
        %swap3A_253 = tpu.vector_load %arg6[%swap3A_251, %swap3A_252] {strides = array<i32>} : memref<32x1024xf32, #tpu.memory_space<vmem>>, vector<1x16xf32>,
        %swap3A_254 = vector.shape_cast %swap3A_253 : vector<1x16xf32> to vector<16xf32>
        %swap3A_255 = vector.shape_cast %broadcast_in_dim3A_20 : vector<16xf32> to vector<1x16xf32>
        tpu.vector_store %arg6[%swap3A_251, %swap3A_252], %swap3A_255 {strides = array<i32>} : memref<32x1024xf32, #tpu.memory_space<vmem>>, vector<1x16xf32>,
        %swap3A_256 = arith.index_cast %while3A_126 : i32 to index
        %swap3A_257 = arith.constant 416 : index
        %swap3A_258 = tpu.vector_load %arg6[%swap3A_256, %swap3A_257] {strides = array<i32>} : memref<32x1024xf32, #tpu.memory_space<vmem>>, vector<1x16xf32>,
        %swap3A_259 = vector.shape_cast %swap3A_258 : vector<1x16xf32> to vector<16xf32>
        %swap3A_260 = vector.shape_cast %broadcast_in_dim3A_20 : vector<16xf32> to vector<1x16xf32>
        tpu.vector_store %arg6[%swap3A_256, %swap3A_257], %swap3A_260 {strides = array<i32>} : memref<32x1024xf32, #tpu.memory_space<vmem>>, vector<1x16xf32>,
        %swap3A_261 = arith.index_cast %while3A_126 : i32 to index
        %swap3A_262 = arith.constant 432 : index
        %swap3A_263 = tpu.vector_load %arg6[%swap3A_261, %swap3A_262] {strides = array<i32>} : memref<32x1024xf32, #tpu.memory_space<vmem>>, vector<1x16xf32>,
        %swap3A_264 = vector.shape_cast %swap3A_263 : vector<1x16xf32> to vector<16xf32>
        %swap3A_265 = vector.shape_cast %broadcast_in_dim3A_20 : vector<16xf32> to vector<1x16xf32>
        tpu.vector_store %arg6[%swap3A_261, %swap3A_262], %swap3A_265 {strides = array<i32>} : memref<32x1024xf32, #tpu.memory_space<vmem>>, vector<1x16xf32>,
        %swap3A_266 = arith.index_cast %while3A_126 : i32 to index
        %swap3A_267 = arith.constant 448 : index
        %swap3A_268 = tpu.vector_load %arg6[%swap3A_266, %swap3A_267] {strides = array<i32>} : memref<32x1024xf32, #tpu.memory_space<vmem>>, vector<1x16xf32>,
        %swap3A_269 = vector.shape_cast %swap3A_268 : vector<1x16xf32> to vector<16xf32>
        %swap3A_270 = vector.shape_cast %broadcast_in_dim3A_20 : vector<16xf32> to vector<1x16xf32>
        tpu.vector_store %arg6[%swap3A_266, %swap3A_267], %swap3A_270 {strides = array<i32>} : memref<32x1024xf32, #tpu.memory_space<vmem>>, vector<1x16xf32>,
        %swap3A_271 = arith.index_cast %while3A_126 : i32 to index
        %swap3A_272 = arith.constant 464 : index
        %swap3A_273 = tpu.vector_load %arg6[%swap3A_271, %swap3A_272] {strides = array<i32>} : memref<32x1024xf32, #tpu.memory_space<vmem>>, vector<1x16xf32>,
        %swap3A_274 = vector.shape_cast %swap3A_273 : vector<1x16xf32> to vector<16xf32>
        %swap3A_275 = vector.shape_cast %broadcast_in_dim3A_20 : vector<16xf32> to vector<1x16xf32>
        tpu.vector_store %arg6[%swap3A_271, %swap3A_272], %swap3A_275 {strides = array<i32>} : memref<32x1024xf32, #tpu.memory_space<vmem>>, vector<1x16xf32>,
        %swap3A_276 = arith.index_cast %while3A_126 : i32 to index
        %swap3A_277 = arith.constant 480 : index
        %swap3A_278 = tpu.vector_load %arg6[%swap3A_276, %swap3A_277] {strides = array<i32>} : memref<32x1024xf32, #tpu.memory_space<vmem>>, vector<1x16xf32>,
        %swap3A_279 = vector.shape_cast %swap3A_278 : vector<1x16xf32> to vector<16xf32>
        %swap3A_280 = vector.shape_cast %broadcast_in_dim3A_20 : vector<16xf32> to vector<1x16xf32>
        tpu.vector_store %arg6[%swap3A_276, %swap3A_277], %swap3A_280 {strides = array<i32>} : memref<32x1024xf32, #tpu.memory_space<vmem>>, vector<1x16xf32>,
        %swap3A_281 = arith.index_cast %while3A_126 : i32 to index
        %swap3A_282 = arith.constant 496 : index
        %swap3A_283 = tpu.vector_load %arg6[%swap3A_281, %swap3A_282] {strides = array<i32>} : memref<32x1024xf32, #tpu.memory_space<vmem>>, vector<1x16xf32>,
        %swap3A_284 = vector.shape_cast %swap3A_283 : vector<1x16xf32> to vector<16xf32>
        %swap3A_285 = vector.shape_cast %broadcast_in_dim3A_20 : vector<16xf32> to vector<1x16xf32>
        tpu.vector_store %arg6[%swap3A_281, %swap3A_282], %swap3A_285 {strides = array<i32>} : memref<32x1024xf32, #tpu.memory_space<vmem>>, vector<1x16xf32>,
        %swap3A_286 = arith.index_cast %while3A_126 : i32 to index
        %swap3A_287 = arith.constant 512 : index
        %swap3A_288 = tpu.vector_load %arg6[%swap3A_286, %swap3A_287] {strides = array<i32>} : memref<32x1024xf32, #tpu.memory_space<vmem>>, vector<1x16xf32>,
        %swap3A_289 = vector.shape_cast %swap3A_288 : vector<1x16xf32> to vector<16xf32>
        %swap3A_290 = vector.shape_cast %broadcast_in_dim3A_20 : vector<16xf32> to vector<1x16xf32>
        tpu.vector_store %arg6[%swap3A_286, %swap3A_287], %swap3A_290 {strides = array<i32>} : memref<32x1024xf32, #tpu.memory_space<vmem>>, vector<1x16xf32>,
        %swap3A_291 = arith.index_cast %while3A_126 : i32 to index
        %swap3A_292 = arith.constant 528 : index
        %swap3A_293 = tpu.vector_load %arg6[%swap3A_291, %swap3A_292] {strides = array<i32>} : memref<32x1024xf32, #tpu.memory_space<vmem>>, vector<1x16xf32>,
        %swap3A_294 = vector.shape_cast %swap3A_293 : vector<1x16xf32> to vector<16xf32>
        %swap3A_295 = vector.shape_cast %broadcast_in_dim3A_20 : vector<16xf32> to vector<1x16xf32>
        tpu.vector_store %arg6[%swap3A_291, %swap3A_292], %swap3A_295 {strides = array<i32>} : memref<32x1024xf32, #tpu.memory_space<vmem>>, vector<1x16xf32>,
        %swap3A_296 = arith.index_cast %while3A_126 : i32 to index
        %swap3A_297 = arith.constant 544 : index
        %swap3A_298 = tpu.vector_load %arg6[%swap3A_296, %swap3A_297] {strides = array<i32>} : memref<32x1024xf32, #tpu.memory_space<vmem>>, vector<1x16xf32>,
        %swap3A_299 = vector.shape_cast %swap3A_298 : vector<1x16xf32> to vector<16xf32>
        %swap3A_300 = vector.shape_cast %broadcast_in_dim3A_20 : vector<16xf32> to vector<1x16xf32>
        tpu.vector_store %arg6[%swap3A_296, %swap3A_297], %swap3A_300 {strides = array<i32>} : memref<32x1024xf32, #tpu.memory_space<vmem>>, vector<1x16xf32>,
        %swap3A_301 = arith.index_cast %while3A_126 : i32 to index
        %swap3A_302 = arith.constant 560 : index
        %swap3A_303 = tpu.vector_load %arg6[%swap3A_301, %swap3A_302] {strides = array<i32>} : memref<32x1024xf32, #tpu.memory_space<vmem>>, vector<1x16xf32>,
        %swap3A_304 = vector.shape_cast %swap3A_303 : vector<1x16xf32> to vector<16xf32>
        %swap3A_305 = vector.shape_cast %broadcast_in_dim3A_20 : vector<16xf32> to vector<1x16xf32>
        tpu.vector_store %arg6[%swap3A_301, %swap3A_302], %swap3A_305 {strides = array<i32>} : memref<32x1024xf32, #tpu.memory_space<vmem>>, vector<1x16xf32>,
        %swap3A_306 = arith.index_cast %while3A_126 : i32 to index
        %swap3A_307 = arith.constant 576 : index
        %swap3A_308 = tpu.vector_load %arg6[%swap3A_306, %swap3A_307] {strides = array<i32>} : memref<32x1024xf32, #tpu.memory_space<vmem>>, vector<1x16xf32>,
        %swap3A_309 = vector.shape_cast %swap3A_308 : vector<1x16xf32> to vector<16xf32>
        %swap3A_310 = vector.shape_cast %broadcast_in_dim3A_20 : vector<16xf32> to vector<1x16xf32>
        tpu.vector_store %arg6[%swap3A_306, %swap3A_307], %swap3A_310 {strides = array<i32>} : memref<32x1024xf32, #tpu.memory_space<vmem>>, vector<1x16xf32>,
        %swap3A_311 = arith.index_cast %while3A_126 : i32 to index
        %swap3A_312 = arith.constant 592 : index
        %swap3A_313 = tpu.vector_load %arg6[%swap3A_311, %swap3A_312] {strides = array<i32>} : memref<32x1024xf32, #tpu.memory_space<vmem>>, vector<1x16xf32>,
        %swap3A_314 = vector.shape_cast %swap3A_313 : vector<1x16xf32> to vector<16xf32>
        %swap3A_315 = vector.shape_cast %broadcast_in_dim3A_20 : vector<16xf32> to vector<1x16xf32>
        tpu.vector_store %arg6[%swap3A_311, %swap3A_312], %swap3A_315 {strides = array<i32>} : memref<32x1024xf32, #tpu.memory_space<vmem>>, vector<1x16xf32>,
        %swap3A_316 = arith.index_cast %while3A_126 : i32 to index
        %swap3A_317 = arith.constant 608 : index
        %swap3A_318 = tpu.vector_load %arg6[%swap3A_316, %swap3A_317] {strides = array<i32>} : memref<32x1024xf32, #tpu.memory_space<vmem>>, vector<1x16xf32>,
        %swap3A_319 = vector.shape_cast %swap3A_318 : vector<1x16xf32> to vector<16xf32>
        %swap3A_320 = vector.shape_cast %broadcast_in_dim3A_20 : vector<16xf32> to vector<1x16xf32>
        tpu.vector_store %arg6[%swap3A_316, %swap3A_317], %swap3A_320 {strides = array<i32>} : memref<32x1024xf32, #tpu.memory_space<vmem>>, vector<1x16xf32>,
        %swap3A_321 = arith.index_cast %while3A_126 : i32 to index
        %swap3A_322 = arith.constant 624 : index
        %swap3A_323 = tpu.vector_load %arg6[%swap3A_321, %swap3A_322] {strides = array<i32>} : memref<32x1024xf32, #tpu.memory_space<vmem>>, vector<1x16xf32>,
        %swap3A_324 = vector.shape_cast %swap3A_323 : vector<1x16xf32> to vector<16xf32>
        %swap3A_325 = vector.shape_cast %broadcast_in_dim3A_20 : vector<16xf32> to vector<1x16xf32>
        tpu.vector_store %arg6[%swap3A_321, %swap3A_322], %swap3A_325 {strides = array<i32>} : memref<32x1024xf32, #tpu.memory_space<vmem>>, vector<1x16xf32>,
        %swap3A_326 = arith.index_cast %while3A_126 : i32 to index
        %swap3A_327 = arith.constant 640 : index
        %swap3A_328 = tpu.vector_load %arg6[%swap3A_326, %swap3A_327] {strides = array<i32>} : memref<32x1024xf32, #tpu.memory_space<vmem>>, vector<1x16xf32>,
        %swap3A_329 = vector.shape_cast %swap3A_328 : vector<1x16xf32> to vector<16xf32>
        %swap3A_330 = vector.shape_cast %broadcast_in_dim3A_20 : vector<16xf32> to vector<1x16xf32>
        tpu.vector_store %arg6[%swap3A_326, %swap3A_327], %swap3A_330 {strides = array<i32>} : memref<32x1024xf32, #tpu.memory_space<vmem>>, vector<1x16xf32>,
        %swap3A_331 = arith.index_cast %while3A_126 : i32 to index
        %swap3A_332 = arith.constant 656 : index
        %swap3A_333 = tpu.vector_load %arg6[%swap3A_331, %swap3A_332] {strides = array<i32>} : memref<32x1024xf32, #tpu.memory_space<vmem>>, vector<1x16xf32>,
        %swap3A_334 = vector.shape_cast %swap3A_333 : vector<1x16xf32> to vector<16xf32>
        %swap3A_335 = vector.shape_cast %broadcast_in_dim3A_20 : vector<16xf32> to vector<1x16xf32>
        tpu.vector_store %arg6[%swap3A_331, %swap3A_332], %swap3A_335 {strides = array<i32>} : memref<32x1024xf32, #tpu.memory_space<vmem>>, vector<1x16xf32>,
        %swap3A_336 = arith.index_cast %while3A_126 : i32 to index
        %swap3A_337 = arith.constant 672 : index
        %swap3A_338 = tpu.vector_load %arg6[%swap3A_336, %swap3A_337] {strides = array<i32>} : memref<32x1024xf32, #tpu.memory_space<vmem>>, vector<1x16xf32>,
        %swap3A_339 = vector.shape_cast %swap3A_338 : vector<1x16xf32> to vector<16xf32>
        %swap3A_340 = vector.shape_cast %broadcast_in_dim3A_20 : vector<16xf32> to vector<1x16xf32>
        tpu.vector_store %arg6[%swap3A_336, %swap3A_337], %swap3A_340 {strides = array<i32>} : memref<32x1024xf32, #tpu.memory_space<vmem>>, vector<1x16xf32>,
        %swap3A_341 = arith.index_cast %while3A_126 : i32 to index
        %swap3A_342 = arith.constant 688 : index
        %swap3A_343 = tpu.vector_load %arg6[%swap3A_341, %swap3A_342] {strides = array<i32>} : memref<32x1024xf32, #tpu.memory_space<vmem>>, vector<1x16xf32>,
        %swap3A_344 = vector.shape_cast %swap3A_343 : vector<1x16xf32> to vector<16xf32>
        %swap3A_345 = vector.shape_cast %broadcast_in_dim3A_20 : vector<16xf32> to vector<1x16xf32>
        tpu.vector_store %arg6[%swap3A_341, %swap3A_342], %swap3A_345 {strides = array<i32>} : memref<32x1024xf32, #tpu.memory_space<vmem>>, vector<1x16xf32>,
        %swap3A_346 = arith.index_cast %while3A_126 : i32 to index
        %swap3A_347 = arith.constant 704 : index
        %swap3A_348 = tpu.vector_load %arg6[%swap3A_346, %swap3A_347] {strides = array<i32>} : memref<32x1024xf32, #tpu.memory_space<vmem>>, vector<1x16xf32>,
        %swap3A_349 = vector.shape_cast %swap3A_348 : vector<1x16xf32> to vector<16xf32>
        %swap3A_350 = vector.shape_cast %broadcast_in_dim3A_20 : vector<16xf32> to vector<1x16xf32>
        tpu.vector_store %arg6[%swap3A_346, %swap3A_347], %swap3A_350 {strides = array<i32>} : memref<32x1024xf32, #tpu.memory_space<vmem>>, vector<1x16xf32>,
        %swap3A_351 = arith.index_cast %while3A_126 : i32 to index
        %swap3A_352 = arith.constant 720 : index
        %swap3A_353 = tpu.vector_load %arg6[%swap3A_351, %swap3A_352] {strides = array<i32>} : memref<32x1024xf32, #tpu.memory_space<vmem>>, vector<1x16xf32>,
        %swap3A_354 = vector.shape_cast %swap3A_353 : vector<1x16xf32> to vector<16xf32>
        %swap3A_355 = vector.shape_cast %broadcast_in_dim3A_20 : vector<16xf32> to vector<1x16xf32>
        tpu.vector_store %arg6[%swap3A_351, %swap3A_352], %swap3A_355 {strides = array<i32>} : memref<32x1024xf32, #tpu.memory_space<vmem>>, vector<1x16xf32>,
        %swap3A_356 = arith.index_cast %while3A_126 : i32 to index
        %swap3A_357 = arith.constant 736 : index
        %swap3A_358 = tpu.vector_load %arg6[%swap3A_356, %swap3A_357] {strides = array<i32>} : memref<32x1024xf32, #tpu.memory_space<vmem>>, vector<1x16xf32>,
        %swap3A_359 = vector.shape_cast %swap3A_358 : vector<1x16xf32> to vector<16xf32>
        %swap3A_360 = vector.shape_cast %broadcast_in_dim3A_20 : vector<16xf32> to vector<1x16xf32>
        tpu.vector_store %arg6[%swap3A_356, %swap3A_357], %swap3A_360 {strides = array<i32>} : memref<32x1024xf32, #tpu.memory_space<vmem>>, vector<1x16xf32>,
        %swap3A_361 = arith.index_cast %while3A_126 : i32 to index
        %swap3A_362 = arith.constant 752 : index
        %swap3A_363 = tpu.vector_load %arg6[%swap3A_361, %swap3A_362] {strides = array<i32>} : memref<32x1024xf32, #tpu.memory_space<vmem>>, vector<1x16xf32>,
        %swap3A_364 = vector.shape_cast %swap3A_363 : vector<1x16xf32> to vector<16xf32>
        %swap3A_365 = vector.shape_cast %broadcast_in_dim3A_20 : vector<16xf32> to vector<1x16xf32>
        tpu.vector_store %arg6[%swap3A_361, %swap3A_362], %swap3A_365 {strides = array<i32>} : memref<32x1024xf32, #tpu.memory_space<vmem>>, vector<1x16xf32>,
        %swap3A_366 = arith.index_cast %while3A_126 : i32 to index
        %swap3A_367 = arith.constant 768 : index
        %swap3A_368 = tpu.vector_load %arg6[%swap3A_366, %swap3A_367] {strides = array<i32>} : memref<32x1024xf32, #tpu.memory_space<vmem>>, vector<1x16xf32>,
        %swap3A_369 = vector.shape_cast %swap3A_368 : vector<1x16xf32> to vector<16xf32>
        %swap3A_370 = vector.shape_cast %broadcast_in_dim3A_20 : vector<16xf32> to vector<1x16xf32>
        tpu.vector_store %arg6[%swap3A_366, %swap3A_367], %swap3A_370 {strides = array<i32>} : memref<32x1024xf32, #tpu.memory_space<vmem>>, vector<1x16xf32>,
        %swap3A_371 = arith.index_cast %while3A_126 : i32 to index
        %swap3A_372 = arith.constant 784 : index
        %swap3A_373 = tpu.vector_load %arg6[%swap3A_371, %swap3A_372] {strides = array<i32>} : memref<32x1024xf32, #tpu.memory_space<vmem>>, vector<1x16xf32>,
        %swap3A_374 = vector.shape_cast %swap3A_373 : vector<1x16xf32> to vector<16xf32>
        %swap3A_375 = vector.shape_cast %broadcast_in_dim3A_20 : vector<16xf32> to vector<1x16xf32>
        tpu.vector_store %arg6[%swap3A_371, %swap3A_372], %swap3A_375 {strides = array<i32>} : memref<32x1024xf32, #tpu.memory_space<vmem>>, vector<1x16xf32>,
        %swap3A_376 = arith.index_cast %while3A_126 : i32 to index
        %swap3A_377 = arith.constant 800 : index
        %swap3A_378 = tpu.vector_load %arg6[%swap3A_376, %swap3A_377] {strides = array<i32>} : memref<32x1024xf32, #tpu.memory_space<vmem>>, vector<1x16xf32>,
        %swap3A_379 = vector.shape_cast %swap3A_378 : vector<1x16xf32> to vector<16xf32>
        %swap3A_380 = vector.shape_cast %broadcast_in_dim3A_20 : vector<16xf32> to vector<1x16xf32>
        tpu.vector_store %arg6[%swap3A_376, %swap3A_377], %swap3A_380 {strides = array<i32>} : memref<32x1024xf32, #tpu.memory_space<vmem>>, vector<1x16xf32>,
        %swap3A_381 = arith.index_cast %while3A_126 : i32 to index
        %swap3A_382 = arith.constant 816 : index
        %swap3A_383 = tpu.vector_load %arg6[%swap3A_381, %swap3A_382] {strides = array<i32>} : memref<32x1024xf32, #tpu.memory_space<vmem>>, vector<1x16xf32>,
        %swap3A_384 = vector.shape_cast %swap3A_383 : vector<1x16xf32> to vector<16xf32>
        %swap3A_385 = vector.shape_cast %broadcast_in_dim3A_20 : vector<16xf32> to vector<1x16xf32>
        tpu.vector_store %arg6[%swap3A_381, %swap3A_382], %swap3A_385 {strides = array<i32>} : memref<32x1024xf32, #tpu.memory_space<vmem>>, vector<1x16xf32>,
        %swap3A_386 = arith.index_cast %while3A_126 : i32 to index
        %swap3A_387 = arith.constant 832 : index
        %swap3A_388 = tpu.vector_load %arg6[%swap3A_386, %swap3A_387] {strides = array<i32>} : memref<32x1024xf32, #tpu.memory_space<vmem>>, vector<1x16xf32>,
        %swap3A_389 = vector.shape_cast %swap3A_388 : vector<1x16xf32> to vector<16xf32>
        %swap3A_390 = vector.shape_cast %broadcast_in_dim3A_20 : vector<16xf32> to vector<1x16xf32>
        tpu.vector_store %arg6[%swap3A_386, %swap3A_387], %swap3A_390 {strides = array<i32>} : memref<32x1024xf32, #tpu.memory_space<vmem>>, vector<1x16xf32>,
        %swap3A_391 = arith.index_cast %while3A_126 : i32 to index
        %swap3A_392 = arith.constant 848 : index
        %swap3A_393 = tpu.vector_load %arg6[%swap3A_391, %swap3A_392] {strides = array<i32>} : memref<32x1024xf32, #tpu.memory_space<vmem>>, vector<1x16xf32>,
        %swap3A_394 = vector.shape_cast %swap3A_393 : vector<1x16xf32> to vector<16xf32>
        %swap3A_395 = vector.shape_cast %broadcast_in_dim3A_20 : vector<16xf32> to vector<1x16xf32>
        tpu.vector_store %arg6[%swap3A_391, %swap3A_392], %swap3A_395 {strides = array<i32>} : memref<32x1024xf32, #tpu.memory_space<vmem>>, vector<1x16xf32>,
        %swap3A_396 = arith.index_cast %while3A_126 : i32 to index
        %swap3A_397 = arith.constant 864 : index
        %swap3A_398 = tpu.vector_load %arg6[%swap3A_396, %swap3A_397] {strides = array<i32>} : memref<32x1024xf32, #tpu.memory_space<vmem>>, vector<1x16xf32>,
        %swap3A_399 = vector.shape_cast %swap3A_398 : vector<1x16xf32> to vector<16xf32>
        %swap3A_400 = vector.shape_cast %broadcast_in_dim3A_20 : vector<16xf32> to vector<1x16xf32>
        tpu.vector_store %arg6[%swap3A_396, %swap3A_397], %swap3A_400 {strides = array<i32>} : memref<32x1024xf32, #tpu.memory_space<vmem>>, vector<1x16xf32>,
        %swap3A_401 = arith.index_cast %while3A_126 : i32 to index
        %swap3A_402 = arith.constant 880 : index
        %swap3A_403 = tpu.vector_load %arg6[%swap3A_401, %swap3A_402] {strides = array<i32>} : memref<32x1024xf32, #tpu.memory_space<vmem>>, vector<1x16xf32>,
        %swap3A_404 = vector.shape_cast %swap3A_403 : vector<1x16xf32> to vector<16xf32>
        %swap3A_405 = vector.shape_cast %broadcast_in_dim3A_20 : vector<16xf32> to vector<1x16xf32>
        tpu.vector_store %arg6[%swap3A_401, %swap3A_402], %swap3A_405 {strides = array<i32>} : memref<32x1024xf32, #tpu.memory_space<vmem>>, vector<1x16xf32>,
        %swap3A_406 = arith.index_cast %while3A_126 : i32 to index
        %swap3A_407 = arith.constant 896 : index
        %swap3A_408 = tpu.vector_load %arg6[%swap3A_406, %swap3A_407] {strides = array<i32>} : memref<32x1024xf32, #tpu.memory_space<vmem>>, vector<1x16xf32>,
        %swap3A_409 = vector.shape_cast %swap3A_408 : vector<1x16xf32> to vector<16xf32>
        %swap3A_410 = vector.shape_cast %broadcast_in_dim3A_20 : vector<16xf32> to vector<1x16xf32>
        tpu.vector_store %arg6[%swap3A_406, %swap3A_407], %swap3A_410 {strides = array<i32>} : memref<32x1024xf32, #tpu.memory_space<vmem>>, vector<1x16xf32>,
        %swap3A_411 = arith.index_cast %while3A_126 : i32 to index
        %swap3A_412 = arith.constant 912 : index
        %swap3A_413 = tpu.vector_load %arg6[%swap3A_411, %swap3A_412] {strides = array<i32>} : memref<32x1024xf32, #tpu.memory_space<vmem>>, vector<1x16xf32>,
        %swap3A_414 = vector.shape_cast %swap3A_413 : vector<1x16xf32> to vector<16xf32>
        %swap3A_415 = vector.shape_cast %broadcast_in_dim3A_20 : vector<16xf32> to vector<1x16xf32>
        tpu.vector_store %arg6[%swap3A_411, %swap3A_412], %swap3A_415 {strides = array<i32>} : memref<32x1024xf32, #tpu.memory_space<vmem>>, vector<1x16xf32>,
        %swap3A_416 = arith.index_cast %while3A_126 : i32 to index
        %swap3A_417 = arith.constant 928 : index
        %swap3A_418 = tpu.vector_load %arg6[%swap3A_416, %swap3A_417] {strides = array<i32>} : memref<32x1024xf32, #tpu.memory_space<vmem>>, vector<1x16xf32>,
        %swap3A_419 = vector.shape_cast %swap3A_418 : vector<1x16xf32> to vector<16xf32>
        %swap3A_420 = vector.shape_cast %broadcast_in_dim3A_20 : vector<16xf32> to vector<1x16xf32>
        tpu.vector_store %arg6[%swap3A_416, %swap3A_417], %swap3A_420 {strides = array<i32>} : memref<32x1024xf32, #tpu.memory_space<vmem>>, vector<1x16xf32>,
        %swap3A_421 = arith.index_cast %while3A_126 : i32 to index
        %swap3A_422 = arith.constant 944 : index
        %swap3A_423 = tpu.vector_load %arg6[%swap3A_421, %swap3A_422] {strides = array<i32>} : memref<32x1024xf32, #tpu.memory_space<vmem>>, vector<1x16xf32>,
        %swap3A_424 = vector.shape_cast %swap3A_423 : vector<1x16xf32> to vector<16xf32>
        %swap3A_425 = vector.shape_cast %broadcast_in_dim3A_20 : vector<16xf32> to vector<1x16xf32>
        tpu.vector_store %arg6[%swap3A_421, %swap3A_422], %swap3A_425 {strides = array<i32>} : memref<32x1024xf32, #tpu.memory_space<vmem>>, vector<1x16xf32>,
        %swap3A_426 = arith.index_cast %while3A_126 : i32 to index
        %swap3A_427 = arith.constant 960 : index
        %swap3A_428 = tpu.vector_load %arg6[%swap3A_426, %swap3A_427] {strides = array<i32>} : memref<32x1024xf32, #tpu.memory_space<vmem>>, vector<1x16xf32>,
        %swap3A_429 = vector.shape_cast %swap3A_428 : vector<1x16xf32> to vector<16xf32>
        %swap3A_430 = vector.shape_cast %broadcast_in_dim3A_20 : vector<16xf32> to vector<1x16xf32>
        tpu.vector_store %arg6[%swap3A_426, %swap3A_427], %swap3A_430 {strides = array<i32>} : memref<32x1024xf32, #tpu.memory_space<vmem>>, vector<1x16xf32>,
        %swap3A_431 = arith.index_cast %while3A_126 : i32 to index
        %swap3A_432 = arith.constant 976 : index
        %swap3A_433 = tpu.vector_load %arg6[%swap3A_431, %swap3A_432] {strides = array<i32>} : memref<32x1024xf32, #tpu.memory_space<vmem>>, vector<1x16xf32>,
        %swap3A_434 = vector.shape_cast %swap3A_433 : vector<1x16xf32> to vector<16xf32>
        %swap3A_435 = vector.shape_cast %broadcast_in_dim3A_20 : vector<16xf32> to vector<1x16xf32>
        tpu.vector_store %arg6[%swap3A_431, %swap3A_432], %swap3A_435 {strides = array<i32>} : memref<32x1024xf32, #tpu.memory_space<vmem>>, vector<1x16xf32>,
        %swap3A_436 = arith.index_cast %while3A_126 : i32 to index
        %swap3A_437 = arith.constant 992 : index
        %swap3A_438 = tpu.vector_load %arg6[%swap3A_436, %swap3A_437] {strides = array<i32>} : memref<32x1024xf32, #tpu.memory_space<vmem>>, vector<1x16xf32>,
        %swap3A_439 = vector.shape_cast %swap3A_438 : vector<1x16xf32> to vector<16xf32>
        %swap3A_440 = vector.shape_cast %broadcast_in_dim3A_20 : vector<16xf32> to vector<1x16xf32>
        tpu.vector_store %arg6[%swap3A_436, %swap3A_437], %swap3A_440 {strides = array<i32>} : memref<32x1024xf32, #tpu.memory_space<vmem>>, vector<1x16xf32>,
        %swap3A_441 = arith.index_cast %while3A_126 : i32 to index
        %swap3A_442 = arith.constant 1008 : index
        %swap3A_443 = tpu.vector_load %arg6[%swap3A_441, %swap3A_442] {strides = array<i32>} : memref<32x1024xf32, #tpu.memory_space<vmem>>, vector<1x16xf32>,
        %swap3A_444 = vector.shape_cast %swap3A_443 : vector<1x16xf32> to vector<16xf32>
        %swap3A_445 = vector.shape_cast %broadcast_in_dim3A_20 : vector<16xf32> to vector<1x16xf32>
        tpu.vector_store %arg6[%swap3A_441, %swap3A_442], %swap3A_445 {strides = array<i32>} : memref<32x1024xf32, #tpu.memory_space<vmem>>, vector<1x16xf32>,
      }
      %while3A_125 = arith.constant 1 : i32
      scf.for %while3A_126 = %while3A_123 to %while3A_119 step %while3A_125  : i32 {
        %swap3A = arith.index_cast %while3A_126 : i32 to index
        %swap3A_127 = arith.constant 0 : index
        %swap3A_128 = tpu.vector_load %arg6[%swap3A, %swap3A_127] {strides = array<i32>} : memref<32x1024xf32, #tpu.memory_space<vmem>>, vector<1x16xf32>,
        %swap3A_129 = vector.shape_cast %swap3A_128 : vector<1x16xf32> to vector<16xf32>
        %swap3A_130 = vector.shape_cast %broadcast_in_dim3A_20 : vector<16xf32> to vector<1x16xf32>
        tpu.vector_store %arg6[%swap3A, %swap3A_127], %swap3A_130 {strides = array<i32>} : memref<32x1024xf32, #tpu.memory_space<vmem>>, vector<1x16xf32>,
        %swap3A_131 = arith.index_cast %while3A_126 : i32 to index
        %swap3A_132 = arith.constant 16 : index
        %swap3A_133 = tpu.vector_load %arg6[%swap3A_131, %swap3A_132] {strides = array<i32>} : memref<32x1024xf32, #tpu.memory_space<vmem>>, vector<1x16xf32>,
        %swap3A_134 = vector.shape_cast %swap3A_133 : vector<1x16xf32> to vector<16xf32>
        %swap3A_135 = vector.shape_cast %broadcast_in_dim3A_20 : vector<16xf32> to vector<1x16xf32>
        tpu.vector_store %arg6[%swap3A_131, %swap3A_132], %swap3A_135 {strides = array<i32>} : memref<32x1024xf32, #tpu.memory_space<vmem>>, vector<1x16xf32>,
        %swap3A_136 = arith.index_cast %while3A_126 : i32 to index
        %swap3A_137 = arith.constant 32 : index
        %swap3A_138 = tpu.vector_load %arg6[%swap3A_136, %swap3A_137] {strides = array<i32>} : memref<32x1024xf32, #tpu.memory_space<vmem>>, vector<1x16xf32>,
        %swap3A_139 = vector.shape_cast %swap3A_138 : vector<1x16xf32> to vector<16xf32>
        %swap3A_140 = vector.shape_cast %broadcast_in_dim3A_20 : vector<16xf32> to vector<1x16xf32>
        tpu.vector_store %arg6[%swap3A_136, %swap3A_137], %swap3A_140 {strides = array<i32>} : memref<32x1024xf32, #tpu.memory_space<vmem>>, vector<1x16xf32>,
        %swap3A_141 = arith.index_cast %while3A_126 : i32 to index
        %swap3A_142 = arith.constant 48 : index
        %swap3A_143 = tpu.vector_load %arg6[%swap3A_141, %swap3A_142] {strides = array<i32>} : memref<32x1024xf32, #tpu.memory_space<vmem>>, vector<1x16xf32>,
        %swap3A_144 = vector.shape_cast %swap3A_143 : vector<1x16xf32> to vector<16xf32>
        %swap3A_145 = vector.shape_cast %broadcast_in_dim3A_20 : vector<16xf32> to vector<1x16xf32>
        tpu.vector_store %arg6[%swap3A_141, %swap3A_142], %swap3A_145 {strides = array<i32>} : memref<32x1024xf32, #tpu.memory_space<vmem>>, vector<1x16xf32>,
        %swap3A_146 = arith.index_cast %while3A_126 : i32 to index
        %swap3A_147 = arith.constant 64 : index
        %swap3A_148 = tpu.vector_load %arg6[%swap3A_146, %swap3A_147] {strides = array<i32>} : memref<32x1024xf32, #tpu.memory_space<vmem>>, vector<1x16xf32>,
        %swap3A_149 = vector.shape_cast %swap3A_148 : vector<1x16xf32> to vector<16xf32>
        %swap3A_150 = vector.shape_cast %broadcast_in_dim3A_20 : vector<16xf32> to vector<1x16xf32>
        tpu.vector_store %arg6[%swap3A_146, %swap3A_147], %swap3A_150 {strides = array<i32>} : memref<32x1024xf32, #tpu.memory_space<vmem>>, vector<1x16xf32>,
        %swap3A_151 = arith.index_cast %while3A_126 : i32 to index
        %swap3A_152 = arith.constant 80 : index
        %swap3A_153 = tpu.vector_load %arg6[%swap3A_151, %swap3A_152] {strides = array<i32>} : memref<32x1024xf32, #tpu.memory_space<vmem>>, vector<1x16xf32>,
        %swap3A_154 = vector.shape_cast %swap3A_153 : vector<1x16xf32> to vector<16xf32>
        %swap3A_155 = vector.shape_cast %broadcast_in_dim3A_20 : vector<16xf32> to vector<1x16xf32>
        tpu.vector_store %arg6[%swap3A_151, %swap3A_152], %swap3A_155 {strides = array<i32>} : memref<32x1024xf32, #tpu.memory_space<vmem>>, vector<1x16xf32>,
        %swap3A_156 = arith.index_cast %while3A_126 : i32 to index
        %swap3A_157 = arith.constant 96 : index
        %swap3A_158 = tpu.vector_load %arg6[%swap3A_156, %swap3A_157] {strides = array<i32>} : memref<32x1024xf32, #tpu.memory_space<vmem>>, vector<1x16xf32>,
        %swap3A_159 = vector.shape_cast %swap3A_158 : vector<1x16xf32> to vector<16xf32>
        %swap3A_160 = vector.shape_cast %broadcast_in_dim3A_20 : vector<16xf32> to vector<1x16xf32>
        tpu.vector_store %arg6[%swap3A_156, %swap3A_157], %swap3A_160 {strides = array<i32>} : memref<32x1024xf32, #tpu.memory_space<vmem>>, vector<1x16xf32>,
        %swap3A_161 = arith.index_cast %while3A_126 : i32 to index
        %swap3A_162 = arith.constant 112 : index
        %swap3A_163 = tpu.vector_load %arg6[%swap3A_161, %swap3A_162] {strides = array<i32>} : memref<32x1024xf32, #tpu.memory_space<vmem>>, vector<1x16xf32>,
        %swap3A_164 = vector.shape_cast %swap3A_163 : vector<1x16xf32> to vector<16xf32>
        %swap3A_165 = vector.shape_cast %broadcast_in_dim3A_20 : vector<16xf32> to vector<1x16xf32>
        tpu.vector_store %arg6[%swap3A_161, %swap3A_162], %swap3A_165 {strides = array<i32>} : memref<32x1024xf32, #tpu.memory_space<vmem>>, vector<1x16xf32>,
        %swap3A_166 = arith.index_cast %while3A_126 : i32 to index
        %swap3A_167 = arith.constant 128 : index
        %swap3A_168 = tpu.vector_load %arg6[%swap3A_166, %swap3A_167] {strides = array<i32>} : memref<32x1024xf32, #tpu.memory_space<vmem>>, vector<1x16xf32>,
        %swap3A_169 = vector.shape_cast %swap3A_168 : vector<1x16xf32> to vector<16xf32>
        %swap3A_170 = vector.shape_cast %broadcast_in_dim3A_20 : vector<16xf32> to vector<1x16xf32>
        tpu.vector_store %arg6[%swap3A_166, %swap3A_167], %swap3A_170 {strides = array<i32>} : memref<32x1024xf32, #tpu.memory_space<vmem>>, vector<1x16xf32>,
        %swap3A_171 = arith.index_cast %while3A_126 : i32 to index
        %swap3A_172 = arith.constant 144 : index
        %swap3A_173 = tpu.vector_load %arg6[%swap3A_171, %swap3A_172] {strides = array<i32>} : memref<32x1024xf32, #tpu.memory_space<vmem>>, vector<1x16xf32>,
        %swap3A_174 = vector.shape_cast %swap3A_173 : vector<1x16xf32> to vector<16xf32>
        %swap3A_175 = vector.shape_cast %broadcast_in_dim3A_20 : vector<16xf32> to vector<1x16xf32>
        tpu.vector_store %arg6[%swap3A_171, %swap3A_172], %swap3A_175 {strides = array<i32>} : memref<32x1024xf32, #tpu.memory_space<vmem>>, vector<1x16xf32>,
        %swap3A_176 = arith.index_cast %while3A_126 : i32 to index
        %swap3A_177 = arith.constant 160 : index
        %swap3A_178 = tpu.vector_load %arg6[%swap3A_176, %swap3A_177] {strides = array<i32>} : memref<32x1024xf32, #tpu.memory_space<vmem>>, vector<1x16xf32>,
        %swap3A_179 = vector.shape_cast %swap3A_178 : vector<1x16xf32> to vector<16xf32>
        %swap3A_180 = vector.shape_cast %broadcast_in_dim3A_20 : vector<16xf32> to vector<1x16xf32>
        tpu.vector_store %arg6[%swap3A_176, %swap3A_177], %swap3A_180 {strides = array<i32>} : memref<32x1024xf32, #tpu.memory_space<vmem>>, vector<1x16xf32>,
        %swap3A_181 = arith.index_cast %while3A_126 : i32 to index
        %swap3A_182 = arith.constant 176 : index
        %swap3A_183 = tpu.vector_load %arg6[%swap3A_181, %swap3A_182] {strides = array<i32>} : memref<32x1024xf32, #tpu.memory_space<vmem>>, vector<1x16xf32>,
        %swap3A_184 = vector.shape_cast %swap3A_183 : vector<1x16xf32> to vector<16xf32>
        %swap3A_185 = vector.shape_cast %broadcast_in_dim3A_20 : vector<16xf32> to vector<1x16xf32>
        tpu.vector_store %arg6[%swap3A_181, %swap3A_182], %swap3A_185 {strides = array<i32>} : memref<32x1024xf32, #tpu.memory_space<vmem>>, vector<1x16xf32>,
        %swap3A_186 = arith.index_cast %while3A_126 : i32 to index
        %swap3A_187 = arith.constant 192 : index
        %swap3A_188 = tpu.vector_load %arg6[%swap3A_186, %swap3A_187] {strides = array<i32>} : memref<32x1024xf32, #tpu.memory_space<vmem>>, vector<1x16xf32>,
        %swap3A_189 = vector.shape_cast %swap3A_188 : vector<1x16xf32> to vector<16xf32>
        %swap3A_190 = vector.shape_cast %broadcast_in_dim3A_20 : vector<16xf32> to vector<1x16xf32>
        tpu.vector_store %arg6[%swap3A_186, %swap3A_187], %swap3A_190 {strides = array<i32>} : memref<32x1024xf32, #tpu.memory_space<vmem>>, vector<1x16xf32>,
        %swap3A_191 = arith.index_cast %while3A_126 : i32 to index
        %swap3A_192 = arith.constant 208 : index
        %swap3A_193 = tpu.vector_load %arg6[%swap3A_191, %swap3A_192] {strides = array<i32>} : memref<32x1024xf32, #tpu.memory_space<vmem>>, vector<1x16xf32>,
        %swap3A_194 = vector.shape_cast %swap3A_193 : vector<1x16xf32> to vector<16xf32>
        %swap3A_195 = vector.shape_cast %broadcast_in_dim3A_20 : vector<16xf32> to vector<1x16xf32>
        tpu.vector_store %arg6[%swap3A_191, %swap3A_192], %swap3A_195 {strides = array<i32>} : memref<32x1024xf32, #tpu.memory_space<vmem>>, vector<1x16xf32>,
        %swap3A_196 = arith.index_cast %while3A_126 : i32 to index
        %swap3A_197 = arith.constant 224 : index
        %swap3A_198 = tpu.vector_load %arg6[%swap3A_196, %swap3A_197] {strides = array<i32>} : memref<32x1024xf32, #tpu.memory_space<vmem>>, vector<1x16xf32>,
        %swap3A_199 = vector.shape_cast %swap3A_198 : vector<1x16xf32> to vector<16xf32>
        %swap3A_200 = vector.shape_cast %broadcast_in_dim3A_20 : vector<16xf32> to vector<1x16xf32>
        tpu.vector_store %arg6[%swap3A_196, %swap3A_197], %swap3A_200 {strides = array<i32>} : memref<32x1024xf32, #tpu.memory_space<vmem>>, vector<1x16xf32>,
        %swap3A_201 = arith.index_cast %while3A_126 : i32 to index
        %swap3A_202 = arith.constant 240 : index
        %swap3A_203 = tpu.vector_load %arg6[%swap3A_201, %swap3A_202] {strides = array<i32>} : memref<32x1024xf32, #tpu.memory_space<vmem>>, vector<1x16xf32>,
        %swap3A_204 = vector.shape_cast %swap3A_203 : vector<1x16xf32> to vector<16xf32>
        %swap3A_205 = vector.shape_cast %broadcast_in_dim3A_20 : vector<16xf32> to vector<1x16xf32>
        tpu.vector_store %arg6[%swap3A_201, %swap3A_202], %swap3A_205 {strides = array<i32>} : memref<32x1024xf32, #tpu.memory_space<vmem>>, vector<1x16xf32>,
        %swap3A_206 = arith.index_cast %while3A_126 : i32 to index
        %swap3A_207 = arith.constant 256 : index
        %swap3A_208 = tpu.vector_load %arg6[%swap3A_206, %swap3A_207] {strides = array<i32>} : memref<32x1024xf32, #tpu.memory_space<vmem>>, vector<1x16xf32>,
        %swap3A_209 = vector.shape_cast %swap3A_208 : vector<1x16xf32> to vector<16xf32>
        %swap3A_210 = vector.shape_cast %broadcast_in_dim3A_20 : vector<16xf32> to vector<1x16xf32>
        tpu.vector_store %arg6[%swap3A_206, %swap3A_207], %swap3A_210 {strides = array<i32>} : memref<32x1024xf32, #tpu.memory_space<vmem>>, vector<1x16xf32>,
        %swap3A_211 = arith.index_cast %while3A_126 : i32 to index
        %swap3A_212 = arith.constant 272 : index
        %swap3A_213 = tpu.vector_load %arg6[%swap3A_211, %swap3A_212] {strides = array<i32>} : memref<32x1024xf32, #tpu.memory_space<vmem>>, vector<1x16xf32>,
        %swap3A_214 = vector.shape_cast %swap3A_213 : vector<1x16xf32> to vector<16xf32>
        %swap3A_215 = vector.shape_cast %broadcast_in_dim3A_20 : vector<16xf32> to vector<1x16xf32>
        tpu.vector_store %arg6[%swap3A_211, %swap3A_212], %swap3A_215 {strides = array<i32>} : memref<32x1024xf32, #tpu.memory_space<vmem>>, vector<1x16xf32>,
        %swap3A_216 = arith.index_cast %while3A_126 : i32 to index
        %swap3A_217 = arith.constant 288 : index
        %swap3A_218 = tpu.vector_load %arg6[%swap3A_216, %swap3A_217] {strides = array<i32>} : memref<32x1024xf32, #tpu.memory_space<vmem>>, vector<1x16xf32>,
        %swap3A_219 = vector.shape_cast %swap3A_218 : vector<1x16xf32> to vector<16xf32>
        %swap3A_220 = vector.shape_cast %broadcast_in_dim3A_20 : vector<16xf32> to vector<1x16xf32>
        tpu.vector_store %arg6[%swap3A_216, %swap3A_217], %swap3A_220 {strides = array<i32>} : memref<32x1024xf32, #tpu.memory_space<vmem>>, vector<1x16xf32>,
        %swap3A_221 = arith.index_cast %while3A_126 : i32 to index
        %swap3A_222 = arith.constant 304 : index
        %swap3A_223 = tpu.vector_load %arg6[%swap3A_221, %swap3A_222] {strides = array<i32>} : memref<32x1024xf32, #tpu.memory_space<vmem>>, vector<1x16xf32>,
        %swap3A_224 = vector.shape_cast %swap3A_223 : vector<1x16xf32> to vector<16xf32>
        %swap3A_225 = vector.shape_cast %broadcast_in_dim3A_20 : vector<16xf32> to vector<1x16xf32>
        tpu.vector_store %arg6[%swap3A_221, %swap3A_222], %swap3A_225 {strides = array<i32>} : memref<32x1024xf32, #tpu.memory_space<vmem>>, vector<1x16xf32>,
        %swap3A_226 = arith.index_cast %while3A_126 : i32 to index
        %swap3A_227 = arith.constant 320 : index
        %swap3A_228 = tpu.vector_load %arg6[%swap3A_226, %swap3A_227] {strides = array<i32>} : memref<32x1024xf32, #tpu.memory_space<vmem>>, vector<1x16xf32>,
        %swap3A_229 = vector.shape_cast %swap3A_228 : vector<1x16xf32> to vector<16xf32>
        %swap3A_230 = vector.shape_cast %broadcast_in_dim3A_20 : vector<16xf32> to vector<1x16xf32>
        tpu.vector_store %arg6[%swap3A_226, %swap3A_227], %swap3A_230 {strides = array<i32>} : memref<32x1024xf32, #tpu.memory_space<vmem>>, vector<1x16xf32>,
        %swap3A_231 = arith.index_cast %while3A_126 : i32 to index
        %swap3A_232 = arith.constant 336 : index
        %swap3A_233 = tpu.vector_load %arg6[%swap3A_231, %swap3A_232] {strides = array<i32>} : memref<32x1024xf32, #tpu.memory_space<vmem>>, vector<1x16xf32>,
        %swap3A_234 = vector.shape_cast %swap3A_233 : vector<1x16xf32> to vector<16xf32>
        %swap3A_235 = vector.shape_cast %broadcast_in_dim3A_20 : vector<16xf32> to vector<1x16xf32>
        tpu.vector_store %arg6[%swap3A_231, %swap3A_232], %swap3A_235 {strides = array<i32>} : memref<32x1024xf32, #tpu.memory_space<vmem>>, vector<1x16xf32>,
        %swap3A_236 = arith.index_cast %while3A_126 : i32 to index
        %swap3A_237 = arith.constant 352 : index
        %swap3A_238 = tpu.vector_load %arg6[%swap3A_236, %swap3A_237] {strides = array<i32>} : memref<32x1024xf32, #tpu.memory_space<vmem>>, vector<1x16xf32>,
        %swap3A_239 = vector.shape_cast %swap3A_238 : vector<1x16xf32> to vector<16xf32>
        %swap3A_240 = vector.shape_cast %broadcast_in_dim3A_20 : vector<16xf32> to vector<1x16xf32>
        tpu.vector_store %arg6[%swap3A_236, %swap3A_237], %swap3A_240 {strides = array<i32>} : memref<32x1024xf32, #tpu.memory_space<vmem>>, vector<1x16xf32>,
        %swap3A_241 = arith.index_cast %while3A_126 : i32 to index
        %swap3A_242 = arith.constant 368 : index
        %swap3A_243 = tpu.vector_load %arg6[%swap3A_241, %swap3A_242] {strides = array<i32>} : memref<32x1024xf32, #tpu.memory_space<vmem>>, vector<1x16xf32>,
        %swap3A_244 = vector.shape_cast %swap3A_243 : vector<1x16xf32> to vector<16xf32>
        %swap3A_245 = vector.shape_cast %broadcast_in_dim3A_20 : vector<16xf32> to vector<1x16xf32>
        tpu.vector_store %arg6[%swap3A_241, %swap3A_242], %swap3A_245 {strides = array<i32>} : memref<32x1024xf32, #tpu.memory_space<vmem>>, vector<1x16xf32>,
        %swap3A_246 = arith.index_cast %while3A_126 : i32 to index
        %swap3A_247 = arith.constant 384 : index
        %swap3A_248 = tpu.vector_load %arg6[%swap3A_246, %swap3A_247] {strides = array<i32>} : memref<32x1024xf32, #tpu.memory_space<vmem>>, vector<1x16xf32>,
        %swap3A_249 = vector.shape_cast %swap3A_248 : vector<1x16xf32> to vector<16xf32>
        %swap3A_250 = vector.shape_cast %broadcast_in_dim3A_20 : vector<16xf32> to vector<1x16xf32>
        tpu.vector_store %arg6[%swap3A_246, %swap3A_247], %swap3A_250 {strides = array<i32>} : memref<32x1024xf32, #tpu.memory_space<vmem>>, vector<1x16xf32>,
        %swap3A_251 = arith.index_cast %while3A_126 : i32 to index
        %swap3A_252 = arith.constant 400 : index
        %swap3A_253 = tpu.vector_load %arg6[%swap3A_251, %swap3A_252] {strides = array<i32>} : memref<32x1024xf32, #tpu.memory_space<vmem>>, vector<1x16xf32>,
        %swap3A_254 = vector.shape_cast %swap3A_253 : vector<1x16xf32> to vector<16xf32>
        %swap3A_255 = vector.shape_cast %broadcast_in_dim3A_20 : vector<16xf32> to vector<1x16xf32>
        tpu.vector_store %arg6[%swap3A_251, %swap3A_252], %swap3A_255 {strides = array<i32>} : memref<32x1024xf32, #tpu.memory_space<vmem>>, vector<1x16xf32>,
        %swap3A_256 = arith.index_cast %while3A_126 : i32 to index
        %swap3A_257 = arith.constant 416 : index
        %swap3A_258 = tpu.vector_load %arg6[%swap3A_256, %swap3A_257] {strides = array<i32>} : memref<32x1024xf32, #tpu.memory_space<vmem>>, vector<1x16xf32>,
        %swap3A_259 = vector.shape_cast %swap3A_258 : vector<1x16xf32> to vector<16xf32>
        %swap3A_260 = vector.shape_cast %broadcast_in_dim3A_20 : vector<16xf32> to vector<1x16xf32>
        tpu.vector_store %arg6[%swap3A_256, %swap3A_257], %swap3A_260 {strides = array<i32>} : memref<32x1024xf32, #tpu.memory_space<vmem>>, vector<1x16xf32>,
        %swap3A_261 = arith.index_cast %while3A_126 : i32 to index
        %swap3A_262 = arith.constant 432 : index
        %swap3A_263 = tpu.vector_load %arg6[%swap3A_261, %swap3A_262] {strides = array<i32>} : memref<32x1024xf32, #tpu.memory_space<vmem>>, vector<1x16xf32>,
        %swap3A_264 = vector.shape_cast %swap3A_263 : vector<1x16xf32> to vector<16xf32>
        %swap3A_265 = vector.shape_cast %broadcast_in_dim3A_20 : vector<16xf32> to vector<1x16xf32>
        tpu.vector_store %arg6[%swap3A_261, %swap3A_262], %swap3A_265 {strides = array<i32>} : memref<32x1024xf32, #tpu.memory_space<vmem>>, vector<1x16xf32>,
        %swap3A_266 = arith.index_cast %while3A_126 : i32 to index
        %swap3A_267 = arith.constant 448 : index
        %swap3A_268 = tpu.vector_load %arg6[%swap3A_266, %swap3A_267] {strides = array<i32>} : memref<32x1024xf32, #tpu.memory_space<vmem>>, vector<1x16xf32>,
        %swap3A_269 = vector.shape_cast %swap3A_268 : vector<1x16xf32> to vector<16xf32>
        %swap3A_270 = vector.shape_cast %broadcast_in_dim3A_20 : vector<16xf32> to vector<1x16xf32>
        tpu.vector_store %arg6[%swap3A_266, %swap3A_267], %swap3A_270 {strides = array<i32>} : memref<32x1024xf32, #tpu.memory_space<vmem>>, vector<1x16xf32>,
        %swap3A_271 = arith.index_cast %while3A_126 : i32 to index
        %swap3A_272 = arith.constant 464 : index
        %swap3A_273 = tpu.vector_load %arg6[%swap3A_271, %swap3A_272] {strides = array<i32>} : memref<32x1024xf32, #tpu.memory_space<vmem>>, vector<1x16xf32>,
        %swap3A_274 = vector.shape_cast %swap3A_273 : vector<1x16xf32> to vector<16xf32>
        %swap3A_275 = vector.shape_cast %broadcast_in_dim3A_20 : vector<16xf32> to vector<1x16xf32>
        tpu.vector_store %arg6[%swap3A_271, %swap3A_272], %swap3A_275 {strides = array<i32>} : memref<32x1024xf32, #tpu.memory_space<vmem>>, vector<1x16xf32>,
        %swap3A_276 = arith.index_cast %while3A_126 : i32 to index
        %swap3A_277 = arith.constant 480 : index
        %swap3A_278 = tpu.vector_load %arg6[%swap3A_276, %swap3A_277] {strides = array<i32>} : memref<32x1024xf32, #tpu.memory_space<vmem>>, vector<1x16xf32>,
        %swap3A_279 = vector.shape_cast %swap3A_278 : vector<1x16xf32> to vector<16xf32>
        %swap3A_280 = vector.shape_cast %broadcast_in_dim3A_20 : vector<16xf32> to vector<1x16xf32>
        tpu.vector_store %arg6[%swap3A_276, %swap3A_277], %swap3A_280 {strides = array<i32>} : memref<32x1024xf32, #tpu.memory_space<vmem>>, vector<1x16xf32>,
        %swap3A_281 = arith.index_cast %while3A_126 : i32 to index
        %swap3A_282 = arith.constant 496 : index
        %swap3A_283 = tpu.vector_load %arg6[%swap3A_281, %swap3A_282] {strides = array<i32>} : memref<32x1024xf32, #tpu.memory_space<vmem>>, vector<1x16xf32>,
        %swap3A_284 = vector.shape_cast %swap3A_283 : vector<1x16xf32> to vector<16xf32>
        %swap3A_285 = vector.shape_cast %broadcast_in_dim3A_20 : vector<16xf32> to vector<1x16xf32>
        tpu.vector_store %arg6[%swap3A_281, %swap3A_282], %swap3A_285 {strides = array<i32>} : memref<32x1024xf32, #tpu.memory_space<vmem>>, vector<1x16xf32>,
        %swap3A_286 = arith.index_cast %while3A_126 : i32 to index
        %swap3A_287 = arith.constant 512 : index
        %swap3A_288 = tpu.vector_load %arg6[%swap3A_286, %swap3A_287] {strides = array<i32>} : memref<32x1024xf32, #tpu.memory_space<vmem>>, vector<1x16xf32>,
        %swap3A_289 = vector.shape_cast %swap3A_288 : vector<1x16xf32> to vector<16xf32>
        %swap3A_290 = vector.shape_cast %broadcast_in_dim3A_20 : vector<16xf32> to vector<1x16xf32>
        tpu.vector_store %arg6[%swap3A_286, %swap3A_287], %swap3A_290 {strides = array<i32>} : memref<32x1024xf32, #tpu.memory_space<vmem>>, vector<1x16xf32>,
        %swap3A_291 = arith.index_cast %while3A_126 : i32 to index
        %swap3A_292 = arith.constant 528 : index
        %swap3A_293 = tpu.vector_load %arg6[%swap3A_291, %swap3A_292] {strides = array<i32>} : memref<32x1024xf32, #tpu.memory_space<vmem>>, vector<1x16xf32>,
        %swap3A_294 = vector.shape_cast %swap3A_293 : vector<1x16xf32> to vector<16xf32>
        %swap3A_295 = vector.shape_cast %broadcast_in_dim3A_20 : vector<16xf32> to vector<1x16xf32>
        tpu.vector_store %arg6[%swap3A_291, %swap3A_292], %swap3A_295 {strides = array<i32>} : memref<32x1024xf32, #tpu.memory_space<vmem>>, vector<1x16xf32>,
        %swap3A_296 = arith.index_cast %while3A_126 : i32 to index
        %swap3A_297 = arith.constant 544 : index
        %swap3A_298 = tpu.vector_load %arg6[%swap3A_296, %swap3A_297] {strides = array<i32>} : memref<32x1024xf32, #tpu.memory_space<vmem>>, vector<1x16xf32>,
        %swap3A_299 = vector.shape_cast %swap3A_298 : vector<1x16xf32> to vector<16xf32>
        %swap3A_300 = vector.shape_cast %broadcast_in_dim3A_20 : vector<16xf32> to vector<1x16xf32>
        tpu.vector_store %arg6[%swap3A_296, %swap3A_297], %swap3A_300 {strides = array<i32>} : memref<32x1024xf32, #tpu.memory_space<vmem>>, vector<1x16xf32>,
        %swap3A_301 = arith.index_cast %while3A_126 : i32 to index
        %swap3A_302 = arith.constant 560 : index
        %swap3A_303 = tpu.vector_load %arg6[%swap3A_301, %swap3A_302] {strides = array<i32>} : memref<32x1024xf32, #tpu.memory_space<vmem>>, vector<1x16xf32>,
        %swap3A_304 = vector.shape_cast %swap3A_303 : vector<1x16xf32> to vector<16xf32>
        %swap3A_305 = vector.shape_cast %broadcast_in_dim3A_20 : vector<16xf32> to vector<1x16xf32>
        tpu.vector_store %arg6[%swap3A_301, %swap3A_302], %swap3A_305 {strides = array<i32>} : memref<32x1024xf32, #tpu.memory_space<vmem>>, vector<1x16xf32>,
        %swap3A_306 = arith.index_cast %while3A_126 : i32 to index
        %swap3A_307 = arith.constant 576 : index
        %swap3A_308 = tpu.vector_load %arg6[%swap3A_306, %swap3A_307] {strides = array<i32>} : memref<32x1024xf32, #tpu.memory_space<vmem>>, vector<1x16xf32>,
        %swap3A_309 = vector.shape_cast %swap3A_308 : vector<1x16xf32> to vector<16xf32>
        %swap3A_310 = vector.shape_cast %broadcast_in_dim3A_20 : vector<16xf32> to vector<1x16xf32>
        tpu.vector_store %arg6[%swap3A_306, %swap3A_307], %swap3A_310 {strides = array<i32>} : memref<32x1024xf32, #tpu.memory_space<vmem>>, vector<1x16xf32>,
        %swap3A_311 = arith.index_cast %while3A_126 : i32 to index
        %swap3A_312 = arith.constant 592 : index
        %swap3A_313 = tpu.vector_load %arg6[%swap3A_311, %swap3A_312] {strides = array<i32>} : memref<32x1024xf32, #tpu.memory_space<vmem>>, vector<1x16xf32>,
        %swap3A_314 = vector.shape_cast %swap3A_313 : vector<1x16xf32> to vector<16xf32>
        %swap3A_315 = vector.shape_cast %broadcast_in_dim3A_20 : vector<16xf32> to vector<1x16xf32>
        tpu.vector_store %arg6[%swap3A_311, %swap3A_312], %swap3A_315 {strides = array<i32>} : memref<32x1024xf32, #tpu.memory_space<vmem>>, vector<1x16xf32>,
        %swap3A_316 = arith.index_cast %while3A_126 : i32 to index
        %swap3A_317 = arith.constant 608 : index
        %swap3A_318 = tpu.vector_load %arg6[%swap3A_316, %swap3A_317] {strides = array<i32>} : memref<32x1024xf32, #tpu.memory_space<vmem>>, vector<1x16xf32>,
        %swap3A_319 = vector.shape_cast %swap3A_318 : vector<1x16xf32> to vector<16xf32>
        %swap3A_320 = vector.shape_cast %broadcast_in_dim3A_20 : vector<16xf32> to vector<1x16xf32>
        tpu.vector_store %arg6[%swap3A_316, %swap3A_317], %swap3A_320 {strides = array<i32>} : memref<32x1024xf32, #tpu.memory_space<vmem>>, vector<1x16xf32>,
        %swap3A_321 = arith.index_cast %while3A_126 : i32 to index
        %swap3A_322 = arith.constant 624 : index
        %swap3A_323 = tpu.vector_load %arg6[%swap3A_321, %swap3A_322] {strides = array<i32>} : memref<32x1024xf32, #tpu.memory_space<vmem>>, vector<1x16xf32>,
        %swap3A_324 = vector.shape_cast %swap3A_323 : vector<1x16xf32> to vector<16xf32>
        %swap3A_325 = vector.shape_cast %broadcast_in_dim3A_20 : vector<16xf32> to vector<1x16xf32>
        tpu.vector_store %arg6[%swap3A_321, %swap3A_322], %swap3A_325 {strides = array<i32>} : memref<32x1024xf32, #tpu.memory_space<vmem>>, vector<1x16xf32>,
        %swap3A_326 = arith.index_cast %while3A_126 : i32 to index
        %swap3A_327 = arith.constant 640 : index
        %swap3A_328 = tpu.vector_load %arg6[%swap3A_326, %swap3A_327] {strides = array<i32>} : memref<32x1024xf32, #tpu.memory_space<vmem>>, vector<1x16xf32>,
        %swap3A_329 = vector.shape_cast %swap3A_328 : vector<1x16xf32> to vector<16xf32>
        %swap3A_330 = vector.shape_cast %broadcast_in_dim3A_20 : vector<16xf32> to vector<1x16xf32>
        tpu.vector_store %arg6[%swap3A_326, %swap3A_327], %swap3A_330 {strides = array<i32>} : memref<32x1024xf32, #tpu.memory_space<vmem>>, vector<1x16xf32>,
        %swap3A_331 = arith.index_cast %while3A_126 : i32 to index
        %swap3A_332 = arith.constant 656 : index
        %swap3A_333 = tpu.vector_load %arg6[%swap3A_331, %swap3A_332] {strides = array<i32>} : memref<32x1024xf32, #tpu.memory_space<vmem>>, vector<1x16xf32>,
        %swap3A_334 = vector.shape_cast %swap3A_333 : vector<1x16xf32> to vector<16xf32>
        %swap3A_335 = vector.shape_cast %broadcast_in_dim3A_20 : vector<16xf32> to vector<1x16xf32>
        tpu.vector_store %arg6[%swap3A_331, %swap3A_332], %swap3A_335 {strides = array<i32>} : memref<32x1024xf32, #tpu.memory_space<vmem>>, vector<1x16xf32>,
        %swap3A_336 = arith.index_cast %while3A_126 : i32 to index
        %swap3A_337 = arith.constant 672 : index
        %swap3A_338 = tpu.vector_load %arg6[%swap3A_336, %swap3A_337] {strides = array<i32>} : memref<32x1024xf32, #tpu.memory_space<vmem>>, vector<1x16xf32>,
        %swap3A_339 = vector.shape_cast %swap3A_338 : vector<1x16xf32> to vector<16xf32>
        %swap3A_340 = vector.shape_cast %broadcast_in_dim3A_20 : vector<16xf32> to vector<1x16xf32>
        tpu.vector_store %arg6[%swap3A_336, %swap3A_337], %swap3A_340 {strides = array<i32>} : memref<32x1024xf32, #tpu.memory_space<vmem>>, vector<1x16xf32>,
        %swap3A_341 = arith.index_cast %while3A_126 : i32 to index
        %swap3A_342 = arith.constant 688 : index
        %swap3A_343 = tpu.vector_load %arg6[%swap3A_341, %swap3A_342] {strides = array<i32>} : memref<32x1024xf32, #tpu.memory_space<vmem>>, vector<1x16xf32>,
        %swap3A_344 = vector.shape_cast %swap3A_343 : vector<1x16xf32> to vector<16xf32>
        %swap3A_345 = vector.shape_cast %broadcast_in_dim3A_20 : vector<16xf32> to vector<1x16xf32>
        tpu.vector_store %arg6[%swap3A_341, %swap3A_342], %swap3A_345 {strides = array<i32>} : memref<32x1024xf32, #tpu.memory_space<vmem>>, vector<1x16xf32>,
        %swap3A_346 = arith.index_cast %while3A_126 : i32 to index
        %swap3A_347 = arith.constant 704 : index
        %swap3A_348 = tpu.vector_load %arg6[%swap3A_346, %swap3A_347] {strides = array<i32>} : memref<32x1024xf32, #tpu.memory_space<vmem>>, vector<1x16xf32>,
        %swap3A_349 = vector.shape_cast %swap3A_348 : vector<1x16xf32> to vector<16xf32>
        %swap3A_350 = vector.shape_cast %broadcast_in_dim3A_20 : vector<16xf32> to vector<1x16xf32>
        tpu.vector_store %arg6[%swap3A_346, %swap3A_347], %swap3A_350 {strides = array<i32>} : memref<32x1024xf32, #tpu.memory_space<vmem>>, vector<1x16xf32>,
        %swap3A_351 = arith.index_cast %while3A_126 : i32 to index
        %swap3A_352 = arith.constant 720 : index
        %swap3A_353 = tpu.vector_load %arg6[%swap3A_351, %swap3A_352] {strides = array<i32>} : memref<32x1024xf32, #tpu.memory_space<vmem>>, vector<1x16xf32>,
        %swap3A_354 = vector.shape_cast %swap3A_353 : vector<1x16xf32> to vector<16xf32>
        %swap3A_355 = vector.shape_cast %broadcast_in_dim3A_20 : vector<16xf32> to vector<1x16xf32>
        tpu.vector_store %arg6[%swap3A_351, %swap3A_352], %swap3A_355 {strides = array<i32>} : memref<32x1024xf32, #tpu.memory_space<vmem>>, vector<1x16xf32>,
        %swap3A_356 = arith.index_cast %while3A_126 : i32 to index
        %swap3A_357 = arith.constant 736 : index
        %swap3A_358 = tpu.vector_load %arg6[%swap3A_356, %swap3A_357] {strides = array<i32>} : memref<32x1024xf32, #tpu.memory_space<vmem>>, vector<1x16xf32>,
        %swap3A_359 = vector.shape_cast %swap3A_358 : vector<1x16xf32> to vector<16xf32>
        %swap3A_360 = vector.shape_cast %broadcast_in_dim3A_20 : vector<16xf32> to vector<1x16xf32>
        tpu.vector_store %arg6[%swap3A_356, %swap3A_357], %swap3A_360 {strides = array<i32>} : memref<32x1024xf32, #tpu.memory_space<vmem>>, vector<1x16xf32>,
        %swap3A_361 = arith.index_cast %while3A_126 : i32 to index
        %swap3A_362 = arith.constant 752 : index
        %swap3A_363 = tpu.vector_load %arg6[%swap3A_361, %swap3A_362] {strides = array<i32>} : memref<32x1024xf32, #tpu.memory_space<vmem>>, vector<1x16xf32>,
        %swap3A_364 = vector.shape_cast %swap3A_363 : vector<1x16xf32> to vector<16xf32>
        %swap3A_365 = vector.shape_cast %broadcast_in_dim3A_20 : vector<16xf32> to vector<1x16xf32>
        tpu.vector_store %arg6[%swap3A_361, %swap3A_362], %swap3A_365 {strides = array<i32>} : memref<32x1024xf32, #tpu.memory_space<vmem>>, vector<1x16xf32>,
        %swap3A_366 = arith.index_cast %while3A_126 : i32 to index
        %swap3A_367 = arith.constant 768 : index
        %swap3A_368 = tpu.vector_load %arg6[%swap3A_366, %swap3A_367] {strides = array<i32>} : memref<32x1024xf32, #tpu.memory_space<vmem>>, vector<1x16xf32>,
        %swap3A_369 = vector.shape_cast %swap3A_368 : vector<1x16xf32> to vector<16xf32>
        %swap3A_370 = vector.shape_cast %broadcast_in_dim3A_20 : vector<16xf32> to vector<1x16xf32>
        tpu.vector_store %arg6[%swap3A_366, %swap3A_367], %swap3A_370 {strides = array<i32>} : memref<32x1024xf32, #tpu.memory_space<vmem>>, vector<1x16xf32>,
        %swap3A_371 = arith.index_cast %while3A_126 : i32 to index
        %swap3A_372 = arith.constant 784 : index
        %swap3A_373 = tpu.vector_load %arg6[%swap3A_371, %swap3A_372] {strides = array<i32>} : memref<32x1024xf32, #tpu.memory_space<vmem>>, vector<1x16xf32>,
        %swap3A_374 = vector.shape_cast %swap3A_373 : vector<1x16xf32> to vector<16xf32>
        %swap3A_375 = vector.shape_cast %broadcast_in_dim3A_20 : vector<16xf32> to vector<1x16xf32>
        tpu.vector_store %arg6[%swap3A_371, %swap3A_372], %swap3A_375 {strides = array<i32>} : memref<32x1024xf32, #tpu.memory_space<vmem>>, vector<1x16xf32>,
        %swap3A_376 = arith.index_cast %while3A_126 : i32 to index
        %swap3A_377 = arith.constant 800 : index
        %swap3A_378 = tpu.vector_load %arg6[%swap3A_376, %swap3A_377] {strides = array<i32>} : memref<32x1024xf32, #tpu.memory_space<vmem>>, vector<1x16xf32>,
        %swap3A_379 = vector.shape_cast %swap3A_378 : vector<1x16xf32> to vector<16xf32>
        %swap3A_380 = vector.shape_cast %broadcast_in_dim3A_20 : vector<16xf32> to vector<1x16xf32>
        tpu.vector_store %arg6[%swap3A_376, %swap3A_377], %swap3A_380 {strides = array<i32>} : memref<32x1024xf32, #tpu.memory_space<vmem>>, vector<1x16xf32>,
        %swap3A_381 = arith.index_cast %while3A_126 : i32 to index
        %swap3A_382 = arith.constant 816 : index
        %swap3A_383 = tpu.vector_load %arg6[%swap3A_381, %swap3A_382] {strides = array<i32>} : memref<32x1024xf32, #tpu.memory_space<vmem>>, vector<1x16xf32>,
        %swap3A_384 = vector.shape_cast %swap3A_383 : vector<1x16xf32> to vector<16xf32>
        %swap3A_385 = vector.shape_cast %broadcast_in_dim3A_20 : vector<16xf32> to vector<1x16xf32>
        tpu.vector_store %arg6[%swap3A_381, %swap3A_382], %swap3A_385 {strides = array<i32>} : memref<32x1024xf32, #tpu.memory_space<vmem>>, vector<1x16xf32>,
        %swap3A_386 = arith.index_cast %while3A_126 : i32 to index
        %swap3A_387 = arith.constant 832 : index
        %swap3A_388 = tpu.vector_load %arg6[%swap3A_386, %swap3A_387] {strides = array<i32>} : memref<32x1024xf32, #tpu.memory_space<vmem>>, vector<1x16xf32>,
        %swap3A_389 = vector.shape_cast %swap3A_388 : vector<1x16xf32> to vector<16xf32>
        %swap3A_390 = vector.shape_cast %broadcast_in_dim3A_20 : vector<16xf32> to vector<1x16xf32>
        tpu.vector_store %arg6[%swap3A_386, %swap3A_387], %swap3A_390 {strides = array<i32>} : memref<32x1024xf32, #tpu.memory_space<vmem>>, vector<1x16xf32>,
        %swap3A_391 = arith.index_cast %while3A_126 : i32 to index
        %swap3A_392 = arith.constant 848 : index
        %swap3A_393 = tpu.vector_load %arg6[%swap3A_391, %swap3A_392] {strides = array<i32>} : memref<32x1024xf32, #tpu.memory_space<vmem>>, vector<1x16xf32>,
        %swap3A_394 = vector.shape_cast %swap3A_393 : vector<1x16xf32> to vector<16xf32>
        %swap3A_395 = vector.shape_cast %broadcast_in_dim3A_20 : vector<16xf32> to vector<1x16xf32>
        tpu.vector_store %arg6[%swap3A_391, %swap3A_392], %swap3A_395 {strides = array<i32>} : memref<32x1024xf32, #tpu.memory_space<vmem>>, vector<1x16xf32>,
        %swap3A_396 = arith.index_cast %while3A_126 : i32 to index
        %swap3A_397 = arith.constant 864 : index
        %swap3A_398 = tpu.vector_load %arg6[%swap3A_396, %swap3A_397] {strides = array<i32>} : memref<32x1024xf32, #tpu.memory_space<vmem>>, vector<1x16xf32>,
        %swap3A_399 = vector.shape_cast %swap3A_398 : vector<1x16xf32> to vector<16xf32>
        %swap3A_400 = vector.shape_cast %broadcast_in_dim3A_20 : vector<16xf32> to vector<1x16xf32>
        tpu.vector_store %arg6[%swap3A_396, %swap3A_397], %swap3A_400 {strides = array<i32>} : memref<32x1024xf32, #tpu.memory_space<vmem>>, vector<1x16xf32>,
        %swap3A_401 = arith.index_cast %while3A_126 : i32 to index
        %swap3A_402 = arith.constant 880 : index
        %swap3A_403 = tpu.vector_load %arg6[%swap3A_401, %swap3A_402] {strides = array<i32>} : memref<32x1024xf32, #tpu.memory_space<vmem>>, vector<1x16xf32>,
        %swap3A_404 = vector.shape_cast %swap3A_403 : vector<1x16xf32> to vector<16xf32>
        %swap3A_405 = vector.shape_cast %broadcast_in_dim3A_20 : vector<16xf32> to vector<1x16xf32>
        tpu.vector_store %arg6[%swap3A_401, %swap3A_402], %swap3A_405 {strides = array<i32>} : memref<32x1024xf32, #tpu.memory_space<vmem>>, vector<1x16xf32>,
        %swap3A_406 = arith.index_cast %while3A_126 : i32 to index
        %swap3A_407 = arith.constant 896 : index
        %swap3A_408 = tpu.vector_load %arg6[%swap3A_406, %swap3A_407] {strides = array<i32>} : memref<32x1024xf32, #tpu.memory_space<vmem>>, vector<1x16xf32>,
        %swap3A_409 = vector.shape_cast %swap3A_408 : vector<1x16xf32> to vector<16xf32>
        %swap3A_410 = vector.shape_cast %broadcast_in_dim3A_20 : vector<16xf32> to vector<1x16xf32>
        tpu.vector_store %arg6[%swap3A_406, %swap3A_407], %swap3A_410 {strides = array<i32>} : memref<32x1024xf32, #tpu.memory_space<vmem>>, vector<1x16xf32>,
        %swap3A_411 = arith.index_cast %while3A_126 : i32 to index
        %swap3A_412 = arith.constant 912 : index
        %swap3A_413 = tpu.vector_load %arg6[%swap3A_411, %swap3A_412] {strides = array<i32>} : memref<32x1024xf32, #tpu.memory_space<vmem>>, vector<1x16xf32>,
        %swap3A_414 = vector.shape_cast %swap3A_413 : vector<1x16xf32> to vector<16xf32>
        %swap3A_415 = vector.shape_cast %broadcast_in_dim3A_20 : vector<16xf32> to vector<1x16xf32>
        tpu.vector_store %arg6[%swap3A_411, %swap3A_412], %swap3A_415 {strides = array<i32>} : memref<32x1024xf32, #tpu.memory_space<vmem>>, vector<1x16xf32>,
        %swap3A_416 = arith.index_cast %while3A_126 : i32 to index
        %swap3A_417 = arith.constant 928 : index
        %swap3A_418 = tpu.vector_load %arg6[%swap3A_416, %swap3A_417] {strides = array<i32>} : memref<32x1024xf32, #tpu.memory_space<vmem>>, vector<1x16xf32>,
        %swap3A_419 = vector.shape_cast %swap3A_418 : vector<1x16xf32> to vector<16xf32>
        %swap3A_420 = vector.shape_cast %broadcast_in_dim3A_20 : vector<16xf32> to vector<1x16xf32>
        tpu.vector_store %arg6[%swap3A_416, %swap3A_417], %swap3A_420 {strides = array<i32>} : memref<32x1024xf32, #tpu.memory_space<vmem>>, vector<1x16xf32>,
        %swap3A_421 = arith.index_cast %while3A_126 : i32 to index
        %swap3A_422 = arith.constant 944 : index
        %swap3A_423 = tpu.vector_load %arg6[%swap3A_421, %swap3A_422] {strides = array<i32>} : memref<32x1024xf32, #tpu.memory_space<vmem>>, vector<1x16xf32>,
        %swap3A_424 = vector.shape_cast %swap3A_423 : vector<1x16xf32> to vector<16xf32>
        %swap3A_425 = vector.shape_cast %broadcast_in_dim3A_20 : vector<16xf32> to vector<1x16xf32>
        tpu.vector_store %arg6[%swap3A_421, %swap3A_422], %swap3A_425 {strides = array<i32>} : memref<32x1024xf32, #tpu.memory_space<vmem>>, vector<1x16xf32>,
        %swap3A_426 = arith.index_cast %while3A_126 : i32 to index
        %swap3A_427 = arith.constant 960 : index
        %swap3A_428 = tpu.vector_load %arg6[%swap3A_426, %swap3A_427] {strides = array<i32>} : memref<32x1024xf32, #tpu.memory_space<vmem>>, vector<1x16xf32>,
        %swap3A_429 = vector.shape_cast %swap3A_428 : vector<1x16xf32> to vector<16xf32>
        %swap3A_430 = vector.shape_cast %broadcast_in_dim3A_20 : vector<16xf32> to vector<1x16xf32>
        tpu.vector_store %arg6[%swap3A_426, %swap3A_427], %swap3A_430 {strides = array<i32>} : memref<32x1024xf32, #tpu.memory_space<vmem>>, vector<1x16xf32>,
        %swap3A_431 = arith.index_cast %while3A_126 : i32 to index
        %swap3A_432 = arith.constant 976 : index
        %swap3A_433 = tpu.vector_load %arg6[%swap3A_431, %swap3A_432] {strides = array<i32>} : memref<32x1024xf32, #tpu.memory_space<vmem>>, vector<1x16xf32>,
        %swap3A_434 = vector.shape_cast %swap3A_433 : vector<1x16xf32> to vector<16xf32>
        %swap3A_435 = vector.shape_cast %broadcast_in_dim3A_20 : vector<16xf32> to vector<1x16xf32>
        tpu.vector_store %arg6[%swap3A_431, %swap3A_432], %swap3A_435 {strides = array<i32>} : memref<32x1024xf32, #tpu.memory_space<vmem>>, vector<1x16xf32>,
        %swap3A_436 = arith.index_cast %while3A_126 : i32 to index
        %swap3A_437 = arith.constant 992 : index
        %swap3A_438 = tpu.vector_load %arg6[%swap3A_436, %swap3A_437] {strides = array<i32>} : memref<32x1024xf32, #tpu.memory_space<vmem>>, vector<1x16xf32>,
        %swap3A_439 = vector.shape_cast %swap3A_438 : vector<1x16xf32> to vector<16xf32>
        %swap3A_440 = vector.shape_cast %broadcast_in_dim3A_20 : vector<16xf32> to vector<1x16xf32>
        tpu.vector_store %arg6[%swap3A_436, %swap3A_437], %swap3A_440 {strides = array<i32>} : memref<32x1024xf32, #tpu.memory_space<vmem>>, vector<1x16xf32>,
        %swap3A_441 = arith.index_cast %while3A_126 : i32 to index
        %swap3A_442 = arith.constant 1008 : index
        %swap3A_443 = tpu.vector_load %arg6[%swap3A_441, %swap3A_442] {strides = array<i32>} : memref<32x1024xf32, #tpu.memory_space<vmem>>, vector<1x16xf32>,
        %swap3A_444 = vector.shape_cast %swap3A_443 : vector<1x16xf32> to vector<16xf32>
        %swap3A_445 = vector.shape_cast %broadcast_in_dim3A_20 : vector<16xf32> to vector<1x16xf32>
        tpu.vector_store %arg6[%swap3A_441, %swap3A_442], %swap3A_445 {strides = array<i32>} : memref<32x1024xf32, #tpu.memory_space<vmem>>, vector<1x16xf32>,
      }
    } else {
    }
    %dma_start3A_101 = arith.constant 0 : i32
    %dma_start3A_102 = tpu.memref_slice %arg4[%add3A_10, %dma_start3A_101] : memref<4096x1024xf32, #tpu.memory_space<hbm>> -> memref<32x1024xf32, #tpu.memory_space<hbm>>
    %dma_start3A_103 = arith.constant 0 : i32
    %dma_start3A_104 = tpu.memref_slice %arg4[%add3A_10, %dma_start3A_103] : memref<4096x1024xf32, #tpu.memory_space<hbm>> -> memref<32x1024xf32, #tpu.memory_space<hbm>>
    tpu.enqueue_dma source(%arg6 : memref<32x1024xf32, #tpu.memory_space<vmem>>) target(%dma_start3A_104 : memref<32x1024xf32, #tpu.memory_space<hbm>>) target_semaphore(%arg12 : memref<!tpu.dma_semaphore, #tpu.memory_space<semaphore_mem>>)
    %dma_wait3A_105 = arith.constant 0 : i32
    %dma_wait3A_106 = tpu.memref_slice %arg4[%add3A_6, %dma_wait3A_105] : memref<4096x1024xf32, #tpu.memory_space<hbm>> -> memref<32x1024xf32, #tpu.memory_space<hbm>>
    %dma_wait3A_107 = arith.constant 0 : i32
    %dma_wait3A_108 = tpu.memref_slice %arg4[%add3A_6, %dma_wait3A_107] : memref<4096x1024xf32, #tpu.memory_space<hbm>> -> memref<32x1024xf32, #tpu.memory_space<hbm>>
    tpu.wait_dma2 semaphore(%arg13 : memref<!tpu.dma_semaphore, #tpu.memory_space<semaphore_mem>>) src(%arg7 : memref<32x1024xf32, #tpu.memory_space<vmem>>) dst(%dma_wait3A_108 : memref<32x1024xf32, #tpu.memory_space<hbm>>)
    %dma_wait3A_109 = arith.constant 0 : i32
    %dma_wait3A_110 = tpu.memref_slice %arg4[%add3A_8, %dma_wait3A_109] : memref<4096x1024xf32, #tpu.memory_space<hbm>> -> memref<32x1024xf32, #tpu.memory_space<hbm>>
    %dma_wait3A_111 = arith.constant 0 : i32
    %dma_wait3A_112 = tpu.memref_slice %arg4[%add3A_8, %dma_wait3A_111] : memref<4096x1024xf32, #tpu.memory_space<hbm>> -> memref<32x1024xf32, #tpu.memory_space<hbm>>
    tpu.wait_dma2 semaphore(%arg14 : memref<!tpu.dma_semaphore, #tpu.memory_space<semaphore_mem>>) src(%arg8 : memref<32x1024xf32, #tpu.memory_space<vmem>>) dst(%dma_wait3A_112 : memref<32x1024xf32, #tpu.memory_space<hbm>>)
    %dma_wait3A_113 = arith.constant 0 : i32
    %dma_wait3A_114 = tpu.memref_slice %arg4[%add3A_10, %dma_wait3A_113] : memref<4096x1024xf32, #tpu.memory_space<hbm>> -> memref<32x1024xf32, #tpu.memory_space<hbm>>
    %dma_wait3A_115 = arith.constant 0 : i32
    %dma_wait3A_116 = tpu.memref_slice %arg4[%add3A_10, %dma_wait3A_115] : memref<4096x1024xf32, #tpu.memory_space<hbm>> -> memref<32x1024xf32, #tpu.memory_space<hbm>>
    tpu.wait_dma2 semaphore(%arg12 : memref<!tpu.dma_semaphore, #tpu.memory_space<semaphore_mem>>) src(%arg6 : memref<32x1024xf32, #tpu.memory_space<vmem>>) dst(%dma_wait3A_116 : memref<32x1024xf32, #tpu.memory_space<hbm>>)
    return
  }
}

</mosaic_0001>

<sc_bundles>
// kernel: kernel.3.cloned.1.call-start
scs
__scs_entry_jumppad:
0x0: {  	(pc) =	sbr.rel $0x88, $3  }
0x1: {  	(tag) =	ssettag $0x0;
	lr =	simm.s32 $0x1  }
0x2: {  	[smem:$0x3F9F] =	sst lr;
	_ =	strace $0xD0000000  }
0x3: {  	_ = 	snop  }
0x4: {  	_ = 	snop  }
0x5: {  	_ = 	snop  }
0x6: {  	_ = 	snop  }
0x7: {  	_ = 	snop  }
__scs_overlays_trampoline_lowered:
0x8: {  	[smem:$0x3FAE] =	sst s0  }
0x9: {  	[smem:$0x3FAF] =	sst s1  }
0xa: {  	[smem:$0x3FB0] =	sst s2  }
0xb: {  	[smem:$0x3FB1] =	sst s3  }
0xc: {  	[smem:$0x3FB2] =	sst s4  }
0xd: {  	[smem:$0x3FB3] =	sst s5  }
0xe: {  	[smem:$0x3FB4] =	sst s6  }
0xf: {  	[smem:$0x3FB5] =	sst s7  }
0x10: {  	[smem:$0x3FB6] =	sst s8  }
0x11: {  	[smem:$0x3FB7] =	sst s9;
	s0 =	simm.s32 @!p0 $0x0  }
0x12: {  	s1 =	sld [smem:$0x3F9D];
	s0 =	simm.s32 @p0 $0x1  }
0x13: {  	[smem:$0x3FB8] =	sst s0;
	s0 =	simm.s32 @!p1 $0x0  }
0x14: {  	s2 =	sld [smem:$0x3F9C];
	s0 =	simm.s32 @p1 $0x1  }
0x15: {  	[smem:$0x3FB9] =	sst s0;
	s0 =	simm.s32 @!p2 $0x0  }
0x16: {  	s3 =	sld [smem:$0x3FDB];
	s0 =	simm.s32 @p2 $0x1  }
0x17: {  	s4 =	simm.s32 $0x1BF5;
	[smem:$0x3FBB] =	sst s0  }
0x18: {  	s0 =	sld [smem:$0x3F9E];
	_ =	swait.ge [sflag:s4], $0x0  }
0x19: {  	s7 =	sld [smem:$0x3F9F]  }
0x1a: {  	s8 =	sadd.s32 $0xFFFFE003, lr  }
0x1b: {  	s9 =	sadd.s32 $0xFFFFFEF7, lr;
	s5 =	simm.s32 $0xFFFFFFFF;
	p2 =	slt.u32 s8, $0xFFFFF086  }
0x1c: {  	p1 =	slt.u32 s9, $0xF7A;
	s5 =	simm.s32 @!p2 $0x0  }
0x1d: {  	s5 =	simm.s32 @p1 $0x1;
	p0 =	seq.s32 s7, s2  }
0x1e: {  	s7 =	smul.u32 @!p0 $0xF7A, s2;
	p2 =	seq.s32 @!p0 s5, $0x0  }
0x1f: {  	s9 =	smul.u32 $0xF7A, s1;
	s8 =	simm.s32 @!p0 $0x1BF5;
	p2 =	por !p2, p0  }
0x20: {  	[sflag:s8] =	ssyncset.s32 @!p0 $0xFFFFF086;
	s6 =	sadd.s32 @!p0 s3, s7;
	s7 =	simm.s32 @!p0 $0x108  }
0x21: {  	s3 =	sadd.s32 s3, s9;
	s6 =	sadd.s32 @!p0 $0x88, s6;
	s7 =	simm.s32 @p2 $0x1082  }
0x22: {  	[simem:s7], [sflag:s8] =	dma.local @!p0 [hbm:s6], $0xF7A  }
0x23: {  	s9 =	sor.u32 $0xD0000000, s2;
	s6 =	simm.s32 $0x108;
	_ =	swait.ge @!p0 [sflag:s8], $0x0  }
0x24: {  	s3 =	sadd.s32 $0x88, s3;
	s6 =	simm.s32 @!p1 $0x1082;
	[sflag:s4] =	ssyncset.s32 $0xFFFFF086  }
0x25: {  	[simem:s6], [sflag:s4] =	dma.local [hbm:s3], $0xF7A  }
0x26: {  	[smem:$0x3F9F] =	sst s1;
	(tag) =	ssettag s2;
	_ =	strace s9  }
0x27: {  	s1 =	sld [smem:$0x3FAF]  }
0x28: {  	s2 =	sld [smem:$0x3FB0]  }
0x29: {  	s4 =	sld [smem:$0x3FB2]  }
0x2a: {  	p0 =	seq.s32 s5, $0x0;
	s5 =	sld [smem:$0x3FB3]  }
0x2b: {  	s6 =	sld [smem:$0x3FB4]  }
0x2c: {  	s7 =	sld [smem:$0x3FB5]  }
0x2d: {  	s3 =	simm.s32 $0x108;
	s8 =	sld [smem:$0x3FB6]  }
0x2e: {  	s3 =	simm.s32 @!p0 $0x1082;
	s9 =	sld [smem:$0x3FB7]  }
0x2f: {  	lr =	sadd.s32 s0, s3;
	s0 =	sld [smem:$0x3FAE]  }
0x30: {  	s3 =	sld [smem:$0x3FB1]  }
0x31: {  	[smem:$0x3FBA] =	sst s10  }
0x32: {  	s10 =	sld [smem:$0x3FB8];
	_ =	sdelay $0x3  }
0x33: {  	p0 =	seq.s32 s10, $0x1;
	s10 =	sld [smem:$0x3FBA];
	_ =	sdelay $0x3  }
0x34: {  	[smem:$0x3FBA] =	sst s10  }
0x35: {  	s10 =	sld [smem:$0x3FB9];
	_ =	sdelay $0x3  }
0x36: {  	p1 =	seq.s32 s10, $0x1;
	s10 =	sld [smem:$0x3FBA];
	_ =	sdelay $0x3  }
0x37: {  	[smem:$0x3FBA] =	sst s10  }
0x38: {  	s10 =	sld [smem:$0x3FBB]  }
0x39: {  	_ = 	snop;
	(pc) =	sbr.ind lr, $3  }
0x3a: {  	_ = 	snop  }
0x3b: {  	_ = 	snop  }
0x3c: {  	p2 =	seq.s32 s10, $0x1;
	s10 =	sld [smem:$0x3FBA]  }
0x3d: {  	_ =	shalt  }
0x3e: {  	_ =	shalt  }
0x3f: {  	_ =	shalt  }
0x40: {  	_ =	shalt  }
0x41: {  	_ =	shalt  }
0x42: {  	_ =	shalt  }
0x43: {  	_ =	shalt  }
0x44: {  	_ =	shalt  }
0x45: {  	_ =	shalt  }
0x46: {  	_ =	shalt  }
0x47: {  	_ =	shalt  }
0x48: {  	_ =	shalt  }
0x49: {  	_ =	shalt  }
0x4a: {  	_ =	shalt  }
0x4b: {  	_ =	shalt  }
0x4c: {  	_ =	shalt  }
0x4d: {  	_ =	shalt  }
0x4e: {  	_ =	shalt  }
0x4f: {  	_ =	shalt  }
0x50: {  	_ =	shalt  }
0x51: {  	_ =	shalt  }
0x52: {  	_ =	shalt  }
0x53: {  	_ =	shalt  }
0x54: {  	_ =	shalt  }
0x55: {  	_ =	shalt  }
0x56: {  	_ =	shalt  }
0x57: {  	_ =	shalt  }
0x58: {  	_ =	shalt  }
0x59: {  	_ =	shalt  }
0x5a: {  	_ =	shalt  }
0x5b: {  	_ =	shalt  }
0x5c: {  	_ =	shalt  }
0x5d: {  	_ =	shalt  }
0x5e: {  	_ =	shalt  }
0x5f: {  	_ =	shalt  }
0x60: {  	_ =	shalt  }
0x61: {  	_ =	shalt  }
0x62: {  	_ =	shalt  }
0x63: {  	_ =	shalt  }
0x64: {  	_ =	shalt  }
0x65: {  	_ =	shalt  }
0x66: {  	_ =	shalt  }
0x67: {  	_ =	shalt  }
0x68: {  	_ =	shalt  }
0x69: {  	_ =	shalt  }
0x6a: {  	_ =	shalt  }
0x6b: {  	_ =	shalt  }
0x6c: {  	_ =	shalt  }
0x6d: {  	_ =	shalt  }
0x6e: {  	_ =	shalt  }
0x6f: {  	_ =	shalt  }
0x70: {  	_ =	shalt  }
0x71: {  	_ =	shalt  }
0x72: {  	_ =	shalt  }
0x73: {  	_ =	shalt  }
0x74: {  	_ =	shalt  }
0x75: {  	_ =	shalt  }
0x76: {  	_ =	shalt  }
0x77: {  	_ =	shalt  }
0x78: {  	_ =	shalt  }
0x79: {  	_ =	shalt  }
0x7a: {  	_ =	shalt  }
0x7b: {  	_ =	shalt  }
0x7c: {  	_ =	shalt  }
0x7d: {  	_ =	shalt  }
0x7e: {  	_ =	shalt  }
0x7f: {  	_ =	shalt  }
0x80: {  	_ =	shalt  }
0x81: {  	_ =	shalt  }
0x82: {  	_ =	shalt  }
0x83: {  	_ =	shalt  }
0x84: {  	_ =	shalt  }
0x85: {  	_ =	shalt  }
0x86: {  	_ =	shalt  }
0x87: {  	_ =	shalt  }
.Lfunc_end0:
.L_simem_size_0:
called_computation_lowered:
.L_overlay_start_0:
0x88: {  	s2 =	sld [smem:$0x3FD9]  }
0x89: {  	s3 =	sld [smem:$0x3FFE];
	_ =	sdelay $0x1  }
0x8a: {  	s1 =	srdreg.scid  }
0x8b: {  	s0 =	sand.u32 $0x1, s1  }
0x8c: {  	s17 =	sshll.u32 s0, $0xA;
	s2 =	sadd.s32 s3, s2  }
0x8d: {  	s2 =	sadd.s32 s2, s17  }
0x8e: {  	[smem:$0x3FC6] =	sst s2  }
0x8f: {  	_ = 	snop  }
0x90: {  	s2 =	sld [smem:$0x3FC8]  }
0x91: {  	s18 =	sld [smem:$0x3FD0];
	(tm) =	ssettm $0x1  }
0x92: {  	s4 =	sld [smem:$0x3FFB];
	_ =	sdelay $0x3  }
0x93: {  	_ =	strace s4  }
0x94: {  	s4 =	sld [smem:$0x3FFC];
	_ =	sdelay $0x3  }
0x95: {  	_ =	strace s4  }
0x96: {  	s4 =	sld [smem:$0x3FFD];
	_ =	sdelay $0x3  }
0x97: {  	_ =	strace s4  }
0x98: {  	_ =	strace $0x8FFFFFFF  }
0x99: {  	s19 =	sld [smem:$0x3FDB];
	_ =	sdelay $0x1  }
0x9a: {  	s5 =	simm.s32 $_scs_section_size  }
0x9b: {  	s6 =	simm.s32 $_size__tile_overlayer_lowered;
	s7 =	simm.s32 $_tile_overlayer_lowered  }
0x9c: {  	s22 =	simm.s32 $0x1BFF;
	s21 =	sshll.u32 s7, $0x1;
	s4 =	sadd.s32 s5, s19  }
0x9d: {  	s8 =	simm.s32 $0x0;
	s20 =	sshll.u32 s6, $0x1;
	s6 =	sadd.s32 s21, s4  }
0x9e: {  	[timem:s8], [sflag:s22] =	dma.local [hbm:s6], s20  }
0x9f: {  	_ =	swait.ge [sflag:s22], s20  }
0xa0: {  	s5 =	ssub.s32 $0x0, s20;
	[sflag:s22] =	ssyncset.done $0x0  }
0xa1: {  	[sflag:s22] =	ssyncadd.s32 s5;
	_ =	sdelay $0x1  }
0xa2: {  	s23 =	simm.s32 $0x1B8B  }
0xa3: {  	_ =	swait.ge [sflag:s23], $0x1  }
0xa4: {  	[sflag:s23] =	ssyncset.done $0x0  }
0xa5: {  	s25 =	simm.s32 $0x1B8E;
	s24 =	sld [smem:$0x3FFE];
	[sflag:s23] =	ssyncadd.s32 $0xFFFFFFFF  }
0xa6: {  	s26 =	simm.s32 $execute0_lowered;
	[smem:$0x3FD2] =	sst s25  }
0xa7: {  	s6 =	sshll.u32 s26, $0x1;
	_ =	strace $0x80000046;
	[dreg:$0x1] =	wrdreg $0xFFFFFFFF  }
0xa8: {  	s28 =	simm.s32 $_size_execute0_lowered;
	s4 =	sadd.s32 s4, s6;
	[dreg:$0x0] =	wrdreg $0x0  }
0xa9: {  	s6 =	sshll.u32 s28, $0x1;
	[dreg:$0x2] =	wrdreg s4  }
0xaa: {  	[dreg:$0x3] =	wrdreg s6  }
0xab: {  	[dreg:$0x4] =	wrdreg $0xC0  }
0xac: {  	_ =	task [dreg:s8], $0x5FFFF  }
0xad: {  	[dreg:$0x1] =	wrdreg $0xFFFFFFFF  }
0xae: {  	[dreg:$0x0] =	wrdreg $0x60  }
0xaf: {  	[dreg:$0x2] =	wrdreg s24  }
0xb0: {  	[dreg:$0x3] =	wrdreg s2  }
0xb1: {  	[dreg:$0x4] =	wrdreg s18  }
0xb2: {  	[dreg:$0x5] =	wrdreg $0x9  }
0xb3: {  	_ =	task.clear_ibuf [dreg:s8], $0x6FFFF;
	_ =	strace $0x90000046  }
0xb4: {  	s29 =	simm.s32 $0x9;
	_ =	strace $0x80000048  }
0xb5: {  	_ =	swait.ge [sflag:s29], $0x1  }
0xb6: {  	[sflag:s29] =	ssyncadd.s32 $0xFFFFFFFF  }
0xb7: {  	_ =	strace $0x90000048  }
0xb8: {  	_ =	sfence  }
0xb9: {  	s30 =	sld [smem:$0x0];
	_ =	sdelay $0x2  }
0xba: {  	s31 =	sshll.u32 s1, $0xD;
	s1 =	sshrl.u32 s1, $0x2  }
0xbb: {  	s3 =	sand.u32 $0x4000, s31;
	s1 =	sadd.s32 s1, s30  }
0xbc: {  	s0 =	sor.u32 s3, s0;
	s1 =	sshll.u32 s1, $0x11  }
0xbd: {  	s0 =	sor.u32 s1, s0  }
0xbe: {  	s0 =	sadd.s32 $0x8F2B, s0  }
0xbf: {  	[sflag:s0] =	ssyncadd.remote.s32 $0x1  }
0xc0: {  	_ =	sfence.sel $0xFFFF  }
0xc1: {  	[dreg:$0x0] =	wrdreg $0xFFFFFFFF;
	(pc) =	sbr.abs _section_cstart, $3  }
0xc2: {  	[dreg:$0x1] =	wrdreg $0xFFFFFFFF  }
0xc3: {  	_ =	task.clear_ibuf [dreg:s8], $0x2FFFF;
	_ =	strace $0x9FFFFFFF  }
0xc4: {  	(tm) =	ssettm $0x7FFFFFFF  }
0xc5: {  	_ =	shalt  }
tec
execute0_lowered:
.L_overlay_start_1:
0x0: {  	(tag) =	ssettag $0x1  }
0x1: {  	s0 =	rddreg [dreg:$0x0]  }
0x2: {  	s2 =	rddreg [dreg:$0x1]  }
0x3: {  	s15 =	rddreg [dreg:$0x2];
	s1 =	simm.s32 $0x0  }
0x4: {  	s3 =	srdreg.scid;
	s6 =	stileid.u32;
	s17 =	simm.s32 $0x80  }
0x5: {  	s18 =	simm.s32 $0x8080;
	s19 =	simm.s32 $0x7;
	s20 =	simm.s32 $0x1  }
0x6: {  	s21 =	simm.s32 $0x10080;
	s22 =	simm.s32 $0x2;
	s23 =	simm.s32 $0x4  }
0x7: {  	s24 =	simm.s32 $0x3;
	s25 =	simm.s32 $0x5;
	s26 =	simm.s32 $0x6  }
0x8: {  	s28 =	simm.s32 $0x0;
	[smem:$0x7FF] =	sst s1;
	s3 =	sand.u32 $0x1, s3  }
0x9: {  	s6 =	sshll.u32 s6, $0x8;
	s0 =	sadd.s32 $0x400, s0;
	s4 =	ssub.s32 $0x2, s3  }
0xa: {  	_ =	strace $0x80000047;
	s7 =	sshll.u32 s3, $0x7;
	s5 =	sshrl.u32 s4, $0x1  }
0xb: {  	[dreg:$0x4] =	wrdreg s0;
	s30 =	ssub.s32 s4, s5;
	s4 =	sor.u32 s7, s6  }
0xc: {  	s5 =	sor.u32 $0x20, s4;
	s6 =	sor.u32 $0x40, s4;
	s10 =	sshll.u32 s4, $0x7  }
.Ltmp0:
0xd: {  	s7 =	sor.u32 $0x60, s4;
	s31 =	sadd.s32 s2, s10;
	(pc) =	sbr.rel .LBB2_1-.Ltmp0, $4  }
0xe: {  	s12 =	sshll.u32 s5, $0x7;
	s10 =	sadd.s32 s15, s10;
	s14 =	sshll.u32 s6, $0x7  }
0xf: {  	s16 =	sshll.u32 s7, $0x7;
	[dreg:$0x5] =	wrdreg s31;
	s9 =	sadd.s32 s2, s12  }
0x10: {  	s11 =	sadd.s32 s2, s14;
	s12 =	sadd.s32 s15, s12;
	s13 =	sadd.s32 s2, s16  }
0x11: {  	v0 =	vimm.f32 $0.0e+00;
	s14 =	sadd.s32 s15, s14;
	s15 =	sadd.s32 s15, s16;
	s16 =	smax.u32 s30, $0x1  }
.LBB2_13:
0x12: {  	[hbm4b:s15+s1] =	stream.linear.scatter [tilespmem:s17], [sflag:$0x4], $0x8000, $0x38;
	[tilespmem:$0x18080] =	vst v63  }
0x13: {  	_ =	swait.ge [sflag:s25], $0x8000  }
0x14: {  	[sflag:s25] =	ssyncset.done $0x0  }
0x15: {  	s28 =	sadd.s32 $0x1, s28;
	[sflag:s25] =	ssyncadd.s32 $0xFFFF8000  }
0x16: {  	p0 =	sne.s32 s28, s16;
	_ =	swait.ge [sflag:s26], $0x8000  }
.Ltmp1:
0x17: {  	[sflag:s26] =	ssyncset.done $0x0;
	(pc) =	sbr.rel @!p0 .LBB2_14-.Ltmp1, $4  }
0x18: {  	[sflag:s26] =	ssyncadd.s32 $0xFFFF8000  }
0x19: {  	_ =	swait.ge [sflag:s23], $0x8000  }
0x1a: {  	[sflag:s23] =	ssyncset.done $0x0  }
0x1b: {  	[sflag:s23] =	ssyncadd.s32 $0xFFFF8000  }
.LBB2_1:
0x1c: {  	s0 =	rddreg [dreg:$0x5]  }
0x1d: {  	[tilespmem:s17], [sflag:$0x1] =	stream.linear.gather [hbm4b:s0+s1], $0x8000, $0x38;
	[tilespmem:$0x18080] =	vst v63  }
0x1e: {  	_ = 	snop  }
0x1f: {  	[tilespmem:s18], [sflag:$0x2] =	stream.linear.gather [hbm4b:s9+s1], $0x8000, $0x38;
	[tilespmem:$0x18080] =	vst v63  }
0x20: {  	s31 =	rddreg [dreg:$0x4]  }
0x21: {  	[tilespmem:s1], [sflag:$0x7] =	stream.linear.gather [hbm4b:s31+s1], $0x80, $0x38;
	[tilespmem:$0x18080] =	vst v63  }
0x22: {  	_ =	swait.ge [sflag:s19], $0x80  }
0x23: {  	[sflag:s19] =	ssyncset.done $0x0  }
0x24: {  	[sflag:s19] =	ssyncadd.s32 $0xFFFFFF80  }
0x25: {  	v1 =	vld [tilespmem:$0x0];
	_ =	sdelay $0x4  }
0x26: {  	(v2sf) =	vpush v1, $0x0;
	_ =	sdelay $0xe  }
0x27: {  	s29 =	spop (v2sf)  }
0x28: {  	s2 =	ssub.s32 s29, s4  }
0x29: {  	p0 =	sgt.s32 s2, $0x1F  }
.Ltmp2:
0x2a: {  	_ = 	snop;
	(pc) =	sbr.rel @p0 .LBB2_4-.Ltmp2, $4  }
0x2b: {  	_ = 	snop  }
0x2c: {  	_ =	swait.ge [sflag:s20], $0x8000  }
0x2d: {  	[sflag:s20] =	ssyncset.done $0x0  }
0x2e: {  	[sflag:s20] =	ssyncadd.s32 $0xFFFF8000  }
0x2f: {  	p0 =	sgt.s32 s2, $0x0  }
0x30: {  	s2 =	simm.s32 @!p0 $0x0  }
0x31: {  	s30 =	ssub.s32 $0x20, s2  }
0x32: {  	s31 =	sshll.u32 s2, $0x7;
	s0 =	sshll.u32 s2, $0xA;
	s2 =	sand.u32 $0x1FFFFFF, s2  }
.LBB2_3:
0x33: {  	s3 =	sand.u32 $0x6000, s0;
	s8 =	sand.u32 $0x380, s31  }
0x34: {  	s3 =	sor.u32 s8, s3  }
0x35: {  	[tilespmem:s3+$0x80] =	vst v0  }
0x36: {  	[tilespmem:s3+$0x90] =	vst v0  }
0x37: {  	[tilespmem:s3+$0xA0] =	vst v0  }
0x38: {  	[tilespmem:s3+$0xB0] =	vst v0  }
0x39: {  	[tilespmem:s3+$0xC0] =	vst v0  }
0x3a: {  	[tilespmem:s3+$0xD0] =	vst v0  }
0x3b: {  	[tilespmem:s3+$0xE0] =	vst v0  }
0x3c: {  	[tilespmem:s3+$0xF0] =	vst v0  }
0x3d: {  	[tilespmem:s3+$0x480] =	vst v0  }
0x3e: {  	[tilespmem:s3+$0x490] =	vst v0  }
0x3f: {  	[tilespmem:s3+$0x4A0] =	vst v0  }
0x40: {  	[tilespmem:s3+$0x4B0] =	vst v0  }
0x41: {  	[tilespmem:s3+$0x4C0] =	vst v0  }
0x42: {  	[tilespmem:s3+$0x4D0] =	vst v0  }
0x43: {  	[tilespmem:s3+$0x4E0] =	vst v0  }
0x44: {  	[tilespmem:s3+$0x4F0] =	vst v0  }
0x45: {  	[tilespmem:s3+$0x880] =	vst v0  }
0x46: {  	[tilespmem:s3+$0x890] =	vst v0  }
0x47: {  	[tilespmem:s3+$0x8A0] =	vst v0  }
0x48: {  	[tilespmem:s3+$0x8B0] =	vst v0  }
0x49: {  	[tilespmem:s3+$0x8C0] =	vst v0  }
0x4a: {  	[tilespmem:s3+$0x8D0] =	vst v0  }
0x4b: {  	[tilespmem:s3+$0x8E0] =	vst v0  }
0x4c: {  	[tilespmem:s3+$0x8F0] =	vst v0  }
0x4d: {  	[tilespmem:s3+$0xC80] =	vst v0  }
0x4e: {  	[tilespmem:s3+$0xC90] =	vst v0  }
0x4f: {  	[tilespmem:s3+$0xCA0] =	vst v0  }
0x50: {  	[tilespmem:s3+$0xCB0] =	vst v0  }
0x51: {  	[tilespmem:s3+$0xCC0] =	vst v0  }
0x52: {  	[tilespmem:s3+$0xCD0] =	vst v0  }
0x53: {  	[tilespmem:s3+$0xCE0] =	vst v0  }
0x54: {  	[tilespmem:s3+$0xCF0] =	vst v0  }
0x55: {  	[tilespmem:s3+$0x1080] =	vst v0  }
0x56: {  	[tilespmem:s3+$0x1090] =	vst v0  }
0x57: {  	[tilespmem:s3+$0x10A0] =	vst v0  }
0x58: {  	[tilespmem:s3+$0x10B0] =	vst v0  }
0x59: {  	[tilespmem:s3+$0x10C0] =	vst v0  }
0x5a: {  	[tilespmem:s3+$0x10D0] =	vst v0  }
0x5b: {  	[tilespmem:s3+$0x10E0] =	vst v0  }
0x5c: {  	[tilespmem:s3+$0x10F0] =	vst v0  }
0x5d: {  	[tilespmem:s3+$0x1480] =	vst v0  }
0x5e: {  	[tilespmem:s3+$0x1490] =	vst v0  }
0x5f: {  	[tilespmem:s3+$0x14A0] =	vst v0  }
0x60: {  	[tilespmem:s3+$0x14B0] =	vst v0  }
0x61: {  	[tilespmem:s3+$0x14C0] =	vst v0  }
0x62: {  	[tilespmem:s3+$0x14D0] =	vst v0  }
0x63: {  	[tilespmem:s3+$0x14E0] =	vst v0  }
0x64: {  	[tilespmem:s3+$0x14F0] =	vst v0  }
0x65: {  	[tilespmem:s3+$0x1880] =	vst v0  }
0x66: {  	[tilespmem:s3+$0x1890] =	vst v0  }
0x67: {  	[tilespmem:s3+$0x18A0] =	vst v0  }
0x68: {  	[tilespmem:s3+$0x18B0] =	vst v0  }
0x69: {  	s8 =	sand.u32 $0x7, s2;
	[tilespmem:s3+$0x18C0] =	vst v0  }
0x6a: {  	s8 =	sshll.u32 s8, $0x7;
	[tilespmem:s3+$0x18D0] =	vst v0  }
0x6b: {  	[tilespmem:s3+$0x18E0] =	vst v0;
	s8 =	sadd.s32 s8, s0  }
0x6c: {  	[tilespmem:s3+$0x18F0] =	vst v0;
	s3 =	sor.u32 $0x1C00, s8  }
0x6d: {  	[tilespmem:s3+$0x80] =	vst v0;
	s3 =	sor.u32 $0x1C10, s8  }
0x6e: {  	[tilespmem:s3+$0x80] =	vst v0;
	s3 =	sor.u32 $0x1C20, s8  }
0x6f: {  	p0 =	sne.s32 s30, $0x1;
	[tilespmem:s3+$0x80] =	vst v0;
	s3 =	sor.u32 $0x1C30, s8  }
.Ltmp3:
0x70: {  	[tilespmem:s3+$0x80] =	vst v0;
	s3 =	sor.u32 $0x1C40, s8;
	(pc) =	sbr.rel @p0 .LBB2_3-.Ltmp3, $4  }
0x71: {  	[tilespmem:s3+$0x80] =	vst v0;
	s3 =	sor.u32 $0x1C50, s8  }
0x72: {  	[tilespmem:s3+$0x80] =	vst v0;
	s3 =	sor.u32 $0x1C60, s8  }
0x73: {  	s31 =	sadd.s32 $0x80, s31;
	s8 =	sor.u32 $0x1C70, s8;
	[tilespmem:s3+$0x80] =	vst v0  }
0x74: {  	s30 =	sadd.s32 $0xFFFFFFFF, s30;
	s2 =	sadd.s32 $0x1, s2;
	s0 =	sadd.s32 $0x400, s0;
	[tilespmem:s8+$0x80] =	vst v0  }
.LBB2_4:
0x75: {  	[hbm4b:s10+s1] =	stream.linear.scatter [tilespmem:s17], [sflag:$0x4], $0x8000, $0x38;
	[tilespmem:$0x18080] =	vst v63  }
0x76: {  	s2 =	ssub.s32 s29, s5  }
0x77: {  	p0 =	sgt.s32 s2, $0x1F  }
.Ltmp4:
0x78: {  	_ = 	snop;
	(pc) =	sbr.rel @p0 .LBB2_7-.Ltmp4, $4  }
0x79: {  	[tilespmem:s21], [sflag:$0x3] =	stream.linear.gather [hbm4b:s11+s1], $0x8000, $0x38;
	[tilespmem:$0x18080] =	vst v63  }
0x7a: {  	_ =	swait.ge [sflag:s22], $0x8000  }
0x7b: {  	[sflag:s22] =	ssyncset.done $0x0  }
0x7c: {  	[sflag:s22] =	ssyncadd.s32 $0xFFFF8000  }
0x7d: {  	p0 =	sgt.s32 s2, $0x0  }
0x7e: {  	s2 =	simm.s32 @!p0 $0x0  }
0x7f: {  	s30 =	ssub.s32 $0x20, s2  }
0x80: {  	s31 =	sshll.u32 s2, $0x7;
	s0 =	sshll.u32 s2, $0xA;
	s2 =	sand.u32 $0x1FFFFFF, s2  }
.LBB2_6:
0x81: {  	s3 =	sand.u32 $0x6000, s0;
	s8 =	sand.u32 $0x380, s31  }
0x82: {  	s3 =	sor.u32 s8, s3  }
0x83: {  	[tilespmem:s3+$0x8080] =	vst v0  }
0x84: {  	[tilespmem:s3+$0x8090] =	vst v0  }
0x85: {  	[tilespmem:s3+$0x80A0] =	vst v0  }
0x86: {  	[tilespmem:s3+$0x80B0] =	vst v0  }
0x87: {  	[tilespmem:s3+$0x80C0] =	vst v0  }
0x88: {  	[tilespmem:s3+$0x80D0] =	vst v0  }
0x89: {  	[tilespmem:s3+$0x80E0] =	vst v0  }
0x8a: {  	[tilespmem:s3+$0x80F0] =	vst v0  }
0x8b: {  	[tilespmem:s3+$0x8480] =	vst v0  }
0x8c: {  	[tilespmem:s3+$0x8490] =	vst v0  }
0x8d: {  	[tilespmem:s3+$0x84A0] =	vst v0  }
0x8e: {  	[tilespmem:s3+$0x84B0] =	vst v0  }
0x8f: {  	[tilespmem:s3+$0x84C0] =	vst v0  }
0x90: {  	[tilespmem:s3+$0x84D0] =	vst v0  }
0x91: {  	[tilespmem:s3+$0x84E0] =	vst v0  }
0x92: {  	[tilespmem:s3+$0x84F0] =	vst v0  }
0x93: {  	[tilespmem:s3+$0x8880] =	vst v0  }
0x94: {  	[tilespmem:s3+$0x8890] =	vst v0  }
0x95: {  	[tilespmem:s3+$0x88A0] =	vst v0  }
0x96: {  	[tilespmem:s3+$0x88B0] =	vst v0  }
0x97: {  	[tilespmem:s3+$0x88C0] =	vst v0  }
0x98: {  	[tilespmem:s3+$0x88D0] =	vst v0  }
0x99: {  	[tilespmem:s3+$0x88E0] =	vst v0  }
0x9a: {  	[tilespmem:s3+$0x88F0] =	vst v0  }
0x9b: {  	[tilespmem:s3+$0x8C80] =	vst v0  }
0x9c: {  	[tilespmem:s3+$0x8C90] =	vst v0  }
0x9d: {  	[tilespmem:s3+$0x8CA0] =	vst v0  }
0x9e: {  	[tilespmem:s3+$0x8CB0] =	vst v0  }
0x9f: {  	[tilespmem:s3+$0x8CC0] =	vst v0  }
0xa0: {  	[tilespmem:s3+$0x8CD0] =	vst v0  }
0xa1: {  	[tilespmem:s3+$0x8CE0] =	vst v0  }
0xa2: {  	[tilespmem:s3+$0x8CF0] =	vst v0  }
0xa3: {  	[tilespmem:s3+$0x9080] =	vst v0  }
0xa4: {  	[tilespmem:s3+$0x9090] =	vst v0  }
0xa5: {  	[tilespmem:s3+$0x90A0] =	vst v0  }
0xa6: {  	[tilespmem:s3+$0x90B0] =	vst v0  }
0xa7: {  	[tilespmem:s3+$0x90C0] =	vst v0  }
0xa8: {  	[tilespmem:s3+$0x90D0] =	vst v0  }
0xa9: {  	[tilespmem:s3+$0x90E0] =	vst v0  }
0xaa: {  	[tilespmem:s3+$0x90F0] =	vst v0  }
0xab: {  	[tilespmem:s3+$0x9480] =	vst v0  }
0xac: {  	[tilespmem:s3+$0x9490] =	vst v0  }
0xad: {  	[tilespmem:s3+$0x94A0] =	vst v0  }
0xae: {  	[tilespmem:s3+$0x94B0] =	vst v0  }
0xaf: {  	[tilespmem:s3+$0x94C0] =	vst v0  }
0xb0: {  	[tilespmem:s3+$0x94D0] =	vst v0  }
0xb1: {  	[tilespmem:s3+$0x94E0] =	vst v0  }
0xb2: {  	[tilespmem:s3+$0x94F0] =	vst v0  }
0xb3: {  	[tilespmem:s3+$0x9880] =	vst v0  }
0xb4: {  	[tilespmem:s3+$0x9890] =	vst v0  }
0xb5: {  	[tilespmem:s3+$0x98A0] =	vst v0  }
0xb6: {  	[tilespmem:s3+$0x98B0] =	vst v0  }
0xb7: {  	s8 =	sand.u32 $0x7, s2;
	[tilespmem:s3+$0x98C0] =	vst v0  }
0xb8: {  	s8 =	sshll.u32 s8, $0x7;
	[tilespmem:s3+$0x98D0] =	vst v0  }
0xb9: {  	[tilespmem:s3+$0x98E0] =	vst v0;
	s8 =	sadd.s32 s8, s0  }
0xba: {  	[tilespmem:s3+$0x98F0] =	vst v0;
	s3 =	sor.u32 $0x1C00, s8  }
0xbb: {  	[tilespmem:s3+$0x8080] =	vst v0;
	s3 =	sor.u32 $0x1C10, s8  }
0xbc: {  	[tilespmem:s3+$0x8080] =	vst v0;
	s3 =	sor.u32 $0x1C20, s8  }
0xbd: {  	p0 =	sne.s32 s30, $0x1;
	[tilespmem:s3+$0x8080] =	vst v0;
	s3 =	sor.u32 $0x1C30, s8  }
.Ltmp5:
0xbe: {  	[tilespmem:s3+$0x8080] =	vst v0;
	s3 =	sor.u32 $0x1C40, s8;
	(pc) =	sbr.rel @p0 .LBB2_6-.Ltmp5, $4  }
0xbf: {  	[tilespmem:s3+$0x8080] =	vst v0;
	s3 =	sor.u32 $0x1C50, s8  }
0xc0: {  	[tilespmem:s3+$0x8080] =	vst v0;
	s3 =	sor.u32 $0x1C60, s8  }
0xc1: {  	s31 =	sadd.s32 $0x80, s31;
	s8 =	sor.u32 $0x1C70, s8;
	[tilespmem:s3+$0x8080] =	vst v0  }
0xc2: {  	s30 =	sadd.s32 $0xFFFFFFFF, s30;
	s2 =	sadd.s32 $0x1, s2;
	s0 =	sadd.s32 $0x400, s0;
	[tilespmem:s8+$0x8080] =	vst v0  }
.LBB2_7:
0xc3: {  	[hbm4b:s12+s1] =	stream.linear.scatter [tilespmem:s18], [sflag:$0x5], $0x8000, $0x38;
	[tilespmem:$0x18080] =	vst v63  }
0xc4: {  	s2 =	ssub.s32 s29, s6;
	_ =	swait.ge [sflag:s23], $0x8000  }
0xc5: {  	p0 =	sgt.s32 s2, $0x1F;
	[sflag:s23] =	ssyncset.done $0x0  }
.Ltmp6:
0xc6: {  	[sflag:s23] =	ssyncadd.s32 $0xFFFF8000;
	(pc) =	sbr.rel @p0 .LBB2_10-.Ltmp6, $4  }
0xc7: {  	[tilespmem:s17], [sflag:$0x1] =	stream.linear.gather [hbm4b:s13+s1], $0x8000, $0x38;
	[tilespmem:$0x18080] =	vst v63  }
0xc8: {  	_ =	swait.ge [sflag:s24], $0x8000  }
0xc9: {  	[sflag:s24] =	ssyncset.done $0x0  }
0xca: {  	[sflag:s24] =	ssyncadd.s32 $0xFFFF8000  }
0xcb: {  	p0 =	sgt.s32 s2, $0x0  }
0xcc: {  	s2 =	simm.s32 @!p0 $0x0  }
0xcd: {  	s30 =	ssub.s32 $0x20, s2  }
0xce: {  	s31 =	sshll.u32 s2, $0x7;
	s0 =	sshll.u32 s2, $0xA;
	s2 =	sand.u32 $0x1FFFFFF, s2  }
.LBB2_9:
0xcf: {  	s3 =	sand.u32 $0x6000, s0;
	s8 =	sand.u32 $0x380, s31  }
0xd0: {  	s3 =	sor.u32 s8, s3  }
0xd1: {  	s8 =	sadd.s32 $0x10080, s3;
	[tilespmem:s3+$0x10080] =	vst v0  }
0xd2: {  	[tilespmem:s8+$0x10] =	vst v0  }
0xd3: {  	[tilespmem:s8+$0x20] =	vst v0  }
0xd4: {  	[tilespmem:s8+$0x30] =	vst v0  }
0xd5: {  	[tilespmem:s8+$0x40] =	vst v0  }
0xd6: {  	[tilespmem:s8+$0x50] =	vst v0  }
0xd7: {  	[tilespmem:s8+$0x60] =	vst v0  }
0xd8: {  	[tilespmem:s8+$0x70] =	vst v0  }
0xd9: {  	[tilespmem:s8+$0x400] =	vst v0  }
0xda: {  	[tilespmem:s8+$0x410] =	vst v0  }
0xdb: {  	[tilespmem:s8+$0x420] =	vst v0  }
0xdc: {  	[tilespmem:s8+$0x430] =	vst v0  }
0xdd: {  	[tilespmem:s8+$0x440] =	vst v0  }
0xde: {  	[tilespmem:s8+$0x450] =	vst v0  }
0xdf: {  	[tilespmem:s8+$0x460] =	vst v0  }
0xe0: {  	[tilespmem:s8+$0x470] =	vst v0  }
0xe1: {  	[tilespmem:s8+$0x800] =	vst v0  }
0xe2: {  	[tilespmem:s8+$0x810] =	vst v0  }
0xe3: {  	[tilespmem:s8+$0x820] =	vst v0  }
0xe4: {  	[tilespmem:s8+$0x830] =	vst v0  }
0xe5: {  	[tilespmem:s8+$0x840] =	vst v0  }
0xe6: {  	[tilespmem:s8+$0x850] =	vst v0  }
0xe7: {  	[tilespmem:s8+$0x860] =	vst v0  }
0xe8: {  	[tilespmem:s8+$0x870] =	vst v0  }
0xe9: {  	[tilespmem:s8+$0xC00] =	vst v0  }
0xea: {  	[tilespmem:s8+$0xC10] =	vst v0  }
0xeb: {  	[tilespmem:s8+$0xC20] =	vst v0  }
0xec: {  	[tilespmem:s8+$0xC30] =	vst v0  }
0xed: {  	[tilespmem:s8+$0xC40] =	vst v0  }
0xee: {  	[tilespmem:s8+$0xC50] =	vst v0  }
0xef: {  	[tilespmem:s8+$0xC60] =	vst v0  }
0xf0: {  	[tilespmem:s8+$0xC70] =	vst v0  }
0xf1: {  	[tilespmem:s8+$0x1000] =	vst v0  }
0xf2: {  	[tilespmem:s8+$0x1010] =	vst v0  }
0xf3: {  	[tilespmem:s8+$0x1020] =	vst v0  }
0xf4: {  	[tilespmem:s8+$0x1030] =	vst v0  }
0xf5: {  	[tilespmem:s8+$0x1040] =	vst v0  }
0xf6: {  	[tilespmem:s8+$0x1050] =	vst v0  }
0xf7: {  	[tilespmem:s8+$0x1060] =	vst v0  }
0xf8: {  	[tilespmem:s8+$0x1070] =	vst v0  }
0xf9: {  	[tilespmem:s8+$0x1400] =	vst v0  }
0xfa: {  	[tilespmem:s8+$0x1410] =	vst v0  }
0xfb: {  	[tilespmem:s8+$0x1420] =	vst v0  }
0xfc: {  	[tilespmem:s8+$0x1430] =	vst v0  }
0xfd: {  	[tilespmem:s8+$0x1440] =	vst v0  }
0xfe: {  	[tilespmem:s8+$0x1450] =	vst v0  }
0xff: {  	[tilespmem:s8+$0x1460] =	vst v0  }
0x100: {  	[tilespmem:s8+$0x1470] =	vst v0  }
0x101: {  	[tilespmem:s8+$0x1800] =	vst v0  }
0x102: {  	[tilespmem:s8+$0x1810] =	vst v0  }
0x103: {  	[tilespmem:s8+$0x1820] =	vst v0  }
0x104: {  	[tilespmem:s8+$0x1830] =	vst v0  }
0x105: {  	s3 =	sand.u32 $0x7, s2;
	[tilespmem:s8+$0x1840] =	vst v0  }
0x106: {  	s3 =	sshll.u32 s3, $0x7;
	[tilespmem:s8+$0x1850] =	vst v0  }
0x107: {  	[tilespmem:s8+$0x1860] =	vst v0;
	s3 =	sadd.s32 s3, s0  }
0x108: {  	[tilespmem:s8+$0x1870] =	vst v0;
	s8 =	sor.u32 $0x1C00, s3  }
0x109: {  	[tilespmem:s8+$0x10080] =	vst v0;
	s8 =	sor.u32 $0x1C10, s3  }
0x10a: {  	[tilespmem:s8+$0x10080] =	vst v0;
	s8 =	sor.u32 $0x1C20, s3  }
0x10b: {  	p0 =	sne.s32 s30, $0x1;
	[tilespmem:s8+$0x10080] =	vst v0;
	s8 =	sor.u32 $0x1C30, s3  }
.Ltmp7:
0x10c: {  	[tilespmem:s8+$0x10080] =	vst v0;
	s8 =	sor.u32 $0x1C40, s3;
	(pc) =	sbr.rel @p0 .LBB2_9-.Ltmp7, $4  }
0x10d: {  	[tilespmem:s8+$0x10080] =	vst v0;
	s8 =	sor.u32 $0x1C50, s3  }
0x10e: {  	[tilespmem:s8+$0x10080] =	vst v0;
	s8 =	sor.u32 $0x1C60, s3  }
0x10f: {  	s31 =	sadd.s32 $0x80, s31;
	s3 =	sor.u32 $0x1C70, s3;
	[tilespmem:s8+$0x10080] =	vst v0  }
0x110: {  	s30 =	sadd.s32 $0xFFFFFFFF, s30;
	s2 =	sadd.s32 $0x1, s2;
	s0 =	sadd.s32 $0x400, s0;
	[tilespmem:s3+$0x10080] =	vst v0  }
.LBB2_10:
0x111: {  	s30 =	ssub.s32 s29, s7  }
0x112: {  	p0 =	sgt.s32 s30, $0x1F  }
.Ltmp8:
0x113: {  	_ = 	snop;
	(pc) =	sbr.rel @p0 .LBB2_13-.Ltmp8, $4  }
0x114: {  	[hbm4b:s14+s1] =	stream.linear.scatter [tilespmem:s21], [sflag:$0x6], $0x8000, $0x38;
	[tilespmem:$0x18080] =	vst v63  }
0x115: {  	_ =	swait.ge [sflag:s20], $0x8000  }
0x116: {  	[sflag:s20] =	ssyncset.done $0x0  }
0x117: {  	[sflag:s20] =	ssyncadd.s32 $0xFFFF8000  }
0x118: {  	p0 =	sgt.s32 s30, $0x0  }
0x119: {  	s30 =	simm.s32 @!p0 $0x0  }
0x11a: {  	s29 =	ssub.s32 $0x20, s30  }
0x11b: {  	s0 =	sshll.u32 s30, $0x7;
	s2 =	sshll.u32 s30, $0xA;
	s30 =	sand.u32 $0x1FFFFFF, s30  }
.LBB2_12:
0x11c: {  	s3 =	sand.u32 $0x6000, s2;
	s8 =	sand.u32 $0x380, s0  }
0x11d: {  	s3 =	sor.u32 s8, s3  }
0x11e: {  	[tilespmem:s3+$0x80] =	vst v0  }
0x11f: {  	[tilespmem:s3+$0x90] =	vst v0  }
0x120: {  	[tilespmem:s3+$0xA0] =	vst v0  }
0x121: {  	[tilespmem:s3+$0xB0] =	vst v0  }
0x122: {  	[tilespmem:s3+$0xC0] =	vst v0  }
0x123: {  	[tilespmem:s3+$0xD0] =	vst v0  }
0x124: {  	[tilespmem:s3+$0xE0] =	vst v0  }
0x125: {  	[tilespmem:s3+$0xF0] =	vst v0  }
0x126: {  	[tilespmem:s3+$0x480] =	vst v0  }
0x127: {  	[tilespmem:s3+$0x490] =	vst v0  }
0x128: {  	[tilespmem:s3+$0x4A0] =	vst v0  }
0x129: {  	[tilespmem:s3+$0x4B0] =	vst v0  }
0x12a: {  	[tilespmem:s3+$0x4C0] =	vst v0  }
0x12b: {  	[tilespmem:s3+$0x4D0] =	vst v0  }
0x12c: {  	[tilespmem:s3+$0x4E0] =	vst v0  }
0x12d: {  	[tilespmem:s3+$0x4F0] =	vst v0  }
0x12e: {  	[tilespmem:s3+$0x880] =	vst v0  }
0x12f: {  	[tilespmem:s3+$0x890] =	vst v0  }
0x130: {  	[tilespmem:s3+$0x8A0] =	vst v0  }
0x131: {  	[tilespmem:s3+$0x8B0] =	vst v0  }
0x132: {  	[tilespmem:s3+$0x8C0] =	vst v0  }
0x133: {  	[tilespmem:s3+$0x8D0] =	vst v0  }
0x134: {  	[tilespmem:s3+$0x8E0] =	vst v0  }
0x135: {  	[tilespmem:s3+$0x8F0] =	vst v0  }
0x136: {  	[tilespmem:s3+$0xC80] =	vst v0  }
0x137: {  	[tilespmem:s3+$0xC90] =	vst v0  }
0x138: {  	[tilespmem:s3+$0xCA0] =	vst v0  }
0x139: {  	[tilespmem:s3+$0xCB0] =	vst v0  }
0x13a: {  	[tilespmem:s3+$0xCC0] =	vst v0  }
0x13b: {  	[tilespmem:s3+$0xCD0] =	vst v0  }
0x13c: {  	[tilespmem:s3+$0xCE0] =	vst v0  }
0x13d: {  	[tilespmem:s3+$0xCF0] =	vst v0  }
0x13e: {  	[tilespmem:s3+$0x1080] =	vst v0  }
0x13f: {  	[tilespmem:s3+$0x1090] =	vst v0  }
0x140: {  	[tilespmem:s3+$0x10A0] =	vst v0  }
0x141: {  	[tilespmem:s3+$0x10B0] =	vst v0  }
0x142: {  	[tilespmem:s3+$0x10C0] =	vst v0  }
0x143: {  	[tilespmem:s3+$0x10D0] =	vst v0  }
0x144: {  	[tilespmem:s3+$0x10E0] =	vst v0  }
0x145: {  	[tilespmem:s3+$0x10F0] =	vst v0  }
0x146: {  	[tilespmem:s3+$0x1480] =	vst v0  }
0x147: {  	[tilespmem:s3+$0x1490] =	vst v0  }
0x148: {  	[tilespmem:s3+$0x14A0] =	vst v0  }
0x149: {  	[tilespmem:s3+$0x14B0] =	vst v0  }
0x14a: {  	[tilespmem:s3+$0x14C0] =	vst v0  }
0x14b: {  	[tilespmem:s3+$0x14D0] =	vst v0  }
0x14c: {  	[tilespmem:s3+$0x14E0] =	vst v0  }
0x14d: {  	[tilespmem:s3+$0x14F0] =	vst v0  }
0x14e: {  	[tilespmem:s3+$0x1880] =	vst v0  }
0x14f: {  	[tilespmem:s3+$0x1890] =	vst v0  }
0x150: {  	[tilespmem:s3+$0x18A0] =	vst v0  }
0x151: {  	[tilespmem:s3+$0x18B0] =	vst v0  }
0x152: {  	s31 =	sand.u32 $0x7, s30;
	[tilespmem:s3+$0x18C0] =	vst v0  }
0x153: {  	s8 =	sshll.u32 s31, $0x7;
	[tilespmem:s3+$0x18D0] =	vst v0  }
0x154: {  	s8 =	sadd.s32 s8, s2;
	[tilespmem:s3+$0x18E0] =	vst v0  }
0x155: {  	[tilespmem:s3+$0x18F0] =	vst v0;
	s31 =	sor.u32 $0x1C00, s8  }
0x156: {  	[tilespmem:s31+$0x80] =	vst v0;
	s31 =	sor.u32 $0x1C10, s8  }
0x157: {  	[tilespmem:s31+$0x80] =	vst v0;
	s31 =	sor.u32 $0x1C20, s8  }
0x158: {  	p0 =	sne.s32 s29, $0x1;
	[tilespmem:s31+$0x80] =	vst v0;
	s31 =	sor.u32 $0x1C30, s8  }
.Ltmp9:
0x159: {  	[tilespmem:s31+$0x80] =	vst v0;
	s31 =	sor.u32 $0x1C40, s8;
	(pc) =	sbr.rel @p0 .LBB2_12-.Ltmp9, $4  }
0x15a: {  	[tilespmem:s31+$0x80] =	vst v0;
	s31 =	sor.u32 $0x1C50, s8  }
0x15b: {  	[tilespmem:s31+$0x80] =	vst v0;
	s31 =	sor.u32 $0x1C60, s8  }
0x15c: {  	s0 =	sadd.s32 $0x80, s0;
	[tilespmem:s31+$0x80] =	vst v0;
	s31 =	sor.u32 $0x1C70, s8  }
0x15d: {  	s30 =	sadd.s32 $0x1, s30;
	s29 =	sadd.s32 $0xFFFFFFFF, s29;
	s2 =	sadd.s32 $0x400, s2;
	[tilespmem:s31+$0x80] =	vst v0  }
.Ltmp10:
0x15e: {  	_ = 	snop;
	(pc) =	sbr.rel .LBB2_13-.Ltmp10, $1  }
0x15f: {  	_ =	sdelay $0x3  }
.LBB2_14:
0x160: {  	_ =	sfence.sel $0x180000  }
0x161: {  	[bflag:$0x0] =	sbarrier.arrive $0xFFFF  }
0x162: {  	_ =	strace $0x90000047  }
0x163: {  	s0 =	stileid.u32;
	[bflag:$0x2] =	sbarrier.arrive $0xFFFF  }
0x164: {  	p0 =	sne.s32 s0, $0x0;
	s0 =	rddreg [dreg:$0x3]  }
0x165: {  	s0 =	sadd.s32 @!p0 $0x100000, s0  }
0x166: {  	[sflag:s0] =	ssyncadd.tile.s32 @!p0 $0x1;
	_ =	shalt  }
.Lfunc_end2:
_tile_overlayer_lowered:
.L_overlay_start_2:
0x167: {  	(tag) =	ssettag $0x2  }
0x168: {  	s0 =	rddreg [dreg:$0x0];
	s2 =	stileid.u32  }
0x169: {  	s1 =	rddreg [dreg:$0x1];
	p0 =	sne.s32 s2, $0x0  }
0x16a: {  	s3 =	rddreg [dreg:$0x2];
	[bflag:$0x3] =	sbarrier.arrive $0xFFFF;
	s2 =	simm.s32 @!p0 $0x1C08  }
0x16b: {  	[timem:s3], [sflag:s2] =	dma.local @!p0 [hbm:s0], s1  }
0x16c: {  	s0 =	simm.s32 @!p0 $0x8  }
0x16d: {  	_ =	swait.ge @!p0 [sflag:s0], s1  }
0x16e: {  	s1 =	ssub.s32 @!p0 $0x0, s1;
	[sflag:s0] =	ssyncset.done @!p0 $0x0  }
0x16f: {  	[sflag:s0] =	ssyncadd.s32 @!p0 s1  }
0x170: {  	[bflag:$0x3] =	sbarrier.arrive $0xFFFF  }
0x171: {  	_ =	shalt  }

</sc_bundles>
